<compile_context>
chip_gen: v7x
topology: tpu7x:2x2x1
jax: 0.10.2.dev20260603
libtpu: 0.0.44.dev20260713+nightly
codegen_flags: <defaults>
</compile_context>

<pallas_src>
import functools

import jax
import jax.numpy as jnp
from jax import lax
from jax.experimental import pallas as pl
from jax.experimental.pallas import tpu as pltpu
from jax.experimental.pallas import tpu_sc as plsc

LN_EPS = 1e-12
NSPLIT = 4


def _word_transform_body(w_ref, a_ref, o_ref):
    o_ref[...] = jnp.dot(w_ref[...], a_ref[...],
                         preferred_element_type=jnp.float32)


def _glyph_transform_body(wg_ref, wgfc_ref, g2_ref, bg_ref, bm_ref,
                          pos_ref, wpos_ref, og_ref, oposb_ref):
    c = jnp.dot(wgfc_ref[...], g2_ref[...], preferred_element_type=jnp.float32)
    og_ref[...] = jnp.dot(wg_ref[...], c, preferred_element_type=jnp.float32)
    bias = jnp.dot(bg_ref[...], g2_ref[...],
                   preferred_element_type=jnp.float32) + bm_ref[...]
    pos = pos_ref[0, 0, :]
    max_pos = wpos_ref.shape[0]
    oh = (pos[:, None] ==
          lax.broadcasted_iota(jnp.int32, (pos.shape[0], max_pos), 1)
          ).astype(jnp.float32)
    oposb_ref[...] = jnp.dot(oh, wpos_ref[...],
                             preferred_element_type=jnp.float32) + bias


def _tok_half(t_ref, wtok_ref, shape):
    t = t_ref[:, 0, :].astype(jnp.float32)
    tf = lax.broadcast_in_dim(t, shape, (0, 1))
    return wtok_ref[0, :] + tf * (wtok_ref[1, :] - wtok_ref[0, :])


def _ln_math(s32, t_ref, wtok_a, wtok_b, posb_a, posb_b,
             g_a, g_b, b_a, b_b, h_full):
    xa = lax.bitcast_convert_type(s32 << 16, jnp.float32)
    xb = lax.bitcast_convert_type(
        s32 & jnp.int32(-65536), jnp.float32)
    shape = xa.shape
    ya = xa + posb_a[...][None] + _tok_half(t_ref, wtok_a, shape)
    yb = xb + posb_b[...][None] + _tok_half(t_ref, wtok_b, shape)
    inv_h = 1.0 / h_full
    mu = (jnp.sum(ya, axis=-1, keepdims=True)
          + jnp.sum(yb, axis=-1, keepdims=True)) * inv_h
    da = ya - mu
    db = yb - mu
    var = (jnp.sum(da * da, axis=-1, keepdims=True)
           + jnp.sum(db * db, axis=-1, keepdims=True)) * inv_h
    rstd = lax.rsqrt(var + LN_EPS)
    na = da * rstd * g_a[0, :] + b_a[0, :]
    nb = db * rstd * g_b[0, :] + b_b[0, :]
    return jnp.concatenate([na, nb], axis=-1)


def _post_ln_body(s_ref, t_ref, wta, wtb, pba, pbb, ga, gb, ba, bb, o_ref):
    o_ref[...] = _ln_math(s_ref[...], t_ref, wta, wtb, pba, pbb,
                          ga, gb, ba, bb, o_ref.shape[-1])


def _post_ln_alias_body(acc_ref, s_ref, t_ref, wta, wtb, pba, pbb,
                        ga, gb, ba, bb, o_ref):
    del acc_ref
    o_ref[...] = _ln_math(s_ref[...], t_ref, wta, wtb, pba, pbb,
                          ga, gb, ba, bb, o_ref.shape[-1])


def kernel(input_ids, token_type_ids, position_ids, zixing_ids,
           W_word, W_pos, W_tok, W_glyph, W_gfc, b_gfc,
           W_map, b_map, ln_g, ln_b):
    B, S = input_ids.shape
    V, H = W_word.shape
    GV, _ = W_glyph.shape
    N = B * S
    Hh = H // 2
    A = W_map[:H]
    G2 = W_map[H:]

    WBLK = 10000
    W_word2 = pl.pallas_call(
        _word_transform_body,
        grid=(V // WBLK,),
        in_specs=[
            pl.BlockSpec((WBLK, H), lambda i: (i, 0)),
            pl.BlockSpec((H, H), lambda i: (0, 0)),
        ],
        out_specs=pl.BlockSpec((WBLK, H), lambda i: (i, 0)),
        out_shape=jax.ShapeDtypeStruct((V, H), jnp.float32),
    )(W_word, A)

    pos3 = position_ids.reshape(1, 1, S).astype(jnp.int32)
    W_glyph2, posb = pl.pallas_call(
        _glyph_transform_body,
        out_shape=(jax.ShapeDtypeStruct((GV, H), jnp.float32),
                   jax.ShapeDtypeStruct((S, H), jnp.float32)),
    )(W_glyph, W_gfc, G2, b_gfc.reshape(1, H), b_map.reshape(1, H),
      pos3, W_pos)

    info = plsc.get_sparse_core_info()
    NC, NS = info.num_cores, info.num_subcores
    NW = NC * NS
    Np = N // NSPLIT
    per_w = Np // NW
    K = 128
    n_full = per_w // K
    tail = per_w - n_full * K
    assert n_full % 2 == 0 and tail % 8 == 0
    n_pairs = n_full // 2
    mesh = plsc.VectorSubcoreMesh(core_axis_name="c", subcore_axis_name="s")

    def _pack_rows(dst, src, nrows):
        @pl.loop(0, nrows)
        def _row(i):
            for j in range(Hh // 16):
                a = src[i, pl.ds(16 * j, 16)]
                c = src[i, pl.ds(Hh + 16 * j, 16)]
                ua = plsc.bitcast(a, jnp.int32)
                uc = plsc.bitcast(c, jnp.int32)
                ra = ua + 0x7FFF + (lax.shift_right_logical(ua, 16) & 1)
                rc = uc + 0x7FFF + (lax.shift_right_logical(uc, 16) & 1)
                word = (lax.shift_right_logical(ra, 16)
                        | (rc & jnp.int32(-65536)))
                dst[i, pl.ds(16 * j, 16)] = word

    def _make_gather_sum(part):
        @functools.partial(
            pl.kernel,
            out_type=jax.ShapeDtypeStruct((Np, Hh), jnp.int32),
            mesh=mesh,
            compiler_params=pltpu.CompilerParams(needs_layout_passes=False),
            scratch_types=[
                pltpu.VMEM((K,), jnp.int32), pltpu.VMEM((K,), jnp.int32),
                pltpu.VMEM((K,), jnp.int32), pltpu.VMEM((K,), jnp.int32),
                pltpu.VMEM((K, H), jnp.float32),
                pltpu.VMEM((K, H), jnp.float32),
                pltpu.VMEM((K, Hh), jnp.int32),
                pltpu.VMEM((K, Hh), jnp.int32),
                pltpu.SemaphoreType.DMA, pltpu.SemaphoreType.DMA,
                pltpu.SemaphoreType.DMA, pltpu.SemaphoreType.DMA,
                pltpu.SemaphoreType.DMA, pltpu.SemaphoreType.DMA,
            ],
        )
        def _gather_sum(wt_hbm, gt_hbm, idw_hbm, idg_hbm, out_hbm,
                        idw0, idw1, idg0, idg1, rows0, rows1, ob0, ob1,
                        semw0, semw1, semg0, semg1, sems0, sems1):
            wid = lax.axis_index("s") * NC + lax.axis_index("c")
            wbase = wid * per_w
            idw_v = (idw0, idw1)
            idg_v = (idg0, idg1)
            rows_v = (rows0, rows1)
            ob_v = (ob0, ob1)
            sem_w = (semw0, semw1)
            sem_g = (semg0, semg1)
            sem_s = (sems0, sems1)

            @pl.loop(0, n_pairs)
            def _pair(j):
                i0 = 2 * j
                wdesc = [None, None]
                gdesc = [None, None]
                for b in (0, 1):
                    base = wbase + (i0 + b) * K
                    gbase = part * Np + base
                    pltpu.sync_copy(idw_hbm.at[pl.ds(gbase, K)], idw_v[b])
                    pltpu.sync_copy(idg_hbm.at[pl.ds(gbase, K)], idg_v[b])

                    @pl.when(j > 0)
                    def _drain(b=b):
                        prev = wbase + (i0 + b - 2) * K
                        pltpu.make_async_copy(
                            ob_v[b], out_hbm.at[pl.ds(prev, K)],
                            sem_s[b]).wait()

                    wdesc[b] = pltpu.async_copy(
                        wt_hbm.at[idw_v[b]], rows_v[b], sem_w[b])
                for b in (0, 1):
                    wdesc[b].wait()
                    gdesc[b] = pltpu.async_copy(
                        gt_hbm.at[idg_v[b]], rows_v[b], sem_g[b], add=True)
                for b in (0, 1):
                    gdesc[b].wait()
                    _pack_rows(ob_v[b], rows_v[b], K)
                    base = wbase + (i0 + b) * K
                    pltpu.async_copy(ob_v[b], out_hbm.at[pl.ds(base, K)],
                                     sem_s[b])

            for b in (0, 1):
                base = wbase + (n_full - 2 + b) * K
                pltpu.make_async_copy(ob_v[b], out_hbm.at[pl.ds(base, K)],
                                      sem_s[b]).wait()

            if tail:
                base = wbase + n_full * K
                gbase = part * Np + base
                pltpu.sync_copy(idw_hbm.at[pl.ds(gbase, tail)],
                                idw0.at[pl.ds(0, tail)])
                pltpu.sync_copy(idg_hbm.at[pl.ds(gbase, tail)],
                                idg0.at[pl.ds(0, tail)])
                pltpu.async_copy(wt_hbm.at[idw0.at[pl.ds(0, tail)]],
                                 rows0.at[pl.ds(0, tail)], semw0).wait()
                pltpu.async_copy(gt_hbm.at[idg0.at[pl.ds(0, tail)]],
                                 rows0.at[pl.ds(0, tail)], semg0,
                                 add=True).wait()
                _pack_rows(ob0, rows0, tail)
                pltpu.sync_copy(ob0.at[pl.ds(0, tail)],
                                out_hbm.at[pl.ds(base, tail)])

        return _gather_sum

    idw = input_ids.reshape(N)
    idg = zixing_ids.reshape(N)
    sums = [_make_gather_sum(p)(W_word2, W_glyph2, idw, idg)
            for p in range(NSPLIT)]

    RB = 16
    Bp = B // NSPLIT
    type3 = token_type_ids.reshape(B, 1, S).astype(jnp.int32)
    wtok_a, wtok_b = W_tok[:, :Hh], W_tok[:, Hh:]
    posb_a, posb_b = posb[:, :Hh], posb[:, Hh:]
    ga, gb = ln_g.reshape(1, H)[:, :Hh], ln_g.reshape(1, H)[:, Hh:]
    ba, bb = ln_b.reshape(1, H)[:, :Hh], ln_b.reshape(1, H)[:, Hh:]
    common_specs = [
        pl.BlockSpec((RB, S, Hh), lambda i: (i, 0, 0)),
        pl.BlockSpec((RB, 1, S), lambda i: (i, 0, 0)),
        pl.BlockSpec((2, Hh), lambda i: (0, 0)),
        pl.BlockSpec((2, Hh), lambda i: (0, 0)),
        pl.BlockSpec((S, Hh), lambda i: (0, 0)),
        pl.BlockSpec((S, Hh), lambda i: (0, 0)),
        pl.BlockSpec((1, Hh), lambda i: (0, 0)),
        pl.BlockSpec((1, Hh), lambda i: (0, 0)),
        pl.BlockSpec((1, Hh), lambda i: (0, 0)),
        pl.BlockSpec((1, Hh), lambda i: (0, 0)),
    ]
    out = None
    for p in range(NSPLIT):
        args = (sums[p].reshape(Bp, S, Hh),
                lax.slice_in_dim(type3, p * Bp, (p + 1) * Bp),
                wtok_a, wtok_b, posb_a, posb_b, ga, gb, ba, bb)
        blk0 = p * (Bp // RB)
        out_spec = pl.BlockSpec(
            (RB, S, H), functools.partial(lambda b0, i: (i + b0, 0, 0), blk0))
        if p == 0:
            out = pl.pallas_call(
                _post_ln_body,
                grid=(Bp // RB,),
                in_specs=common_specs,
                out_specs=out_spec,
                out_shape=jax.ShapeDtypeStruct((B, S, H), jnp.float32),
            )(*args)
        else:
            out = pl.pallas_call(
                _post_ln_alias_body,
                grid=(Bp // RB,),
                in_specs=[pl.BlockSpec(memory_space=pltpu.MemorySpace.HBM)]
                + common_specs,
                out_specs=out_spec,
                out_shape=jax.ShapeDtypeStruct((B, S, H), jnp.float32),
                input_output_aliases={0: 0},
            )(out, *args)

    return out

# --- scband reference (transcript-rebuilt; emitter-appended) ---
"""Pipeline reference for scband-fusion-bert-embeddings-84241488544320 (READ-ONLY COPY).

The authoritative reference and input builder live on the scoring server;
editing this copy changes nothing except your own understanding.
"""

import jax, jax.numpy as jnp
import numpy as np

VOCAB = 100000
HIDDEN = 128
MAX_POS = 512
TYPE_VOCAB = 2
GLYPH_VOCAB = 8000
GLYPH_EMB = 128
LN_EPS = 1e-12
B, S = 1024, 200


def setup_inputs(seed: int = 0) -> dict:
    key = jax.random.key(seed)
    ks = jax.random.split(key, 12)
    input_ids = jax.random.randint(ks[0], (B, S), 0, VOCAB, dtype=jnp.int64 if jax.config.jax_enable_x64 else jnp.int32)
    token_type_ids = jax.random.randint(ks[1], (B, S), 0, TYPE_VOCAB)
    position_ids = jnp.arange(S).reshape(1, S)
    zixing_ids = jax.random.randint(ks[2], (B, S), 0, GLYPH_VOCAB)
    W_word = jax.random.normal(ks[3], (VOCAB, HIDDEN), dtype=jnp.float32) * 0.02
    W_word = W_word.at[0].set(0.0)  # padding_idx=0
    W_pos = jax.random.normal(ks[4], (MAX_POS, HIDDEN), dtype=jnp.float32) * 0.02
    W_tok = jax.random.normal(ks[5], (TYPE_VOCAB, HIDDEN), dtype=jnp.float32) * 0.02
    W_glyph = jax.random.normal(ks[6], (GLYPH_VOCAB, GLYPH_EMB), dtype=jnp.float32) * 0.02
    W_gfc = jax.random.normal(ks[7], (GLYPH_EMB, HIDDEN), dtype=jnp.float32) * (1.0 / np.sqrt(GLYPH_EMB))
    b_gfc = jnp.zeros((HIDDEN,), dtype=jnp.float32)
    W_map = jax.random.normal(ks[8], (2 * HIDDEN, HIDDEN), dtype=jnp.float32) * (1.0 / np.sqrt(2 * HIDDEN))
    b_map = jnp.zeros((HIDDEN,), dtype=jnp.float32)
    ln_g = jnp.ones((HIDDEN,), dtype=jnp.float32)
    ln_b = jnp.zeros((HIDDEN,), dtype=jnp.float32)
    return {
        'input_ids': input_ids, 'token_type_ids': token_type_ids,
        'position_ids': position_ids, 'zixing_ids': zixing_ids,
        'W_word': W_word, 'W_pos': W_pos, 'W_tok': W_tok,
        'W_glyph': W_glyph, 'W_gfc': W_gfc, 'b_gfc': b_gfc,
        'W_map': W_map, 'b_map': b_map, 'ln_g': ln_g, 'ln_b': ln_b,
    }


def _layer_norm(x, g, b, eps=LN_EPS):
    mu = jnp.mean(x, axis=-1, keepdims=True)
    var = jnp.mean(jnp.square(x - mu), axis=-1, keepdims=True)
    return (x - mu) / jnp.sqrt(var + eps) * g + b


def reference(input_ids, token_type_ids, position_ids, zixing_ids,
              W_word, W_pos, W_tok, W_glyph, W_gfc, b_gfc,
              W_map, b_map, ln_g, ln_b):
    # word embedding lookup (gather)
    word_embeddings = jnp.take(W_word, input_ids, axis=0)          # [B,S,H]
    # glyph embedding: lookup + fc (GlyphEmbedding(embedding_size=128, zixing_out_dim=H))
    glyph_raw = jnp.take(W_glyph, zixing_ids, axis=0)              # [B,S,128]
    glyph_embeddings = glyph_raw @ W_gfc + b_gfc                   # [B,S,H]
    concat_embeddings = jnp.concatenate((word_embeddings, glyph_embeddings), axis=2)
    inputs_embeds = concat_embeddings @ W_map + b_map              # [B,S,H]
    position_embeddings = jnp.take(W_pos, position_ids, axis=0)   # [1,S,H]
    token_type_embeddings = jnp.take(W_tok, token_type_ids, axis=0)
    embeddings = inputs_embeds + position_embeddings + token_type_embeddings
    embeddings = _layer_norm(embeddings, ln_g, ln_b)
    # dropout is identity in eval mode
    return embeddings

if __name__ == "__main__":
    import jax
    _d = setup_inputs()
    print(jax.jit(kernel)(*tuple(_d.values())))

</pallas_src>

<mosaic_0001>
#map = affine_map<(d0, d1) -> (0, 0)>
#map1 = affine_map<(d0, d1) -> (0)>
module attributes {stable_mosaic.version = 14 : i64} {
  func.func @_gather_sum(%arg0: i32, %arg1: i32, %arg2: memref<100000x128xf32, #tpu.memory_space<hbm>>, %arg3: memref<8000x128xf32, #tpu.memory_space<hbm>>, %arg4: memref<204800xi32, #tpu.memory_space<hbm>>, %arg5: memref<204800xi32, #tpu.memory_space<hbm>>, %arg6: memref<51200x64xi32, #tpu.memory_space<hbm>>, %arg7: memref<128xi32, #tpu.memory_space<vmem>>, %arg8: memref<128xi32, #tpu.memory_space<vmem>>, %arg9: memref<128xi32, #tpu.memory_space<vmem>>, %arg10: memref<128xi32, #tpu.memory_space<vmem>>, %arg11: memref<128x128xf32, #tpu.memory_space<vmem>>, %arg12: memref<128x128xf32, #tpu.memory_space<vmem>>, %arg13: memref<128x64xi32, #tpu.memory_space<vmem>>, %arg14: memref<128x64xi32, #tpu.memory_space<vmem>>, %arg15: memref<!tpu.dma_semaphore, #tpu.memory_space<semaphore_mem>>, %arg16: memref<!tpu.dma_semaphore, #tpu.memory_space<semaphore_mem>>, %arg17: memref<!tpu.dma_semaphore, #tpu.memory_space<semaphore_mem>>, %arg18: memref<!tpu.dma_semaphore, #tpu.memory_space<semaphore_mem>>, %arg19: memref<!tpu.dma_semaphore, #tpu.memory_space<semaphore_mem>>, %arg20: memref<!tpu.dma_semaphore, #tpu.memory_space<semaphore_mem>>) attributes {dimension_semantics = [#tpu.dimension_semantics<core_parallel>, #tpu.dimension_semantics<subcore_parallel>], iteration_bounds = array<i64: 2, 16>, scalar_prefetch = 0 : i64, scratch_operands = 14 : i64, tpu.core_type = #tpu.core_type<sc_vector_subcore>, window_params = [{transform_indices = #map}, {transform_indices = #map}, {transform_indices = #map1}, {transform_indices = #map1}, {transform_indices = #map}]} {
    %mul3A = arith.constant 2 : i32
    %mul3A_0 = arith.muli %arg1, %mul3A : i32
    %add3A = arith.addi %mul3A_0, %arg0 : i32
    %mul3A_1 = arith.constant 1600 : i32
    %mul3A_2 = arith.muli %add3A, %mul3A_1 : i32
    %scan3A = arith.constant 0 : i32
    %scan3A_3 = arith.constant 6 : i32
    %scan3A_4 = arith.addi %scan3A, %scan3A_3 : i32
    %scan3A_5 = arith.constant 1 : i32
    scf.for %scan3A_58 = %scan3A to %scan3A_4 step %scan3A_5  : i32 {
      %mul3A_59 = arith.constant 1 : i32
      %mul3A_60 = arith.muli %scan3A_58, %mul3A_59 : i32
      %add3A_61 = arith.constant 0 : i32
      %add3A_62 = arith.addi %add3A_61, %mul3A_60 : i32
      %mul3A_63 = arith.constant 2 : i32
      %mul3A_64 = arith.muli %mul3A_63, %add3A_62 : i32
      %add3A_65 = arith.constant 0 : i32
      %add3A_66 = arith.addi %mul3A_64, %add3A_65 : i32
      %mul3A_67 = arith.constant 128 : i32
      %mul3A_68 = arith.muli %add3A_66, %mul3A_67 : i32
      %add3A_69 = arith.addi %mul3A_2, %mul3A_68 : i32
      %add3A_70 = arith.constant 153600 : i32
      %add3A_71 = arith.addi %add3A_70, %add3A_69 : i32
      "tpu.region"() ({
        %run_scoped3A = tpu.sem_alloc : memref<!tpu.dma_semaphore, #tpu.memory_space<semaphore_mem>>
        %dma_start3A_138 = tpu.memref_slice %arg4[%add3A_71] : memref<204800xi32, #tpu.memory_space<hbm>> -> memref<128xi32, #tpu.memory_space<hbm>>
        %dma_start3A_139 = tpu.memref_slice %arg4[%add3A_71] : memref<204800xi32, #tpu.memory_space<hbm>> -> memref<128xi32, #tpu.memory_space<hbm>>
        tpu.enqueue_dma source(%dma_start3A_139 : memref<128xi32, #tpu.memory_space<hbm>>) target(%arg7 : memref<128xi32, #tpu.memory_space<vmem>>) target_semaphore(%run_scoped3A : memref<!tpu.dma_semaphore, #tpu.memory_space<semaphore_mem>>)
        %dma_wait3A_140 = tpu.memref_slice %arg4[%add3A_71] : memref<204800xi32, #tpu.memory_space<hbm>> -> memref<128xi32, #tpu.memory_space<hbm>>
        %dma_wait3A_141 = tpu.memref_slice %arg4[%add3A_71] : memref<204800xi32, #tpu.memory_space<hbm>> -> memref<128xi32, #tpu.memory_space<hbm>>
        tpu.wait_dma2 semaphore(%run_scoped3A : memref<!tpu.dma_semaphore, #tpu.memory_space<semaphore_mem>>) src(%dma_wait3A_141 : memref<128xi32, #tpu.memory_space<hbm>>) dst(%arg7 : memref<128xi32, #tpu.memory_space<vmem>>)
        tpu.yield
      }) : () -> ()
      "tpu.region"() ({
        %run_scoped3A = tpu.sem_alloc : memref<!tpu.dma_semaphore, #tpu.memory_space<semaphore_mem>>
        %dma_start3A_138 = tpu.memref_slice %arg5[%add3A_71] : memref<204800xi32, #tpu.memory_space<hbm>> -> memref<128xi32, #tpu.memory_space<hbm>>
        %dma_start3A_139 = tpu.memref_slice %arg5[%add3A_71] : memref<204800xi32, #tpu.memory_space<hbm>> -> memref<128xi32, #tpu.memory_space<hbm>>
        tpu.enqueue_dma source(%dma_start3A_139 : memref<128xi32, #tpu.memory_space<hbm>>) target(%arg9 : memref<128xi32, #tpu.memory_space<vmem>>) target_semaphore(%run_scoped3A : memref<!tpu.dma_semaphore, #tpu.memory_space<semaphore_mem>>)
        %dma_wait3A_140 = tpu.memref_slice %arg5[%add3A_71] : memref<204800xi32, #tpu.memory_space<hbm>> -> memref<128xi32, #tpu.memory_space<hbm>>
        %dma_wait3A_141 = tpu.memref_slice %arg5[%add3A_71] : memref<204800xi32, #tpu.memory_space<hbm>> -> memref<128xi32, #tpu.memory_space<hbm>>
        tpu.wait_dma2 semaphore(%run_scoped3A : memref<!tpu.dma_semaphore, #tpu.memory_space<semaphore_mem>>) src(%dma_wait3A_141 : memref<128xi32, #tpu.memory_space<hbm>>) dst(%arg9 : memref<128xi32, #tpu.memory_space<vmem>>)
        tpu.yield
      }) : () -> ()
      %gt3A = arith.constant 0 : i32
      %gt3A_72 = arith.cmpi sgt, %add3A_62, %gt3A : i32
      %convert_element_type3A = arith.extui %gt3A_72 : i1 to i32
      %cond3A = arith.constant 0 : i32
      %cond3A_73 = arith.cmpi ne, %convert_element_type3A, %cond3A : i32
      scf.if %cond3A_73 {
        %add3A_138 = arith.constant 0 : i32
        %add3A_139 = arith.addi %mul3A_64, %add3A_138 : i32
        %sub3A = arith.constant 2 : i32
        %sub3A_140 = arith.subi %add3A_139, %sub3A : i32
        %mul3A_141 = arith.constant 128 : i32
        %mul3A_142 = arith.muli %sub3A_140, %mul3A_141 : i32
        %add3A_143 = arith.addi %mul3A_2, %mul3A_142 : i32
        %dma_wait3A_144 = arith.constant 0 : i32
        %dma_wait3A_145 = tpu.memref_slice %arg6[%add3A_143, %dma_wait3A_144] : memref<51200x64xi32, #tpu.memory_space<hbm>> -> memref<128x64xi32, #tpu.memory_space<hbm>>
        %dma_wait3A_146 = arith.constant 0 : i32
        %dma_wait3A_147 = tpu.memref_slice %arg6[%add3A_143, %dma_wait3A_146] : memref<51200x64xi32, #tpu.memory_space<hbm>> -> memref<128x64xi32, #tpu.memory_space<hbm>>
        tpu.wait_dma2 semaphore(%arg19 : memref<!tpu.dma_semaphore, #tpu.memory_space<semaphore_mem>>) src(%arg13 : memref<128x64xi32, #tpu.memory_space<vmem>>) dst(%dma_wait3A_147 : memref<128x64xi32, #tpu.memory_space<hbm>>)
      } else {
      }
      %dma_start3A_74 = arith.constant 0 : i32
      %dma_start3A_75 = arith.constant 0 : i32
      %dma_start3A_76 = tpu.memref_slice %arg2[%dma_start3A_74, %dma_start3A_75] : memref<100000x128xf32, #tpu.memory_space<hbm>> -> memref<100000x128xf32, #tpu.memory_space<hbm>>
      tpu.enqueue_indirect_dma source(%dma_start3A_76 : memref<100000x128xf32, #tpu.memory_space<hbm>>) target(%arg11 : memref<128x128xf32, #tpu.memory_space<vmem>>) offsets(%arg7 : memref<128xi32, #tpu.memory_space<vmem>>) semaphore(%arg15 : memref<!tpu.dma_semaphore, #tpu.memory_space<semaphore_mem>>)
      %add3A_77 = arith.constant 1 : i32
      %add3A_78 = arith.addi %mul3A_64, %add3A_77 : i32
      %mul3A_79 = arith.constant 128 : i32
      %mul3A_80 = arith.muli %add3A_78, %mul3A_79 : i32
      %add3A_81 = arith.addi %mul3A_2, %mul3A_80 : i32
      %add3A_82 = arith.constant 153600 : i32
      %add3A_83 = arith.addi %add3A_82, %add3A_81 : i32
      "tpu.region"() ({
        %run_scoped3A = tpu.sem_alloc : memref<!tpu.dma_semaphore, #tpu.memory_space<semaphore_mem>>
        %dma_start3A_138 = tpu.memref_slice %arg4[%add3A_83] : memref<204800xi32, #tpu.memory_space<hbm>> -> memref<128xi32, #tpu.memory_space<hbm>>
        %dma_start3A_139 = tpu.memref_slice %arg4[%add3A_83] : memref<204800xi32, #tpu.memory_space<hbm>> -> memref<128xi32, #tpu.memory_space<hbm>>
        tpu.enqueue_dma source(%dma_start3A_139 : memref<128xi32, #tpu.memory_space<hbm>>) target(%arg8 : memref<128xi32, #tpu.memory_space<vmem>>) target_semaphore(%run_scoped3A : memref<!tpu.dma_semaphore, #tpu.memory_space<semaphore_mem>>)
        %dma_wait3A_140 = tpu.memref_slice %arg4[%add3A_83] : memref<204800xi32, #tpu.memory_space<hbm>> -> memref<128xi32, #tpu.memory_space<hbm>>
        %dma_wait3A_141 = tpu.memref_slice %arg4[%add3A_83] : memref<204800xi32, #tpu.memory_space<hbm>> -> memref<128xi32, #tpu.memory_space<hbm>>
        tpu.wait_dma2 semaphore(%run_scoped3A : memref<!tpu.dma_semaphore, #tpu.memory_space<semaphore_mem>>) src(%dma_wait3A_141 : memref<128xi32, #tpu.memory_space<hbm>>) dst(%arg8 : memref<128xi32, #tpu.memory_space<vmem>>)
        tpu.yield
      }) : () -> ()
      "tpu.region"() ({
        %run_scoped3A = tpu.sem_alloc : memref<!tpu.dma_semaphore, #tpu.memory_space<semaphore_mem>>
        %dma_start3A_138 = tpu.memref_slice %arg5[%add3A_83] : memref<204800xi32, #tpu.memory_space<hbm>> -> memref<128xi32, #tpu.memory_space<hbm>>
        %dma_start3A_139 = tpu.memref_slice %arg5[%add3A_83] : memref<204800xi32, #tpu.memory_space<hbm>> -> memref<128xi32, #tpu.memory_space<hbm>>
        tpu.enqueue_dma source(%dma_start3A_139 : memref<128xi32, #tpu.memory_space<hbm>>) target(%arg10 : memref<128xi32, #tpu.memory_space<vmem>>) target_semaphore(%run_scoped3A : memref<!tpu.dma_semaphore, #tpu.memory_space<semaphore_mem>>)
        %dma_wait3A_140 = tpu.memref_slice %arg5[%add3A_83] : memref<204800xi32, #tpu.memory_space<hbm>> -> memref<128xi32, #tpu.memory_space<hbm>>
        %dma_wait3A_141 = tpu.memref_slice %arg5[%add3A_83] : memref<204800xi32, #tpu.memory_space<hbm>> -> memref<128xi32, #tpu.memory_space<hbm>>
        tpu.wait_dma2 semaphore(%run_scoped3A : memref<!tpu.dma_semaphore, #tpu.memory_space<semaphore_mem>>) src(%dma_wait3A_141 : memref<128xi32, #tpu.memory_space<hbm>>) dst(%arg10 : memref<128xi32, #tpu.memory_space<vmem>>)
        tpu.yield
      }) : () -> ()
      %gt3A_84 = arith.constant 0 : i32
      %gt3A_85 = arith.cmpi sgt, %add3A_62, %gt3A_84 : i32
      %convert_element_type3A_86 = arith.extui %gt3A_85 : i1 to i32
      %cond3A_87 = arith.constant 0 : i32
      %cond3A_88 = arith.cmpi ne, %convert_element_type3A_86, %cond3A_87 : i32
      scf.if %cond3A_88 {
        %add3A_138 = arith.constant 1 : i32
        %add3A_139 = arith.addi %mul3A_64, %add3A_138 : i32
        %sub3A = arith.constant 2 : i32
        %sub3A_140 = arith.subi %add3A_139, %sub3A : i32
        %mul3A_141 = arith.constant 128 : i32
        %mul3A_142 = arith.muli %sub3A_140, %mul3A_141 : i32
        %add3A_143 = arith.addi %mul3A_2, %mul3A_142 : i32
        %dma_wait3A_144 = arith.constant 0 : i32
        %dma_wait3A_145 = tpu.memref_slice %arg6[%add3A_143, %dma_wait3A_144] : memref<51200x64xi32, #tpu.memory_space<hbm>> -> memref<128x64xi32, #tpu.memory_space<hbm>>
        %dma_wait3A_146 = arith.constant 0 : i32
        %dma_wait3A_147 = tpu.memref_slice %arg6[%add3A_143, %dma_wait3A_146] : memref<51200x64xi32, #tpu.memory_space<hbm>> -> memref<128x64xi32, #tpu.memory_space<hbm>>
        tpu.wait_dma2 semaphore(%arg20 : memref<!tpu.dma_semaphore, #tpu.memory_space<semaphore_mem>>) src(%arg14 : memref<128x64xi32, #tpu.memory_space<vmem>>) dst(%dma_wait3A_147 : memref<128x64xi32, #tpu.memory_space<hbm>>)
      } else {
      }
      %dma_start3A_89 = arith.constant 0 : i32
      %dma_start3A_90 = arith.constant 0 : i32
      %dma_start3A_91 = tpu.memref_slice %arg2[%dma_start3A_89, %dma_start3A_90] : memref<100000x128xf32, #tpu.memory_space<hbm>> -> memref<100000x128xf32, #tpu.memory_space<hbm>>
      tpu.enqueue_indirect_dma source(%dma_start3A_91 : memref<100000x128xf32, #tpu.memory_space<hbm>>) target(%arg12 : memref<128x128xf32, #tpu.memory_space<vmem>>) offsets(%arg8 : memref<128xi32, #tpu.memory_space<vmem>>) semaphore(%arg16 : memref<!tpu.dma_semaphore, #tpu.memory_space<semaphore_mem>>)
      %dma_wait3A_92 = arith.constant 0 : i32
      %dma_wait3A_93 = arith.constant 0 : i32
      %dma_wait3A_94 = tpu.memref_slice %arg2[%dma_wait3A_92, %dma_wait3A_93] : memref<100000x128xf32, #tpu.memory_space<hbm>> -> memref<100000x128xf32, #tpu.memory_space<hbm>>
      tpu.wait_indirect_dma semaphore(%arg15 : memref<!tpu.dma_semaphore, #tpu.memory_space<semaphore_mem>>) src(%dma_wait3A_94 : memref<100000x128xf32, #tpu.memory_space<hbm>>) dst(%arg11 : memref<128x128xf32, #tpu.memory_space<vmem>>)
      %dma_start3A_95 = arith.constant 0 : i32
      %dma_start3A_96 = arith.constant 0 : i32
      %dma_start3A_97 = tpu.memref_slice %arg3[%dma_start3A_95, %dma_start3A_96] : memref<8000x128xf32, #tpu.memory_space<hbm>> -> memref<8000x128xf32, #tpu.memory_space<hbm>>
      tpu.enqueue_indirect_dma source(%dma_start3A_97 : memref<8000x128xf32, #tpu.memory_space<hbm>>) target(%arg11 : memref<128x128xf32, #tpu.memory_space<vmem>>) offsets(%arg9 : memref<128xi32, #tpu.memory_space<vmem>>) semaphore(%arg17 : memref<!tpu.dma_semaphore, #tpu.memory_space<semaphore_mem>>) {add = true}
      %dma_wait3A_98 = arith.constant 0 : i32
      %dma_wait3A_99 = arith.constant 0 : i32
      %dma_wait3A_100 = tpu.memref_slice %arg2[%dma_wait3A_98, %dma_wait3A_99] : memref<100000x128xf32, #tpu.memory_space<hbm>> -> memref<100000x128xf32, #tpu.memory_space<hbm>>
      tpu.wait_indirect_dma semaphore(%arg16 : memref<!tpu.dma_semaphore, #tpu.memory_space<semaphore_mem>>) src(%dma_wait3A_100 : memref<100000x128xf32, #tpu.memory_space<hbm>>) dst(%arg12 : memref<128x128xf32, #tpu.memory_space<vmem>>)
      %dma_start3A_101 = arith.constant 0 : i32
      %dma_start3A_102 = arith.constant 0 : i32
      %dma_start3A_103 = tpu.memref_slice %arg3[%dma_start3A_101, %dma_start3A_102] : memref<8000x128xf32, #tpu.memory_space<hbm>> -> memref<8000x128xf32, #tpu.memory_space<hbm>>
      tpu.enqueue_indirect_dma source(%dma_start3A_103 : memref<8000x128xf32, #tpu.memory_space<hbm>>) target(%arg12 : memref<128x128xf32, #tpu.memory_space<vmem>>) offsets(%arg10 : memref<128xi32, #tpu.memory_space<vmem>>) semaphore(%arg18 : memref<!tpu.dma_semaphore, #tpu.memory_space<semaphore_mem>>) {add = true}
      %dma_wait3A_104 = arith.constant 0 : i32
      %dma_wait3A_105 = arith.constant 0 : i32
      %dma_wait3A_106 = tpu.memref_slice %arg3[%dma_wait3A_104, %dma_wait3A_105] : memref<8000x128xf32, #tpu.memory_space<hbm>> -> memref<8000x128xf32, #tpu.memory_space<hbm>>
      tpu.wait_indirect_dma semaphore(%arg17 : memref<!tpu.dma_semaphore, #tpu.memory_space<semaphore_mem>>) src(%dma_wait3A_106 : memref<8000x128xf32, #tpu.memory_space<hbm>>) dst(%arg11 : memref<128x128xf32, #tpu.memory_space<vmem>>)
      %scan3A_107 = arith.constant 0 : i32
      %scan3A_108 = arith.constant 128 : i32
      %scan3A_109 = arith.addi %scan3A_107, %scan3A_108 : i32
      %scan3A_110 = arith.constant 1 : i32
      scf.for %scan3A_138 = %scan3A_107 to %scan3A_109 step %scan3A_110  : i32 {
        %mul3A_139 = arith.constant 1 : i32
        %mul3A_140 = arith.muli %scan3A_138, %mul3A_139 : i32
        %add3A_141 = arith.constant 0 : i32
        %add3A_142 = arith.addi %add3A_141, %mul3A_140 : i32
        %get3A = arith.index_cast %add3A_142 : i32 to index
        %get3A_143 = arith.constant 0 : index
        %get3A_144 = tpu.vector_load %arg11[%get3A, %get3A_143] {strides = array<i32>} : memref<128x128xf32, #tpu.memory_space<vmem>>, vector<16xf32>,
        %get3A_145 = arith.index_cast %add3A_142 : i32 to index
        %get3A_146 = arith.constant 64 : index
        %get3A_147 = tpu.vector_load %arg11[%get3A_145, %get3A_146] {strides = array<i32>} : memref<128x128xf32, #tpu.memory_space<vmem>>, vector<16xf32>,
        %bitcast3A = vector.bitcast %get3A_144 : vector<16xf32> to vector<16xi32>
        %bitcast3A_148 = vector.bitcast %get3A_147 : vector<16xf32> to vector<16xi32>
        %add3A_149 = arith.constant 32767 : i32
        %add3A_150 = vector.broadcast %add3A_149 : i32 to vector<16xi32>
        %add3A_151 = arith.addi %bitcast3A, %add3A_150 : vector<16xi32>
        %shift_right_logical3A = arith.constant 16 : i32
        %shift_right_logical3A_152 = vector.broadcast %shift_right_logical3A : i32 to vector<16xi32>
        %shift_right_logical3A_153 = arith.shrui %bitcast3A, %shift_right_logical3A_152 : vector<16xi32>
        %and3A = arith.constant 1 : i32
        %and3A_154 = vector.broadcast %and3A : i32 to vector<16xi32>
        %and3A_155 = arith.andi %shift_right_logical3A_153, %and3A_154 : vector<16xi32>
        %add3A_156 = arith.addi %add3A_151, %and3A_155 : vector<16xi32>
        %add3A_157 = arith.constant 32767 : i32
        %add3A_158 = vector.broadcast %add3A_157 : i32 to vector<16xi32>
        %add3A_159 = arith.addi %bitcast3A_148, %add3A_158 : vector<16xi32>
        %shift_right_logical3A_160 = arith.constant 16 : i32
        %shift_right_logical3A_161 = vector.broadcast %shift_right_logical3A_160 : i32 to vector<16xi32>
        %shift_right_logical3A_162 = arith.shrui %bitcast3A_148, %shift_right_logical3A_161 : vector<16xi32>
        %and3A_163 = arith.constant 1 : i32
        %and3A_164 = vector.broadcast %and3A_163 : i32 to vector<16xi32>
        %and3A_165 = arith.andi %shift_right_logical3A_162, %and3A_164 : vector<16xi32>
        %add3A_166 = arith.addi %add3A_159, %and3A_165 : vector<16xi32>
        %shift_right_logical3A_167 = arith.constant 16 : i32
        %shift_right_logical3A_168 = vector.broadcast %shift_right_logical3A_167 : i32 to vector<16xi32>
        %shift_right_logical3A_169 = arith.shrui %add3A_156, %shift_right_logical3A_168 : vector<16xi32>
        %and3A_170 = arith.constant -65536 : i32
        %and3A_171 = vector.broadcast %and3A_170 : i32 to vector<16xi32>
        %and3A_172 = arith.andi %add3A_166, %and3A_171 : vector<16xi32>
        %or3A = arith.ori %shift_right_logical3A_169, %and3A_172 : vector<16xi32>
        %swap3A = arith.index_cast %add3A_142 : i32 to index
        %swap3A_173 = arith.constant 0 : index
        %swap3A_174 = tpu.vector_load %arg13[%swap3A, %swap3A_173] {strides = array<i32>} : memref<128x64xi32, #tpu.memory_space<vmem>>, vector<16xi32>,
        tpu.vector_store %arg13[%swap3A, %swap3A_173], %or3A {strides = array<i32>} : memref<128x64xi32, #tpu.memory_space<vmem>>, vector<16xi32>,
        %get3A_175 = arith.index_cast %add3A_142 : i32 to index
        %get3A_176 = arith.constant 16 : index
        %get3A_177 = tpu.vector_load %arg11[%get3A_175, %get3A_176] {strides = array<i32>} : memref<128x128xf32, #tpu.memory_space<vmem>>, vector<16xf32>,
        %get3A_178 = arith.index_cast %add3A_142 : i32 to index
        %get3A_179 = arith.constant 80 : index
        %get3A_180 = tpu.vector_load %arg11[%get3A_178, %get3A_179] {strides = array<i32>} : memref<128x128xf32, #tpu.memory_space<vmem>>, vector<16xf32>,
        %bitcast3A_181 = vector.bitcast %get3A_177 : vector<16xf32> to vector<16xi32>
        %bitcast3A_182 = vector.bitcast %get3A_180 : vector<16xf32> to vector<16xi32>
        %add3A_183 = arith.constant 32767 : i32
        %add3A_184 = vector.broadcast %add3A_183 : i32 to vector<16xi32>
        %add3A_185 = arith.addi %bitcast3A_181, %add3A_184 : vector<16xi32>
        %shift_right_logical3A_186 = arith.constant 16 : i32
        %shift_right_logical3A_187 = vector.broadcast %shift_right_logical3A_186 : i32 to vector<16xi32>
        %shift_right_logical3A_188 = arith.shrui %bitcast3A_181, %shift_right_logical3A_187 : vector<16xi32>
        %and3A_189 = arith.constant 1 : i32
        %and3A_190 = vector.broadcast %and3A_189 : i32 to vector<16xi32>
        %and3A_191 = arith.andi %shift_right_logical3A_188, %and3A_190 : vector<16xi32>
        %add3A_192 = arith.addi %add3A_185, %and3A_191 : vector<16xi32>
        %add3A_193 = arith.constant 32767 : i32
        %add3A_194 = vector.broadcast %add3A_193 : i32 to vector<16xi32>
        %add3A_195 = arith.addi %bitcast3A_182, %add3A_194 : vector<16xi32>
        %shift_right_logical3A_196 = arith.constant 16 : i32
        %shift_right_logical3A_197 = vector.broadcast %shift_right_logical3A_196 : i32 to vector<16xi32>
        %shift_right_logical3A_198 = arith.shrui %bitcast3A_182, %shift_right_logical3A_197 : vector<16xi32>
        %and3A_199 = arith.constant 1 : i32
        %and3A_200 = vector.broadcast %and3A_199 : i32 to vector<16xi32>
        %and3A_201 = arith.andi %shift_right_logical3A_198, %and3A_200 : vector<16xi32>
        %add3A_202 = arith.addi %add3A_195, %and3A_201 : vector<16xi32>
        %shift_right_logical3A_203 = arith.constant 16 : i32
        %shift_right_logical3A_204 = vector.broadcast %shift_right_logical3A_203 : i32 to vector<16xi32>
        %shift_right_logical3A_205 = arith.shrui %add3A_192, %shift_right_logical3A_204 : vector<16xi32>
        %and3A_206 = arith.constant -65536 : i32
        %and3A_207 = vector.broadcast %and3A_206 : i32 to vector<16xi32>
        %and3A_208 = arith.andi %add3A_202, %and3A_207 : vector<16xi32>
        %or3A_209 = arith.ori %shift_right_logical3A_205, %and3A_208 : vector<16xi32>
        %swap3A_210 = arith.index_cast %add3A_142 : i32 to index
        %swap3A_211 = arith.constant 16 : index
        %swap3A_212 = tpu.vector_load %arg13[%swap3A_210, %swap3A_211] {strides = array<i32>} : memref<128x64xi32, #tpu.memory_space<vmem>>, vector<16xi32>,
        tpu.vector_store %arg13[%swap3A_210, %swap3A_211], %or3A_209 {strides = array<i32>} : memref<128x64xi32, #tpu.memory_space<vmem>>, vector<16xi32>,
        %get3A_213 = arith.index_cast %add3A_142 : i32 to index
        %get3A_214 = arith.constant 32 : index
        %get3A_215 = tpu.vector_load %arg11[%get3A_213, %get3A_214] {strides = array<i32>} : memref<128x128xf32, #tpu.memory_space<vmem>>, vector<16xf32>,
        %get3A_216 = arith.index_cast %add3A_142 : i32 to index
        %get3A_217 = arith.constant 96 : index
        %get3A_218 = tpu.vector_load %arg11[%get3A_216, %get3A_217] {strides = array<i32>} : memref<128x128xf32, #tpu.memory_space<vmem>>, vector<16xf32>,
        %bitcast3A_219 = vector.bitcast %get3A_215 : vector<16xf32> to vector<16xi32>
        %bitcast3A_220 = vector.bitcast %get3A_218 : vector<16xf32> to vector<16xi32>
        %add3A_221 = arith.constant 32767 : i32
        %add3A_222 = vector.broadcast %add3A_221 : i32 to vector<16xi32>
        %add3A_223 = arith.addi %bitcast3A_219, %add3A_222 : vector<16xi32>
        %shift_right_logical3A_224 = arith.constant 16 : i32
        %shift_right_logical3A_225 = vector.broadcast %shift_right_logical3A_224 : i32 to vector<16xi32>
        %shift_right_logical3A_226 = arith.shrui %bitcast3A_219, %shift_right_logical3A_225 : vector<16xi32>
        %and3A_227 = arith.constant 1 : i32
        %and3A_228 = vector.broadcast %and3A_227 : i32 to vector<16xi32>
        %and3A_229 = arith.andi %shift_right_logical3A_226, %and3A_228 : vector<16xi32>
        %add3A_230 = arith.addi %add3A_223, %and3A_229 : vector<16xi32>
        %add3A_231 = arith.constant 32767 : i32
        %add3A_232 = vector.broadcast %add3A_231 : i32 to vector<16xi32>
        %add3A_233 = arith.addi %bitcast3A_220, %add3A_232 : vector<16xi32>
        %shift_right_logical3A_234 = arith.constant 16 : i32
        %shift_right_logical3A_235 = vector.broadcast %shift_right_logical3A_234 : i32 to vector<16xi32>
        %shift_right_logical3A_236 = arith.shrui %bitcast3A_220, %shift_right_logical3A_235 : vector<16xi32>
        %and3A_237 = arith.constant 1 : i32
        %and3A_238 = vector.broadcast %and3A_237 : i32 to vector<16xi32>
        %and3A_239 = arith.andi %shift_right_logical3A_236, %and3A_238 : vector<16xi32>
        %add3A_240 = arith.addi %add3A_233, %and3A_239 : vector<16xi32>
        %shift_right_logical3A_241 = arith.constant 16 : i32
        %shift_right_logical3A_242 = vector.broadcast %shift_right_logical3A_241 : i32 to vector<16xi32>
        %shift_right_logical3A_243 = arith.shrui %add3A_230, %shift_right_logical3A_242 : vector<16xi32>
        %and3A_244 = arith.constant -65536 : i32
        %and3A_245 = vector.broadcast %and3A_244 : i32 to vector<16xi32>
        %and3A_246 = arith.andi %add3A_240, %and3A_245 : vector<16xi32>
        %or3A_247 = arith.ori %shift_right_logical3A_243, %and3A_246 : vector<16xi32>
        %swap3A_248 = arith.index_cast %add3A_142 : i32 to index
        %swap3A_249 = arith.constant 32 : index
        %swap3A_250 = tpu.vector_load %arg13[%swap3A_248, %swap3A_249] {strides = array<i32>} : memref<128x64xi32, #tpu.memory_space<vmem>>, vector<16xi32>,
        tpu.vector_store %arg13[%swap3A_248, %swap3A_249], %or3A_247 {strides = array<i32>} : memref<128x64xi32, #tpu.memory_space<vmem>>, vector<16xi32>,
        %get3A_251 = arith.index_cast %add3A_142 : i32 to index
        %get3A_252 = arith.constant 48 : index
        %get3A_253 = tpu.vector_load %arg11[%get3A_251, %get3A_252] {strides = array<i32>} : memref<128x128xf32, #tpu.memory_space<vmem>>, vector<16xf32>,
        %get3A_254 = arith.index_cast %add3A_142 : i32 to index
        %get3A_255 = arith.constant 112 : index
        %get3A_256 = tpu.vector_load %arg11[%get3A_254, %get3A_255] {strides = array<i32>} : memref<128x128xf32, #tpu.memory_space<vmem>>, vector<16xf32>,
        %bitcast3A_257 = vector.bitcast %get3A_253 : vector<16xf32> to vector<16xi32>
        %bitcast3A_258 = vector.bitcast %get3A_256 : vector<16xf32> to vector<16xi32>
        %add3A_259 = arith.constant 32767 : i32
        %add3A_260 = vector.broadcast %add3A_259 : i32 to vector<16xi32>
        %add3A_261 = arith.addi %bitcast3A_257, %add3A_260 : vector<16xi32>
        %shift_right_logical3A_262 = arith.constant 16 : i32
        %shift_right_logical3A_263 = vector.broadcast %shift_right_logical3A_262 : i32 to vector<16xi32>
        %shift_right_logical3A_264 = arith.shrui %bitcast3A_257, %shift_right_logical3A_263 : vector<16xi32>
        %and3A_265 = arith.constant 1 : i32
        %and3A_266 = vector.broadcast %and3A_265 : i32 to vector<16xi32>
        %and3A_267 = arith.andi %shift_right_logical3A_264, %and3A_266 : vector<16xi32>
        %add3A_268 = arith.addi %add3A_261, %and3A_267 : vector<16xi32>
        %add3A_269 = arith.constant 32767 : i32
        %add3A_270 = vector.broadcast %add3A_269 : i32 to vector<16xi32>
        %add3A_271 = arith.addi %bitcast3A_258, %add3A_270 : vector<16xi32>
        %shift_right_logical3A_272 = arith.constant 16 : i32
        %shift_right_logical3A_273 = vector.broadcast %shift_right_logical3A_272 : i32 to vector<16xi32>
        %shift_right_logical3A_274 = arith.shrui %bitcast3A_258, %shift_right_logical3A_273 : vector<16xi32>
        %and3A_275 = arith.constant 1 : i32
        %and3A_276 = vector.broadcast %and3A_275 : i32 to vector<16xi32>
        %and3A_277 = arith.andi %shift_right_logical3A_274, %and3A_276 : vector<16xi32>
        %add3A_278 = arith.addi %add3A_271, %and3A_277 : vector<16xi32>
        %shift_right_logical3A_279 = arith.constant 16 : i32
        %shift_right_logical3A_280 = vector.broadcast %shift_right_logical3A_279 : i32 to vector<16xi32>
        %shift_right_logical3A_281 = arith.shrui %add3A_268, %shift_right_logical3A_280 : vector<16xi32>
        %and3A_282 = arith.constant -65536 : i32
        %and3A_283 = vector.broadcast %and3A_282 : i32 to vector<16xi32>
        %and3A_284 = arith.andi %add3A_278, %and3A_283 : vector<16xi32>
        %or3A_285 = arith.ori %shift_right_logical3A_281, %and3A_284 : vector<16xi32>
        %swap3A_286 = arith.index_cast %add3A_142 : i32 to index
        %swap3A_287 = arith.constant 48 : index
        %swap3A_288 = tpu.vector_load %arg13[%swap3A_286, %swap3A_287] {strides = array<i32>} : memref<128x64xi32, #tpu.memory_space<vmem>>, vector<16xi32>,
        tpu.vector_store %arg13[%swap3A_286, %swap3A_287], %or3A_285 {strides = array<i32>} : memref<128x64xi32, #tpu.memory_space<vmem>>, vector<16xi32>,
      }
      %scan3A_111 = arith.constant 128 : i32
      %add3A_112 = arith.constant 0 : i32
      %add3A_113 = arith.addi %mul3A_64, %add3A_112 : i32
      %mul3A_114 = arith.constant 128 : i32
      %mul3A_115 = arith.muli %add3A_113, %mul3A_114 : i32
      %add3A_116 = arith.addi %mul3A_2, %mul3A_115 : i32
      %dma_start3A_117 = arith.constant 0 : i32
      %dma_start3A_118 = tpu.memref_slice %arg6[%add3A_116, %dma_start3A_117] : memref<51200x64xi32, #tpu.memory_space<hbm>> -> memref<128x64xi32, #tpu.memory_space<hbm>>
      %dma_start3A_119 = arith.constant 0 : i32
      %dma_start3A_120 = tpu.memref_slice %arg6[%add3A_116, %dma_start3A_119] : memref<51200x64xi32, #tpu.memory_space<hbm>> -> memref<128x64xi32, #tpu.memory_space<hbm>>
      tpu.enqueue_dma source(%arg13 : memref<128x64xi32, #tpu.memory_space<vmem>>) target(%dma_start3A_120 : memref<128x64xi32, #tpu.memory_space<hbm>>) target_semaphore(%arg19 : memref<!tpu.dma_semaphore, #tpu.memory_space<semaphore_mem>>)
      %dma_wait3A_121 = arith.constant 0 : i32
      %dma_wait3A_122 = arith.constant 0 : i32
      %dma_wait3A_123 = tpu.memref_slice %arg3[%dma_wait3A_121, %dma_wait3A_122] : memref<8000x128xf32, #tpu.memory_space<hbm>> -> memref<8000x128xf32, #tpu.memory_space<hbm>>
      tpu.wait_indirect_dma semaphore(%arg18 : memref<!tpu.dma_semaphore, #tpu.memory_space<semaphore_mem>>) src(%dma_wait3A_123 : memref<8000x128xf32, #tpu.memory_space<hbm>>) dst(%arg12 : memref<128x128xf32, #tpu.memory_space<vmem>>)
      %scan3A_124 = arith.constant 0 : i32
      %scan3A_125 = arith.constant 128 : i32
      %scan3A_126 = arith.addi %scan3A_124, %scan3A_125 : i32
      %scan3A_127 = arith.constant 1 : i32
      scf.for %scan3A_138 = %scan3A_124 to %scan3A_126 step %scan3A_127  : i32 {
        %mul3A_139 = arith.constant 1 : i32
        %mul3A_140 = arith.muli %scan3A_138, %mul3A_139 : i32
        %add3A_141 = arith.constant 0 : i32
        %add3A_142 = arith.addi %add3A_141, %mul3A_140 : i32
        %get3A = arith.index_cast %add3A_142 : i32 to index
        %get3A_143 = arith.constant 0 : index
        %get3A_144 = tpu.vector_load %arg12[%get3A, %get3A_143] {strides = array<i32>} : memref<128x128xf32, #tpu.memory_space<vmem>>, vector<16xf32>,
        %get3A_145 = arith.index_cast %add3A_142 : i32 to index
        %get3A_146 = arith.constant 64 : index
        %get3A_147 = tpu.vector_load %arg12[%get3A_145, %get3A_146] {strides = array<i32>} : memref<128x128xf32, #tpu.memory_space<vmem>>, vector<16xf32>,
        %bitcast3A = vector.bitcast %get3A_144 : vector<16xf32> to vector<16xi32>
        %bitcast3A_148 = vector.bitcast %get3A_147 : vector<16xf32> to vector<16xi32>
        %add3A_149 = arith.constant 32767 : i32
        %add3A_150 = vector.broadcast %add3A_149 : i32 to vector<16xi32>
        %add3A_151 = arith.addi %bitcast3A, %add3A_150 : vector<16xi32>
        %shift_right_logical3A = arith.constant 16 : i32
        %shift_right_logical3A_152 = vector.broadcast %shift_right_logical3A : i32 to vector<16xi32>
        %shift_right_logical3A_153 = arith.shrui %bitcast3A, %shift_right_logical3A_152 : vector<16xi32>
        %and3A = arith.constant 1 : i32
        %and3A_154 = vector.broadcast %and3A : i32 to vector<16xi32>
        %and3A_155 = arith.andi %shift_right_logical3A_153, %and3A_154 : vector<16xi32>
        %add3A_156 = arith.addi %add3A_151, %and3A_155 : vector<16xi32>
        %add3A_157 = arith.constant 32767 : i32
        %add3A_158 = vector.broadcast %add3A_157 : i32 to vector<16xi32>
        %add3A_159 = arith.addi %bitcast3A_148, %add3A_158 : vector<16xi32>
        %shift_right_logical3A_160 = arith.constant 16 : i32
        %shift_right_logical3A_161 = vector.broadcast %shift_right_logical3A_160 : i32 to vector<16xi32>
        %shift_right_logical3A_162 = arith.shrui %bitcast3A_148, %shift_right_logical3A_161 : vector<16xi32>
        %and3A_163 = arith.constant 1 : i32
        %and3A_164 = vector.broadcast %and3A_163 : i32 to vector<16xi32>
        %and3A_165 = arith.andi %shift_right_logical3A_162, %and3A_164 : vector<16xi32>
        %add3A_166 = arith.addi %add3A_159, %and3A_165 : vector<16xi32>
        %shift_right_logical3A_167 = arith.constant 16 : i32
        %shift_right_logical3A_168 = vector.broadcast %shift_right_logical3A_167 : i32 to vector<16xi32>
        %shift_right_logical3A_169 = arith.shrui %add3A_156, %shift_right_logical3A_168 : vector<16xi32>
        %and3A_170 = arith.constant -65536 : i32
        %and3A_171 = vector.broadcast %and3A_170 : i32 to vector<16xi32>
        %and3A_172 = arith.andi %add3A_166, %and3A_171 : vector<16xi32>
        %or3A = arith.ori %shift_right_logical3A_169, %and3A_172 : vector<16xi32>
        %swap3A = arith.index_cast %add3A_142 : i32 to index
        %swap3A_173 = arith.constant 0 : index
        %swap3A_174 = tpu.vector_load %arg14[%swap3A, %swap3A_173] {strides = array<i32>} : memref<128x64xi32, #tpu.memory_space<vmem>>, vector<16xi32>,
        tpu.vector_store %arg14[%swap3A, %swap3A_173], %or3A {strides = array<i32>} : memref<128x64xi32, #tpu.memory_space<vmem>>, vector<16xi32>,
        %get3A_175 = arith.index_cast %add3A_142 : i32 to index
        %get3A_176 = arith.constant 16 : index
        %get3A_177 = tpu.vector_load %arg12[%get3A_175, %get3A_176] {strides = array<i32>} : memref<128x128xf32, #tpu.memory_space<vmem>>, vector<16xf32>,
        %get3A_178 = arith.index_cast %add3A_142 : i32 to index
        %get3A_179 = arith.constant 80 : index
        %get3A_180 = tpu.vector_load %arg12[%get3A_178, %get3A_179] {strides = array<i32>} : memref<128x128xf32, #tpu.memory_space<vmem>>, vector<16xf32>,
        %bitcast3A_181 = vector.bitcast %get3A_177 : vector<16xf32> to vector<16xi32>
        %bitcast3A_182 = vector.bitcast %get3A_180 : vector<16xf32> to vector<16xi32>
        %add3A_183 = arith.constant 32767 : i32
        %add3A_184 = vector.broadcast %add3A_183 : i32 to vector<16xi32>
        %add3A_185 = arith.addi %bitcast3A_181, %add3A_184 : vector<16xi32>
        %shift_right_logical3A_186 = arith.constant 16 : i32
        %shift_right_logical3A_187 = vector.broadcast %shift_right_logical3A_186 : i32 to vector<16xi32>
        %shift_right_logical3A_188 = arith.shrui %bitcast3A_181, %shift_right_logical3A_187 : vector<16xi32>
        %and3A_189 = arith.constant 1 : i32
        %and3A_190 = vector.broadcast %and3A_189 : i32 to vector<16xi32>
        %and3A_191 = arith.andi %shift_right_logical3A_188, %and3A_190 : vector<16xi32>
        %add3A_192 = arith.addi %add3A_185, %and3A_191 : vector<16xi32>
        %add3A_193 = arith.constant 32767 : i32
        %add3A_194 = vector.broadcast %add3A_193 : i32 to vector<16xi32>
        %add3A_195 = arith.addi %bitcast3A_182, %add3A_194 : vector<16xi32>
        %shift_right_logical3A_196 = arith.constant 16 : i32
        %shift_right_logical3A_197 = vector.broadcast %shift_right_logical3A_196 : i32 to vector<16xi32>
        %shift_right_logical3A_198 = arith.shrui %bitcast3A_182, %shift_right_logical3A_197 : vector<16xi32>
        %and3A_199 = arith.constant 1 : i32
        %and3A_200 = vector.broadcast %and3A_199 : i32 to vector<16xi32>
        %and3A_201 = arith.andi %shift_right_logical3A_198, %and3A_200 : vector<16xi32>
        %add3A_202 = arith.addi %add3A_195, %and3A_201 : vector<16xi32>
        %shift_right_logical3A_203 = arith.constant 16 : i32
        %shift_right_logical3A_204 = vector.broadcast %shift_right_logical3A_203 : i32 to vector<16xi32>
        %shift_right_logical3A_205 = arith.shrui %add3A_192, %shift_right_logical3A_204 : vector<16xi32>
        %and3A_206 = arith.constant -65536 : i32
        %and3A_207 = vector.broadcast %and3A_206 : i32 to vector<16xi32>
        %and3A_208 = arith.andi %add3A_202, %and3A_207 : vector<16xi32>
        %or3A_209 = arith.ori %shift_right_logical3A_205, %and3A_208 : vector<16xi32>
        %swap3A_210 = arith.index_cast %add3A_142 : i32 to index
        %swap3A_211 = arith.constant 16 : index
        %swap3A_212 = tpu.vector_load %arg14[%swap3A_210, %swap3A_211] {strides = array<i32>} : memref<128x64xi32, #tpu.memory_space<vmem>>, vector<16xi32>,
        tpu.vector_store %arg14[%swap3A_210, %swap3A_211], %or3A_209 {strides = array<i32>} : memref<128x64xi32, #tpu.memory_space<vmem>>, vector<16xi32>,
        %get3A_213 = arith.index_cast %add3A_142 : i32 to index
        %get3A_214 = arith.constant 32 : index
        %get3A_215 = tpu.vector_load %arg12[%get3A_213, %get3A_214] {strides = array<i32>} : memref<128x128xf32, #tpu.memory_space<vmem>>, vector<16xf32>,
        %get3A_216 = arith.index_cast %add3A_142 : i32 to index
        %get3A_217 = arith.constant 96 : index
        %get3A_218 = tpu.vector_load %arg12[%get3A_216, %get3A_217] {strides = array<i32>} : memref<128x128xf32, #tpu.memory_space<vmem>>, vector<16xf32>,
        %bitcast3A_219 = vector.bitcast %get3A_215 : vector<16xf32> to vector<16xi32>
        %bitcast3A_220 = vector.bitcast %get3A_218 : vector<16xf32> to vector<16xi32>
        %add3A_221 = arith.constant 32767 : i32
        %add3A_222 = vector.broadcast %add3A_221 : i32 to vector<16xi32>
        %add3A_223 = arith.addi %bitcast3A_219, %add3A_222 : vector<16xi32>
        %shift_right_logical3A_224 = arith.constant 16 : i32
        %shift_right_logical3A_225 = vector.broadcast %shift_right_logical3A_224 : i32 to vector<16xi32>
        %shift_right_logical3A_226 = arith.shrui %bitcast3A_219, %shift_right_logical3A_225 : vector<16xi32>
        %and3A_227 = arith.constant 1 : i32
        %and3A_228 = vector.broadcast %and3A_227 : i32 to vector<16xi32>
        %and3A_229 = arith.andi %shift_right_logical3A_226, %and3A_228 : vector<16xi32>
        %add3A_230 = arith.addi %add3A_223, %and3A_229 : vector<16xi32>
        %add3A_231 = arith.constant 32767 : i32
        %add3A_232 = vector.broadcast %add3A_231 : i32 to vector<16xi32>
        %add3A_233 = arith.addi %bitcast3A_220, %add3A_232 : vector<16xi32>
        %shift_right_logical3A_234 = arith.constant 16 : i32
        %shift_right_logical3A_235 = vector.broadcast %shift_right_logical3A_234 : i32 to vector<16xi32>
        %shift_right_logical3A_236 = arith.shrui %bitcast3A_220, %shift_right_logical3A_235 : vector<16xi32>
        %and3A_237 = arith.constant 1 : i32
        %and3A_238 = vector.broadcast %and3A_237 : i32 to vector<16xi32>
        %and3A_239 = arith.andi %shift_right_logical3A_236, %and3A_238 : vector<16xi32>
        %add3A_240 = arith.addi %add3A_233, %and3A_239 : vector<16xi32>
        %shift_right_logical3A_241 = arith.constant 16 : i32
        %shift_right_logical3A_242 = vector.broadcast %shift_right_logical3A_241 : i32 to vector<16xi32>
        %shift_right_logical3A_243 = arith.shrui %add3A_230, %shift_right_logical3A_242 : vector<16xi32>
        %and3A_244 = arith.constant -65536 : i32
        %and3A_245 = vector.broadcast %and3A_244 : i32 to vector<16xi32>
        %and3A_246 = arith.andi %add3A_240, %and3A_245 : vector<16xi32>
        %or3A_247 = arith.ori %shift_right_logical3A_243, %and3A_246 : vector<16xi32>
        %swap3A_248 = arith.index_cast %add3A_142 : i32 to index
        %swap3A_249 = arith.constant 32 : index
        %swap3A_250 = tpu.vector_load %arg14[%swap3A_248, %swap3A_249] {strides = array<i32>} : memref<128x64xi32, #tpu.memory_space<vmem>>, vector<16xi32>,
        tpu.vector_store %arg14[%swap3A_248, %swap3A_249], %or3A_247 {strides = array<i32>} : memref<128x64xi32, #tpu.memory_space<vmem>>, vector<16xi32>,
        %get3A_251 = arith.index_cast %add3A_142 : i32 to index
        %get3A_252 = arith.constant 48 : index
        %get3A_253 = tpu.vector_load %arg12[%get3A_251, %get3A_252] {strides = array<i32>} : memref<128x128xf32, #tpu.memory_space<vmem>>, vector<16xf32>,
        %get3A_254 = arith.index_cast %add3A_142 : i32 to index
        %get3A_255 = arith.constant 112 : index
        %get3A_256 = tpu.vector_load %arg12[%get3A_254, %get3A_255] {strides = array<i32>} : memref<128x128xf32, #tpu.memory_space<vmem>>, vector<16xf32>,
        %bitcast3A_257 = vector.bitcast %get3A_253 : vector<16xf32> to vector<16xi32>
        %bitcast3A_258 = vector.bitcast %get3A_256 : vector<16xf32> to vector<16xi32>
        %add3A_259 = arith.constant 32767 : i32
        %add3A_260 = vector.broadcast %add3A_259 : i32 to vector<16xi32>
        %add3A_261 = arith.addi %bitcast3A_257, %add3A_260 : vector<16xi32>
        %shift_right_logical3A_262 = arith.constant 16 : i32
        %shift_right_logical3A_263 = vector.broadcast %shift_right_logical3A_262 : i32 to vector<16xi32>
        %shift_right_logical3A_264 = arith.shrui %bitcast3A_257, %shift_right_logical3A_263 : vector<16xi32>
        %and3A_265 = arith.constant 1 : i32
        %and3A_266 = vector.broadcast %and3A_265 : i32 to vector<16xi32>
        %and3A_267 = arith.andi %shift_right_logical3A_264, %and3A_266 : vector<16xi32>
        %add3A_268 = arith.addi %add3A_261, %and3A_267 : vector<16xi32>
        %add3A_269 = arith.constant 32767 : i32
        %add3A_270 = vector.broadcast %add3A_269 : i32 to vector<16xi32>
        %add3A_271 = arith.addi %bitcast3A_258, %add3A_270 : vector<16xi32>
        %shift_right_logical3A_272 = arith.constant 16 : i32
        %shift_right_logical3A_273 = vector.broadcast %shift_right_logical3A_272 : i32 to vector<16xi32>
        %shift_right_logical3A_274 = arith.shrui %bitcast3A_258, %shift_right_logical3A_273 : vector<16xi32>
        %and3A_275 = arith.constant 1 : i32
        %and3A_276 = vector.broadcast %and3A_275 : i32 to vector<16xi32>
        %and3A_277 = arith.andi %shift_right_logical3A_274, %and3A_276 : vector<16xi32>
        %add3A_278 = arith.addi %add3A_271, %and3A_277 : vector<16xi32>
        %shift_right_logical3A_279 = arith.constant 16 : i32
        %shift_right_logical3A_280 = vector.broadcast %shift_right_logical3A_279 : i32 to vector<16xi32>
        %shift_right_logical3A_281 = arith.shrui %add3A_268, %shift_right_logical3A_280 : vector<16xi32>
        %and3A_282 = arith.constant -65536 : i32
        %and3A_283 = vector.broadcast %and3A_282 : i32 to vector<16xi32>
        %and3A_284 = arith.andi %add3A_278, %and3A_283 : vector<16xi32>
        %or3A_285 = arith.ori %shift_right_logical3A_281, %and3A_284 : vector<16xi32>
        %swap3A_286 = arith.index_cast %add3A_142 : i32 to index
        %swap3A_287 = arith.constant 48 : index
        %swap3A_288 = tpu.vector_load %arg14[%swap3A_286, %swap3A_287] {strides = array<i32>} : memref<128x64xi32, #tpu.memory_space<vmem>>, vector<16xi32>,
        tpu.vector_store %arg14[%swap3A_286, %swap3A_287], %or3A_285 {strides = array<i32>} : memref<128x64xi32, #tpu.memory_space<vmem>>, vector<16xi32>,
      }
      %scan3A_128 = arith.constant 128 : i32
      %add3A_129 = arith.constant 1 : i32
      %add3A_130 = arith.addi %mul3A_64, %add3A_129 : i32
      %mul3A_131 = arith.constant 128 : i32
      %mul3A_132 = arith.muli %add3A_130, %mul3A_131 : i32
      %add3A_133 = arith.addi %mul3A_2, %mul3A_132 : i32
      %dma_start3A_134 = arith.constant 0 : i32
      %dma_start3A_135 = tpu.memref_slice %arg6[%add3A_133, %dma_start3A_134] : memref<51200x64xi32, #tpu.memory_space<hbm>> -> memref<128x64xi32, #tpu.memory_space<hbm>>
      %dma_start3A_136 = arith.constant 0 : i32
      %dma_start3A_137 = tpu.memref_slice %arg6[%add3A_133, %dma_start3A_136] : memref<51200x64xi32, #tpu.memory_space<hbm>> -> memref<128x64xi32, #tpu.memory_space<hbm>>
      tpu.enqueue_dma source(%arg14 : memref<128x64xi32, #tpu.memory_space<vmem>>) target(%dma_start3A_137 : memref<128x64xi32, #tpu.memory_space<hbm>>) target_semaphore(%arg20 : memref<!tpu.dma_semaphore, #tpu.memory_space<semaphore_mem>>)
    }
    %scan3A_6 = arith.constant 6 : i32
    %add3A_7 = arith.constant 1280 : i32
    %add3A_8 = arith.addi %mul3A_2, %add3A_7 : i32
    %dma_wait3A = arith.constant 0 : i32
    %dma_wait3A_9 = tpu.memref_slice %arg6[%add3A_8, %dma_wait3A] : memref<51200x64xi32, #tpu.memory_space<hbm>> -> memref<128x64xi32, #tpu.memory_space<hbm>>
    %dma_wait3A_10 = arith.constant 0 : i32
    %dma_wait3A_11 = tpu.memref_slice %arg6[%add3A_8, %dma_wait3A_10] : memref<51200x64xi32, #tpu.memory_space<hbm>> -> memref<128x64xi32, #tpu.memory_space<hbm>>
    tpu.wait_dma2 semaphore(%arg19 : memref<!tpu.dma_semaphore, #tpu.memory_space<semaphore_mem>>) src(%arg13 : memref<128x64xi32, #tpu.memory_space<vmem>>) dst(%dma_wait3A_11 : memref<128x64xi32, #tpu.memory_space<hbm>>)
    %add3A_12 = arith.constant 1408 : i32
    %add3A_13 = arith.addi %mul3A_2, %add3A_12 : i32
    %dma_wait3A_14 = arith.constant 0 : i32
    %dma_wait3A_15 = tpu.memref_slice %arg6[%add3A_13, %dma_wait3A_14] : memref<51200x64xi32, #tpu.memory_space<hbm>> -> memref<128x64xi32, #tpu.memory_space<hbm>>
    %dma_wait3A_16 = arith.constant 0 : i32
    %dma_wait3A_17 = tpu.memref_slice %arg6[%add3A_13, %dma_wait3A_16] : memref<51200x64xi32, #tpu.memory_space<hbm>> -> memref<128x64xi32, #tpu.memory_space<hbm>>
    tpu.wait_dma2 semaphore(%arg20 : memref<!tpu.dma_semaphore, #tpu.memory_space<semaphore_mem>>) src(%arg14 : memref<128x64xi32, #tpu.memory_space<vmem>>) dst(%dma_wait3A_17 : memref<128x64xi32, #tpu.memory_space<hbm>>)
    %add3A_18 = arith.constant 1536 : i32
    %add3A_19 = arith.addi %mul3A_2, %add3A_18 : i32
    %add3A_20 = arith.constant 153600 : i32
    %add3A_21 = arith.addi %add3A_20, %add3A_19 : i32
    "tpu.region"() ({
      %run_scoped3A = tpu.sem_alloc : memref<!tpu.dma_semaphore, #tpu.memory_space<semaphore_mem>>
      %dma_start3A_58 = arith.constant 0 : i32
      %dma_start3A_59 = tpu.memref_slice %arg7[%dma_start3A_58] : memref<128xi32, #tpu.memory_space<vmem>> -> memref<64xi32, #tpu.memory_space<vmem>>
      %dma_start3A_60 = tpu.memref_slice %arg4[%add3A_21] : memref<204800xi32, #tpu.memory_space<hbm>> -> memref<64xi32, #tpu.memory_space<hbm>>
      %dma_start3A_61 = arith.constant 0 : i32
      %dma_start3A_62 = tpu.memref_slice %arg7[%dma_start3A_61] : memref<128xi32, #tpu.memory_space<vmem>> -> memref<64xi32, #tpu.memory_space<vmem>>
      %dma_start3A_63 = tpu.memref_slice %arg4[%add3A_21] : memref<204800xi32, #tpu.memory_space<hbm>> -> memref<64xi32, #tpu.memory_space<hbm>>
      tpu.enqueue_dma source(%dma_start3A_63 : memref<64xi32, #tpu.memory_space<hbm>>) target(%dma_start3A_62 : memref<64xi32, #tpu.memory_space<vmem>>) target_semaphore(%run_scoped3A : memref<!tpu.dma_semaphore, #tpu.memory_space<semaphore_mem>>)
      %dma_wait3A_64 = arith.constant 0 : i32
      %dma_wait3A_65 = tpu.memref_slice %arg7[%dma_wait3A_64] : memref<128xi32, #tpu.memory_space<vmem>> -> memref<64xi32, #tpu.memory_space<vmem>>
      %dma_wait3A_66 = tpu.memref_slice %arg4[%add3A_21] : memref<204800xi32, #tpu.memory_space<hbm>> -> memref<64xi32, #tpu.memory_space<hbm>>
      %dma_wait3A_67 = arith.constant 0 : i32
      %dma_wait3A_68 = tpu.memref_slice %arg7[%dma_wait3A_67] : memref<128xi32, #tpu.memory_space<vmem>> -> memref<64xi32, #tpu.memory_space<vmem>>
      %dma_wait3A_69 = tpu.memref_slice %arg4[%add3A_21] : memref<204800xi32, #tpu.memory_space<hbm>> -> memref<64xi32, #tpu.memory_space<hbm>>
      tpu.wait_dma2 semaphore(%run_scoped3A : memref<!tpu.dma_semaphore, #tpu.memory_space<semaphore_mem>>) src(%dma_wait3A_69 : memref<64xi32, #tpu.memory_space<hbm>>) dst(%dma_wait3A_68 : memref<64xi32, #tpu.memory_space<vmem>>)
      tpu.yield
    }) : () -> ()
    "tpu.region"() ({
      %run_scoped3A = tpu.sem_alloc : memref<!tpu.dma_semaphore, #tpu.memory_space<semaphore_mem>>
      %dma_start3A_58 = arith.constant 0 : i32
      %dma_start3A_59 = tpu.memref_slice %arg9[%dma_start3A_58] : memref<128xi32, #tpu.memory_space<vmem>> -> memref<64xi32, #tpu.memory_space<vmem>>
      %dma_start3A_60 = tpu.memref_slice %arg5[%add3A_21] : memref<204800xi32, #tpu.memory_space<hbm>> -> memref<64xi32, #tpu.memory_space<hbm>>
      %dma_start3A_61 = arith.constant 0 : i32
      %dma_start3A_62 = tpu.memref_slice %arg9[%dma_start3A_61] : memref<128xi32, #tpu.memory_space<vmem>> -> memref<64xi32, #tpu.memory_space<vmem>>
      %dma_start3A_63 = tpu.memref_slice %arg5[%add3A_21] : memref<204800xi32, #tpu.memory_space<hbm>> -> memref<64xi32, #tpu.memory_space<hbm>>
      tpu.enqueue_dma source(%dma_start3A_63 : memref<64xi32, #tpu.memory_space<hbm>>) target(%dma_start3A_62 : memref<64xi32, #tpu.memory_space<vmem>>) target_semaphore(%run_scoped3A : memref<!tpu.dma_semaphore, #tpu.memory_space<semaphore_mem>>)
      %dma_wait3A_64 = arith.constant 0 : i32
      %dma_wait3A_65 = tpu.memref_slice %arg9[%dma_wait3A_64] : memref<128xi32, #tpu.memory_space<vmem>> -> memref<64xi32, #tpu.memory_space<vmem>>
      %dma_wait3A_66 = tpu.memref_slice %arg5[%add3A_21] : memref<204800xi32, #tpu.memory_space<hbm>> -> memref<64xi32, #tpu.memory_space<hbm>>
      %dma_wait3A_67 = arith.constant 0 : i32
      %dma_wait3A_68 = tpu.memref_slice %arg9[%dma_wait3A_67] : memref<128xi32, #tpu.memory_space<vmem>> -> memref<64xi32, #tpu.memory_space<vmem>>
      %dma_wait3A_69 = tpu.memref_slice %arg5[%add3A_21] : memref<204800xi32, #tpu.memory_space<hbm>> -> memref<64xi32, #tpu.memory_space<hbm>>
      tpu.wait_dma2 semaphore(%run_scoped3A : memref<!tpu.dma_semaphore, #tpu.memory_space<semaphore_mem>>) src(%dma_wait3A_69 : memref<64xi32, #tpu.memory_space<hbm>>) dst(%dma_wait3A_68 : memref<64xi32, #tpu.memory_space<vmem>>)
      tpu.yield
    }) : () -> ()
    %dma_start3A = arith.constant 0 : i32
    %dma_start3A_22 = arith.constant 0 : i32
    %dma_start3A_23 = tpu.memref_slice %arg11[%dma_start3A, %dma_start3A_22] : memref<128x128xf32, #tpu.memory_space<vmem>> -> memref<64x128xf32, #tpu.memory_space<vmem>>
    %dma_start3A_24 = arith.constant 0 : i32
    %dma_start3A_25 = tpu.memref_slice %arg7[%dma_start3A_24] : memref<128xi32, #tpu.memory_space<vmem>> -> memref<64xi32, #tpu.memory_space<vmem>>
    %dma_start3A_26 = arith.constant 0 : i32
    %dma_start3A_27 = arith.constant 0 : i32
    %dma_start3A_28 = tpu.memref_slice %arg2[%dma_start3A_26, %dma_start3A_27] : memref<100000x128xf32, #tpu.memory_space<hbm>> -> memref<100000x128xf32, #tpu.memory_space<hbm>>
    tpu.enqueue_indirect_dma source(%dma_start3A_28 : memref<100000x128xf32, #tpu.memory_space<hbm>>) target(%dma_start3A_23 : memref<64x128xf32, #tpu.memory_space<vmem>>) offsets(%dma_start3A_25 : memref<64xi32, #tpu.memory_space<vmem>>) semaphore(%arg15 : memref<!tpu.dma_semaphore, #tpu.memory_space<semaphore_mem>>)
    %dma_wait3A_29 = arith.constant 0 : i32
    %dma_wait3A_30 = arith.constant 0 : i32
    %dma_wait3A_31 = tpu.memref_slice %arg11[%dma_wait3A_29, %dma_wait3A_30] : memref<128x128xf32, #tpu.memory_space<vmem>> -> memref<64x128xf32, #tpu.memory_space<vmem>>
    %dma_wait3A_32 = arith.constant 0 : i32
    %dma_wait3A_33 = tpu.memref_slice %arg7[%dma_wait3A_32] : memref<128xi32, #tpu.memory_space<vmem>> -> memref<64xi32, #tpu.memory_space<vmem>>
    %dma_wait3A_34 = arith.constant 0 : i32
    %dma_wait3A_35 = arith.constant 0 : i32
    %dma_wait3A_36 = tpu.memref_slice %arg2[%dma_wait3A_34, %dma_wait3A_35] : memref<100000x128xf32, #tpu.memory_space<hbm>> -> memref<100000x128xf32, #tpu.memory_space<hbm>>
    tpu.wait_indirect_dma semaphore(%arg15 : memref<!tpu.dma_semaphore, #tpu.memory_space<semaphore_mem>>) src(%dma_wait3A_36 : memref<100000x128xf32, #tpu.memory_space<hbm>>) dst(%dma_wait3A_31 : memref<64x128xf32, #tpu.memory_space<vmem>>)
    %dma_start3A_37 = arith.constant 0 : i32
    %dma_start3A_38 = arith.constant 0 : i32
    %dma_start3A_39 = tpu.memref_slice %arg11[%dma_start3A_37, %dma_start3A_38] : memref<128x128xf32, #tpu.memory_space<vmem>> -> memref<64x128xf32, #tpu.memory_space<vmem>>
    %dma_start3A_40 = arith.constant 0 : i32
    %dma_start3A_41 = tpu.memref_slice %arg9[%dma_start3A_40] : memref<128xi32, #tpu.memory_space<vmem>> -> memref<64xi32, #tpu.memory_space<vmem>>
    %dma_start3A_42 = arith.constant 0 : i32
    %dma_start3A_43 = arith.constant 0 : i32
    %dma_start3A_44 = tpu.memref_slice %arg3[%dma_start3A_42, %dma_start3A_43] : memref<8000x128xf32, #tpu.memory_space<hbm>> -> memref<8000x128xf32, #tpu.memory_space<hbm>>
    tpu.enqueue_indirect_dma source(%dma_start3A_44 : memref<8000x128xf32, #tpu.memory_space<hbm>>) target(%dma_start3A_39 : memref<64x128xf32, #tpu.memory_space<vmem>>) offsets(%dma_start3A_41 : memref<64xi32, #tpu.memory_space<vmem>>) semaphore(%arg17 : memref<!tpu.dma_semaphore, #tpu.memory_space<semaphore_mem>>) {add = true}
    %dma_wait3A_45 = arith.constant 0 : i32
    %dma_wait3A_46 = arith.constant 0 : i32
    %dma_wait3A_47 = tpu.memref_slice %arg11[%dma_wait3A_45, %dma_wait3A_46] : memref<128x128xf32, #tpu.memory_space<vmem>> -> memref<64x128xf32, #tpu.memory_space<vmem>>
    %dma_wait3A_48 = arith.constant 0 : i32
    %dma_wait3A_49 = tpu.memref_slice %arg9[%dma_wait3A_48] : memref<128xi32, #tpu.memory_space<vmem>> -> memref<64xi32, #tpu.memory_space<vmem>>
    %dma_wait3A_50 = arith.constant 0 : i32
    %dma_wait3A_51 = arith.constant 0 : i32
    %dma_wait3A_52 = tpu.memref_slice %arg3[%dma_wait3A_50, %dma_wait3A_51] : memref<8000x128xf32, #tpu.memory_space<hbm>> -> memref<8000x128xf32, #tpu.memory_space<hbm>>
    tpu.wait_indirect_dma semaphore(%arg17 : memref<!tpu.dma_semaphore, #tpu.memory_space<semaphore_mem>>) src(%dma_wait3A_52 : memref<8000x128xf32, #tpu.memory_space<hbm>>) dst(%dma_wait3A_47 : memref<64x128xf32, #tpu.memory_space<vmem>>)
    %scan3A_53 = arith.constant 0 : i32
    %scan3A_54 = arith.constant 64 : i32
    %scan3A_55 = arith.addi %scan3A_53, %scan3A_54 : i32
    %scan3A_56 = arith.constant 1 : i32
    scf.for %scan3A_58 = %scan3A_53 to %scan3A_55 step %scan3A_56  : i32 {
      %mul3A_59 = arith.constant 1 : i32
      %mul3A_60 = arith.muli %scan3A_58, %mul3A_59 : i32
      %add3A_61 = arith.constant 0 : i32
      %add3A_62 = arith.addi %add3A_61, %mul3A_60 : i32
      %get3A = arith.index_cast %add3A_62 : i32 to index
      %get3A_63 = arith.constant 0 : index
      %get3A_64 = tpu.vector_load %arg11[%get3A, %get3A_63] {strides = array<i32>} : memref<128x128xf32, #tpu.memory_space<vmem>>, vector<16xf32>,
      %get3A_65 = arith.index_cast %add3A_62 : i32 to index
      %get3A_66 = arith.constant 64 : index
      %get3A_67 = tpu.vector_load %arg11[%get3A_65, %get3A_66] {strides = array<i32>} : memref<128x128xf32, #tpu.memory_space<vmem>>, vector<16xf32>,
      %bitcast3A = vector.bitcast %get3A_64 : vector<16xf32> to vector<16xi32>
      %bitcast3A_68 = vector.bitcast %get3A_67 : vector<16xf32> to vector<16xi32>
      %add3A_69 = arith.constant 32767 : i32
      %add3A_70 = vector.broadcast %add3A_69 : i32 to vector<16xi32>
      %add3A_71 = arith.addi %bitcast3A, %add3A_70 : vector<16xi32>
      %shift_right_logical3A = arith.constant 16 : i32
      %shift_right_logical3A_72 = vector.broadcast %shift_right_logical3A : i32 to vector<16xi32>
      %shift_right_logical3A_73 = arith.shrui %bitcast3A, %shift_right_logical3A_72 : vector<16xi32>
      %and3A = arith.constant 1 : i32
      %and3A_74 = vector.broadcast %and3A : i32 to vector<16xi32>
      %and3A_75 = arith.andi %shift_right_logical3A_73, %and3A_74 : vector<16xi32>
      %add3A_76 = arith.addi %add3A_71, %and3A_75 : vector<16xi32>
      %add3A_77 = arith.constant 32767 : i32
      %add3A_78 = vector.broadcast %add3A_77 : i32 to vector<16xi32>
      %add3A_79 = arith.addi %bitcast3A_68, %add3A_78 : vector<16xi32>
      %shift_right_logical3A_80 = arith.constant 16 : i32
      %shift_right_logical3A_81 = vector.broadcast %shift_right_logical3A_80 : i32 to vector<16xi32>
      %shift_right_logical3A_82 = arith.shrui %bitcast3A_68, %shift_right_logical3A_81 : vector<16xi32>
      %and3A_83 = arith.constant 1 : i32
      %and3A_84 = vector.broadcast %and3A_83 : i32 to vector<16xi32>
      %and3A_85 = arith.andi %shift_right_logical3A_82, %and3A_84 : vector<16xi32>
      %add3A_86 = arith.addi %add3A_79, %and3A_85 : vector<16xi32>
      %shift_right_logical3A_87 = arith.constant 16 : i32
      %shift_right_logical3A_88 = vector.broadcast %shift_right_logical3A_87 : i32 to vector<16xi32>
      %shift_right_logical3A_89 = arith.shrui %add3A_76, %shift_right_logical3A_88 : vector<16xi32>
      %and3A_90 = arith.constant -65536 : i32
      %and3A_91 = vector.broadcast %and3A_90 : i32 to vector<16xi32>
      %and3A_92 = arith.andi %add3A_86, %and3A_91 : vector<16xi32>
      %or3A = arith.ori %shift_right_logical3A_89, %and3A_92 : vector<16xi32>
      %swap3A = arith.index_cast %add3A_62 : i32 to index
      %swap3A_93 = arith.constant 0 : index
      %swap3A_94 = tpu.vector_load %arg13[%swap3A, %swap3A_93] {strides = array<i32>} : memref<128x64xi32, #tpu.memory_space<vmem>>, vector<16xi32>,
      tpu.vector_store %arg13[%swap3A, %swap3A_93], %or3A {strides = array<i32>} : memref<128x64xi32, #tpu.memory_space<vmem>>, vector<16xi32>,
      %get3A_95 = arith.index_cast %add3A_62 : i32 to index
      %get3A_96 = arith.constant 16 : index
      %get3A_97 = tpu.vector_load %arg11[%get3A_95, %get3A_96] {strides = array<i32>} : memref<128x128xf32, #tpu.memory_space<vmem>>, vector<16xf32>,
      %get3A_98 = arith.index_cast %add3A_62 : i32 to index
      %get3A_99 = arith.constant 80 : index
      %get3A_100 = tpu.vector_load %arg11[%get3A_98, %get3A_99] {strides = array<i32>} : memref<128x128xf32, #tpu.memory_space<vmem>>, vector<16xf32>,
      %bitcast3A_101 = vector.bitcast %get3A_97 : vector<16xf32> to vector<16xi32>
      %bitcast3A_102 = vector.bitcast %get3A_100 : vector<16xf32> to vector<16xi32>
      %add3A_103 = arith.constant 32767 : i32
      %add3A_104 = vector.broadcast %add3A_103 : i32 to vector<16xi32>
      %add3A_105 = arith.addi %bitcast3A_101, %add3A_104 : vector<16xi32>
      %shift_right_logical3A_106 = arith.constant 16 : i32
      %shift_right_logical3A_107 = vector.broadcast %shift_right_logical3A_106 : i32 to vector<16xi32>
      %shift_right_logical3A_108 = arith.shrui %bitcast3A_101, %shift_right_logical3A_107 : vector<16xi32>
      %and3A_109 = arith.constant 1 : i32
      %and3A_110 = vector.broadcast %and3A_109 : i32 to vector<16xi32>
      %and3A_111 = arith.andi %shift_right_logical3A_108, %and3A_110 : vector<16xi32>
      %add3A_112 = arith.addi %add3A_105, %and3A_111 : vector<16xi32>
      %add3A_113 = arith.constant 32767 : i32
      %add3A_114 = vector.broadcast %add3A_113 : i32 to vector<16xi32>
      %add3A_115 = arith.addi %bitcast3A_102, %add3A_114 : vector<16xi32>
      %shift_right_logical3A_116 = arith.constant 16 : i32
      %shift_right_logical3A_117 = vector.broadcast %shift_right_logical3A_116 : i32 to vector<16xi32>
      %shift_right_logical3A_118 = arith.shrui %bitcast3A_102, %shift_right_logical3A_117 : vector<16xi32>
      %and3A_119 = arith.constant 1 : i32
      %and3A_120 = vector.broadcast %and3A_119 : i32 to vector<16xi32>
      %and3A_121 = arith.andi %shift_right_logical3A_118, %and3A_120 : vector<16xi32>
      %add3A_122 = arith.addi %add3A_115, %and3A_121 : vector<16xi32>
      %shift_right_logical3A_123 = arith.constant 16 : i32
      %shift_right_logical3A_124 = vector.broadcast %shift_right_logical3A_123 : i32 to vector<16xi32>
      %shift_right_logical3A_125 = arith.shrui %add3A_112, %shift_right_logical3A_124 : vector<16xi32>
      %and3A_126 = arith.constant -65536 : i32
      %and3A_127 = vector.broadcast %and3A_126 : i32 to vector<16xi32>
      %and3A_128 = arith.andi %add3A_122, %and3A_127 : vector<16xi32>
      %or3A_129 = arith.ori %shift_right_logical3A_125, %and3A_128 : vector<16xi32>
      %swap3A_130 = arith.index_cast %add3A_62 : i32 to index
      %swap3A_131 = arith.constant 16 : index
      %swap3A_132 = tpu.vector_load %arg13[%swap3A_130, %swap3A_131] {strides = array<i32>} : memref<128x64xi32, #tpu.memory_space<vmem>>, vector<16xi32>,
      tpu.vector_store %arg13[%swap3A_130, %swap3A_131], %or3A_129 {strides = array<i32>} : memref<128x64xi32, #tpu.memory_space<vmem>>, vector<16xi32>,
      %get3A_133 = arith.index_cast %add3A_62 : i32 to index
      %get3A_134 = arith.constant 32 : index
      %get3A_135 = tpu.vector_load %arg11[%get3A_133, %get3A_134] {strides = array<i32>} : memref<128x128xf32, #tpu.memory_space<vmem>>, vector<16xf32>,
      %get3A_136 = arith.index_cast %add3A_62 : i32 to index
      %get3A_137 = arith.constant 96 : index
      %get3A_138 = tpu.vector_load %arg11[%get3A_136, %get3A_137] {strides = array<i32>} : memref<128x128xf32, #tpu.memory_space<vmem>>, vector<16xf32>,
      %bitcast3A_139 = vector.bitcast %get3A_135 : vector<16xf32> to vector<16xi32>
      %bitcast3A_140 = vector.bitcast %get3A_138 : vector<16xf32> to vector<16xi32>
      %add3A_141 = arith.constant 32767 : i32
      %add3A_142 = vector.broadcast %add3A_141 : i32 to vector<16xi32>
      %add3A_143 = arith.addi %bitcast3A_139, %add3A_142 : vector<16xi32>
      %shift_right_logical3A_144 = arith.constant 16 : i32
      %shift_right_logical3A_145 = vector.broadcast %shift_right_logical3A_144 : i32 to vector<16xi32>
      %shift_right_logical3A_146 = arith.shrui %bitcast3A_139, %shift_right_logical3A_145 : vector<16xi32>
      %and3A_147 = arith.constant 1 : i32
      %and3A_148 = vector.broadcast %and3A_147 : i32 to vector<16xi32>
      %and3A_149 = arith.andi %shift_right_logical3A_146, %and3A_148 : vector<16xi32>
      %add3A_150 = arith.addi %add3A_143, %and3A_149 : vector<16xi32>
      %add3A_151 = arith.constant 32767 : i32
      %add3A_152 = vector.broadcast %add3A_151 : i32 to vector<16xi32>
      %add3A_153 = arith.addi %bitcast3A_140, %add3A_152 : vector<16xi32>
      %shift_right_logical3A_154 = arith.constant 16 : i32
      %shift_right_logical3A_155 = vector.broadcast %shift_right_logical3A_154 : i32 to vector<16xi32>
      %shift_right_logical3A_156 = arith.shrui %bitcast3A_140, %shift_right_logical3A_155 : vector<16xi32>
      %and3A_157 = arith.constant 1 : i32
      %and3A_158 = vector.broadcast %and3A_157 : i32 to vector<16xi32>
      %and3A_159 = arith.andi %shift_right_logical3A_156, %and3A_158 : vector<16xi32>
      %add3A_160 = arith.addi %add3A_153, %and3A_159 : vector<16xi32>
      %shift_right_logical3A_161 = arith.constant 16 : i32
      %shift_right_logical3A_162 = vector.broadcast %shift_right_logical3A_161 : i32 to vector<16xi32>
      %shift_right_logical3A_163 = arith.shrui %add3A_150, %shift_right_logical3A_162 : vector<16xi32>
      %and3A_164 = arith.constant -65536 : i32
      %and3A_165 = vector.broadcast %and3A_164 : i32 to vector<16xi32>
      %and3A_166 = arith.andi %add3A_160, %and3A_165 : vector<16xi32>
      %or3A_167 = arith.ori %shift_right_logical3A_163, %and3A_166 : vector<16xi32>
      %swap3A_168 = arith.index_cast %add3A_62 : i32 to index
      %swap3A_169 = arith.constant 32 : index
      %swap3A_170 = tpu.vector_load %arg13[%swap3A_168, %swap3A_169] {strides = array<i32>} : memref<128x64xi32, #tpu.memory_space<vmem>>, vector<16xi32>,
      tpu.vector_store %arg13[%swap3A_168, %swap3A_169], %or3A_167 {strides = array<i32>} : memref<128x64xi32, #tpu.memory_space<vmem>>, vector<16xi32>,
      %get3A_171 = arith.index_cast %add3A_62 : i32 to index
      %get3A_172 = arith.constant 48 : index
      %get3A_173 = tpu.vector_load %arg11[%get3A_171, %get3A_172] {strides = array<i32>} : memref<128x128xf32, #tpu.memory_space<vmem>>, vector<16xf32>,
      %get3A_174 = arith.index_cast %add3A_62 : i32 to index
      %get3A_175 = arith.constant 112 : index
      %get3A_176 = tpu.vector_load %arg11[%get3A_174, %get3A_175] {strides = array<i32>} : memref<128x128xf32, #tpu.memory_space<vmem>>, vector<16xf32>,
      %bitcast3A_177 = vector.bitcast %get3A_173 : vector<16xf32> to vector<16xi32>
      %bitcast3A_178 = vector.bitcast %get3A_176 : vector<16xf32> to vector<16xi32>
      %add3A_179 = arith.constant 32767 : i32
      %add3A_180 = vector.broadcast %add3A_179 : i32 to vector<16xi32>
      %add3A_181 = arith.addi %bitcast3A_177, %add3A_180 : vector<16xi32>
      %shift_right_logical3A_182 = arith.constant 16 : i32
      %shift_right_logical3A_183 = vector.broadcast %shift_right_logical3A_182 : i32 to vector<16xi32>
      %shift_right_logical3A_184 = arith.shrui %bitcast3A_177, %shift_right_logical3A_183 : vector<16xi32>
      %and3A_185 = arith.constant 1 : i32
      %and3A_186 = vector.broadcast %and3A_185 : i32 to vector<16xi32>
      %and3A_187 = arith.andi %shift_right_logical3A_184, %and3A_186 : vector<16xi32>
      %add3A_188 = arith.addi %add3A_181, %and3A_187 : vector<16xi32>
      %add3A_189 = arith.constant 32767 : i32
      %add3A_190 = vector.broadcast %add3A_189 : i32 to vector<16xi32>
      %add3A_191 = arith.addi %bitcast3A_178, %add3A_190 : vector<16xi32>
      %shift_right_logical3A_192 = arith.constant 16 : i32
      %shift_right_logical3A_193 = vector.broadcast %shift_right_logical3A_192 : i32 to vector<16xi32>
      %shift_right_logical3A_194 = arith.shrui %bitcast3A_178, %shift_right_logical3A_193 : vector<16xi32>
      %and3A_195 = arith.constant 1 : i32
      %and3A_196 = vector.broadcast %and3A_195 : i32 to vector<16xi32>
      %and3A_197 = arith.andi %shift_right_logical3A_194, %and3A_196 : vector<16xi32>
      %add3A_198 = arith.addi %add3A_191, %and3A_197 : vector<16xi32>
      %shift_right_logical3A_199 = arith.constant 16 : i32
      %shift_right_logical3A_200 = vector.broadcast %shift_right_logical3A_199 : i32 to vector<16xi32>
      %shift_right_logical3A_201 = arith.shrui %add3A_188, %shift_right_logical3A_200 : vector<16xi32>
      %and3A_202 = arith.constant -65536 : i32
      %and3A_203 = vector.broadcast %and3A_202 : i32 to vector<16xi32>
      %and3A_204 = arith.andi %add3A_198, %and3A_203 : vector<16xi32>
      %or3A_205 = arith.ori %shift_right_logical3A_201, %and3A_204 : vector<16xi32>
      %swap3A_206 = arith.index_cast %add3A_62 : i32 to index
      %swap3A_207 = arith.constant 48 : index
      %swap3A_208 = tpu.vector_load %arg13[%swap3A_206, %swap3A_207] {strides = array<i32>} : memref<128x64xi32, #tpu.memory_space<vmem>>, vector<16xi32>,
      tpu.vector_store %arg13[%swap3A_206, %swap3A_207], %or3A_205 {strides = array<i32>} : memref<128x64xi32, #tpu.memory_space<vmem>>, vector<16xi32>,
    }
    %scan3A_57 = arith.constant 64 : i32
    "tpu.region"() ({
      %run_scoped3A = tpu.sem_alloc : memref<!tpu.dma_semaphore, #tpu.memory_space<semaphore_mem>>
      %dma_start3A_58 = arith.constant 0 : i32
      %dma_start3A_59 = arith.constant 0 : i32
      %dma_start3A_60 = tpu.memref_slice %arg13[%dma_start3A_58, %dma_start3A_59] : memref<128x64xi32, #tpu.memory_space<vmem>> -> memref<64x64xi32, #tpu.memory_space<vmem>>
      %dma_start3A_61 = arith.constant 0 : i32
      %dma_start3A_62 = tpu.memref_slice %arg6[%add3A_19, %dma_start3A_61] : memref<51200x64xi32, #tpu.memory_space<hbm>> -> memref<64x64xi32, #tpu.memory_space<hbm>>
      %dma_start3A_63 = arith.constant 0 : i32
      %dma_start3A_64 = tpu.memref_slice %arg6[%add3A_19, %dma_start3A_63] : memref<51200x64xi32, #tpu.memory_space<hbm>> -> memref<64x64xi32, #tpu.memory_space<hbm>>
      %dma_start3A_65 = arith.constant 0 : i32
      %dma_start3A_66 = arith.constant 0 : i32
      %dma_start3A_67 = tpu.memref_slice %arg13[%dma_start3A_65, %dma_start3A_66] : memref<128x64xi32, #tpu.memory_space<vmem>> -> memref<64x64xi32, #tpu.memory_space<vmem>>
      tpu.enqueue_dma source(%dma_start3A_67 : memref<64x64xi32, #tpu.memory_space<vmem>>) target(%dma_start3A_64 : memref<64x64xi32, #tpu.memory_space<hbm>>) target_semaphore(%run_scoped3A : memref<!tpu.dma_semaphore, #tpu.memory_space<semaphore_mem>>)
      %dma_wait3A_68 = arith.constant 0 : i32
      %dma_wait3A_69 = arith.constant 0 : i32
      %dma_wait3A_70 = tpu.memref_slice %arg13[%dma_wait3A_68, %dma_wait3A_69] : memref<128x64xi32, #tpu.memory_space<vmem>> -> memref<64x64xi32, #tpu.memory_space<vmem>>
      %dma_wait3A_71 = arith.constant 0 : i32
      %dma_wait3A_72 = tpu.memref_slice %arg6[%add3A_19, %dma_wait3A_71] : memref<51200x64xi32, #tpu.memory_space<hbm>> -> memref<64x64xi32, #tpu.memory_space<hbm>>
      %dma_wait3A_73 = arith.constant 0 : i32
      %dma_wait3A_74 = tpu.memref_slice %arg6[%add3A_19, %dma_wait3A_73] : memref<51200x64xi32, #tpu.memory_space<hbm>> -> memref<64x64xi32, #tpu.memory_space<hbm>>
      %dma_wait3A_75 = arith.constant 0 : i32
      %dma_wait3A_76 = arith.constant 0 : i32
      %dma_wait3A_77 = tpu.memref_slice %arg13[%dma_wait3A_75, %dma_wait3A_76] : memref<128x64xi32, #tpu.memory_space<vmem>> -> memref<64x64xi32, #tpu.memory_space<vmem>>
      tpu.wait_dma2 semaphore(%run_scoped3A : memref<!tpu.dma_semaphore, #tpu.memory_space<semaphore_mem>>) src(%dma_wait3A_77 : memref<64x64xi32, #tpu.memory_space<vmem>>) dst(%dma_wait3A_74 : memref<64x64xi32, #tpu.memory_space<hbm>>)
      tpu.yield
    }) : () -> ()
    return
  }
}

#map = affine_map<(d0, d1) -> (0, 0)>
#map1 = affine_map<(d0, d1) -> (0)>
module attributes {stable_mosaic.version = 14 : i64} {
  func.func @_gather_sum(%arg0: i32, %arg1: i32, %arg2: memref<100000x128xf32, #tpu.memory_space<hbm>>, %arg3: memref<8000x128xf32, #tpu.memory_space<hbm>>, %arg4: memref<204800xi32, #tpu.memory_space<hbm>>, %arg5: memref<204800xi32, #tpu.memory_space<hbm>>, %arg6: memref<51200x64xi32, #tpu.memory_space<hbm>>, %arg7: memref<128xi32, #tpu.memory_space<vmem>>, %arg8: memref<128xi32, #tpu.memory_space<vmem>>, %arg9: memref<128xi32, #tpu.memory_space<vmem>>, %arg10: memref<128xi32, #tpu.memory_space<vmem>>, %arg11: memref<128x128xf32, #tpu.memory_space<vmem>>, %arg12: memref<128x128xf32, #tpu.memory_space<vmem>>, %arg13: memref<128x64xi32, #tpu.memory_space<vmem>>, %arg14: memref<128x64xi32, #tpu.memory_space<vmem>>, %arg15: memref<!tpu.dma_semaphore, #tpu.memory_space<semaphore_mem>>, %arg16: memref<!tpu.dma_semaphore, #tpu.memory_space<semaphore_mem>>, %arg17: memref<!tpu.dma_semaphore, #tpu.memory_space<semaphore_mem>>, %arg18: memref<!tpu.dma_semaphore, #tpu.memory_space<semaphore_mem>>, %arg19: memref<!tpu.dma_semaphore, #tpu.memory_space<semaphore_mem>>, %arg20: memref<!tpu.dma_semaphore, #tpu.memory_space<semaphore_mem>>) attributes {dimension_semantics = [#tpu.dimension_semantics<core_parallel>, #tpu.dimension_semantics<subcore_parallel>], iteration_bounds = array<i64: 2, 16>, scalar_prefetch = 0 : i64, scratch_operands = 14 : i64, tpu.core_type = #tpu.core_type<sc_vector_subcore>, window_params = [{transform_indices = #map}, {transform_indices = #map}, {transform_indices = #map1}, {transform_indices = #map1}, {transform_indices = #map}]} {
    %mul3A = arith.constant 2 : i32
    %mul3A_0 = arith.muli %arg1, %mul3A : i32
    %add3A = arith.addi %mul3A_0, %arg0 : i32
    %mul3A_1 = arith.constant 1600 : i32
    %mul3A_2 = arith.muli %add3A, %mul3A_1 : i32
    %scan3A = arith.constant 0 : i32
    %scan3A_3 = arith.constant 6 : i32
    %scan3A_4 = arith.addi %scan3A, %scan3A_3 : i32
    %scan3A_5 = arith.constant 1 : i32
    scf.for %scan3A_58 = %scan3A to %scan3A_4 step %scan3A_5  : i32 {
      %mul3A_59 = arith.constant 1 : i32
      %mul3A_60 = arith.muli %scan3A_58, %mul3A_59 : i32
      %add3A_61 = arith.constant 0 : i32
      %add3A_62 = arith.addi %add3A_61, %mul3A_60 : i32
      %mul3A_63 = arith.constant 2 : i32
      %mul3A_64 = arith.muli %mul3A_63, %add3A_62 : i32
      %add3A_65 = arith.constant 0 : i32
      %add3A_66 = arith.addi %mul3A_64, %add3A_65 : i32
      %mul3A_67 = arith.constant 128 : i32
      %mul3A_68 = arith.muli %add3A_66, %mul3A_67 : i32
      %add3A_69 = arith.addi %mul3A_2, %mul3A_68 : i32
      %add3A_70 = arith.constant 51200 : i32
      %add3A_71 = arith.addi %add3A_70, %add3A_69 : i32
      "tpu.region"() ({
        %run_scoped3A = tpu.sem_alloc : memref<!tpu.dma_semaphore, #tpu.memory_space<semaphore_mem>>
        %dma_start3A_138 = tpu.memref_slice %arg4[%add3A_71] : memref<204800xi32, #tpu.memory_space<hbm>> -> memref<128xi32, #tpu.memory_space<hbm>>
        %dma_start3A_139 = tpu.memref_slice %arg4[%add3A_71] : memref<204800xi32, #tpu.memory_space<hbm>> -> memref<128xi32, #tpu.memory_space<hbm>>
        tpu.enqueue_dma source(%dma_start3A_139 : memref<128xi32, #tpu.memory_space<hbm>>) target(%arg7 : memref<128xi32, #tpu.memory_space<vmem>>) target_semaphore(%run_scoped3A : memref<!tpu.dma_semaphore, #tpu.memory_space<semaphore_mem>>)
        %dma_wait3A_140 = tpu.memref_slice %arg4[%add3A_71] : memref<204800xi32, #tpu.memory_space<hbm>> -> memref<128xi32, #tpu.memory_space<hbm>>
        %dma_wait3A_141 = tpu.memref_slice %arg4[%add3A_71] : memref<204800xi32, #tpu.memory_space<hbm>> -> memref<128xi32, #tpu.memory_space<hbm>>
        tpu.wait_dma2 semaphore(%run_scoped3A : memref<!tpu.dma_semaphore, #tpu.memory_space<semaphore_mem>>) src(%dma_wait3A_141 : memref<128xi32, #tpu.memory_space<hbm>>) dst(%arg7 : memref<128xi32, #tpu.memory_space<vmem>>)
        tpu.yield
      }) : () -> ()
      "tpu.region"() ({
        %run_scoped3A = tpu.sem_alloc : memref<!tpu.dma_semaphore, #tpu.memory_space<semaphore_mem>>
        %dma_start3A_138 = tpu.memref_slice %arg5[%add3A_71] : memref<204800xi32, #tpu.memory_space<hbm>> -> memref<128xi32, #tpu.memory_space<hbm>>
        %dma_start3A_139 = tpu.memref_slice %arg5[%add3A_71] : memref<204800xi32, #tpu.memory_space<hbm>> -> memref<128xi32, #tpu.memory_space<hbm>>
        tpu.enqueue_dma source(%dma_start3A_139 : memref<128xi32, #tpu.memory_space<hbm>>) target(%arg9 : memref<128xi32, #tpu.memory_space<vmem>>) target_semaphore(%run_scoped3A : memref<!tpu.dma_semaphore, #tpu.memory_space<semaphore_mem>>)
        %dma_wait3A_140 = tpu.memref_slice %arg5[%add3A_71] : memref<204800xi32, #tpu.memory_space<hbm>> -> memref<128xi32, #tpu.memory_space<hbm>>
        %dma_wait3A_141 = tpu.memref_slice %arg5[%add3A_71] : memref<204800xi32, #tpu.memory_space<hbm>> -> memref<128xi32, #tpu.memory_space<hbm>>
        tpu.wait_dma2 semaphore(%run_scoped3A : memref<!tpu.dma_semaphore, #tpu.memory_space<semaphore_mem>>) src(%dma_wait3A_141 : memref<128xi32, #tpu.memory_space<hbm>>) dst(%arg9 : memref<128xi32, #tpu.memory_space<vmem>>)
        tpu.yield
      }) : () -> ()
      %gt3A = arith.constant 0 : i32
      %gt3A_72 = arith.cmpi sgt, %add3A_62, %gt3A : i32
      %convert_element_type3A = arith.extui %gt3A_72 : i1 to i32
      %cond3A = arith.constant 0 : i32
      %cond3A_73 = arith.cmpi ne, %convert_element_type3A, %cond3A : i32
      scf.if %cond3A_73 {
        %add3A_138 = arith.constant 0 : i32
        %add3A_139 = arith.addi %mul3A_64, %add3A_138 : i32
        %sub3A = arith.constant 2 : i32
        %sub3A_140 = arith.subi %add3A_139, %sub3A : i32
        %mul3A_141 = arith.constant 128 : i32
        %mul3A_142 = arith.muli %sub3A_140, %mul3A_141 : i32
        %add3A_143 = arith.addi %mul3A_2, %mul3A_142 : i32
        %dma_wait3A_144 = arith.constant 0 : i32
        %dma_wait3A_145 = tpu.memref_slice %arg6[%add3A_143, %dma_wait3A_144] : memref<51200x64xi32, #tpu.memory_space<hbm>> -> memref<128x64xi32, #tpu.memory_space<hbm>>
        %dma_wait3A_146 = arith.constant 0 : i32
        %dma_wait3A_147 = tpu.memref_slice %arg6[%add3A_143, %dma_wait3A_146] : memref<51200x64xi32, #tpu.memory_space<hbm>> -> memref<128x64xi32, #tpu.memory_space<hbm>>
        tpu.wait_dma2 semaphore(%arg19 : memref<!tpu.dma_semaphore, #tpu.memory_space<semaphore_mem>>) src(%arg13 : memref<128x64xi32, #tpu.memory_space<vmem>>) dst(%dma_wait3A_147 : memref<128x64xi32, #tpu.memory_space<hbm>>)
      } else {
      }
      %dma_start3A_74 = arith.constant 0 : i32
      %dma_start3A_75 = arith.constant 0 : i32
      %dma_start3A_76 = tpu.memref_slice %arg2[%dma_start3A_74, %dma_start3A_75] : memref<100000x128xf32, #tpu.memory_space<hbm>> -> memref<100000x128xf32, #tpu.memory_space<hbm>>
      tpu.enqueue_indirect_dma source(%dma_start3A_76 : memref<100000x128xf32, #tpu.memory_space<hbm>>) target(%arg11 : memref<128x128xf32, #tpu.memory_space<vmem>>) offsets(%arg7 : memref<128xi32, #tpu.memory_space<vmem>>) semaphore(%arg15 : memref<!tpu.dma_semaphore, #tpu.memory_space<semaphore_mem>>)
      %add3A_77 = arith.constant 1 : i32
      %add3A_78 = arith.addi %mul3A_64, %add3A_77 : i32
      %mul3A_79 = arith.constant 128 : i32
      %mul3A_80 = arith.muli %add3A_78, %mul3A_79 : i32
      %add3A_81 = arith.addi %mul3A_2, %mul3A_80 : i32
      %add3A_82 = arith.constant 51200 : i32
      %add3A_83 = arith.addi %add3A_82, %add3A_81 : i32
      "tpu.region"() ({
        %run_scoped3A = tpu.sem_alloc : memref<!tpu.dma_semaphore, #tpu.memory_space<semaphore_mem>>
        %dma_start3A_138 = tpu.memref_slice %arg4[%add3A_83] : memref<204800xi32, #tpu.memory_space<hbm>> -> memref<128xi32, #tpu.memory_space<hbm>>
        %dma_start3A_139 = tpu.memref_slice %arg4[%add3A_83] : memref<204800xi32, #tpu.memory_space<hbm>> -> memref<128xi32, #tpu.memory_space<hbm>>
        tpu.enqueue_dma source(%dma_start3A_139 : memref<128xi32, #tpu.memory_space<hbm>>) target(%arg8 : memref<128xi32, #tpu.memory_space<vmem>>) target_semaphore(%run_scoped3A : memref<!tpu.dma_semaphore, #tpu.memory_space<semaphore_mem>>)
        %dma_wait3A_140 = tpu.memref_slice %arg4[%add3A_83] : memref<204800xi32, #tpu.memory_space<hbm>> -> memref<128xi32, #tpu.memory_space<hbm>>
        %dma_wait3A_141 = tpu.memref_slice %arg4[%add3A_83] : memref<204800xi32, #tpu.memory_space<hbm>> -> memref<128xi32, #tpu.memory_space<hbm>>
        tpu.wait_dma2 semaphore(%run_scoped3A : memref<!tpu.dma_semaphore, #tpu.memory_space<semaphore_mem>>) src(%dma_wait3A_141 : memref<128xi32, #tpu.memory_space<hbm>>) dst(%arg8 : memref<128xi32, #tpu.memory_space<vmem>>)
        tpu.yield
      }) : () -> ()
      "tpu.region"() ({
        %run_scoped3A = tpu.sem_alloc : memref<!tpu.dma_semaphore, #tpu.memory_space<semaphore_mem>>
        %dma_start3A_138 = tpu.memref_slice %arg5[%add3A_83] : memref<204800xi32, #tpu.memory_space<hbm>> -> memref<128xi32, #tpu.memory_space<hbm>>
        %dma_start3A_139 = tpu.memref_slice %arg5[%add3A_83] : memref<204800xi32, #tpu.memory_space<hbm>> -> memref<128xi32, #tpu.memory_space<hbm>>
        tpu.enqueue_dma source(%dma_start3A_139 : memref<128xi32, #tpu.memory_space<hbm>>) target(%arg10 : memref<128xi32, #tpu.memory_space<vmem>>) target_semaphore(%run_scoped3A : memref<!tpu.dma_semaphore, #tpu.memory_space<semaphore_mem>>)
        %dma_wait3A_140 = tpu.memref_slice %arg5[%add3A_83] : memref<204800xi32, #tpu.memory_space<hbm>> -> memref<128xi32, #tpu.memory_space<hbm>>
        %dma_wait3A_141 = tpu.memref_slice %arg5[%add3A_83] : memref<204800xi32, #tpu.memory_space<hbm>> -> memref<128xi32, #tpu.memory_space<hbm>>
        tpu.wait_dma2 semaphore(%run_scoped3A : memref<!tpu.dma_semaphore, #tpu.memory_space<semaphore_mem>>) src(%dma_wait3A_141 : memref<128xi32, #tpu.memory_space<hbm>>) dst(%arg10 : memref<128xi32, #tpu.memory_space<vmem>>)
        tpu.yield
      }) : () -> ()
      %gt3A_84 = arith.constant 0 : i32
      %gt3A_85 = arith.cmpi sgt, %add3A_62, %gt3A_84 : i32
      %convert_element_type3A_86 = arith.extui %gt3A_85 : i1 to i32
      %cond3A_87 = arith.constant 0 : i32
      %cond3A_88 = arith.cmpi ne, %convert_element_type3A_86, %cond3A_87 : i32
      scf.if %cond3A_88 {
        %add3A_138 = arith.constant 1 : i32
        %add3A_139 = arith.addi %mul3A_64, %add3A_138 : i32
        %sub3A = arith.constant 2 : i32
        %sub3A_140 = arith.subi %add3A_139, %sub3A : i32
        %mul3A_141 = arith.constant 128 : i32
        %mul3A_142 = arith.muli %sub3A_140, %mul3A_141 : i32
        %add3A_143 = arith.addi %mul3A_2, %mul3A_142 : i32
        %dma_wait3A_144 = arith.constant 0 : i32
        %dma_wait3A_145 = tpu.memref_slice %arg6[%add3A_143, %dma_wait3A_144] : memref<51200x64xi32, #tpu.memory_space<hbm>> -> memref<128x64xi32, #tpu.memory_space<hbm>>
        %dma_wait3A_146 = arith.constant 0 : i32
        %dma_wait3A_147 = tpu.memref_slice %arg6[%add3A_143, %dma_wait3A_146] : memref<51200x64xi32, #tpu.memory_space<hbm>> -> memref<128x64xi32, #tpu.memory_space<hbm>>
        tpu.wait_dma2 semaphore(%arg20 : memref<!tpu.dma_semaphore, #tpu.memory_space<semaphore_mem>>) src(%arg14 : memref<128x64xi32, #tpu.memory_space<vmem>>) dst(%dma_wait3A_147 : memref<128x64xi32, #tpu.memory_space<hbm>>)
      } else {
      }
      %dma_start3A_89 = arith.constant 0 : i32
      %dma_start3A_90 = arith.constant 0 : i32
      %dma_start3A_91 = tpu.memref_slice %arg2[%dma_start3A_89, %dma_start3A_90] : memref<100000x128xf32, #tpu.memory_space<hbm>> -> memref<100000x128xf32, #tpu.memory_space<hbm>>
      tpu.enqueue_indirect_dma source(%dma_start3A_91 : memref<100000x128xf32, #tpu.memory_space<hbm>>) target(%arg12 : memref<128x128xf32, #tpu.memory_space<vmem>>) offsets(%arg8 : memref<128xi32, #tpu.memory_space<vmem>>) semaphore(%arg16 : memref<!tpu.dma_semaphore, #tpu.memory_space<semaphore_mem>>)
      %dma_wait3A_92 = arith.constant 0 : i32
      %dma_wait3A_93 = arith.constant 0 : i32
      %dma_wait3A_94 = tpu.memref_slice %arg2[%dma_wait3A_92, %dma_wait3A_93] : memref<100000x128xf32, #tpu.memory_space<hbm>> -> memref<100000x128xf32, #tpu.memory_space<hbm>>
      tpu.wait_indirect_dma semaphore(%arg15 : memref<!tpu.dma_semaphore, #tpu.memory_space<semaphore_mem>>) src(%dma_wait3A_94 : memref<100000x128xf32, #tpu.memory_space<hbm>>) dst(%arg11 : memref<128x128xf32, #tpu.memory_space<vmem>>)
      %dma_start3A_95 = arith.constant 0 : i32
      %dma_start3A_96 = arith.constant 0 : i32
      %dma_start3A_97 = tpu.memref_slice %arg3[%dma_start3A_95, %dma_start3A_96] : memref<8000x128xf32, #tpu.memory_space<hbm>> -> memref<8000x128xf32, #tpu.memory_space<hbm>>
      tpu.enqueue_indirect_dma source(%dma_start3A_97 : memref<8000x128xf32, #tpu.memory_space<hbm>>) target(%arg11 : memref<128x128xf32, #tpu.memory_space<vmem>>) offsets(%arg9 : memref<128xi32, #tpu.memory_space<vmem>>) semaphore(%arg17 : memref<!tpu.dma_semaphore, #tpu.memory_space<semaphore_mem>>) {add = true}
      %dma_wait3A_98 = arith.constant 0 : i32
      %dma_wait3A_99 = arith.constant 0 : i32
      %dma_wait3A_100 = tpu.memref_slice %arg2[%dma_wait3A_98, %dma_wait3A_99] : memref<100000x128xf32, #tpu.memory_space<hbm>> -> memref<100000x128xf32, #tpu.memory_space<hbm>>
      tpu.wait_indirect_dma semaphore(%arg16 : memref<!tpu.dma_semaphore, #tpu.memory_space<semaphore_mem>>) src(%dma_wait3A_100 : memref<100000x128xf32, #tpu.memory_space<hbm>>) dst(%arg12 : memref<128x128xf32, #tpu.memory_space<vmem>>)
      %dma_start3A_101 = arith.constant 0 : i32
      %dma_start3A_102 = arith.constant 0 : i32
      %dma_start3A_103 = tpu.memref_slice %arg3[%dma_start3A_101, %dma_start3A_102] : memref<8000x128xf32, #tpu.memory_space<hbm>> -> memref<8000x128xf32, #tpu.memory_space<hbm>>
      tpu.enqueue_indirect_dma source(%dma_start3A_103 : memref<8000x128xf32, #tpu.memory_space<hbm>>) target(%arg12 : memref<128x128xf32, #tpu.memory_space<vmem>>) offsets(%arg10 : memref<128xi32, #tpu.memory_space<vmem>>) semaphore(%arg18 : memref<!tpu.dma_semaphore, #tpu.memory_space<semaphore_mem>>) {add = true}
      %dma_wait3A_104 = arith.constant 0 : i32
      %dma_wait3A_105 = arith.constant 0 : i32
      %dma_wait3A_106 = tpu.memref_slice %arg3[%dma_wait3A_104, %dma_wait3A_105] : memref<8000x128xf32, #tpu.memory_space<hbm>> -> memref<8000x128xf32, #tpu.memory_space<hbm>>
      tpu.wait_indirect_dma semaphore(%arg17 : memref<!tpu.dma_semaphore, #tpu.memory_space<semaphore_mem>>) src(%dma_wait3A_106 : memref<8000x128xf32, #tpu.memory_space<hbm>>) dst(%arg11 : memref<128x128xf32, #tpu.memory_space<vmem>>)
      %scan3A_107 = arith.constant 0 : i32
      %scan3A_108 = arith.constant 128 : i32
      %scan3A_109 = arith.addi %scan3A_107, %scan3A_108 : i32
      %scan3A_110 = arith.constant 1 : i32
      scf.for %scan3A_138 = %scan3A_107 to %scan3A_109 step %scan3A_110  : i32 {
        %mul3A_139 = arith.constant 1 : i32
        %mul3A_140 = arith.muli %scan3A_138, %mul3A_139 : i32
        %add3A_141 = arith.constant 0 : i32
        %add3A_142 = arith.addi %add3A_141, %mul3A_140 : i32
        %get3A = arith.index_cast %add3A_142 : i32 to index
        %get3A_143 = arith.constant 0 : index
        %get3A_144 = tpu.vector_load %arg11[%get3A, %get3A_143] {strides = array<i32>} : memref<128x128xf32, #tpu.memory_space<vmem>>, vector<16xf32>,
        %get3A_145 = arith.index_cast %add3A_142 : i32 to index
        %get3A_146 = arith.constant 64 : index
        %get3A_147 = tpu.vector_load %arg11[%get3A_145, %get3A_146] {strides = array<i32>} : memref<128x128xf32, #tpu.memory_space<vmem>>, vector<16xf32>,
        %bitcast3A = vector.bitcast %get3A_144 : vector<16xf32> to vector<16xi32>
        %bitcast3A_148 = vector.bitcast %get3A_147 : vector<16xf32> to vector<16xi32>
        %add3A_149 = arith.constant 32767 : i32
        %add3A_150 = vector.broadcast %add3A_149 : i32 to vector<16xi32>
        %add3A_151 = arith.addi %bitcast3A, %add3A_150 : vector<16xi32>
        %shift_right_logical3A = arith.constant 16 : i32
        %shift_right_logical3A_152 = vector.broadcast %shift_right_logical3A : i32 to vector<16xi32>
        %shift_right_logical3A_153 = arith.shrui %bitcast3A, %shift_right_logical3A_152 : vector<16xi32>
        %and3A = arith.constant 1 : i32
        %and3A_154 = vector.broadcast %and3A : i32 to vector<16xi32>
        %and3A_155 = arith.andi %shift_right_logical3A_153, %and3A_154 : vector<16xi32>
        %add3A_156 = arith.addi %add3A_151, %and3A_155 : vector<16xi32>
        %add3A_157 = arith.constant 32767 : i32
        %add3A_158 = vector.broadcast %add3A_157 : i32 to vector<16xi32>
        %add3A_159 = arith.addi %bitcast3A_148, %add3A_158 : vector<16xi32>
        %shift_right_logical3A_160 = arith.constant 16 : i32
        %shift_right_logical3A_161 = vector.broadcast %shift_right_logical3A_160 : i32 to vector<16xi32>
        %shift_right_logical3A_162 = arith.shrui %bitcast3A_148, %shift_right_logical3A_161 : vector<16xi32>
        %and3A_163 = arith.constant 1 : i32
        %and3A_164 = vector.broadcast %and3A_163 : i32 to vector<16xi32>
        %and3A_165 = arith.andi %shift_right_logical3A_162, %and3A_164 : vector<16xi32>
        %add3A_166 = arith.addi %add3A_159, %and3A_165 : vector<16xi32>
        %shift_right_logical3A_167 = arith.constant 16 : i32
        %shift_right_logical3A_168 = vector.broadcast %shift_right_logical3A_167 : i32 to vector<16xi32>
        %shift_right_logical3A_169 = arith.shrui %add3A_156, %shift_right_logical3A_168 : vector<16xi32>
        %and3A_170 = arith.constant -65536 : i32
        %and3A_171 = vector.broadcast %and3A_170 : i32 to vector<16xi32>
        %and3A_172 = arith.andi %add3A_166, %and3A_171 : vector<16xi32>
        %or3A = arith.ori %shift_right_logical3A_169, %and3A_172 : vector<16xi32>
        %swap3A = arith.index_cast %add3A_142 : i32 to index
        %swap3A_173 = arith.constant 0 : index
        %swap3A_174 = tpu.vector_load %arg13[%swap3A, %swap3A_173] {strides = array<i32>} : memref<128x64xi32, #tpu.memory_space<vmem>>, vector<16xi32>,
        tpu.vector_store %arg13[%swap3A, %swap3A_173], %or3A {strides = array<i32>} : memref<128x64xi32, #tpu.memory_space<vmem>>, vector<16xi32>,
        %get3A_175 = arith.index_cast %add3A_142 : i32 to index
        %get3A_176 = arith.constant 16 : index
        %get3A_177 = tpu.vector_load %arg11[%get3A_175, %get3A_176] {strides = array<i32>} : memref<128x128xf32, #tpu.memory_space<vmem>>, vector<16xf32>,
        %get3A_178 = arith.index_cast %add3A_142 : i32 to index
        %get3A_179 = arith.constant 80 : index
        %get3A_180 = tpu.vector_load %arg11[%get3A_178, %get3A_179] {strides = array<i32>} : memref<128x128xf32, #tpu.memory_space<vmem>>, vector<16xf32>,
        %bitcast3A_181 = vector.bitcast %get3A_177 : vector<16xf32> to vector<16xi32>
        %bitcast3A_182 = vector.bitcast %get3A_180 : vector<16xf32> to vector<16xi32>
        %add3A_183 = arith.constant 32767 : i32
        %add3A_184 = vector.broadcast %add3A_183 : i32 to vector<16xi32>
        %add3A_185 = arith.addi %bitcast3A_181, %add3A_184 : vector<16xi32>
        %shift_right_logical3A_186 = arith.constant 16 : i32
        %shift_right_logical3A_187 = vector.broadcast %shift_right_logical3A_186 : i32 to vector<16xi32>
        %shift_right_logical3A_188 = arith.shrui %bitcast3A_181, %shift_right_logical3A_187 : vector<16xi32>
        %and3A_189 = arith.constant 1 : i32
        %and3A_190 = vector.broadcast %and3A_189 : i32 to vector<16xi32>
        %and3A_191 = arith.andi %shift_right_logical3A_188, %and3A_190 : vector<16xi32>
        %add3A_192 = arith.addi %add3A_185, %and3A_191 : vector<16xi32>
        %add3A_193 = arith.constant 32767 : i32
        %add3A_194 = vector.broadcast %add3A_193 : i32 to vector<16xi32>
        %add3A_195 = arith.addi %bitcast3A_182, %add3A_194 : vector<16xi32>
        %shift_right_logical3A_196 = arith.constant 16 : i32
        %shift_right_logical3A_197 = vector.broadcast %shift_right_logical3A_196 : i32 to vector<16xi32>
        %shift_right_logical3A_198 = arith.shrui %bitcast3A_182, %shift_right_logical3A_197 : vector<16xi32>
        %and3A_199 = arith.constant 1 : i32
        %and3A_200 = vector.broadcast %and3A_199 : i32 to vector<16xi32>
        %and3A_201 = arith.andi %shift_right_logical3A_198, %and3A_200 : vector<16xi32>
        %add3A_202 = arith.addi %add3A_195, %and3A_201 : vector<16xi32>
        %shift_right_logical3A_203 = arith.constant 16 : i32
        %shift_right_logical3A_204 = vector.broadcast %shift_right_logical3A_203 : i32 to vector<16xi32>
        %shift_right_logical3A_205 = arith.shrui %add3A_192, %shift_right_logical3A_204 : vector<16xi32>
        %and3A_206 = arith.constant -65536 : i32
        %and3A_207 = vector.broadcast %and3A_206 : i32 to vector<16xi32>
        %and3A_208 = arith.andi %add3A_202, %and3A_207 : vector<16xi32>
        %or3A_209 = arith.ori %shift_right_logical3A_205, %and3A_208 : vector<16xi32>
        %swap3A_210 = arith.index_cast %add3A_142 : i32 to index
        %swap3A_211 = arith.constant 16 : index
        %swap3A_212 = tpu.vector_load %arg13[%swap3A_210, %swap3A_211] {strides = array<i32>} : memref<128x64xi32, #tpu.memory_space<vmem>>, vector<16xi32>,
        tpu.vector_store %arg13[%swap3A_210, %swap3A_211], %or3A_209 {strides = array<i32>} : memref<128x64xi32, #tpu.memory_space<vmem>>, vector<16xi32>,
        %get3A_213 = arith.index_cast %add3A_142 : i32 to index
        %get3A_214 = arith.constant 32 : index
        %get3A_215 = tpu.vector_load %arg11[%get3A_213, %get3A_214] {strides = array<i32>} : memref<128x128xf32, #tpu.memory_space<vmem>>, vector<16xf32>,
        %get3A_216 = arith.index_cast %add3A_142 : i32 to index
        %get3A_217 = arith.constant 96 : index
        %get3A_218 = tpu.vector_load %arg11[%get3A_216, %get3A_217] {strides = array<i32>} : memref<128x128xf32, #tpu.memory_space<vmem>>, vector<16xf32>,
        %bitcast3A_219 = vector.bitcast %get3A_215 : vector<16xf32> to vector<16xi32>
        %bitcast3A_220 = vector.bitcast %get3A_218 : vector<16xf32> to vector<16xi32>
        %add3A_221 = arith.constant 32767 : i32
        %add3A_222 = vector.broadcast %add3A_221 : i32 to vector<16xi32>
        %add3A_223 = arith.addi %bitcast3A_219, %add3A_222 : vector<16xi32>
        %shift_right_logical3A_224 = arith.constant 16 : i32
        %shift_right_logical3A_225 = vector.broadcast %shift_right_logical3A_224 : i32 to vector<16xi32>
        %shift_right_logical3A_226 = arith.shrui %bitcast3A_219, %shift_right_logical3A_225 : vector<16xi32>
        %and3A_227 = arith.constant 1 : i32
        %and3A_228 = vector.broadcast %and3A_227 : i32 to vector<16xi32>
        %and3A_229 = arith.andi %shift_right_logical3A_226, %and3A_228 : vector<16xi32>
        %add3A_230 = arith.addi %add3A_223, %and3A_229 : vector<16xi32>
        %add3A_231 = arith.constant 32767 : i32
        %add3A_232 = vector.broadcast %add3A_231 : i32 to vector<16xi32>
        %add3A_233 = arith.addi %bitcast3A_220, %add3A_232 : vector<16xi32>
        %shift_right_logical3A_234 = arith.constant 16 : i32
        %shift_right_logical3A_235 = vector.broadcast %shift_right_logical3A_234 : i32 to vector<16xi32>
        %shift_right_logical3A_236 = arith.shrui %bitcast3A_220, %shift_right_logical3A_235 : vector<16xi32>
        %and3A_237 = arith.constant 1 : i32
        %and3A_238 = vector.broadcast %and3A_237 : i32 to vector<16xi32>
        %and3A_239 = arith.andi %shift_right_logical3A_236, %and3A_238 : vector<16xi32>
        %add3A_240 = arith.addi %add3A_233, %and3A_239 : vector<16xi32>
        %shift_right_logical3A_241 = arith.constant 16 : i32
        %shift_right_logical3A_242 = vector.broadcast %shift_right_logical3A_241 : i32 to vector<16xi32>
        %shift_right_logical3A_243 = arith.shrui %add3A_230, %shift_right_logical3A_242 : vector<16xi32>
        %and3A_244 = arith.constant -65536 : i32
        %and3A_245 = vector.broadcast %and3A_244 : i32 to vector<16xi32>
        %and3A_246 = arith.andi %add3A_240, %and3A_245 : vector<16xi32>
        %or3A_247 = arith.ori %shift_right_logical3A_243, %and3A_246 : vector<16xi32>
        %swap3A_248 = arith.index_cast %add3A_142 : i32 to index
        %swap3A_249 = arith.constant 32 : index
        %swap3A_250 = tpu.vector_load %arg13[%swap3A_248, %swap3A_249] {strides = array<i32>} : memref<128x64xi32, #tpu.memory_space<vmem>>, vector<16xi32>,
        tpu.vector_store %arg13[%swap3A_248, %swap3A_249], %or3A_247 {strides = array<i32>} : memref<128x64xi32, #tpu.memory_space<vmem>>, vector<16xi32>,
        %get3A_251 = arith.index_cast %add3A_142 : i32 to index
        %get3A_252 = arith.constant 48 : index
        %get3A_253 = tpu.vector_load %arg11[%get3A_251, %get3A_252] {strides = array<i32>} : memref<128x128xf32, #tpu.memory_space<vmem>>, vector<16xf32>,
        %get3A_254 = arith.index_cast %add3A_142 : i32 to index
        %get3A_255 = arith.constant 112 : index
        %get3A_256 = tpu.vector_load %arg11[%get3A_254, %get3A_255] {strides = array<i32>} : memref<128x128xf32, #tpu.memory_space<vmem>>, vector<16xf32>,
        %bitcast3A_257 = vector.bitcast %get3A_253 : vector<16xf32> to vector<16xi32>
        %bitcast3A_258 = vector.bitcast %get3A_256 : vector<16xf32> to vector<16xi32>
        %add3A_259 = arith.constant 32767 : i32
        %add3A_260 = vector.broadcast %add3A_259 : i32 to vector<16xi32>
        %add3A_261 = arith.addi %bitcast3A_257, %add3A_260 : vector<16xi32>
        %shift_right_logical3A_262 = arith.constant 16 : i32
        %shift_right_logical3A_263 = vector.broadcast %shift_right_logical3A_262 : i32 to vector<16xi32>
        %shift_right_logical3A_264 = arith.shrui %bitcast3A_257, %shift_right_logical3A_263 : vector<16xi32>
        %and3A_265 = arith.constant 1 : i32
        %and3A_266 = vector.broadcast %and3A_265 : i32 to vector<16xi32>
        %and3A_267 = arith.andi %shift_right_logical3A_264, %and3A_266 : vector<16xi32>
        %add3A_268 = arith.addi %add3A_261, %and3A_267 : vector<16xi32>
        %add3A_269 = arith.constant 32767 : i32
        %add3A_270 = vector.broadcast %add3A_269 : i32 to vector<16xi32>
        %add3A_271 = arith.addi %bitcast3A_258, %add3A_270 : vector<16xi32>
        %shift_right_logical3A_272 = arith.constant 16 : i32
        %shift_right_logical3A_273 = vector.broadcast %shift_right_logical3A_272 : i32 to vector<16xi32>
        %shift_right_logical3A_274 = arith.shrui %bitcast3A_258, %shift_right_logical3A_273 : vector<16xi32>
        %and3A_275 = arith.constant 1 : i32
        %and3A_276 = vector.broadcast %and3A_275 : i32 to vector<16xi32>
        %and3A_277 = arith.andi %shift_right_logical3A_274, %and3A_276 : vector<16xi32>
        %add3A_278 = arith.addi %add3A_271, %and3A_277 : vector<16xi32>
        %shift_right_logical3A_279 = arith.constant 16 : i32
        %shift_right_logical3A_280 = vector.broadcast %shift_right_logical3A_279 : i32 to vector<16xi32>
        %shift_right_logical3A_281 = arith.shrui %add3A_268, %shift_right_logical3A_280 : vector<16xi32>
        %and3A_282 = arith.constant -65536 : i32
        %and3A_283 = vector.broadcast %and3A_282 : i32 to vector<16xi32>
        %and3A_284 = arith.andi %add3A_278, %and3A_283 : vector<16xi32>
        %or3A_285 = arith.ori %shift_right_logical3A_281, %and3A_284 : vector<16xi32>
        %swap3A_286 = arith.index_cast %add3A_142 : i32 to index
        %swap3A_287 = arith.constant 48 : index
        %swap3A_288 = tpu.vector_load %arg13[%swap3A_286, %swap3A_287] {strides = array<i32>} : memref<128x64xi32, #tpu.memory_space<vmem>>, vector<16xi32>,
        tpu.vector_store %arg13[%swap3A_286, %swap3A_287], %or3A_285 {strides = array<i32>} : memref<128x64xi32, #tpu.memory_space<vmem>>, vector<16xi32>,
      }
      %scan3A_111 = arith.constant 128 : i32
      %add3A_112 = arith.constant 0 : i32
      %add3A_113 = arith.addi %mul3A_64, %add3A_112 : i32
      %mul3A_114 = arith.constant 128 : i32
      %mul3A_115 = arith.muli %add3A_113, %mul3A_114 : i32
      %add3A_116 = arith.addi %mul3A_2, %mul3A_115 : i32
      %dma_start3A_117 = arith.constant 0 : i32
      %dma_start3A_118 = tpu.memref_slice %arg6[%add3A_116, %dma_start3A_117] : memref<51200x64xi32, #tpu.memory_space<hbm>> -> memref<128x64xi32, #tpu.memory_space<hbm>>
      %dma_start3A_119 = arith.constant 0 : i32
      %dma_start3A_120 = tpu.memref_slice %arg6[%add3A_116, %dma_start3A_119] : memref<51200x64xi32, #tpu.memory_space<hbm>> -> memref<128x64xi32, #tpu.memory_space<hbm>>
      tpu.enqueue_dma source(%arg13 : memref<128x64xi32, #tpu.memory_space<vmem>>) target(%dma_start3A_120 : memref<128x64xi32, #tpu.memory_space<hbm>>) target_semaphore(%arg19 : memref<!tpu.dma_semaphore, #tpu.memory_space<semaphore_mem>>)
      %dma_wait3A_121 = arith.constant 0 : i32
      %dma_wait3A_122 = arith.constant 0 : i32
      %dma_wait3A_123 = tpu.memref_slice %arg3[%dma_wait3A_121, %dma_wait3A_122] : memref<8000x128xf32, #tpu.memory_space<hbm>> -> memref<8000x128xf32, #tpu.memory_space<hbm>>
      tpu.wait_indirect_dma semaphore(%arg18 : memref<!tpu.dma_semaphore, #tpu.memory_space<semaphore_mem>>) src(%dma_wait3A_123 : memref<8000x128xf32, #tpu.memory_space<hbm>>) dst(%arg12 : memref<128x128xf32, #tpu.memory_space<vmem>>)
      %scan3A_124 = arith.constant 0 : i32
      %scan3A_125 = arith.constant 128 : i32
      %scan3A_126 = arith.addi %scan3A_124, %scan3A_125 : i32
      %scan3A_127 = arith.constant 1 : i32
      scf.for %scan3A_138 = %scan3A_124 to %scan3A_126 step %scan3A_127  : i32 {
        %mul3A_139 = arith.constant 1 : i32
        %mul3A_140 = arith.muli %scan3A_138, %mul3A_139 : i32
        %add3A_141 = arith.constant 0 : i32
        %add3A_142 = arith.addi %add3A_141, %mul3A_140 : i32
        %get3A = arith.index_cast %add3A_142 : i32 to index
        %get3A_143 = arith.constant 0 : index
        %get3A_144 = tpu.vector_load %arg12[%get3A, %get3A_143] {strides = array<i32>} : memref<128x128xf32, #tpu.memory_space<vmem>>, vector<16xf32>,
        %get3A_145 = arith.index_cast %add3A_142 : i32 to index
        %get3A_146 = arith.constant 64 : index
        %get3A_147 = tpu.vector_load %arg12[%get3A_145, %get3A_146] {strides = array<i32>} : memref<128x128xf32, #tpu.memory_space<vmem>>, vector<16xf32>,
        %bitcast3A = vector.bitcast %get3A_144 : vector<16xf32> to vector<16xi32>
        %bitcast3A_148 = vector.bitcast %get3A_147 : vector<16xf32> to vector<16xi32>
        %add3A_149 = arith.constant 32767 : i32
        %add3A_150 = vector.broadcast %add3A_149 : i32 to vector<16xi32>
        %add3A_151 = arith.addi %bitcast3A, %add3A_150 : vector<16xi32>
        %shift_right_logical3A = arith.constant 16 : i32
        %shift_right_logical3A_152 = vector.broadcast %shift_right_logical3A : i32 to vector<16xi32>
        %shift_right_logical3A_153 = arith.shrui %bitcast3A, %shift_right_logical3A_152 : vector<16xi32>
        %and3A = arith.constant 1 : i32
        %and3A_154 = vector.broadcast %and3A : i32 to vector<16xi32>
        %and3A_155 = arith.andi %shift_right_logical3A_153, %and3A_154 : vector<16xi32>
        %add3A_156 = arith.addi %add3A_151, %and3A_155 : vector<16xi32>
        %add3A_157 = arith.constant 32767 : i32
        %add3A_158 = vector.broadcast %add3A_157 : i32 to vector<16xi32>
        %add3A_159 = arith.addi %bitcast3A_148, %add3A_158 : vector<16xi32>
        %shift_right_logical3A_160 = arith.constant 16 : i32
        %shift_right_logical3A_161 = vector.broadcast %shift_right_logical3A_160 : i32 to vector<16xi32>
        %shift_right_logical3A_162 = arith.shrui %bitcast3A_148, %shift_right_logical3A_161 : vector<16xi32>
        %and3A_163 = arith.constant 1 : i32
        %and3A_164 = vector.broadcast %and3A_163 : i32 to vector<16xi32>
        %and3A_165 = arith.andi %shift_right_logical3A_162, %and3A_164 : vector<16xi32>
        %add3A_166 = arith.addi %add3A_159, %and3A_165 : vector<16xi32>
        %shift_right_logical3A_167 = arith.constant 16 : i32
        %shift_right_logical3A_168 = vector.broadcast %shift_right_logical3A_167 : i32 to vector<16xi32>
        %shift_right_logical3A_169 = arith.shrui %add3A_156, %shift_right_logical3A_168 : vector<16xi32>
        %and3A_170 = arith.constant -65536 : i32
        %and3A_171 = vector.broadcast %and3A_170 : i32 to vector<16xi32>
        %and3A_172 = arith.andi %add3A_166, %and3A_171 : vector<16xi32>
        %or3A = arith.ori %shift_right_logical3A_169, %and3A_172 : vector<16xi32>
        %swap3A = arith.index_cast %add3A_142 : i32 to index
        %swap3A_173 = arith.constant 0 : index
        %swap3A_174 = tpu.vector_load %arg14[%swap3A, %swap3A_173] {strides = array<i32>} : memref<128x64xi32, #tpu.memory_space<vmem>>, vector<16xi32>,
        tpu.vector_store %arg14[%swap3A, %swap3A_173], %or3A {strides = array<i32>} : memref<128x64xi32, #tpu.memory_space<vmem>>, vector<16xi32>,
        %get3A_175 = arith.index_cast %add3A_142 : i32 to index
        %get3A_176 = arith.constant 16 : index
        %get3A_177 = tpu.vector_load %arg12[%get3A_175, %get3A_176] {strides = array<i32>} : memref<128x128xf32, #tpu.memory_space<vmem>>, vector<16xf32>,
        %get3A_178 = arith.index_cast %add3A_142 : i32 to index
        %get3A_179 = arith.constant 80 : index
        %get3A_180 = tpu.vector_load %arg12[%get3A_178, %get3A_179] {strides = array<i32>} : memref<128x128xf32, #tpu.memory_space<vmem>>, vector<16xf32>,
        %bitcast3A_181 = vector.bitcast %get3A_177 : vector<16xf32> to vector<16xi32>
        %bitcast3A_182 = vector.bitcast %get3A_180 : vector<16xf32> to vector<16xi32>
        %add3A_183 = arith.constant 32767 : i32
        %add3A_184 = vector.broadcast %add3A_183 : i32 to vector<16xi32>
        %add3A_185 = arith.addi %bitcast3A_181, %add3A_184 : vector<16xi32>
        %shift_right_logical3A_186 = arith.constant 16 : i32
        %shift_right_logical3A_187 = vector.broadcast %shift_right_logical3A_186 : i32 to vector<16xi32>
        %shift_right_logical3A_188 = arith.shrui %bitcast3A_181, %shift_right_logical3A_187 : vector<16xi32>
        %and3A_189 = arith.constant 1 : i32
        %and3A_190 = vector.broadcast %and3A_189 : i32 to vector<16xi32>
        %and3A_191 = arith.andi %shift_right_logical3A_188, %and3A_190 : vector<16xi32>
        %add3A_192 = arith.addi %add3A_185, %and3A_191 : vector<16xi32>
        %add3A_193 = arith.constant 32767 : i32
        %add3A_194 = vector.broadcast %add3A_193 : i32 to vector<16xi32>
        %add3A_195 = arith.addi %bitcast3A_182, %add3A_194 : vector<16xi32>
        %shift_right_logical3A_196 = arith.constant 16 : i32
        %shift_right_logical3A_197 = vector.broadcast %shift_right_logical3A_196 : i32 to vector<16xi32>
        %shift_right_logical3A_198 = arith.shrui %bitcast3A_182, %shift_right_logical3A_197 : vector<16xi32>
        %and3A_199 = arith.constant 1 : i32
        %and3A_200 = vector.broadcast %and3A_199 : i32 to vector<16xi32>
        %and3A_201 = arith.andi %shift_right_logical3A_198, %and3A_200 : vector<16xi32>
        %add3A_202 = arith.addi %add3A_195, %and3A_201 : vector<16xi32>
        %shift_right_logical3A_203 = arith.constant 16 : i32
        %shift_right_logical3A_204 = vector.broadcast %shift_right_logical3A_203 : i32 to vector<16xi32>
        %shift_right_logical3A_205 = arith.shrui %add3A_192, %shift_right_logical3A_204 : vector<16xi32>
        %and3A_206 = arith.constant -65536 : i32
        %and3A_207 = vector.broadcast %and3A_206 : i32 to vector<16xi32>
        %and3A_208 = arith.andi %add3A_202, %and3A_207 : vector<16xi32>
        %or3A_209 = arith.ori %shift_right_logical3A_205, %and3A_208 : vector<16xi32>
        %swap3A_210 = arith.index_cast %add3A_142 : i32 to index
        %swap3A_211 = arith.constant 16 : index
        %swap3A_212 = tpu.vector_load %arg14[%swap3A_210, %swap3A_211] {strides = array<i32>} : memref<128x64xi32, #tpu.memory_space<vmem>>, vector<16xi32>,
        tpu.vector_store %arg14[%swap3A_210, %swap3A_211], %or3A_209 {strides = array<i32>} : memref<128x64xi32, #tpu.memory_space<vmem>>, vector<16xi32>,
        %get3A_213 = arith.index_cast %add3A_142 : i32 to index
        %get3A_214 = arith.constant 32 : index
        %get3A_215 = tpu.vector_load %arg12[%get3A_213, %get3A_214] {strides = array<i32>} : memref<128x128xf32, #tpu.memory_space<vmem>>, vector<16xf32>,
        %get3A_216 = arith.index_cast %add3A_142 : i32 to index
        %get3A_217 = arith.constant 96 : index
        %get3A_218 = tpu.vector_load %arg12[%get3A_216, %get3A_217] {strides = array<i32>} : memref<128x128xf32, #tpu.memory_space<vmem>>, vector<16xf32>,
        %bitcast3A_219 = vector.bitcast %get3A_215 : vector<16xf32> to vector<16xi32>
        %bitcast3A_220 = vector.bitcast %get3A_218 : vector<16xf32> to vector<16xi32>
        %add3A_221 = arith.constant 32767 : i32
        %add3A_222 = vector.broadcast %add3A_221 : i32 to vector<16xi32>
        %add3A_223 = arith.addi %bitcast3A_219, %add3A_222 : vector<16xi32>
        %shift_right_logical3A_224 = arith.constant 16 : i32
        %shift_right_logical3A_225 = vector.broadcast %shift_right_logical3A_224 : i32 to vector<16xi32>
        %shift_right_logical3A_226 = arith.shrui %bitcast3A_219, %shift_right_logical3A_225 : vector<16xi32>
        %and3A_227 = arith.constant 1 : i32
        %and3A_228 = vector.broadcast %and3A_227 : i32 to vector<16xi32>
        %and3A_229 = arith.andi %shift_right_logical3A_226, %and3A_228 : vector<16xi32>
        %add3A_230 = arith.addi %add3A_223, %and3A_229 : vector<16xi32>
        %add3A_231 = arith.constant 32767 : i32
        %add3A_232 = vector.broadcast %add3A_231 : i32 to vector<16xi32>
        %add3A_233 = arith.addi %bitcast3A_220, %add3A_232 : vector<16xi32>
        %shift_right_logical3A_234 = arith.constant 16 : i32
        %shift_right_logical3A_235 = vector.broadcast %shift_right_logical3A_234 : i32 to vector<16xi32>
        %shift_right_logical3A_236 = arith.shrui %bitcast3A_220, %shift_right_logical3A_235 : vector<16xi32>
        %and3A_237 = arith.constant 1 : i32
        %and3A_238 = vector.broadcast %and3A_237 : i32 to vector<16xi32>
        %and3A_239 = arith.andi %shift_right_logical3A_236, %and3A_238 : vector<16xi32>
        %add3A_240 = arith.addi %add3A_233, %and3A_239 : vector<16xi32>
        %shift_right_logical3A_241 = arith.constant 16 : i32
        %shift_right_logical3A_242 = vector.broadcast %shift_right_logical3A_241 : i32 to vector<16xi32>
        %shift_right_logical3A_243 = arith.shrui %add3A_230, %shift_right_logical3A_242 : vector<16xi32>
        %and3A_244 = arith.constant -65536 : i32
        %and3A_245 = vector.broadcast %and3A_244 : i32 to vector<16xi32>
        %and3A_246 = arith.andi %add3A_240, %and3A_245 : vector<16xi32>
        %or3A_247 = arith.ori %shift_right_logical3A_243, %and3A_246 : vector<16xi32>
        %swap3A_248 = arith.index_cast %add3A_142 : i32 to index
        %swap3A_249 = arith.constant 32 : index
        %swap3A_250 = tpu.vector_load %arg14[%swap3A_248, %swap3A_249] {strides = array<i32>} : memref<128x64xi32, #tpu.memory_space<vmem>>, vector<16xi32>,
        tpu.vector_store %arg14[%swap3A_248, %swap3A_249], %or3A_247 {strides = array<i32>} : memref<128x64xi32, #tpu.memory_space<vmem>>, vector<16xi32>,
        %get3A_251 = arith.index_cast %add3A_142 : i32 to index
        %get3A_252 = arith.constant 48 : index
        %get3A_253 = tpu.vector_load %arg12[%get3A_251, %get3A_252] {strides = array<i32>} : memref<128x128xf32, #tpu.memory_space<vmem>>, vector<16xf32>,
        %get3A_254 = arith.index_cast %add3A_142 : i32 to index
        %get3A_255 = arith.constant 112 : index
        %get3A_256 = tpu.vector_load %arg12[%get3A_254, %get3A_255] {strides = array<i32>} : memref<128x128xf32, #tpu.memory_space<vmem>>, vector<16xf32>,
        %bitcast3A_257 = vector.bitcast %get3A_253 : vector<16xf32> to vector<16xi32>
        %bitcast3A_258 = vector.bitcast %get3A_256 : vector<16xf32> to vector<16xi32>
        %add3A_259 = arith.constant 32767 : i32
        %add3A_260 = vector.broadcast %add3A_259 : i32 to vector<16xi32>
        %add3A_261 = arith.addi %bitcast3A_257, %add3A_260 : vector<16xi32>
        %shift_right_logical3A_262 = arith.constant 16 : i32
        %shift_right_logical3A_263 = vector.broadcast %shift_right_logical3A_262 : i32 to vector<16xi32>
        %shift_right_logical3A_264 = arith.shrui %bitcast3A_257, %shift_right_logical3A_263 : vector<16xi32>
        %and3A_265 = arith.constant 1 : i32
        %and3A_266 = vector.broadcast %and3A_265 : i32 to vector<16xi32>
        %and3A_267 = arith.andi %shift_right_logical3A_264, %and3A_266 : vector<16xi32>
        %add3A_268 = arith.addi %add3A_261, %and3A_267 : vector<16xi32>
        %add3A_269 = arith.constant 32767 : i32
        %add3A_270 = vector.broadcast %add3A_269 : i32 to vector<16xi32>
        %add3A_271 = arith.addi %bitcast3A_258, %add3A_270 : vector<16xi32>
        %shift_right_logical3A_272 = arith.constant 16 : i32
        %shift_right_logical3A_273 = vector.broadcast %shift_right_logical3A_272 : i32 to vector<16xi32>
        %shift_right_logical3A_274 = arith.shrui %bitcast3A_258, %shift_right_logical3A_273 : vector<16xi32>
        %and3A_275 = arith.constant 1 : i32
        %and3A_276 = vector.broadcast %and3A_275 : i32 to vector<16xi32>
        %and3A_277 = arith.andi %shift_right_logical3A_274, %and3A_276 : vector<16xi32>
        %add3A_278 = arith.addi %add3A_271, %and3A_277 : vector<16xi32>
        %shift_right_logical3A_279 = arith.constant 16 : i32
        %shift_right_logical3A_280 = vector.broadcast %shift_right_logical3A_279 : i32 to vector<16xi32>
        %shift_right_logical3A_281 = arith.shrui %add3A_268, %shift_right_logical3A_280 : vector<16xi32>
        %and3A_282 = arith.constant -65536 : i32
        %and3A_283 = vector.broadcast %and3A_282 : i32 to vector<16xi32>
        %and3A_284 = arith.andi %add3A_278, %and3A_283 : vector<16xi32>
        %or3A_285 = arith.ori %shift_right_logical3A_281, %and3A_284 : vector<16xi32>
        %swap3A_286 = arith.index_cast %add3A_142 : i32 to index
        %swap3A_287 = arith.constant 48 : index
        %swap3A_288 = tpu.vector_load %arg14[%swap3A_286, %swap3A_287] {strides = array<i32>} : memref<128x64xi32, #tpu.memory_space<vmem>>, vector<16xi32>,
        tpu.vector_store %arg14[%swap3A_286, %swap3A_287], %or3A_285 {strides = array<i32>} : memref<128x64xi32, #tpu.memory_space<vmem>>, vector<16xi32>,
      }
      %scan3A_128 = arith.constant 128 : i32
      %add3A_129 = arith.constant 1 : i32
      %add3A_130 = arith.addi %mul3A_64, %add3A_129 : i32
      %mul3A_131 = arith.constant 128 : i32
      %mul3A_132 = arith.muli %add3A_130, %mul3A_131 : i32
      %add3A_133 = arith.addi %mul3A_2, %mul3A_132 : i32
      %dma_start3A_134 = arith.constant 0 : i32
      %dma_start3A_135 = tpu.memref_slice %arg6[%add3A_133, %dma_start3A_134] : memref<51200x64xi32, #tpu.memory_space<hbm>> -> memref<128x64xi32, #tpu.memory_space<hbm>>
      %dma_start3A_136 = arith.constant 0 : i32
      %dma_start3A_137 = tpu.memref_slice %arg6[%add3A_133, %dma_start3A_136] : memref<51200x64xi32, #tpu.memory_space<hbm>> -> memref<128x64xi32, #tpu.memory_space<hbm>>
      tpu.enqueue_dma source(%arg14 : memref<128x64xi32, #tpu.memory_space<vmem>>) target(%dma_start3A_137 : memref<128x64xi32, #tpu.memory_space<hbm>>) target_semaphore(%arg20 : memref<!tpu.dma_semaphore, #tpu.memory_space<semaphore_mem>>)
    }
    %scan3A_6 = arith.constant 6 : i32
    %add3A_7 = arith.constant 1280 : i32
    %add3A_8 = arith.addi %mul3A_2, %add3A_7 : i32
    %dma_wait3A = arith.constant 0 : i32
    %dma_wait3A_9 = tpu.memref_slice %arg6[%add3A_8, %dma_wait3A] : memref<51200x64xi32, #tpu.memory_space<hbm>> -> memref<128x64xi32, #tpu.memory_space<hbm>>
    %dma_wait3A_10 = arith.constant 0 : i32
    %dma_wait3A_11 = tpu.memref_slice %arg6[%add3A_8, %dma_wait3A_10] : memref<51200x64xi32, #tpu.memory_space<hbm>> -> memref<128x64xi32, #tpu.memory_space<hbm>>
    tpu.wait_dma2 semaphore(%arg19 : memref<!tpu.dma_semaphore, #tpu.memory_space<semaphore_mem>>) src(%arg13 : memref<128x64xi32, #tpu.memory_space<vmem>>) dst(%dma_wait3A_11 : memref<128x64xi32, #tpu.memory_space<hbm>>)
    %add3A_12 = arith.constant 1408 : i32
    %add3A_13 = arith.addi %mul3A_2, %add3A_12 : i32
    %dma_wait3A_14 = arith.constant 0 : i32
    %dma_wait3A_15 = tpu.memref_slice %arg6[%add3A_13, %dma_wait3A_14] : memref<51200x64xi32, #tpu.memory_space<hbm>> -> memref<128x64xi32, #tpu.memory_space<hbm>>
    %dma_wait3A_16 = arith.constant 0 : i32
    %dma_wait3A_17 = tpu.memref_slice %arg6[%add3A_13, %dma_wait3A_16] : memref<51200x64xi32, #tpu.memory_space<hbm>> -> memref<128x64xi32, #tpu.memory_space<hbm>>
    tpu.wait_dma2 semaphore(%arg20 : memref<!tpu.dma_semaphore, #tpu.memory_space<semaphore_mem>>) src(%arg14 : memref<128x64xi32, #tpu.memory_space<vmem>>) dst(%dma_wait3A_17 : memref<128x64xi32, #tpu.memory_space<hbm>>)
    %add3A_18 = arith.constant 1536 : i32
    %add3A_19 = arith.addi %mul3A_2, %add3A_18 : i32
    %add3A_20 = arith.constant 51200 : i32
    %add3A_21 = arith.addi %add3A_20, %add3A_19 : i32
    "tpu.region"() ({
      %run_scoped3A = tpu.sem_alloc : memref<!tpu.dma_semaphore, #tpu.memory_space<semaphore_mem>>
      %dma_start3A_58 = arith.constant 0 : i32
      %dma_start3A_59 = tpu.memref_slice %arg7[%dma_start3A_58] : memref<128xi32, #tpu.memory_space<vmem>> -> memref<64xi32, #tpu.memory_space<vmem>>
      %dma_start3A_60 = tpu.memref_slice %arg4[%add3A_21] : memref<204800xi32, #tpu.memory_space<hbm>> -> memref<64xi32, #tpu.memory_space<hbm>>
      %dma_start3A_61 = arith.constant 0 : i32
      %dma_start3A_62 = tpu.memref_slice %arg7[%dma_start3A_61] : memref<128xi32, #tpu.memory_space<vmem>> -> memref<64xi32, #tpu.memory_space<vmem>>
      %dma_start3A_63 = tpu.memref_slice %arg4[%add3A_21] : memref<204800xi32, #tpu.memory_space<hbm>> -> memref<64xi32, #tpu.memory_space<hbm>>
      tpu.enqueue_dma source(%dma_start3A_63 : memref<64xi32, #tpu.memory_space<hbm>>) target(%dma_start3A_62 : memref<64xi32, #tpu.memory_space<vmem>>) target_semaphore(%run_scoped3A : memref<!tpu.dma_semaphore, #tpu.memory_space<semaphore_mem>>)
      %dma_wait3A_64 = arith.constant 0 : i32
      %dma_wait3A_65 = tpu.memref_slice %arg7[%dma_wait3A_64] : memref<128xi32, #tpu.memory_space<vmem>> -> memref<64xi32, #tpu.memory_space<vmem>>
      %dma_wait3A_66 = tpu.memref_slice %arg4[%add3A_21] : memref<204800xi32, #tpu.memory_space<hbm>> -> memref<64xi32, #tpu.memory_space<hbm>>
      %dma_wait3A_67 = arith.constant 0 : i32
      %dma_wait3A_68 = tpu.memref_slice %arg7[%dma_wait3A_67] : memref<128xi32, #tpu.memory_space<vmem>> -> memref<64xi32, #tpu.memory_space<vmem>>
      %dma_wait3A_69 = tpu.memref_slice %arg4[%add3A_21] : memref<204800xi32, #tpu.memory_space<hbm>> -> memref<64xi32, #tpu.memory_space<hbm>>
      tpu.wait_dma2 semaphore(%run_scoped3A : memref<!tpu.dma_semaphore, #tpu.memory_space<semaphore_mem>>) src(%dma_wait3A_69 : memref<64xi32, #tpu.memory_space<hbm>>) dst(%dma_wait3A_68 : memref<64xi32, #tpu.memory_space<vmem>>)
      tpu.yield
    }) : () -> ()
    "tpu.region"() ({
      %run_scoped3A = tpu.sem_alloc : memref<!tpu.dma_semaphore, #tpu.memory_space<semaphore_mem>>
      %dma_start3A_58 = arith.constant 0 : i32
      %dma_start3A_59 = tpu.memref_slice %arg9[%dma_start3A_58] : memref<128xi32, #tpu.memory_space<vmem>> -> memref<64xi32, #tpu.memory_space<vmem>>
      %dma_start3A_60 = tpu.memref_slice %arg5[%add3A_21] : memref<204800xi32, #tpu.memory_space<hbm>> -> memref<64xi32, #tpu.memory_space<hbm>>
      %dma_start3A_61 = arith.constant 0 : i32
      %dma_start3A_62 = tpu.memref_slice %arg9[%dma_start3A_61] : memref<128xi32, #tpu.memory_space<vmem>> -> memref<64xi32, #tpu.memory_space<vmem>>
      %dma_start3A_63 = tpu.memref_slice %arg5[%add3A_21] : memref<204800xi32, #tpu.memory_space<hbm>> -> memref<64xi32, #tpu.memory_space<hbm>>
      tpu.enqueue_dma source(%dma_start3A_63 : memref<64xi32, #tpu.memory_space<hbm>>) target(%dma_start3A_62 : memref<64xi32, #tpu.memory_space<vmem>>) target_semaphore(%run_scoped3A : memref<!tpu.dma_semaphore, #tpu.memory_space<semaphore_mem>>)
      %dma_wait3A_64 = arith.constant 0 : i32
      %dma_wait3A_65 = tpu.memref_slice %arg9[%dma_wait3A_64] : memref<128xi32, #tpu.memory_space<vmem>> -> memref<64xi32, #tpu.memory_space<vmem>>
      %dma_wait3A_66 = tpu.memref_slice %arg5[%add3A_21] : memref<204800xi32, #tpu.memory_space<hbm>> -> memref<64xi32, #tpu.memory_space<hbm>>
      %dma_wait3A_67 = arith.constant 0 : i32
      %dma_wait3A_68 = tpu.memref_slice %arg9[%dma_wait3A_67] : memref<128xi32, #tpu.memory_space<vmem>> -> memref<64xi32, #tpu.memory_space<vmem>>
      %dma_wait3A_69 = tpu.memref_slice %arg5[%add3A_21] : memref<204800xi32, #tpu.memory_space<hbm>> -> memref<64xi32, #tpu.memory_space<hbm>>
      tpu.wait_dma2 semaphore(%run_scoped3A : memref<!tpu.dma_semaphore, #tpu.memory_space<semaphore_mem>>) src(%dma_wait3A_69 : memref<64xi32, #tpu.memory_space<hbm>>) dst(%dma_wait3A_68 : memref<64xi32, #tpu.memory_space<vmem>>)
      tpu.yield
    }) : () -> ()
    %dma_start3A = arith.constant 0 : i32
    %dma_start3A_22 = arith.constant 0 : i32
    %dma_start3A_23 = tpu.memref_slice %arg11[%dma_start3A, %dma_start3A_22] : memref<128x128xf32, #tpu.memory_space<vmem>> -> memref<64x128xf32, #tpu.memory_space<vmem>>
    %dma_start3A_24 = arith.constant 0 : i32
    %dma_start3A_25 = tpu.memref_slice %arg7[%dma_start3A_24] : memref<128xi32, #tpu.memory_space<vmem>> -> memref<64xi32, #tpu.memory_space<vmem>>
    %dma_start3A_26 = arith.constant 0 : i32
    %dma_start3A_27 = arith.constant 0 : i32
    %dma_start3A_28 = tpu.memref_slice %arg2[%dma_start3A_26, %dma_start3A_27] : memref<100000x128xf32, #tpu.memory_space<hbm>> -> memref<100000x128xf32, #tpu.memory_space<hbm>>
    tpu.enqueue_indirect_dma source(%dma_start3A_28 : memref<100000x128xf32, #tpu.memory_space<hbm>>) target(%dma_start3A_23 : memref<64x128xf32, #tpu.memory_space<vmem>>) offsets(%dma_start3A_25 : memref<64xi32, #tpu.memory_space<vmem>>) semaphore(%arg15 : memref<!tpu.dma_semaphore, #tpu.memory_space<semaphore_mem>>)
    %dma_wait3A_29 = arith.constant 0 : i32
    %dma_wait3A_30 = arith.constant 0 : i32
    %dma_wait3A_31 = tpu.memref_slice %arg11[%dma_wait3A_29, %dma_wait3A_30] : memref<128x128xf32, #tpu.memory_space<vmem>> -> memref<64x128xf32, #tpu.memory_space<vmem>>
    %dma_wait3A_32 = arith.constant 0 : i32
    %dma_wait3A_33 = tpu.memref_slice %arg7[%dma_wait3A_32] : memref<128xi32, #tpu.memory_space<vmem>> -> memref<64xi32, #tpu.memory_space<vmem>>
    %dma_wait3A_34 = arith.constant 0 : i32
    %dma_wait3A_35 = arith.constant 0 : i32
    %dma_wait3A_36 = tpu.memref_slice %arg2[%dma_wait3A_34, %dma_wait3A_35] : memref<100000x128xf32, #tpu.memory_space<hbm>> -> memref<100000x128xf32, #tpu.memory_space<hbm>>
    tpu.wait_indirect_dma semaphore(%arg15 : memref<!tpu.dma_semaphore, #tpu.memory_space<semaphore_mem>>) src(%dma_wait3A_36 : memref<100000x128xf32, #tpu.memory_space<hbm>>) dst(%dma_wait3A_31 : memref<64x128xf32, #tpu.memory_space<vmem>>)
    %dma_start3A_37 = arith.constant 0 : i32
    %dma_start3A_38 = arith.constant 0 : i32
    %dma_start3A_39 = tpu.memref_slice %arg11[%dma_start3A_37, %dma_start3A_38] : memref<128x128xf32, #tpu.memory_space<vmem>> -> memref<64x128xf32, #tpu.memory_space<vmem>>
    %dma_start3A_40 = arith.constant 0 : i32
    %dma_start3A_41 = tpu.memref_slice %arg9[%dma_start3A_40] : memref<128xi32, #tpu.memory_space<vmem>> -> memref<64xi32, #tpu.memory_space<vmem>>
    %dma_start3A_42 = arith.constant 0 : i32
    %dma_start3A_43 = arith.constant 0 : i32
    %dma_start3A_44 = tpu.memref_slice %arg3[%dma_start3A_42, %dma_start3A_43] : memref<8000x128xf32, #tpu.memory_space<hbm>> -> memref<8000x128xf32, #tpu.memory_space<hbm>>
    tpu.enqueue_indirect_dma source(%dma_start3A_44 : memref<8000x128xf32, #tpu.memory_space<hbm>>) target(%dma_start3A_39 : memref<64x128xf32, #tpu.memory_space<vmem>>) offsets(%dma_start3A_41 : memref<64xi32, #tpu.memory_space<vmem>>) semaphore(%arg17 : memref<!tpu.dma_semaphore, #tpu.memory_space<semaphore_mem>>) {add = true}
    %dma_wait3A_45 = arith.constant 0 : i32
    %dma_wait3A_46 = arith.constant 0 : i32
    %dma_wait3A_47 = tpu.memref_slice %arg11[%dma_wait3A_45, %dma_wait3A_46] : memref<128x128xf32, #tpu.memory_space<vmem>> -> memref<64x128xf32, #tpu.memory_space<vmem>>
    %dma_wait3A_48 = arith.constant 0 : i32
    %dma_wait3A_49 = tpu.memref_slice %arg9[%dma_wait3A_48] : memref<128xi32, #tpu.memory_space<vmem>> -> memref<64xi32, #tpu.memory_space<vmem>>
    %dma_wait3A_50 = arith.constant 0 : i32
    %dma_wait3A_51 = arith.constant 0 : i32
    %dma_wait3A_52 = tpu.memref_slice %arg3[%dma_wait3A_50, %dma_wait3A_51] : memref<8000x128xf32, #tpu.memory_space<hbm>> -> memref<8000x128xf32, #tpu.memory_space<hbm>>
    tpu.wait_indirect_dma semaphore(%arg17 : memref<!tpu.dma_semaphore, #tpu.memory_space<semaphore_mem>>) src(%dma_wait3A_52 : memref<8000x128xf32, #tpu.memory_space<hbm>>) dst(%dma_wait3A_47 : memref<64x128xf32, #tpu.memory_space<vmem>>)
    %scan3A_53 = arith.constant 0 : i32
    %scan3A_54 = arith.constant 64 : i32
    %scan3A_55 = arith.addi %scan3A_53, %scan3A_54 : i32
    %scan3A_56 = arith.constant 1 : i32
    scf.for %scan3A_58 = %scan3A_53 to %scan3A_55 step %scan3A_56  : i32 {
      %mul3A_59 = arith.constant 1 : i32
      %mul3A_60 = arith.muli %scan3A_58, %mul3A_59 : i32
      %add3A_61 = arith.constant 0 : i32
      %add3A_62 = arith.addi %add3A_61, %mul3A_60 : i32
      %get3A = arith.index_cast %add3A_62 : i32 to index
      %get3A_63 = arith.constant 0 : index
      %get3A_64 = tpu.vector_load %arg11[%get3A, %get3A_63] {strides = array<i32>} : memref<128x128xf32, #tpu.memory_space<vmem>>, vector<16xf32>,
      %get3A_65 = arith.index_cast %add3A_62 : i32 to index
      %get3A_66 = arith.constant 64 : index
      %get3A_67 = tpu.vector_load %arg11[%get3A_65, %get3A_66] {strides = array<i32>} : memref<128x128xf32, #tpu.memory_space<vmem>>, vector<16xf32>,
      %bitcast3A = vector.bitcast %get3A_64 : vector<16xf32> to vector<16xi32>
      %bitcast3A_68 = vector.bitcast %get3A_67 : vector<16xf32> to vector<16xi32>
      %add3A_69 = arith.constant 32767 : i32
      %add3A_70 = vector.broadcast %add3A_69 : i32 to vector<16xi32>
      %add3A_71 = arith.addi %bitcast3A, %add3A_70 : vector<16xi32>
      %shift_right_logical3A = arith.constant 16 : i32
      %shift_right_logical3A_72 = vector.broadcast %shift_right_logical3A : i32 to vector<16xi32>
      %shift_right_logical3A_73 = arith.shrui %bitcast3A, %shift_right_logical3A_72 : vector<16xi32>
      %and3A = arith.constant 1 : i32
      %and3A_74 = vector.broadcast %and3A : i32 to vector<16xi32>
      %and3A_75 = arith.andi %shift_right_logical3A_73, %and3A_74 : vector<16xi32>
      %add3A_76 = arith.addi %add3A_71, %and3A_75 : vector<16xi32>
      %add3A_77 = arith.constant 32767 : i32
      %add3A_78 = vector.broadcast %add3A_77 : i32 to vector<16xi32>
      %add3A_79 = arith.addi %bitcast3A_68, %add3A_78 : vector<16xi32>
      %shift_right_logical3A_80 = arith.constant 16 : i32
      %shift_right_logical3A_81 = vector.broadcast %shift_right_logical3A_80 : i32 to vector<16xi32>
      %shift_right_logical3A_82 = arith.shrui %bitcast3A_68, %shift_right_logical3A_81 : vector<16xi32>
      %and3A_83 = arith.constant 1 : i32
      %and3A_84 = vector.broadcast %and3A_83 : i32 to vector<16xi32>
      %and3A_85 = arith.andi %shift_right_logical3A_82, %and3A_84 : vector<16xi32>
      %add3A_86 = arith.addi %add3A_79, %and3A_85 : vector<16xi32>
      %shift_right_logical3A_87 = arith.constant 16 : i32
      %shift_right_logical3A_88 = vector.broadcast %shift_right_logical3A_87 : i32 to vector<16xi32>
      %shift_right_logical3A_89 = arith.shrui %add3A_76, %shift_right_logical3A_88 : vector<16xi32>
      %and3A_90 = arith.constant -65536 : i32
      %and3A_91 = vector.broadcast %and3A_90 : i32 to vector<16xi32>
      %and3A_92 = arith.andi %add3A_86, %and3A_91 : vector<16xi32>
      %or3A = arith.ori %shift_right_logical3A_89, %and3A_92 : vector<16xi32>
      %swap3A = arith.index_cast %add3A_62 : i32 to index
      %swap3A_93 = arith.constant 0 : index
      %swap3A_94 = tpu.vector_load %arg13[%swap3A, %swap3A_93] {strides = array<i32>} : memref<128x64xi32, #tpu.memory_space<vmem>>, vector<16xi32>,
      tpu.vector_store %arg13[%swap3A, %swap3A_93], %or3A {strides = array<i32>} : memref<128x64xi32, #tpu.memory_space<vmem>>, vector<16xi32>,
      %get3A_95 = arith.index_cast %add3A_62 : i32 to index
      %get3A_96 = arith.constant 16 : index
      %get3A_97 = tpu.vector_load %arg11[%get3A_95, %get3A_96] {strides = array<i32>} : memref<128x128xf32, #tpu.memory_space<vmem>>, vector<16xf32>,
      %get3A_98 = arith.index_cast %add3A_62 : i32 to index
      %get3A_99 = arith.constant 80 : index
      %get3A_100 = tpu.vector_load %arg11[%get3A_98, %get3A_99] {strides = array<i32>} : memref<128x128xf32, #tpu.memory_space<vmem>>, vector<16xf32>,
      %bitcast3A_101 = vector.bitcast %get3A_97 : vector<16xf32> to vector<16xi32>
      %bitcast3A_102 = vector.bitcast %get3A_100 : vector<16xf32> to vector<16xi32>
      %add3A_103 = arith.constant 32767 : i32
      %add3A_104 = vector.broadcast %add3A_103 : i32 to vector<16xi32>
      %add3A_105 = arith.addi %bitcast3A_101, %add3A_104 : vector<16xi32>
      %shift_right_logical3A_106 = arith.constant 16 : i32
      %shift_right_logical3A_107 = vector.broadcast %shift_right_logical3A_106 : i32 to vector<16xi32>
      %shift_right_logical3A_108 = arith.shrui %bitcast3A_101, %shift_right_logical3A_107 : vector<16xi32>
      %and3A_109 = arith.constant 1 : i32
      %and3A_110 = vector.broadcast %and3A_109 : i32 to vector<16xi32>
      %and3A_111 = arith.andi %shift_right_logical3A_108, %and3A_110 : vector<16xi32>
      %add3A_112 = arith.addi %add3A_105, %and3A_111 : vector<16xi32>
      %add3A_113 = arith.constant 32767 : i32
      %add3A_114 = vector.broadcast %add3A_113 : i32 to vector<16xi32>
      %add3A_115 = arith.addi %bitcast3A_102, %add3A_114 : vector<16xi32>
      %shift_right_logical3A_116 = arith.constant 16 : i32
      %shift_right_logical3A_117 = vector.broadcast %shift_right_logical3A_116 : i32 to vector<16xi32>
      %shift_right_logical3A_118 = arith.shrui %bitcast3A_102, %shift_right_logical3A_117 : vector<16xi32>
      %and3A_119 = arith.constant 1 : i32
      %and3A_120 = vector.broadcast %and3A_119 : i32 to vector<16xi32>
      %and3A_121 = arith.andi %shift_right_logical3A_118, %and3A_120 : vector<16xi32>
      %add3A_122 = arith.addi %add3A_115, %and3A_121 : vector<16xi32>
      %shift_right_logical3A_123 = arith.constant 16 : i32
      %shift_right_logical3A_124 = vector.broadcast %shift_right_logical3A_123 : i32 to vector<16xi32>
      %shift_right_logical3A_125 = arith.shrui %add3A_112, %shift_right_logical3A_124 : vector<16xi32>
      %and3A_126 = arith.constant -65536 : i32
      %and3A_127 = vector.broadcast %and3A_126 : i32 to vector<16xi32>
      %and3A_128 = arith.andi %add3A_122, %and3A_127 : vector<16xi32>
      %or3A_129 = arith.ori %shift_right_logical3A_125, %and3A_128 : vector<16xi32>
      %swap3A_130 = arith.index_cast %add3A_62 : i32 to index
      %swap3A_131 = arith.constant 16 : index
      %swap3A_132 = tpu.vector_load %arg13[%swap3A_130, %swap3A_131] {strides = array<i32>} : memref<128x64xi32, #tpu.memory_space<vmem>>, vector<16xi32>,
      tpu.vector_store %arg13[%swap3A_130, %swap3A_131], %or3A_129 {strides = array<i32>} : memref<128x64xi32, #tpu.memory_space<vmem>>, vector<16xi32>,
      %get3A_133 = arith.index_cast %add3A_62 : i32 to index
      %get3A_134 = arith.constant 32 : index
      %get3A_135 = tpu.vector_load %arg11[%get3A_133, %get3A_134] {strides = array<i32>} : memref<128x128xf32, #tpu.memory_space<vmem>>, vector<16xf32>,
      %get3A_136 = arith.index_cast %add3A_62 : i32 to index
      %get3A_137 = arith.constant 96 : index
      %get3A_138 = tpu.vector_load %arg11[%get3A_136, %get3A_137] {strides = array<i32>} : memref<128x128xf32, #tpu.memory_space<vmem>>, vector<16xf32>,
      %bitcast3A_139 = vector.bitcast %get3A_135 : vector<16xf32> to vector<16xi32>
      %bitcast3A_140 = vector.bitcast %get3A_138 : vector<16xf32> to vector<16xi32>
      %add3A_141 = arith.constant 32767 : i32
      %add3A_142 = vector.broadcast %add3A_141 : i32 to vector<16xi32>
      %add3A_143 = arith.addi %bitcast3A_139, %add3A_142 : vector<16xi32>
      %shift_right_logical3A_144 = arith.constant 16 : i32
      %shift_right_logical3A_145 = vector.broadcast %shift_right_logical3A_144 : i32 to vector<16xi32>
      %shift_right_logical3A_146 = arith.shrui %bitcast3A_139, %shift_right_logical3A_145 : vector<16xi32>
      %and3A_147 = arith.constant 1 : i32
      %and3A_148 = vector.broadcast %and3A_147 : i32 to vector<16xi32>
      %and3A_149 = arith.andi %shift_right_logical3A_146, %and3A_148 : vector<16xi32>
      %add3A_150 = arith.addi %add3A_143, %and3A_149 : vector<16xi32>
      %add3A_151 = arith.constant 32767 : i32
      %add3A_152 = vector.broadcast %add3A_151 : i32 to vector<16xi32>
      %add3A_153 = arith.addi %bitcast3A_140, %add3A_152 : vector<16xi32>
      %shift_right_logical3A_154 = arith.constant 16 : i32
      %shift_right_logical3A_155 = vector.broadcast %shift_right_logical3A_154 : i32 to vector<16xi32>
      %shift_right_logical3A_156 = arith.shrui %bitcast3A_140, %shift_right_logical3A_155 : vector<16xi32>
      %and3A_157 = arith.constant 1 : i32
      %and3A_158 = vector.broadcast %and3A_157 : i32 to vector<16xi32>
      %and3A_159 = arith.andi %shift_right_logical3A_156, %and3A_158 : vector<16xi32>
      %add3A_160 = arith.addi %add3A_153, %and3A_159 : vector<16xi32>
      %shift_right_logical3A_161 = arith.constant 16 : i32
      %shift_right_logical3A_162 = vector.broadcast %shift_right_logical3A_161 : i32 to vector<16xi32>
      %shift_right_logical3A_163 = arith.shrui %add3A_150, %shift_right_logical3A_162 : vector<16xi32>
      %and3A_164 = arith.constant -65536 : i32
      %and3A_165 = vector.broadcast %and3A_164 : i32 to vector<16xi32>
      %and3A_166 = arith.andi %add3A_160, %and3A_165 : vector<16xi32>
      %or3A_167 = arith.ori %shift_right_logical3A_163, %and3A_166 : vector<16xi32>
      %swap3A_168 = arith.index_cast %add3A_62 : i32 to index
      %swap3A_169 = arith.constant 32 : index
      %swap3A_170 = tpu.vector_load %arg13[%swap3A_168, %swap3A_169] {strides = array<i32>} : memref<128x64xi32, #tpu.memory_space<vmem>>, vector<16xi32>,
      tpu.vector_store %arg13[%swap3A_168, %swap3A_169], %or3A_167 {strides = array<i32>} : memref<128x64xi32, #tpu.memory_space<vmem>>, vector<16xi32>,
      %get3A_171 = arith.index_cast %add3A_62 : i32 to index
      %get3A_172 = arith.constant 48 : index
      %get3A_173 = tpu.vector_load %arg11[%get3A_171, %get3A_172] {strides = array<i32>} : memref<128x128xf32, #tpu.memory_space<vmem>>, vector<16xf32>,
      %get3A_174 = arith.index_cast %add3A_62 : i32 to index
      %get3A_175 = arith.constant 112 : index
      %get3A_176 = tpu.vector_load %arg11[%get3A_174, %get3A_175] {strides = array<i32>} : memref<128x128xf32, #tpu.memory_space<vmem>>, vector<16xf32>,
      %bitcast3A_177 = vector.bitcast %get3A_173 : vector<16xf32> to vector<16xi32>
      %bitcast3A_178 = vector.bitcast %get3A_176 : vector<16xf32> to vector<16xi32>
      %add3A_179 = arith.constant 32767 : i32
      %add3A_180 = vector.broadcast %add3A_179 : i32 to vector<16xi32>
      %add3A_181 = arith.addi %bitcast3A_177, %add3A_180 : vector<16xi32>
      %shift_right_logical3A_182 = arith.constant 16 : i32
      %shift_right_logical3A_183 = vector.broadcast %shift_right_logical3A_182 : i32 to vector<16xi32>
      %shift_right_logical3A_184 = arith.shrui %bitcast3A_177, %shift_right_logical3A_183 : vector<16xi32>
      %and3A_185 = arith.constant 1 : i32
      %and3A_186 = vector.broadcast %and3A_185 : i32 to vector<16xi32>
      %and3A_187 = arith.andi %shift_right_logical3A_184, %and3A_186 : vector<16xi32>
      %add3A_188 = arith.addi %add3A_181, %and3A_187 : vector<16xi32>
      %add3A_189 = arith.constant 32767 : i32
      %add3A_190 = vector.broadcast %add3A_189 : i32 to vector<16xi32>
      %add3A_191 = arith.addi %bitcast3A_178, %add3A_190 : vector<16xi32>
      %shift_right_logical3A_192 = arith.constant 16 : i32
      %shift_right_logical3A_193 = vector.broadcast %shift_right_logical3A_192 : i32 to vector<16xi32>
      %shift_right_logical3A_194 = arith.shrui %bitcast3A_178, %shift_right_logical3A_193 : vector<16xi32>
      %and3A_195 = arith.constant 1 : i32
      %and3A_196 = vector.broadcast %and3A_195 : i32 to vector<16xi32>
      %and3A_197 = arith.andi %shift_right_logical3A_194, %and3A_196 : vector<16xi32>
      %add3A_198 = arith.addi %add3A_191, %and3A_197 : vector<16xi32>
      %shift_right_logical3A_199 = arith.constant 16 : i32
      %shift_right_logical3A_200 = vector.broadcast %shift_right_logical3A_199 : i32 to vector<16xi32>
      %shift_right_logical3A_201 = arith.shrui %add3A_188, %shift_right_logical3A_200 : vector<16xi32>
      %and3A_202 = arith.constant -65536 : i32
      %and3A_203 = vector.broadcast %and3A_202 : i32 to vector<16xi32>
      %and3A_204 = arith.andi %add3A_198, %and3A_203 : vector<16xi32>
      %or3A_205 = arith.ori %shift_right_logical3A_201, %and3A_204 : vector<16xi32>
      %swap3A_206 = arith.index_cast %add3A_62 : i32 to index
      %swap3A_207 = arith.constant 48 : index
      %swap3A_208 = tpu.vector_load %arg13[%swap3A_206, %swap3A_207] {strides = array<i32>} : memref<128x64xi32, #tpu.memory_space<vmem>>, vector<16xi32>,
      tpu.vector_store %arg13[%swap3A_206, %swap3A_207], %or3A_205 {strides = array<i32>} : memref<128x64xi32, #tpu.memory_space<vmem>>, vector<16xi32>,
    }
    %scan3A_57 = arith.constant 64 : i32
    "tpu.region"() ({
      %run_scoped3A = tpu.sem_alloc : memref<!tpu.dma_semaphore, #tpu.memory_space<semaphore_mem>>
      %dma_start3A_58 = arith.constant 0 : i32
      %dma_start3A_59 = arith.constant 0 : i32
      %dma_start3A_60 = tpu.memref_slice %arg13[%dma_start3A_58, %dma_start3A_59] : memref<128x64xi32, #tpu.memory_space<vmem>> -> memref<64x64xi32, #tpu.memory_space<vmem>>
      %dma_start3A_61 = arith.constant 0 : i32
      %dma_start3A_62 = tpu.memref_slice %arg6[%add3A_19, %dma_start3A_61] : memref<51200x64xi32, #tpu.memory_space<hbm>> -> memref<64x64xi32, #tpu.memory_space<hbm>>
      %dma_start3A_63 = arith.constant 0 : i32
      %dma_start3A_64 = tpu.memref_slice %arg6[%add3A_19, %dma_start3A_63] : memref<51200x64xi32, #tpu.memory_space<hbm>> -> memref<64x64xi32, #tpu.memory_space<hbm>>
      %dma_start3A_65 = arith.constant 0 : i32
      %dma_start3A_66 = arith.constant 0 : i32
      %dma_start3A_67 = tpu.memref_slice %arg13[%dma_start3A_65, %dma_start3A_66] : memref<128x64xi32, #tpu.memory_space<vmem>> -> memref<64x64xi32, #tpu.memory_space<vmem>>
      tpu.enqueue_dma source(%dma_start3A_67 : memref<64x64xi32, #tpu.memory_space<vmem>>) target(%dma_start3A_64 : memref<64x64xi32, #tpu.memory_space<hbm>>) target_semaphore(%run_scoped3A : memref<!tpu.dma_semaphore, #tpu.memory_space<semaphore_mem>>)
      %dma_wait3A_68 = arith.constant 0 : i32
      %dma_wait3A_69 = arith.constant 0 : i32
      %dma_wait3A_70 = tpu.memref_slice %arg13[%dma_wait3A_68, %dma_wait3A_69] : memref<128x64xi32, #tpu.memory_space<vmem>> -> memref<64x64xi32, #tpu.memory_space<vmem>>
      %dma_wait3A_71 = arith.constant 0 : i32
      %dma_wait3A_72 = tpu.memref_slice %arg6[%add3A_19, %dma_wait3A_71] : memref<51200x64xi32, #tpu.memory_space<hbm>> -> memref<64x64xi32, #tpu.memory_space<hbm>>
      %dma_wait3A_73 = arith.constant 0 : i32
      %dma_wait3A_74 = tpu.memref_slice %arg6[%add3A_19, %dma_wait3A_73] : memref<51200x64xi32, #tpu.memory_space<hbm>> -> memref<64x64xi32, #tpu.memory_space<hbm>>
      %dma_wait3A_75 = arith.constant 0 : i32
      %dma_wait3A_76 = arith.constant 0 : i32
      %dma_wait3A_77 = tpu.memref_slice %arg13[%dma_wait3A_75, %dma_wait3A_76] : memref<128x64xi32, #tpu.memory_space<vmem>> -> memref<64x64xi32, #tpu.memory_space<vmem>>
      tpu.wait_dma2 semaphore(%run_scoped3A : memref<!tpu.dma_semaphore, #tpu.memory_space<semaphore_mem>>) src(%dma_wait3A_77 : memref<64x64xi32, #tpu.memory_space<vmem>>) dst(%dma_wait3A_74 : memref<64x64xi32, #tpu.memory_space<hbm>>)
      tpu.yield
    }) : () -> ()
    return
  }
}

#map = affine_map<(d0, d1) -> (0, 0)>
#map1 = affine_map<(d0, d1) -> (0)>
module attributes {stable_mosaic.version = 14 : i64} {
  func.func @_gather_sum(%arg0: i32, %arg1: i32, %arg2: memref<100000x128xf32, #tpu.memory_space<hbm>>, %arg3: memref<8000x128xf32, #tpu.memory_space<hbm>>, %arg4: memref<204800xi32, #tpu.memory_space<hbm>>, %arg5: memref<204800xi32, #tpu.memory_space<hbm>>, %arg6: memref<51200x64xi32, #tpu.memory_space<hbm>>, %arg7: memref<128xi32, #tpu.memory_space<vmem>>, %arg8: memref<128xi32, #tpu.memory_space<vmem>>, %arg9: memref<128xi32, #tpu.memory_space<vmem>>, %arg10: memref<128xi32, #tpu.memory_space<vmem>>, %arg11: memref<128x128xf32, #tpu.memory_space<vmem>>, %arg12: memref<128x128xf32, #tpu.memory_space<vmem>>, %arg13: memref<128x64xi32, #tpu.memory_space<vmem>>, %arg14: memref<128x64xi32, #tpu.memory_space<vmem>>, %arg15: memref<!tpu.dma_semaphore, #tpu.memory_space<semaphore_mem>>, %arg16: memref<!tpu.dma_semaphore, #tpu.memory_space<semaphore_mem>>, %arg17: memref<!tpu.dma_semaphore, #tpu.memory_space<semaphore_mem>>, %arg18: memref<!tpu.dma_semaphore, #tpu.memory_space<semaphore_mem>>, %arg19: memref<!tpu.dma_semaphore, #tpu.memory_space<semaphore_mem>>, %arg20: memref<!tpu.dma_semaphore, #tpu.memory_space<semaphore_mem>>) attributes {dimension_semantics = [#tpu.dimension_semantics<core_parallel>, #tpu.dimension_semantics<subcore_parallel>], iteration_bounds = array<i64: 2, 16>, scalar_prefetch = 0 : i64, scratch_operands = 14 : i64, tpu.core_type = #tpu.core_type<sc_vector_subcore>, window_params = [{transform_indices = #map}, {transform_indices = #map}, {transform_indices = #map1}, {transform_indices = #map1}, {transform_indices = #map}]} {
    %mul3A = arith.constant 2 : i32
    %mul3A_0 = arith.muli %arg1, %mul3A : i32
    %add3A = arith.addi %mul3A_0, %arg0 : i32
    %mul3A_1 = arith.constant 1600 : i32
    %mul3A_2 = arith.muli %add3A, %mul3A_1 : i32
    %scan3A = arith.constant 0 : i32
    %scan3A_3 = arith.constant 6 : i32
    %scan3A_4 = arith.addi %scan3A, %scan3A_3 : i32
    %scan3A_5 = arith.constant 1 : i32
    scf.for %scan3A_58 = %scan3A to %scan3A_4 step %scan3A_5  : i32 {
      %mul3A_59 = arith.constant 1 : i32
      %mul3A_60 = arith.muli %scan3A_58, %mul3A_59 : i32
      %add3A_61 = arith.constant 0 : i32
      %add3A_62 = arith.addi %add3A_61, %mul3A_60 : i32
      %mul3A_63 = arith.constant 2 : i32
      %mul3A_64 = arith.muli %mul3A_63, %add3A_62 : i32
      %add3A_65 = arith.constant 0 : i32
      %add3A_66 = arith.addi %mul3A_64, %add3A_65 : i32
      %mul3A_67 = arith.constant 128 : i32
      %mul3A_68 = arith.muli %add3A_66, %mul3A_67 : i32
      %add3A_69 = arith.addi %mul3A_2, %mul3A_68 : i32
      %add3A_70 = arith.constant 102400 : i32
      %add3A_71 = arith.addi %add3A_70, %add3A_69 : i32
      "tpu.region"() ({
        %run_scoped3A = tpu.sem_alloc : memref<!tpu.dma_semaphore, #tpu.memory_space<semaphore_mem>>
        %dma_start3A_138 = tpu.memref_slice %arg4[%add3A_71] : memref<204800xi32, #tpu.memory_space<hbm>> -> memref<128xi32, #tpu.memory_space<hbm>>
        %dma_start3A_139 = tpu.memref_slice %arg4[%add3A_71] : memref<204800xi32, #tpu.memory_space<hbm>> -> memref<128xi32, #tpu.memory_space<hbm>>
        tpu.enqueue_dma source(%dma_start3A_139 : memref<128xi32, #tpu.memory_space<hbm>>) target(%arg7 : memref<128xi32, #tpu.memory_space<vmem>>) target_semaphore(%run_scoped3A : memref<!tpu.dma_semaphore, #tpu.memory_space<semaphore_mem>>)
        %dma_wait3A_140 = tpu.memref_slice %arg4[%add3A_71] : memref<204800xi32, #tpu.memory_space<hbm>> -> memref<128xi32, #tpu.memory_space<hbm>>
        %dma_wait3A_141 = tpu.memref_slice %arg4[%add3A_71] : memref<204800xi32, #tpu.memory_space<hbm>> -> memref<128xi32, #tpu.memory_space<hbm>>
        tpu.wait_dma2 semaphore(%run_scoped3A : memref<!tpu.dma_semaphore, #tpu.memory_space<semaphore_mem>>) src(%dma_wait3A_141 : memref<128xi32, #tpu.memory_space<hbm>>) dst(%arg7 : memref<128xi32, #tpu.memory_space<vmem>>)
        tpu.yield
      }) : () -> ()
      "tpu.region"() ({
        %run_scoped3A = tpu.sem_alloc : memref<!tpu.dma_semaphore, #tpu.memory_space<semaphore_mem>>
        %dma_start3A_138 = tpu.memref_slice %arg5[%add3A_71] : memref<204800xi32, #tpu.memory_space<hbm>> -> memref<128xi32, #tpu.memory_space<hbm>>
        %dma_start3A_139 = tpu.memref_slice %arg5[%add3A_71] : memref<204800xi32, #tpu.memory_space<hbm>> -> memref<128xi32, #tpu.memory_space<hbm>>
        tpu.enqueue_dma source(%dma_start3A_139 : memref<128xi32, #tpu.memory_space<hbm>>) target(%arg9 : memref<128xi32, #tpu.memory_space<vmem>>) target_semaphore(%run_scoped3A : memref<!tpu.dma_semaphore, #tpu.memory_space<semaphore_mem>>)
        %dma_wait3A_140 = tpu.memref_slice %arg5[%add3A_71] : memref<204800xi32, #tpu.memory_space<hbm>> -> memref<128xi32, #tpu.memory_space<hbm>>
        %dma_wait3A_141 = tpu.memref_slice %arg5[%add3A_71] : memref<204800xi32, #tpu.memory_space<hbm>> -> memref<128xi32, #tpu.memory_space<hbm>>
        tpu.wait_dma2 semaphore(%run_scoped3A : memref<!tpu.dma_semaphore, #tpu.memory_space<semaphore_mem>>) src(%dma_wait3A_141 : memref<128xi32, #tpu.memory_space<hbm>>) dst(%arg9 : memref<128xi32, #tpu.memory_space<vmem>>)
        tpu.yield
      }) : () -> ()
      %gt3A = arith.constant 0 : i32
      %gt3A_72 = arith.cmpi sgt, %add3A_62, %gt3A : i32
      %convert_element_type3A = arith.extui %gt3A_72 : i1 to i32
      %cond3A = arith.constant 0 : i32
      %cond3A_73 = arith.cmpi ne, %convert_element_type3A, %cond3A : i32
      scf.if %cond3A_73 {
        %add3A_138 = arith.constant 0 : i32
        %add3A_139 = arith.addi %mul3A_64, %add3A_138 : i32
        %sub3A = arith.constant 2 : i32
        %sub3A_140 = arith.subi %add3A_139, %sub3A : i32
        %mul3A_141 = arith.constant 128 : i32
        %mul3A_142 = arith.muli %sub3A_140, %mul3A_141 : i32
        %add3A_143 = arith.addi %mul3A_2, %mul3A_142 : i32
        %dma_wait3A_144 = arith.constant 0 : i32
        %dma_wait3A_145 = tpu.memref_slice %arg6[%add3A_143, %dma_wait3A_144] : memref<51200x64xi32, #tpu.memory_space<hbm>> -> memref<128x64xi32, #tpu.memory_space<hbm>>
        %dma_wait3A_146 = arith.constant 0 : i32
        %dma_wait3A_147 = tpu.memref_slice %arg6[%add3A_143, %dma_wait3A_146] : memref<51200x64xi32, #tpu.memory_space<hbm>> -> memref<128x64xi32, #tpu.memory_space<hbm>>
        tpu.wait_dma2 semaphore(%arg19 : memref<!tpu.dma_semaphore, #tpu.memory_space<semaphore_mem>>) src(%arg13 : memref<128x64xi32, #tpu.memory_space<vmem>>) dst(%dma_wait3A_147 : memref<128x64xi32, #tpu.memory_space<hbm>>)
      } else {
      }
      %dma_start3A_74 = arith.constant 0 : i32
      %dma_start3A_75 = arith.constant 0 : i32
      %dma_start3A_76 = tpu.memref_slice %arg2[%dma_start3A_74, %dma_start3A_75] : memref<100000x128xf32, #tpu.memory_space<hbm>> -> memref<100000x128xf32, #tpu.memory_space<hbm>>
      tpu.enqueue_indirect_dma source(%dma_start3A_76 : memref<100000x128xf32, #tpu.memory_space<hbm>>) target(%arg11 : memref<128x128xf32, #tpu.memory_space<vmem>>) offsets(%arg7 : memref<128xi32, #tpu.memory_space<vmem>>) semaphore(%arg15 : memref<!tpu.dma_semaphore, #tpu.memory_space<semaphore_mem>>)
      %add3A_77 = arith.constant 1 : i32
      %add3A_78 = arith.addi %mul3A_64, %add3A_77 : i32
      %mul3A_79 = arith.constant 128 : i32
      %mul3A_80 = arith.muli %add3A_78, %mul3A_79 : i32
      %add3A_81 = arith.addi %mul3A_2, %mul3A_80 : i32
      %add3A_82 = arith.constant 102400 : i32
      %add3A_83 = arith.addi %add3A_82, %add3A_81 : i32
      "tpu.region"() ({
        %run_scoped3A = tpu.sem_alloc : memref<!tpu.dma_semaphore, #tpu.memory_space<semaphore_mem>>
        %dma_start3A_138 = tpu.memref_slice %arg4[%add3A_83] : memref<204800xi32, #tpu.memory_space<hbm>> -> memref<128xi32, #tpu.memory_space<hbm>>
        %dma_start3A_139 = tpu.memref_slice %arg4[%add3A_83] : memref<204800xi32, #tpu.memory_space<hbm>> -> memref<128xi32, #tpu.memory_space<hbm>>
        tpu.enqueue_dma source(%dma_start3A_139 : memref<128xi32, #tpu.memory_space<hbm>>) target(%arg8 : memref<128xi32, #tpu.memory_space<vmem>>) target_semaphore(%run_scoped3A : memref<!tpu.dma_semaphore, #tpu.memory_space<semaphore_mem>>)
        %dma_wait3A_140 = tpu.memref_slice %arg4[%add3A_83] : memref<204800xi32, #tpu.memory_space<hbm>> -> memref<128xi32, #tpu.memory_space<hbm>>
        %dma_wait3A_141 = tpu.memref_slice %arg4[%add3A_83] : memref<204800xi32, #tpu.memory_space<hbm>> -> memref<128xi32, #tpu.memory_space<hbm>>
        tpu.wait_dma2 semaphore(%run_scoped3A : memref<!tpu.dma_semaphore, #tpu.memory_space<semaphore_mem>>) src(%dma_wait3A_141 : memref<128xi32, #tpu.memory_space<hbm>>) dst(%arg8 : memref<128xi32, #tpu.memory_space<vmem>>)
        tpu.yield
      }) : () -> ()
      "tpu.region"() ({
        %run_scoped3A = tpu.sem_alloc : memref<!tpu.dma_semaphore, #tpu.memory_space<semaphore_mem>>
        %dma_start3A_138 = tpu.memref_slice %arg5[%add3A_83] : memref<204800xi32, #tpu.memory_space<hbm>> -> memref<128xi32, #tpu.memory_space<hbm>>
        %dma_start3A_139 = tpu.memref_slice %arg5[%add3A_83] : memref<204800xi32, #tpu.memory_space<hbm>> -> memref<128xi32, #tpu.memory_space<hbm>>
        tpu.enqueue_dma source(%dma_start3A_139 : memref<128xi32, #tpu.memory_space<hbm>>) target(%arg10 : memref<128xi32, #tpu.memory_space<vmem>>) target_semaphore(%run_scoped3A : memref<!tpu.dma_semaphore, #tpu.memory_space<semaphore_mem>>)
        %dma_wait3A_140 = tpu.memref_slice %arg5[%add3A_83] : memref<204800xi32, #tpu.memory_space<hbm>> -> memref<128xi32, #tpu.memory_space<hbm>>
        %dma_wait3A_141 = tpu.memref_slice %arg5[%add3A_83] : memref<204800xi32, #tpu.memory_space<hbm>> -> memref<128xi32, #tpu.memory_space<hbm>>
        tpu.wait_dma2 semaphore(%run_scoped3A : memref<!tpu.dma_semaphore, #tpu.memory_space<semaphore_mem>>) src(%dma_wait3A_141 : memref<128xi32, #tpu.memory_space<hbm>>) dst(%arg10 : memref<128xi32, #tpu.memory_space<vmem>>)
        tpu.yield
      }) : () -> ()
      %gt3A_84 = arith.constant 0 : i32
      %gt3A_85 = arith.cmpi sgt, %add3A_62, %gt3A_84 : i32
      %convert_element_type3A_86 = arith.extui %gt3A_85 : i1 to i32
      %cond3A_87 = arith.constant 0 : i32
      %cond3A_88 = arith.cmpi ne, %convert_element_type3A_86, %cond3A_87 : i32
      scf.if %cond3A_88 {
        %add3A_138 = arith.constant 1 : i32
        %add3A_139 = arith.addi %mul3A_64, %add3A_138 : i32
        %sub3A = arith.constant 2 : i32
        %sub3A_140 = arith.subi %add3A_139, %sub3A : i32
        %mul3A_141 = arith.constant 128 : i32
        %mul3A_142 = arith.muli %sub3A_140, %mul3A_141 : i32
        %add3A_143 = arith.addi %mul3A_2, %mul3A_142 : i32
        %dma_wait3A_144 = arith.constant 0 : i32
        %dma_wait3A_145 = tpu.memref_slice %arg6[%add3A_143, %dma_wait3A_144] : memref<51200x64xi32, #tpu.memory_space<hbm>> -> memref<128x64xi32, #tpu.memory_space<hbm>>
        %dma_wait3A_146 = arith.constant 0 : i32
        %dma_wait3A_147 = tpu.memref_slice %arg6[%add3A_143, %dma_wait3A_146] : memref<51200x64xi32, #tpu.memory_space<hbm>> -> memref<128x64xi32, #tpu.memory_space<hbm>>
        tpu.wait_dma2 semaphore(%arg20 : memref<!tpu.dma_semaphore, #tpu.memory_space<semaphore_mem>>) src(%arg14 : memref<128x64xi32, #tpu.memory_space<vmem>>) dst(%dma_wait3A_147 : memref<128x64xi32, #tpu.memory_space<hbm>>)
      } else {
      }
      %dma_start3A_89 = arith.constant 0 : i32
      %dma_start3A_90 = arith.constant 0 : i32
      %dma_start3A_91 = tpu.memref_slice %arg2[%dma_start3A_89, %dma_start3A_90] : memref<100000x128xf32, #tpu.memory_space<hbm>> -> memref<100000x128xf32, #tpu.memory_space<hbm>>
      tpu.enqueue_indirect_dma source(%dma_start3A_91 : memref<100000x128xf32, #tpu.memory_space<hbm>>) target(%arg12 : memref<128x128xf32, #tpu.memory_space<vmem>>) offsets(%arg8 : memref<128xi32, #tpu.memory_space<vmem>>) semaphore(%arg16 : memref<!tpu.dma_semaphore, #tpu.memory_space<semaphore_mem>>)
      %dma_wait3A_92 = arith.constant 0 : i32
      %dma_wait3A_93 = arith.constant 0 : i32
      %dma_wait3A_94 = tpu.memref_slice %arg2[%dma_wait3A_92, %dma_wait3A_93] : memref<100000x128xf32, #tpu.memory_space<hbm>> -> memref<100000x128xf32, #tpu.memory_space<hbm>>
      tpu.wait_indirect_dma semaphore(%arg15 : memref<!tpu.dma_semaphore, #tpu.memory_space<semaphore_mem>>) src(%dma_wait3A_94 : memref<100000x128xf32, #tpu.memory_space<hbm>>) dst(%arg11 : memref<128x128xf32, #tpu.memory_space<vmem>>)
      %dma_start3A_95 = arith.constant 0 : i32
      %dma_start3A_96 = arith.constant 0 : i32
      %dma_start3A_97 = tpu.memref_slice %arg3[%dma_start3A_95, %dma_start3A_96] : memref<8000x128xf32, #tpu.memory_space<hbm>> -> memref<8000x128xf32, #tpu.memory_space<hbm>>
      tpu.enqueue_indirect_dma source(%dma_start3A_97 : memref<8000x128xf32, #tpu.memory_space<hbm>>) target(%arg11 : memref<128x128xf32, #tpu.memory_space<vmem>>) offsets(%arg9 : memref<128xi32, #tpu.memory_space<vmem>>) semaphore(%arg17 : memref<!tpu.dma_semaphore, #tpu.memory_space<semaphore_mem>>) {add = true}
      %dma_wait3A_98 = arith.constant 0 : i32
      %dma_wait3A_99 = arith.constant 0 : i32
      %dma_wait3A_100 = tpu.memref_slice %arg2[%dma_wait3A_98, %dma_wait3A_99] : memref<100000x128xf32, #tpu.memory_space<hbm>> -> memref<100000x128xf32, #tpu.memory_space<hbm>>
      tpu.wait_indirect_dma semaphore(%arg16 : memref<!tpu.dma_semaphore, #tpu.memory_space<semaphore_mem>>) src(%dma_wait3A_100 : memref<100000x128xf32, #tpu.memory_space<hbm>>) dst(%arg12 : memref<128x128xf32, #tpu.memory_space<vmem>>)
      %dma_start3A_101 = arith.constant 0 : i32
      %dma_start3A_102 = arith.constant 0 : i32
      %dma_start3A_103 = tpu.memref_slice %arg3[%dma_start3A_101, %dma_start3A_102] : memref<8000x128xf32, #tpu.memory_space<hbm>> -> memref<8000x128xf32, #tpu.memory_space<hbm>>
      tpu.enqueue_indirect_dma source(%dma_start3A_103 : memref<8000x128xf32, #tpu.memory_space<hbm>>) target(%arg12 : memref<128x128xf32, #tpu.memory_space<vmem>>) offsets(%arg10 : memref<128xi32, #tpu.memory_space<vmem>>) semaphore(%arg18 : memref<!tpu.dma_semaphore, #tpu.memory_space<semaphore_mem>>) {add = true}
      %dma_wait3A_104 = arith.constant 0 : i32
      %dma_wait3A_105 = arith.constant 0 : i32
      %dma_wait3A_106 = tpu.memref_slice %arg3[%dma_wait3A_104, %dma_wait3A_105] : memref<8000x128xf32, #tpu.memory_space<hbm>> -> memref<8000x128xf32, #tpu.memory_space<hbm>>
      tpu.wait_indirect_dma semaphore(%arg17 : memref<!tpu.dma_semaphore, #tpu.memory_space<semaphore_mem>>) src(%dma_wait3A_106 : memref<8000x128xf32, #tpu.memory_space<hbm>>) dst(%arg11 : memref<128x128xf32, #tpu.memory_space<vmem>>)
      %scan3A_107 = arith.constant 0 : i32
      %scan3A_108 = arith.constant 128 : i32
      %scan3A_109 = arith.addi %scan3A_107, %scan3A_108 : i32
      %scan3A_110 = arith.constant 1 : i32
      scf.for %scan3A_138 = %scan3A_107 to %scan3A_109 step %scan3A_110  : i32 {
        %mul3A_139 = arith.constant 1 : i32
        %mul3A_140 = arith.muli %scan3A_138, %mul3A_139 : i32
        %add3A_141 = arith.constant 0 : i32
        %add3A_142 = arith.addi %add3A_141, %mul3A_140 : i32
        %get3A = arith.index_cast %add3A_142 : i32 to index
        %get3A_143 = arith.constant 0 : index
        %get3A_144 = tpu.vector_load %arg11[%get3A, %get3A_143] {strides = array<i32>} : memref<128x128xf32, #tpu.memory_space<vmem>>, vector<16xf32>,
        %get3A_145 = arith.index_cast %add3A_142 : i32 to index
        %get3A_146 = arith.constant 64 : index
        %get3A_147 = tpu.vector_load %arg11[%get3A_145, %get3A_146] {strides = array<i32>} : memref<128x128xf32, #tpu.memory_space<vmem>>, vector<16xf32>,
        %bitcast3A = vector.bitcast %get3A_144 : vector<16xf32> to vector<16xi32>
        %bitcast3A_148 = vector.bitcast %get3A_147 : vector<16xf32> to vector<16xi32>
        %add3A_149 = arith.constant 32767 : i32
        %add3A_150 = vector.broadcast %add3A_149 : i32 to vector<16xi32>
        %add3A_151 = arith.addi %bitcast3A, %add3A_150 : vector<16xi32>
        %shift_right_logical3A = arith.constant 16 : i32
        %shift_right_logical3A_152 = vector.broadcast %shift_right_logical3A : i32 to vector<16xi32>
        %shift_right_logical3A_153 = arith.shrui %bitcast3A, %shift_right_logical3A_152 : vector<16xi32>
        %and3A = arith.constant 1 : i32
        %and3A_154 = vector.broadcast %and3A : i32 to vector<16xi32>
        %and3A_155 = arith.andi %shift_right_logical3A_153, %and3A_154 : vector<16xi32>
        %add3A_156 = arith.addi %add3A_151, %and3A_155 : vector<16xi32>
        %add3A_157 = arith.constant 32767 : i32
        %add3A_158 = vector.broadcast %add3A_157 : i32 to vector<16xi32>
        %add3A_159 = arith.addi %bitcast3A_148, %add3A_158 : vector<16xi32>
        %shift_right_logical3A_160 = arith.constant 16 : i32
        %shift_right_logical3A_161 = vector.broadcast %shift_right_logical3A_160 : i32 to vector<16xi32>
        %shift_right_logical3A_162 = arith.shrui %bitcast3A_148, %shift_right_logical3A_161 : vector<16xi32>
        %and3A_163 = arith.constant 1 : i32
        %and3A_164 = vector.broadcast %and3A_163 : i32 to vector<16xi32>
        %and3A_165 = arith.andi %shift_right_logical3A_162, %and3A_164 : vector<16xi32>
        %add3A_166 = arith.addi %add3A_159, %and3A_165 : vector<16xi32>
        %shift_right_logical3A_167 = arith.constant 16 : i32
        %shift_right_logical3A_168 = vector.broadcast %shift_right_logical3A_167 : i32 to vector<16xi32>
        %shift_right_logical3A_169 = arith.shrui %add3A_156, %shift_right_logical3A_168 : vector<16xi32>
        %and3A_170 = arith.constant -65536 : i32
        %and3A_171 = vector.broadcast %and3A_170 : i32 to vector<16xi32>
        %and3A_172 = arith.andi %add3A_166, %and3A_171 : vector<16xi32>
        %or3A = arith.ori %shift_right_logical3A_169, %and3A_172 : vector<16xi32>
        %swap3A = arith.index_cast %add3A_142 : i32 to index
        %swap3A_173 = arith.constant 0 : index
        %swap3A_174 = tpu.vector_load %arg13[%swap3A, %swap3A_173] {strides = array<i32>} : memref<128x64xi32, #tpu.memory_space<vmem>>, vector<16xi32>,
        tpu.vector_store %arg13[%swap3A, %swap3A_173], %or3A {strides = array<i32>} : memref<128x64xi32, #tpu.memory_space<vmem>>, vector<16xi32>,
        %get3A_175 = arith.index_cast %add3A_142 : i32 to index
        %get3A_176 = arith.constant 16 : index
        %get3A_177 = tpu.vector_load %arg11[%get3A_175, %get3A_176] {strides = array<i32>} : memref<128x128xf32, #tpu.memory_space<vmem>>, vector<16xf32>,
        %get3A_178 = arith.index_cast %add3A_142 : i32 to index
        %get3A_179 = arith.constant 80 : index
        %get3A_180 = tpu.vector_load %arg11[%get3A_178, %get3A_179] {strides = array<i32>} : memref<128x128xf32, #tpu.memory_space<vmem>>, vector<16xf32>,
        %bitcast3A_181 = vector.bitcast %get3A_177 : vector<16xf32> to vector<16xi32>
        %bitcast3A_182 = vector.bitcast %get3A_180 : vector<16xf32> to vector<16xi32>
        %add3A_183 = arith.constant 32767 : i32
        %add3A_184 = vector.broadcast %add3A_183 : i32 to vector<16xi32>
        %add3A_185 = arith.addi %bitcast3A_181, %add3A_184 : vector<16xi32>
        %shift_right_logical3A_186 = arith.constant 16 : i32
        %shift_right_logical3A_187 = vector.broadcast %shift_right_logical3A_186 : i32 to vector<16xi32>
        %shift_right_logical3A_188 = arith.shrui %bitcast3A_181, %shift_right_logical3A_187 : vector<16xi32>
        %and3A_189 = arith.constant 1 : i32
        %and3A_190 = vector.broadcast %and3A_189 : i32 to vector<16xi32>
        %and3A_191 = arith.andi %shift_right_logical3A_188, %and3A_190 : vector<16xi32>
        %add3A_192 = arith.addi %add3A_185, %and3A_191 : vector<16xi32>
        %add3A_193 = arith.constant 32767 : i32
        %add3A_194 = vector.broadcast %add3A_193 : i32 to vector<16xi32>
        %add3A_195 = arith.addi %bitcast3A_182, %add3A_194 : vector<16xi32>
        %shift_right_logical3A_196 = arith.constant 16 : i32
        %shift_right_logical3A_197 = vector.broadcast %shift_right_logical3A_196 : i32 to vector<16xi32>
        %shift_right_logical3A_198 = arith.shrui %bitcast3A_182, %shift_right_logical3A_197 : vector<16xi32>
        %and3A_199 = arith.constant 1 : i32
        %and3A_200 = vector.broadcast %and3A_199 : i32 to vector<16xi32>
        %and3A_201 = arith.andi %shift_right_logical3A_198, %and3A_200 : vector<16xi32>
        %add3A_202 = arith.addi %add3A_195, %and3A_201 : vector<16xi32>
        %shift_right_logical3A_203 = arith.constant 16 : i32
        %shift_right_logical3A_204 = vector.broadcast %shift_right_logical3A_203 : i32 to vector<16xi32>
        %shift_right_logical3A_205 = arith.shrui %add3A_192, %shift_right_logical3A_204 : vector<16xi32>
        %and3A_206 = arith.constant -65536 : i32
        %and3A_207 = vector.broadcast %and3A_206 : i32 to vector<16xi32>
        %and3A_208 = arith.andi %add3A_202, %and3A_207 : vector<16xi32>
        %or3A_209 = arith.ori %shift_right_logical3A_205, %and3A_208 : vector<16xi32>
        %swap3A_210 = arith.index_cast %add3A_142 : i32 to index
        %swap3A_211 = arith.constant 16 : index
        %swap3A_212 = tpu.vector_load %arg13[%swap3A_210, %swap3A_211] {strides = array<i32>} : memref<128x64xi32, #tpu.memory_space<vmem>>, vector<16xi32>,
        tpu.vector_store %arg13[%swap3A_210, %swap3A_211], %or3A_209 {strides = array<i32>} : memref<128x64xi32, #tpu.memory_space<vmem>>, vector<16xi32>,
        %get3A_213 = arith.index_cast %add3A_142 : i32 to index
        %get3A_214 = arith.constant 32 : index
        %get3A_215 = tpu.vector_load %arg11[%get3A_213, %get3A_214] {strides = array<i32>} : memref<128x128xf32, #tpu.memory_space<vmem>>, vector<16xf32>,
        %get3A_216 = arith.index_cast %add3A_142 : i32 to index
        %get3A_217 = arith.constant 96 : index
        %get3A_218 = tpu.vector_load %arg11[%get3A_216, %get3A_217] {strides = array<i32>} : memref<128x128xf32, #tpu.memory_space<vmem>>, vector<16xf32>,
        %bitcast3A_219 = vector.bitcast %get3A_215 : vector<16xf32> to vector<16xi32>
        %bitcast3A_220 = vector.bitcast %get3A_218 : vector<16xf32> to vector<16xi32>
        %add3A_221 = arith.constant 32767 : i32
        %add3A_222 = vector.broadcast %add3A_221 : i32 to vector<16xi32>
        %add3A_223 = arith.addi %bitcast3A_219, %add3A_222 : vector<16xi32>
        %shift_right_logical3A_224 = arith.constant 16 : i32
        %shift_right_logical3A_225 = vector.broadcast %shift_right_logical3A_224 : i32 to vector<16xi32>
        %shift_right_logical3A_226 = arith.shrui %bitcast3A_219, %shift_right_logical3A_225 : vector<16xi32>
        %and3A_227 = arith.constant 1 : i32
        %and3A_228 = vector.broadcast %and3A_227 : i32 to vector<16xi32>
        %and3A_229 = arith.andi %shift_right_logical3A_226, %and3A_228 : vector<16xi32>
        %add3A_230 = arith.addi %add3A_223, %and3A_229 : vector<16xi32>
        %add3A_231 = arith.constant 32767 : i32
        %add3A_232 = vector.broadcast %add3A_231 : i32 to vector<16xi32>
        %add3A_233 = arith.addi %bitcast3A_220, %add3A_232 : vector<16xi32>
        %shift_right_logical3A_234 = arith.constant 16 : i32
        %shift_right_logical3A_235 = vector.broadcast %shift_right_logical3A_234 : i32 to vector<16xi32>
        %shift_right_logical3A_236 = arith.shrui %bitcast3A_220, %shift_right_logical3A_235 : vector<16xi32>
        %and3A_237 = arith.constant 1 : i32
        %and3A_238 = vector.broadcast %and3A_237 : i32 to vector<16xi32>
        %and3A_239 = arith.andi %shift_right_logical3A_236, %and3A_238 : vector<16xi32>
        %add3A_240 = arith.addi %add3A_233, %and3A_239 : vector<16xi32>
        %shift_right_logical3A_241 = arith.constant 16 : i32
        %shift_right_logical3A_242 = vector.broadcast %shift_right_logical3A_241 : i32 to vector<16xi32>
        %shift_right_logical3A_243 = arith.shrui %add3A_230, %shift_right_logical3A_242 : vector<16xi32>
        %and3A_244 = arith.constant -65536 : i32
        %and3A_245 = vector.broadcast %and3A_244 : i32 to vector<16xi32>
        %and3A_246 = arith.andi %add3A_240, %and3A_245 : vector<16xi32>
        %or3A_247 = arith.ori %shift_right_logical3A_243, %and3A_246 : vector<16xi32>
        %swap3A_248 = arith.index_cast %add3A_142 : i32 to index
        %swap3A_249 = arith.constant 32 : index
        %swap3A_250 = tpu.vector_load %arg13[%swap3A_248, %swap3A_249] {strides = array<i32>} : memref<128x64xi32, #tpu.memory_space<vmem>>, vector<16xi32>,
        tpu.vector_store %arg13[%swap3A_248, %swap3A_249], %or3A_247 {strides = array<i32>} : memref<128x64xi32, #tpu.memory_space<vmem>>, vector<16xi32>,
        %get3A_251 = arith.index_cast %add3A_142 : i32 to index
        %get3A_252 = arith.constant 48 : index
        %get3A_253 = tpu.vector_load %arg11[%get3A_251, %get3A_252] {strides = array<i32>} : memref<128x128xf32, #tpu.memory_space<vmem>>, vector<16xf32>,
        %get3A_254 = arith.index_cast %add3A_142 : i32 to index
        %get3A_255 = arith.constant 112 : index
        %get3A_256 = tpu.vector_load %arg11[%get3A_254, %get3A_255] {strides = array<i32>} : memref<128x128xf32, #tpu.memory_space<vmem>>, vector<16xf32>,
        %bitcast3A_257 = vector.bitcast %get3A_253 : vector<16xf32> to vector<16xi32>
        %bitcast3A_258 = vector.bitcast %get3A_256 : vector<16xf32> to vector<16xi32>
        %add3A_259 = arith.constant 32767 : i32
        %add3A_260 = vector.broadcast %add3A_259 : i32 to vector<16xi32>
        %add3A_261 = arith.addi %bitcast3A_257, %add3A_260 : vector<16xi32>
        %shift_right_logical3A_262 = arith.constant 16 : i32
        %shift_right_logical3A_263 = vector.broadcast %shift_right_logical3A_262 : i32 to vector<16xi32>
        %shift_right_logical3A_264 = arith.shrui %bitcast3A_257, %shift_right_logical3A_263 : vector<16xi32>
        %and3A_265 = arith.constant 1 : i32
        %and3A_266 = vector.broadcast %and3A_265 : i32 to vector<16xi32>
        %and3A_267 = arith.andi %shift_right_logical3A_264, %and3A_266 : vector<16xi32>
        %add3A_268 = arith.addi %add3A_261, %and3A_267 : vector<16xi32>
        %add3A_269 = arith.constant 32767 : i32
        %add3A_270 = vector.broadcast %add3A_269 : i32 to vector<16xi32>
        %add3A_271 = arith.addi %bitcast3A_258, %add3A_270 : vector<16xi32>
        %shift_right_logical3A_272 = arith.constant 16 : i32
        %shift_right_logical3A_273 = vector.broadcast %shift_right_logical3A_272 : i32 to vector<16xi32>
        %shift_right_logical3A_274 = arith.shrui %bitcast3A_258, %shift_right_logical3A_273 : vector<16xi32>
        %and3A_275 = arith.constant 1 : i32
        %and3A_276 = vector.broadcast %and3A_275 : i32 to vector<16xi32>
        %and3A_277 = arith.andi %shift_right_logical3A_274, %and3A_276 : vector<16xi32>
        %add3A_278 = arith.addi %add3A_271, %and3A_277 : vector<16xi32>
        %shift_right_logical3A_279 = arith.constant 16 : i32
        %shift_right_logical3A_280 = vector.broadcast %shift_right_logical3A_279 : i32 to vector<16xi32>
        %shift_right_logical3A_281 = arith.shrui %add3A_268, %shift_right_logical3A_280 : vector<16xi32>
        %and3A_282 = arith.constant -65536 : i32
        %and3A_283 = vector.broadcast %and3A_282 : i32 to vector<16xi32>
        %and3A_284 = arith.andi %add3A_278, %and3A_283 : vector<16xi32>
        %or3A_285 = arith.ori %shift_right_logical3A_281, %and3A_284 : vector<16xi32>
        %swap3A_286 = arith.index_cast %add3A_142 : i32 to index
        %swap3A_287 = arith.constant 48 : index
        %swap3A_288 = tpu.vector_load %arg13[%swap3A_286, %swap3A_287] {strides = array<i32>} : memref<128x64xi32, #tpu.memory_space<vmem>>, vector<16xi32>,
        tpu.vector_store %arg13[%swap3A_286, %swap3A_287], %or3A_285 {strides = array<i32>} : memref<128x64xi32, #tpu.memory_space<vmem>>, vector<16xi32>,
      }
      %scan3A_111 = arith.constant 128 : i32
      %add3A_112 = arith.constant 0 : i32
      %add3A_113 = arith.addi %mul3A_64, %add3A_112 : i32
      %mul3A_114 = arith.constant 128 : i32
      %mul3A_115 = arith.muli %add3A_113, %mul3A_114 : i32
      %add3A_116 = arith.addi %mul3A_2, %mul3A_115 : i32
      %dma_start3A_117 = arith.constant 0 : i32
      %dma_start3A_118 = tpu.memref_slice %arg6[%add3A_116, %dma_start3A_117] : memref<51200x64xi32, #tpu.memory_space<hbm>> -> memref<128x64xi32, #tpu.memory_space<hbm>>
      %dma_start3A_119 = arith.constant 0 : i32
      %dma_start3A_120 = tpu.memref_slice %arg6[%add3A_116, %dma_start3A_119] : memref<51200x64xi32, #tpu.memory_space<hbm>> -> memref<128x64xi32, #tpu.memory_space<hbm>>
      tpu.enqueue_dma source(%arg13 : memref<128x64xi32, #tpu.memory_space<vmem>>) target(%dma_start3A_120 : memref<128x64xi32, #tpu.memory_space<hbm>>) target_semaphore(%arg19 : memref<!tpu.dma_semaphore, #tpu.memory_space<semaphore_mem>>)
      %dma_wait3A_121 = arith.constant 0 : i32
      %dma_wait3A_122 = arith.constant 0 : i32
      %dma_wait3A_123 = tpu.memref_slice %arg3[%dma_wait3A_121, %dma_wait3A_122] : memref<8000x128xf32, #tpu.memory_space<hbm>> -> memref<8000x128xf32, #tpu.memory_space<hbm>>
      tpu.wait_indirect_dma semaphore(%arg18 : memref<!tpu.dma_semaphore, #tpu.memory_space<semaphore_mem>>) src(%dma_wait3A_123 : memref<8000x128xf32, #tpu.memory_space<hbm>>) dst(%arg12 : memref<128x128xf32, #tpu.memory_space<vmem>>)
      %scan3A_124 = arith.constant 0 : i32
      %scan3A_125 = arith.constant 128 : i32
      %scan3A_126 = arith.addi %scan3A_124, %scan3A_125 : i32
      %scan3A_127 = arith.constant 1 : i32
      scf.for %scan3A_138 = %scan3A_124 to %scan3A_126 step %scan3A_127  : i32 {
        %mul3A_139 = arith.constant 1 : i32
        %mul3A_140 = arith.muli %scan3A_138, %mul3A_139 : i32
        %add3A_141 = arith.constant 0 : i32
        %add3A_142 = arith.addi %add3A_141, %mul3A_140 : i32
        %get3A = arith.index_cast %add3A_142 : i32 to index
        %get3A_143 = arith.constant 0 : index
        %get3A_144 = tpu.vector_load %arg12[%get3A, %get3A_143] {strides = array<i32>} : memref<128x128xf32, #tpu.memory_space<vmem>>, vector<16xf32>,
        %get3A_145 = arith.index_cast %add3A_142 : i32 to index
        %get3A_146 = arith.constant 64 : index
        %get3A_147 = tpu.vector_load %arg12[%get3A_145, %get3A_146] {strides = array<i32>} : memref<128x128xf32, #tpu.memory_space<vmem>>, vector<16xf32>,
        %bitcast3A = vector.bitcast %get3A_144 : vector<16xf32> to vector<16xi32>
        %bitcast3A_148 = vector.bitcast %get3A_147 : vector<16xf32> to vector<16xi32>
        %add3A_149 = arith.constant 32767 : i32
        %add3A_150 = vector.broadcast %add3A_149 : i32 to vector<16xi32>
        %add3A_151 = arith.addi %bitcast3A, %add3A_150 : vector<16xi32>
        %shift_right_logical3A = arith.constant 16 : i32
        %shift_right_logical3A_152 = vector.broadcast %shift_right_logical3A : i32 to vector<16xi32>
        %shift_right_logical3A_153 = arith.shrui %bitcast3A, %shift_right_logical3A_152 : vector<16xi32>
        %and3A = arith.constant 1 : i32
        %and3A_154 = vector.broadcast %and3A : i32 to vector<16xi32>
        %and3A_155 = arith.andi %shift_right_logical3A_153, %and3A_154 : vector<16xi32>
        %add3A_156 = arith.addi %add3A_151, %and3A_155 : vector<16xi32>
        %add3A_157 = arith.constant 32767 : i32
        %add3A_158 = vector.broadcast %add3A_157 : i32 to vector<16xi32>
        %add3A_159 = arith.addi %bitcast3A_148, %add3A_158 : vector<16xi32>
        %shift_right_logical3A_160 = arith.constant 16 : i32
        %shift_right_logical3A_161 = vector.broadcast %shift_right_logical3A_160 : i32 to vector<16xi32>
        %shift_right_logical3A_162 = arith.shrui %bitcast3A_148, %shift_right_logical3A_161 : vector<16xi32>
        %and3A_163 = arith.constant 1 : i32
        %and3A_164 = vector.broadcast %and3A_163 : i32 to vector<16xi32>
        %and3A_165 = arith.andi %shift_right_logical3A_162, %and3A_164 : vector<16xi32>
        %add3A_166 = arith.addi %add3A_159, %and3A_165 : vector<16xi32>
        %shift_right_logical3A_167 = arith.constant 16 : i32
        %shift_right_logical3A_168 = vector.broadcast %shift_right_logical3A_167 : i32 to vector<16xi32>
        %shift_right_logical3A_169 = arith.shrui %add3A_156, %shift_right_logical3A_168 : vector<16xi32>
        %and3A_170 = arith.constant -65536 : i32
        %and3A_171 = vector.broadcast %and3A_170 : i32 to vector<16xi32>
        %and3A_172 = arith.andi %add3A_166, %and3A_171 : vector<16xi32>
        %or3A = arith.ori %shift_right_logical3A_169, %and3A_172 : vector<16xi32>
        %swap3A = arith.index_cast %add3A_142 : i32 to index
        %swap3A_173 = arith.constant 0 : index
        %swap3A_174 = tpu.vector_load %arg14[%swap3A, %swap3A_173] {strides = array<i32>} : memref<128x64xi32, #tpu.memory_space<vmem>>, vector<16xi32>,
        tpu.vector_store %arg14[%swap3A, %swap3A_173], %or3A {strides = array<i32>} : memref<128x64xi32, #tpu.memory_space<vmem>>, vector<16xi32>,
        %get3A_175 = arith.index_cast %add3A_142 : i32 to index
        %get3A_176 = arith.constant 16 : index
        %get3A_177 = tpu.vector_load %arg12[%get3A_175, %get3A_176] {strides = array<i32>} : memref<128x128xf32, #tpu.memory_space<vmem>>, vector<16xf32>,
        %get3A_178 = arith.index_cast %add3A_142 : i32 to index
        %get3A_179 = arith.constant 80 : index
        %get3A_180 = tpu.vector_load %arg12[%get3A_178, %get3A_179] {strides = array<i32>} : memref<128x128xf32, #tpu.memory_space<vmem>>, vector<16xf32>,
        %bitcast3A_181 = vector.bitcast %get3A_177 : vector<16xf32> to vector<16xi32>
        %bitcast3A_182 = vector.bitcast %get3A_180 : vector<16xf32> to vector<16xi32>
        %add3A_183 = arith.constant 32767 : i32
        %add3A_184 = vector.broadcast %add3A_183 : i32 to vector<16xi32>
        %add3A_185 = arith.addi %bitcast3A_181, %add3A_184 : vector<16xi32>
        %shift_right_logical3A_186 = arith.constant 16 : i32
        %shift_right_logical3A_187 = vector.broadcast %shift_right_logical3A_186 : i32 to vector<16xi32>
        %shift_right_logical3A_188 = arith.shrui %bitcast3A_181, %shift_right_logical3A_187 : vector<16xi32>
        %and3A_189 = arith.constant 1 : i32
        %and3A_190 = vector.broadcast %and3A_189 : i32 to vector<16xi32>
        %and3A_191 = arith.andi %shift_right_logical3A_188, %and3A_190 : vector<16xi32>
        %add3A_192 = arith.addi %add3A_185, %and3A_191 : vector<16xi32>
        %add3A_193 = arith.constant 32767 : i32
        %add3A_194 = vector.broadcast %add3A_193 : i32 to vector<16xi32>
        %add3A_195 = arith.addi %bitcast3A_182, %add3A_194 : vector<16xi32>
        %shift_right_logical3A_196 = arith.constant 16 : i32
        %shift_right_logical3A_197 = vector.broadcast %shift_right_logical3A_196 : i32 to vector<16xi32>
        %shift_right_logical3A_198 = arith.shrui %bitcast3A_182, %shift_right_logical3A_197 : vector<16xi32>
        %and3A_199 = arith.constant 1 : i32
        %and3A_200 = vector.broadcast %and3A_199 : i32 to vector<16xi32>
        %and3A_201 = arith.andi %shift_right_logical3A_198, %and3A_200 : vector<16xi32>
        %add3A_202 = arith.addi %add3A_195, %and3A_201 : vector<16xi32>
        %shift_right_logical3A_203 = arith.constant 16 : i32
        %shift_right_logical3A_204 = vector.broadcast %shift_right_logical3A_203 : i32 to vector<16xi32>
        %shift_right_logical3A_205 = arith.shrui %add3A_192, %shift_right_logical3A_204 : vector<16xi32>
        %and3A_206 = arith.constant -65536 : i32
        %and3A_207 = vector.broadcast %and3A_206 : i32 to vector<16xi32>
        %and3A_208 = arith.andi %add3A_202, %and3A_207 : vector<16xi32>
        %or3A_209 = arith.ori %shift_right_logical3A_205, %and3A_208 : vector<16xi32>
        %swap3A_210 = arith.index_cast %add3A_142 : i32 to index
        %swap3A_211 = arith.constant 16 : index
        %swap3A_212 = tpu.vector_load %arg14[%swap3A_210, %swap3A_211] {strides = array<i32>} : memref<128x64xi32, #tpu.memory_space<vmem>>, vector<16xi32>,
        tpu.vector_store %arg14[%swap3A_210, %swap3A_211], %or3A_209 {strides = array<i32>} : memref<128x64xi32, #tpu.memory_space<vmem>>, vector<16xi32>,
        %get3A_213 = arith.index_cast %add3A_142 : i32 to index
        %get3A_214 = arith.constant 32 : index
        %get3A_215 = tpu.vector_load %arg12[%get3A_213, %get3A_214] {strides = array<i32>} : memref<128x128xf32, #tpu.memory_space<vmem>>, vector<16xf32>,
        %get3A_216 = arith.index_cast %add3A_142 : i32 to index
        %get3A_217 = arith.constant 96 : index
        %get3A_218 = tpu.vector_load %arg12[%get3A_216, %get3A_217] {strides = array<i32>} : memref<128x128xf32, #tpu.memory_space<vmem>>, vector<16xf32>,
        %bitcast3A_219 = vector.bitcast %get3A_215 : vector<16xf32> to vector<16xi32>
        %bitcast3A_220 = vector.bitcast %get3A_218 : vector<16xf32> to vector<16xi32>
        %add3A_221 = arith.constant 32767 : i32
        %add3A_222 = vector.broadcast %add3A_221 : i32 to vector<16xi32>
        %add3A_223 = arith.addi %bitcast3A_219, %add3A_222 : vector<16xi32>
        %shift_right_logical3A_224 = arith.constant 16 : i32
        %shift_right_logical3A_225 = vector.broadcast %shift_right_logical3A_224 : i32 to vector<16xi32>
        %shift_right_logical3A_226 = arith.shrui %bitcast3A_219, %shift_right_logical3A_225 : vector<16xi32>
        %and3A_227 = arith.constant 1 : i32
        %and3A_228 = vector.broadcast %and3A_227 : i32 to vector<16xi32>
        %and3A_229 = arith.andi %shift_right_logical3A_226, %and3A_228 : vector<16xi32>
        %add3A_230 = arith.addi %add3A_223, %and3A_229 : vector<16xi32>
        %add3A_231 = arith.constant 32767 : i32
        %add3A_232 = vector.broadcast %add3A_231 : i32 to vector<16xi32>
        %add3A_233 = arith.addi %bitcast3A_220, %add3A_232 : vector<16xi32>
        %shift_right_logical3A_234 = arith.constant 16 : i32
        %shift_right_logical3A_235 = vector.broadcast %shift_right_logical3A_234 : i32 to vector<16xi32>
        %shift_right_logical3A_236 = arith.shrui %bitcast3A_220, %shift_right_logical3A_235 : vector<16xi32>
        %and3A_237 = arith.constant 1 : i32
        %and3A_238 = vector.broadcast %and3A_237 : i32 to vector<16xi32>
        %and3A_239 = arith.andi %shift_right_logical3A_236, %and3A_238 : vector<16xi32>
        %add3A_240 = arith.addi %add3A_233, %and3A_239 : vector<16xi32>
        %shift_right_logical3A_241 = arith.constant 16 : i32
        %shift_right_logical3A_242 = vector.broadcast %shift_right_logical3A_241 : i32 to vector<16xi32>
        %shift_right_logical3A_243 = arith.shrui %add3A_230, %shift_right_logical3A_242 : vector<16xi32>
        %and3A_244 = arith.constant -65536 : i32
        %and3A_245 = vector.broadcast %and3A_244 : i32 to vector<16xi32>
        %and3A_246 = arith.andi %add3A_240, %and3A_245 : vector<16xi32>
        %or3A_247 = arith.ori %shift_right_logical3A_243, %and3A_246 : vector<16xi32>
        %swap3A_248 = arith.index_cast %add3A_142 : i32 to index
        %swap3A_249 = arith.constant 32 : index
        %swap3A_250 = tpu.vector_load %arg14[%swap3A_248, %swap3A_249] {strides = array<i32>} : memref<128x64xi32, #tpu.memory_space<vmem>>, vector<16xi32>,
        tpu.vector_store %arg14[%swap3A_248, %swap3A_249], %or3A_247 {strides = array<i32>} : memref<128x64xi32, #tpu.memory_space<vmem>>, vector<16xi32>,
        %get3A_251 = arith.index_cast %add3A_142 : i32 to index
        %get3A_252 = arith.constant 48 : index
        %get3A_253 = tpu.vector_load %arg12[%get3A_251, %get3A_252] {strides = array<i32>} : memref<128x128xf32, #tpu.memory_space<vmem>>, vector<16xf32>,
        %get3A_254 = arith.index_cast %add3A_142 : i32 to index
        %get3A_255 = arith.constant 112 : index
        %get3A_256 = tpu.vector_load %arg12[%get3A_254, %get3A_255] {strides = array<i32>} : memref<128x128xf32, #tpu.memory_space<vmem>>, vector<16xf32>,
        %bitcast3A_257 = vector.bitcast %get3A_253 : vector<16xf32> to vector<16xi32>
        %bitcast3A_258 = vector.bitcast %get3A_256 : vector<16xf32> to vector<16xi32>
        %add3A_259 = arith.constant 32767 : i32
        %add3A_260 = vector.broadcast %add3A_259 : i32 to vector<16xi32>
        %add3A_261 = arith.addi %bitcast3A_257, %add3A_260 : vector<16xi32>
        %shift_right_logical3A_262 = arith.constant 16 : i32
        %shift_right_logical3A_263 = vector.broadcast %shift_right_logical3A_262 : i32 to vector<16xi32>
        %shift_right_logical3A_264 = arith.shrui %bitcast3A_257, %shift_right_logical3A_263 : vector<16xi32>
        %and3A_265 = arith.constant 1 : i32
        %and3A_266 = vector.broadcast %and3A_265 : i32 to vector<16xi32>
        %and3A_267 = arith.andi %shift_right_logical3A_264, %and3A_266 : vector<16xi32>
        %add3A_268 = arith.addi %add3A_261, %and3A_267 : vector<16xi32>
        %add3A_269 = arith.constant 32767 : i32
        %add3A_270 = vector.broadcast %add3A_269 : i32 to vector<16xi32>
        %add3A_271 = arith.addi %bitcast3A_258, %add3A_270 : vector<16xi32>
        %shift_right_logical3A_272 = arith.constant 16 : i32
        %shift_right_logical3A_273 = vector.broadcast %shift_right_logical3A_272 : i32 to vector<16xi32>
        %shift_right_logical3A_274 = arith.shrui %bitcast3A_258, %shift_right_logical3A_273 : vector<16xi32>
        %and3A_275 = arith.constant 1 : i32
        %and3A_276 = vector.broadcast %and3A_275 : i32 to vector<16xi32>
        %and3A_277 = arith.andi %shift_right_logical3A_274, %and3A_276 : vector<16xi32>
        %add3A_278 = arith.addi %add3A_271, %and3A_277 : vector<16xi32>
        %shift_right_logical3A_279 = arith.constant 16 : i32
        %shift_right_logical3A_280 = vector.broadcast %shift_right_logical3A_279 : i32 to vector<16xi32>
        %shift_right_logical3A_281 = arith.shrui %add3A_268, %shift_right_logical3A_280 : vector<16xi32>
        %and3A_282 = arith.constant -65536 : i32
        %and3A_283 = vector.broadcast %and3A_282 : i32 to vector<16xi32>
        %and3A_284 = arith.andi %add3A_278, %and3A_283 : vector<16xi32>
        %or3A_285 = arith.ori %shift_right_logical3A_281, %and3A_284 : vector<16xi32>
        %swap3A_286 = arith.index_cast %add3A_142 : i32 to index
        %swap3A_287 = arith.constant 48 : index
        %swap3A_288 = tpu.vector_load %arg14[%swap3A_286, %swap3A_287] {strides = array<i32>} : memref<128x64xi32, #tpu.memory_space<vmem>>, vector<16xi32>,
        tpu.vector_store %arg14[%swap3A_286, %swap3A_287], %or3A_285 {strides = array<i32>} : memref<128x64xi32, #tpu.memory_space<vmem>>, vector<16xi32>,
      }
      %scan3A_128 = arith.constant 128 : i32
      %add3A_129 = arith.constant 1 : i32
      %add3A_130 = arith.addi %mul3A_64, %add3A_129 : i32
      %mul3A_131 = arith.constant 128 : i32
      %mul3A_132 = arith.muli %add3A_130, %mul3A_131 : i32
      %add3A_133 = arith.addi %mul3A_2, %mul3A_132 : i32
      %dma_start3A_134 = arith.constant 0 : i32
      %dma_start3A_135 = tpu.memref_slice %arg6[%add3A_133, %dma_start3A_134] : memref<51200x64xi32, #tpu.memory_space<hbm>> -> memref<128x64xi32, #tpu.memory_space<hbm>>
      %dma_start3A_136 = arith.constant 0 : i32
      %dma_start3A_137 = tpu.memref_slice %arg6[%add3A_133, %dma_start3A_136] : memref<51200x64xi32, #tpu.memory_space<hbm>> -> memref<128x64xi32, #tpu.memory_space<hbm>>
      tpu.enqueue_dma source(%arg14 : memref<128x64xi32, #tpu.memory_space<vmem>>) target(%dma_start3A_137 : memref<128x64xi32, #tpu.memory_space<hbm>>) target_semaphore(%arg20 : memref<!tpu.dma_semaphore, #tpu.memory_space<semaphore_mem>>)
    }
    %scan3A_6 = arith.constant 6 : i32
    %add3A_7 = arith.constant 1280 : i32
    %add3A_8 = arith.addi %mul3A_2, %add3A_7 : i32
    %dma_wait3A = arith.constant 0 : i32
    %dma_wait3A_9 = tpu.memref_slice %arg6[%add3A_8, %dma_wait3A] : memref<51200x64xi32, #tpu.memory_space<hbm>> -> memref<128x64xi32, #tpu.memory_space<hbm>>
    %dma_wait3A_10 = arith.constant 0 : i32
    %dma_wait3A_11 = tpu.memref_slice %arg6[%add3A_8, %dma_wait3A_10] : memref<51200x64xi32, #tpu.memory_space<hbm>> -> memref<128x64xi32, #tpu.memory_space<hbm>>
    tpu.wait_dma2 semaphore(%arg19 : memref<!tpu.dma_semaphore, #tpu.memory_space<semaphore_mem>>) src(%arg13 : memref<128x64xi32, #tpu.memory_space<vmem>>) dst(%dma_wait3A_11 : memref<128x64xi32, #tpu.memory_space<hbm>>)
    %add3A_12 = arith.constant 1408 : i32
    %add3A_13 = arith.addi %mul3A_2, %add3A_12 : i32
    %dma_wait3A_14 = arith.constant 0 : i32
    %dma_wait3A_15 = tpu.memref_slice %arg6[%add3A_13, %dma_wait3A_14] : memref<51200x64xi32, #tpu.memory_space<hbm>> -> memref<128x64xi32, #tpu.memory_space<hbm>>
    %dma_wait3A_16 = arith.constant 0 : i32
    %dma_wait3A_17 = tpu.memref_slice %arg6[%add3A_13, %dma_wait3A_16] : memref<51200x64xi32, #tpu.memory_space<hbm>> -> memref<128x64xi32, #tpu.memory_space<hbm>>
    tpu.wait_dma2 semaphore(%arg20 : memref<!tpu.dma_semaphore, #tpu.memory_space<semaphore_mem>>) src(%arg14 : memref<128x64xi32, #tpu.memory_space<vmem>>) dst(%dma_wait3A_17 : memref<128x64xi32, #tpu.memory_space<hbm>>)
    %add3A_18 = arith.constant 1536 : i32
    %add3A_19 = arith.addi %mul3A_2, %add3A_18 : i32
    %add3A_20 = arith.constant 102400 : i32
    %add3A_21 = arith.addi %add3A_20, %add3A_19 : i32
    "tpu.region"() ({
      %run_scoped3A = tpu.sem_alloc : memref<!tpu.dma_semaphore, #tpu.memory_space<semaphore_mem>>
      %dma_start3A_58 = arith.constant 0 : i32
      %dma_start3A_59 = tpu.memref_slice %arg7[%dma_start3A_58] : memref<128xi32, #tpu.memory_space<vmem>> -> memref<64xi32, #tpu.memory_space<vmem>>
      %dma_start3A_60 = tpu.memref_slice %arg4[%add3A_21] : memref<204800xi32, #tpu.memory_space<hbm>> -> memref<64xi32, #tpu.memory_space<hbm>>
      %dma_start3A_61 = arith.constant 0 : i32
      %dma_start3A_62 = tpu.memref_slice %arg7[%dma_start3A_61] : memref<128xi32, #tpu.memory_space<vmem>> -> memref<64xi32, #tpu.memory_space<vmem>>
      %dma_start3A_63 = tpu.memref_slice %arg4[%add3A_21] : memref<204800xi32, #tpu.memory_space<hbm>> -> memref<64xi32, #tpu.memory_space<hbm>>
      tpu.enqueue_dma source(%dma_start3A_63 : memref<64xi32, #tpu.memory_space<hbm>>) target(%dma_start3A_62 : memref<64xi32, #tpu.memory_space<vmem>>) target_semaphore(%run_scoped3A : memref<!tpu.dma_semaphore, #tpu.memory_space<semaphore_mem>>)
      %dma_wait3A_64 = arith.constant 0 : i32
      %dma_wait3A_65 = tpu.memref_slice %arg7[%dma_wait3A_64] : memref<128xi32, #tpu.memory_space<vmem>> -> memref<64xi32, #tpu.memory_space<vmem>>
      %dma_wait3A_66 = tpu.memref_slice %arg4[%add3A_21] : memref<204800xi32, #tpu.memory_space<hbm>> -> memref<64xi32, #tpu.memory_space<hbm>>
      %dma_wait3A_67 = arith.constant 0 : i32
      %dma_wait3A_68 = tpu.memref_slice %arg7[%dma_wait3A_67] : memref<128xi32, #tpu.memory_space<vmem>> -> memref<64xi32, #tpu.memory_space<vmem>>
      %dma_wait3A_69 = tpu.memref_slice %arg4[%add3A_21] : memref<204800xi32, #tpu.memory_space<hbm>> -> memref<64xi32, #tpu.memory_space<hbm>>
      tpu.wait_dma2 semaphore(%run_scoped3A : memref<!tpu.dma_semaphore, #tpu.memory_space<semaphore_mem>>) src(%dma_wait3A_69 : memref<64xi32, #tpu.memory_space<hbm>>) dst(%dma_wait3A_68 : memref<64xi32, #tpu.memory_space<vmem>>)
      tpu.yield
    }) : () -> ()
    "tpu.region"() ({
      %run_scoped3A = tpu.sem_alloc : memref<!tpu.dma_semaphore, #tpu.memory_space<semaphore_mem>>
      %dma_start3A_58 = arith.constant 0 : i32
      %dma_start3A_59 = tpu.memref_slice %arg9[%dma_start3A_58] : memref<128xi32, #tpu.memory_space<vmem>> -> memref<64xi32, #tpu.memory_space<vmem>>
      %dma_start3A_60 = tpu.memref_slice %arg5[%add3A_21] : memref<204800xi32, #tpu.memory_space<hbm>> -> memref<64xi32, #tpu.memory_space<hbm>>
      %dma_start3A_61 = arith.constant 0 : i32
      %dma_start3A_62 = tpu.memref_slice %arg9[%dma_start3A_61] : memref<128xi32, #tpu.memory_space<vmem>> -> memref<64xi32, #tpu.memory_space<vmem>>
      %dma_start3A_63 = tpu.memref_slice %arg5[%add3A_21] : memref<204800xi32, #tpu.memory_space<hbm>> -> memref<64xi32, #tpu.memory_space<hbm>>
      tpu.enqueue_dma source(%dma_start3A_63 : memref<64xi32, #tpu.memory_space<hbm>>) target(%dma_start3A_62 : memref<64xi32, #tpu.memory_space<vmem>>) target_semaphore(%run_scoped3A : memref<!tpu.dma_semaphore, #tpu.memory_space<semaphore_mem>>)
      %dma_wait3A_64 = arith.constant 0 : i32
      %dma_wait3A_65 = tpu.memref_slice %arg9[%dma_wait3A_64] : memref<128xi32, #tpu.memory_space<vmem>> -> memref<64xi32, #tpu.memory_space<vmem>>
      %dma_wait3A_66 = tpu.memref_slice %arg5[%add3A_21] : memref<204800xi32, #tpu.memory_space<hbm>> -> memref<64xi32, #tpu.memory_space<hbm>>
      %dma_wait3A_67 = arith.constant 0 : i32
      %dma_wait3A_68 = tpu.memref_slice %arg9[%dma_wait3A_67] : memref<128xi32, #tpu.memory_space<vmem>> -> memref<64xi32, #tpu.memory_space<vmem>>
      %dma_wait3A_69 = tpu.memref_slice %arg5[%add3A_21] : memref<204800xi32, #tpu.memory_space<hbm>> -> memref<64xi32, #tpu.memory_space<hbm>>
      tpu.wait_dma2 semaphore(%run_scoped3A : memref<!tpu.dma_semaphore, #tpu.memory_space<semaphore_mem>>) src(%dma_wait3A_69 : memref<64xi32, #tpu.memory_space<hbm>>) dst(%dma_wait3A_68 : memref<64xi32, #tpu.memory_space<vmem>>)
      tpu.yield
    }) : () -> ()
    %dma_start3A = arith.constant 0 : i32
    %dma_start3A_22 = arith.constant 0 : i32
    %dma_start3A_23 = tpu.memref_slice %arg11[%dma_start3A, %dma_start3A_22] : memref<128x128xf32, #tpu.memory_space<vmem>> -> memref<64x128xf32, #tpu.memory_space<vmem>>
    %dma_start3A_24 = arith.constant 0 : i32
    %dma_start3A_25 = tpu.memref_slice %arg7[%dma_start3A_24] : memref<128xi32, #tpu.memory_space<vmem>> -> memref<64xi32, #tpu.memory_space<vmem>>
    %dma_start3A_26 = arith.constant 0 : i32
    %dma_start3A_27 = arith.constant 0 : i32
    %dma_start3A_28 = tpu.memref_slice %arg2[%dma_start3A_26, %dma_start3A_27] : memref<100000x128xf32, #tpu.memory_space<hbm>> -> memref<100000x128xf32, #tpu.memory_space<hbm>>
    tpu.enqueue_indirect_dma source(%dma_start3A_28 : memref<100000x128xf32, #tpu.memory_space<hbm>>) target(%dma_start3A_23 : memref<64x128xf32, #tpu.memory_space<vmem>>) offsets(%dma_start3A_25 : memref<64xi32, #tpu.memory_space<vmem>>) semaphore(%arg15 : memref<!tpu.dma_semaphore, #tpu.memory_space<semaphore_mem>>)
    %dma_wait3A_29 = arith.constant 0 : i32
    %dma_wait3A_30 = arith.constant 0 : i32
    %dma_wait3A_31 = tpu.memref_slice %arg11[%dma_wait3A_29, %dma_wait3A_30] : memref<128x128xf32, #tpu.memory_space<vmem>> -> memref<64x128xf32, #tpu.memory_space<vmem>>
    %dma_wait3A_32 = arith.constant 0 : i32
    %dma_wait3A_33 = tpu.memref_slice %arg7[%dma_wait3A_32] : memref<128xi32, #tpu.memory_space<vmem>> -> memref<64xi32, #tpu.memory_space<vmem>>
    %dma_wait3A_34 = arith.constant 0 : i32
    %dma_wait3A_35 = arith.constant 0 : i32
    %dma_wait3A_36 = tpu.memref_slice %arg2[%dma_wait3A_34, %dma_wait3A_35] : memref<100000x128xf32, #tpu.memory_space<hbm>> -> memref<100000x128xf32, #tpu.memory_space<hbm>>
    tpu.wait_indirect_dma semaphore(%arg15 : memref<!tpu.dma_semaphore, #tpu.memory_space<semaphore_mem>>) src(%dma_wait3A_36 : memref<100000x128xf32, #tpu.memory_space<hbm>>) dst(%dma_wait3A_31 : memref<64x128xf32, #tpu.memory_space<vmem>>)
    %dma_start3A_37 = arith.constant 0 : i32
    %dma_start3A_38 = arith.constant 0 : i32
    %dma_start3A_39 = tpu.memref_slice %arg11[%dma_start3A_37, %dma_start3A_38] : memref<128x128xf32, #tpu.memory_space<vmem>> -> memref<64x128xf32, #tpu.memory_space<vmem>>
    %dma_start3A_40 = arith.constant 0 : i32
    %dma_start3A_41 = tpu.memref_slice %arg9[%dma_start3A_40] : memref<128xi32, #tpu.memory_space<vmem>> -> memref<64xi32, #tpu.memory_space<vmem>>
    %dma_start3A_42 = arith.constant 0 : i32
    %dma_start3A_43 = arith.constant 0 : i32
    %dma_start3A_44 = tpu.memref_slice %arg3[%dma_start3A_42, %dma_start3A_43] : memref<8000x128xf32, #tpu.memory_space<hbm>> -> memref<8000x128xf32, #tpu.memory_space<hbm>>
    tpu.enqueue_indirect_dma source(%dma_start3A_44 : memref<8000x128xf32, #tpu.memory_space<hbm>>) target(%dma_start3A_39 : memref<64x128xf32, #tpu.memory_space<vmem>>) offsets(%dma_start3A_41 : memref<64xi32, #tpu.memory_space<vmem>>) semaphore(%arg17 : memref<!tpu.dma_semaphore, #tpu.memory_space<semaphore_mem>>) {add = true}
    %dma_wait3A_45 = arith.constant 0 : i32
    %dma_wait3A_46 = arith.constant 0 : i32
    %dma_wait3A_47 = tpu.memref_slice %arg11[%dma_wait3A_45, %dma_wait3A_46] : memref<128x128xf32, #tpu.memory_space<vmem>> -> memref<64x128xf32, #tpu.memory_space<vmem>>
    %dma_wait3A_48 = arith.constant 0 : i32
    %dma_wait3A_49 = tpu.memref_slice %arg9[%dma_wait3A_48] : memref<128xi32, #tpu.memory_space<vmem>> -> memref<64xi32, #tpu.memory_space<vmem>>
    %dma_wait3A_50 = arith.constant 0 : i32
    %dma_wait3A_51 = arith.constant 0 : i32
    %dma_wait3A_52 = tpu.memref_slice %arg3[%dma_wait3A_50, %dma_wait3A_51] : memref<8000x128xf32, #tpu.memory_space<hbm>> -> memref<8000x128xf32, #tpu.memory_space<hbm>>
    tpu.wait_indirect_dma semaphore(%arg17 : memref<!tpu.dma_semaphore, #tpu.memory_space<semaphore_mem>>) src(%dma_wait3A_52 : memref<8000x128xf32, #tpu.memory_space<hbm>>) dst(%dma_wait3A_47 : memref<64x128xf32, #tpu.memory_space<vmem>>)
    %scan3A_53 = arith.constant 0 : i32
    %scan3A_54 = arith.constant 64 : i32
    %scan3A_55 = arith.addi %scan3A_53, %scan3A_54 : i32
    %scan3A_56 = arith.constant 1 : i32
    scf.for %scan3A_58 = %scan3A_53 to %scan3A_55 step %scan3A_56  : i32 {
      %mul3A_59 = arith.constant 1 : i32
      %mul3A_60 = arith.muli %scan3A_58, %mul3A_59 : i32
      %add3A_61 = arith.constant 0 : i32
      %add3A_62 = arith.addi %add3A_61, %mul3A_60 : i32
      %get3A = arith.index_cast %add3A_62 : i32 to index
      %get3A_63 = arith.constant 0 : index
      %get3A_64 = tpu.vector_load %arg11[%get3A, %get3A_63] {strides = array<i32>} : memref<128x128xf32, #tpu.memory_space<vmem>>, vector<16xf32>,
      %get3A_65 = arith.index_cast %add3A_62 : i32 to index
      %get3A_66 = arith.constant 64 : index
      %get3A_67 = tpu.vector_load %arg11[%get3A_65, %get3A_66] {strides = array<i32>} : memref<128x128xf32, #tpu.memory_space<vmem>>, vector<16xf32>,
      %bitcast3A = vector.bitcast %get3A_64 : vector<16xf32> to vector<16xi32>
      %bitcast3A_68 = vector.bitcast %get3A_67 : vector<16xf32> to vector<16xi32>
      %add3A_69 = arith.constant 32767 : i32
      %add3A_70 = vector.broadcast %add3A_69 : i32 to vector<16xi32>
      %add3A_71 = arith.addi %bitcast3A, %add3A_70 : vector<16xi32>
      %shift_right_logical3A = arith.constant 16 : i32
      %shift_right_logical3A_72 = vector.broadcast %shift_right_logical3A : i32 to vector<16xi32>
      %shift_right_logical3A_73 = arith.shrui %bitcast3A, %shift_right_logical3A_72 : vector<16xi32>
      %and3A = arith.constant 1 : i32
      %and3A_74 = vector.broadcast %and3A : i32 to vector<16xi32>
      %and3A_75 = arith.andi %shift_right_logical3A_73, %and3A_74 : vector<16xi32>
      %add3A_76 = arith.addi %add3A_71, %and3A_75 : vector<16xi32>
      %add3A_77 = arith.constant 32767 : i32
      %add3A_78 = vector.broadcast %add3A_77 : i32 to vector<16xi32>
      %add3A_79 = arith.addi %bitcast3A_68, %add3A_78 : vector<16xi32>
      %shift_right_logical3A_80 = arith.constant 16 : i32
      %shift_right_logical3A_81 = vector.broadcast %shift_right_logical3A_80 : i32 to vector<16xi32>
      %shift_right_logical3A_82 = arith.shrui %bitcast3A_68, %shift_right_logical3A_81 : vector<16xi32>
      %and3A_83 = arith.constant 1 : i32
      %and3A_84 = vector.broadcast %and3A_83 : i32 to vector<16xi32>
      %and3A_85 = arith.andi %shift_right_logical3A_82, %and3A_84 : vector<16xi32>
      %add3A_86 = arith.addi %add3A_79, %and3A_85 : vector<16xi32>
      %shift_right_logical3A_87 = arith.constant 16 : i32
      %shift_right_logical3A_88 = vector.broadcast %shift_right_logical3A_87 : i32 to vector<16xi32>
      %shift_right_logical3A_89 = arith.shrui %add3A_76, %shift_right_logical3A_88 : vector<16xi32>
      %and3A_90 = arith.constant -65536 : i32
      %and3A_91 = vector.broadcast %and3A_90 : i32 to vector<16xi32>
      %and3A_92 = arith.andi %add3A_86, %and3A_91 : vector<16xi32>
      %or3A = arith.ori %shift_right_logical3A_89, %and3A_92 : vector<16xi32>
      %swap3A = arith.index_cast %add3A_62 : i32 to index
      %swap3A_93 = arith.constant 0 : index
      %swap3A_94 = tpu.vector_load %arg13[%swap3A, %swap3A_93] {strides = array<i32>} : memref<128x64xi32, #tpu.memory_space<vmem>>, vector<16xi32>,
      tpu.vector_store %arg13[%swap3A, %swap3A_93], %or3A {strides = array<i32>} : memref<128x64xi32, #tpu.memory_space<vmem>>, vector<16xi32>,
      %get3A_95 = arith.index_cast %add3A_62 : i32 to index
      %get3A_96 = arith.constant 16 : index
      %get3A_97 = tpu.vector_load %arg11[%get3A_95, %get3A_96] {strides = array<i32>} : memref<128x128xf32, #tpu.memory_space<vmem>>, vector<16xf32>,
      %get3A_98 = arith.index_cast %add3A_62 : i32 to index
      %get3A_99 = arith.constant 80 : index
      %get3A_100 = tpu.vector_load %arg11[%get3A_98, %get3A_99] {strides = array<i32>} : memref<128x128xf32, #tpu.memory_space<vmem>>, vector<16xf32>,
      %bitcast3A_101 = vector.bitcast %get3A_97 : vector<16xf32> to vector<16xi32>
      %bitcast3A_102 = vector.bitcast %get3A_100 : vector<16xf32> to vector<16xi32>
      %add3A_103 = arith.constant 32767 : i32
      %add3A_104 = vector.broadcast %add3A_103 : i32 to vector<16xi32>
      %add3A_105 = arith.addi %bitcast3A_101, %add3A_104 : vector<16xi32>
      %shift_right_logical3A_106 = arith.constant 16 : i32
      %shift_right_logical3A_107 = vector.broadcast %shift_right_logical3A_106 : i32 to vector<16xi32>
      %shift_right_logical3A_108 = arith.shrui %bitcast3A_101, %shift_right_logical3A_107 : vector<16xi32>
      %and3A_109 = arith.constant 1 : i32
      %and3A_110 = vector.broadcast %and3A_109 : i32 to vector<16xi32>
      %and3A_111 = arith.andi %shift_right_logical3A_108, %and3A_110 : vector<16xi32>
      %add3A_112 = arith.addi %add3A_105, %and3A_111 : vector<16xi32>
      %add3A_113 = arith.constant 32767 : i32
      %add3A_114 = vector.broadcast %add3A_113 : i32 to vector<16xi32>
      %add3A_115 = arith.addi %bitcast3A_102, %add3A_114 : vector<16xi32>
      %shift_right_logical3A_116 = arith.constant 16 : i32
      %shift_right_logical3A_117 = vector.broadcast %shift_right_logical3A_116 : i32 to vector<16xi32>
      %shift_right_logical3A_118 = arith.shrui %bitcast3A_102, %shift_right_logical3A_117 : vector<16xi32>
      %and3A_119 = arith.constant 1 : i32
      %and3A_120 = vector.broadcast %and3A_119 : i32 to vector<16xi32>
      %and3A_121 = arith.andi %shift_right_logical3A_118, %and3A_120 : vector<16xi32>
      %add3A_122 = arith.addi %add3A_115, %and3A_121 : vector<16xi32>
      %shift_right_logical3A_123 = arith.constant 16 : i32
      %shift_right_logical3A_124 = vector.broadcast %shift_right_logical3A_123 : i32 to vector<16xi32>
      %shift_right_logical3A_125 = arith.shrui %add3A_112, %shift_right_logical3A_124 : vector<16xi32>
      %and3A_126 = arith.constant -65536 : i32
      %and3A_127 = vector.broadcast %and3A_126 : i32 to vector<16xi32>
      %and3A_128 = arith.andi %add3A_122, %and3A_127 : vector<16xi32>
      %or3A_129 = arith.ori %shift_right_logical3A_125, %and3A_128 : vector<16xi32>
      %swap3A_130 = arith.index_cast %add3A_62 : i32 to index
      %swap3A_131 = arith.constant 16 : index
      %swap3A_132 = tpu.vector_load %arg13[%swap3A_130, %swap3A_131] {strides = array<i32>} : memref<128x64xi32, #tpu.memory_space<vmem>>, vector<16xi32>,
      tpu.vector_store %arg13[%swap3A_130, %swap3A_131], %or3A_129 {strides = array<i32>} : memref<128x64xi32, #tpu.memory_space<vmem>>, vector<16xi32>,
      %get3A_133 = arith.index_cast %add3A_62 : i32 to index
      %get3A_134 = arith.constant 32 : index
      %get3A_135 = tpu.vector_load %arg11[%get3A_133, %get3A_134] {strides = array<i32>} : memref<128x128xf32, #tpu.memory_space<vmem>>, vector<16xf32>,
      %get3A_136 = arith.index_cast %add3A_62 : i32 to index
      %get3A_137 = arith.constant 96 : index
      %get3A_138 = tpu.vector_load %arg11[%get3A_136, %get3A_137] {strides = array<i32>} : memref<128x128xf32, #tpu.memory_space<vmem>>, vector<16xf32>,
      %bitcast3A_139 = vector.bitcast %get3A_135 : vector<16xf32> to vector<16xi32>
      %bitcast3A_140 = vector.bitcast %get3A_138 : vector<16xf32> to vector<16xi32>
      %add3A_141 = arith.constant 32767 : i32
      %add3A_142 = vector.broadcast %add3A_141 : i32 to vector<16xi32>
      %add3A_143 = arith.addi %bitcast3A_139, %add3A_142 : vector<16xi32>
      %shift_right_logical3A_144 = arith.constant 16 : i32
      %shift_right_logical3A_145 = vector.broadcast %shift_right_logical3A_144 : i32 to vector<16xi32>
      %shift_right_logical3A_146 = arith.shrui %bitcast3A_139, %shift_right_logical3A_145 : vector<16xi32>
      %and3A_147 = arith.constant 1 : i32
      %and3A_148 = vector.broadcast %and3A_147 : i32 to vector<16xi32>
      %and3A_149 = arith.andi %shift_right_logical3A_146, %and3A_148 : vector<16xi32>
      %add3A_150 = arith.addi %add3A_143, %and3A_149 : vector<16xi32>
      %add3A_151 = arith.constant 32767 : i32
      %add3A_152 = vector.broadcast %add3A_151 : i32 to vector<16xi32>
      %add3A_153 = arith.addi %bitcast3A_140, %add3A_152 : vector<16xi32>
      %shift_right_logical3A_154 = arith.constant 16 : i32
      %shift_right_logical3A_155 = vector.broadcast %shift_right_logical3A_154 : i32 to vector<16xi32>
      %shift_right_logical3A_156 = arith.shrui %bitcast3A_140, %shift_right_logical3A_155 : vector<16xi32>
      %and3A_157 = arith.constant 1 : i32
      %and3A_158 = vector.broadcast %and3A_157 : i32 to vector<16xi32>
      %and3A_159 = arith.andi %shift_right_logical3A_156, %and3A_158 : vector<16xi32>
      %add3A_160 = arith.addi %add3A_153, %and3A_159 : vector<16xi32>
      %shift_right_logical3A_161 = arith.constant 16 : i32
      %shift_right_logical3A_162 = vector.broadcast %shift_right_logical3A_161 : i32 to vector<16xi32>
      %shift_right_logical3A_163 = arith.shrui %add3A_150, %shift_right_logical3A_162 : vector<16xi32>
      %and3A_164 = arith.constant -65536 : i32
      %and3A_165 = vector.broadcast %and3A_164 : i32 to vector<16xi32>
      %and3A_166 = arith.andi %add3A_160, %and3A_165 : vector<16xi32>
      %or3A_167 = arith.ori %shift_right_logical3A_163, %and3A_166 : vector<16xi32>
      %swap3A_168 = arith.index_cast %add3A_62 : i32 to index
      %swap3A_169 = arith.constant 32 : index
      %swap3A_170 = tpu.vector_load %arg13[%swap3A_168, %swap3A_169] {strides = array<i32>} : memref<128x64xi32, #tpu.memory_space<vmem>>, vector<16xi32>,
      tpu.vector_store %arg13[%swap3A_168, %swap3A_169], %or3A_167 {strides = array<i32>} : memref<128x64xi32, #tpu.memory_space<vmem>>, vector<16xi32>,
      %get3A_171 = arith.index_cast %add3A_62 : i32 to index
      %get3A_172 = arith.constant 48 : index
      %get3A_173 = tpu.vector_load %arg11[%get3A_171, %get3A_172] {strides = array<i32>} : memref<128x128xf32, #tpu.memory_space<vmem>>, vector<16xf32>,
      %get3A_174 = arith.index_cast %add3A_62 : i32 to index
      %get3A_175 = arith.constant 112 : index
      %get3A_176 = tpu.vector_load %arg11[%get3A_174, %get3A_175] {strides = array<i32>} : memref<128x128xf32, #tpu.memory_space<vmem>>, vector<16xf32>,
      %bitcast3A_177 = vector.bitcast %get3A_173 : vector<16xf32> to vector<16xi32>
      %bitcast3A_178 = vector.bitcast %get3A_176 : vector<16xf32> to vector<16xi32>
      %add3A_179 = arith.constant 32767 : i32
      %add3A_180 = vector.broadcast %add3A_179 : i32 to vector<16xi32>
      %add3A_181 = arith.addi %bitcast3A_177, %add3A_180 : vector<16xi32>
      %shift_right_logical3A_182 = arith.constant 16 : i32
      %shift_right_logical3A_183 = vector.broadcast %shift_right_logical3A_182 : i32 to vector<16xi32>
      %shift_right_logical3A_184 = arith.shrui %bitcast3A_177, %shift_right_logical3A_183 : vector<16xi32>
      %and3A_185 = arith.constant 1 : i32
      %and3A_186 = vector.broadcast %and3A_185 : i32 to vector<16xi32>
      %and3A_187 = arith.andi %shift_right_logical3A_184, %and3A_186 : vector<16xi32>
      %add3A_188 = arith.addi %add3A_181, %and3A_187 : vector<16xi32>
      %add3A_189 = arith.constant 32767 : i32
      %add3A_190 = vector.broadcast %add3A_189 : i32 to vector<16xi32>
      %add3A_191 = arith.addi %bitcast3A_178, %add3A_190 : vector<16xi32>
      %shift_right_logical3A_192 = arith.constant 16 : i32
      %shift_right_logical3A_193 = vector.broadcast %shift_right_logical3A_192 : i32 to vector<16xi32>
      %shift_right_logical3A_194 = arith.shrui %bitcast3A_178, %shift_right_logical3A_193 : vector<16xi32>
      %and3A_195 = arith.constant 1 : i32
      %and3A_196 = vector.broadcast %and3A_195 : i32 to vector<16xi32>
      %and3A_197 = arith.andi %shift_right_logical3A_194, %and3A_196 : vector<16xi32>
      %add3A_198 = arith.addi %add3A_191, %and3A_197 : vector<16xi32>
      %shift_right_logical3A_199 = arith.constant 16 : i32
      %shift_right_logical3A_200 = vector.broadcast %shift_right_logical3A_199 : i32 to vector<16xi32>
      %shift_right_logical3A_201 = arith.shrui %add3A_188, %shift_right_logical3A_200 : vector<16xi32>
      %and3A_202 = arith.constant -65536 : i32
      %and3A_203 = vector.broadcast %and3A_202 : i32 to vector<16xi32>
      %and3A_204 = arith.andi %add3A_198, %and3A_203 : vector<16xi32>
      %or3A_205 = arith.ori %shift_right_logical3A_201, %and3A_204 : vector<16xi32>
      %swap3A_206 = arith.index_cast %add3A_62 : i32 to index
      %swap3A_207 = arith.constant 48 : index
      %swap3A_208 = tpu.vector_load %arg13[%swap3A_206, %swap3A_207] {strides = array<i32>} : memref<128x64xi32, #tpu.memory_space<vmem>>, vector<16xi32>,
      tpu.vector_store %arg13[%swap3A_206, %swap3A_207], %or3A_205 {strides = array<i32>} : memref<128x64xi32, #tpu.memory_space<vmem>>, vector<16xi32>,
    }
    %scan3A_57 = arith.constant 64 : i32
    "tpu.region"() ({
      %run_scoped3A = tpu.sem_alloc : memref<!tpu.dma_semaphore, #tpu.memory_space<semaphore_mem>>
      %dma_start3A_58 = arith.constant 0 : i32
      %dma_start3A_59 = arith.constant 0 : i32
      %dma_start3A_60 = tpu.memref_slice %arg13[%dma_start3A_58, %dma_start3A_59] : memref<128x64xi32, #tpu.memory_space<vmem>> -> memref<64x64xi32, #tpu.memory_space<vmem>>
      %dma_start3A_61 = arith.constant 0 : i32
      %dma_start3A_62 = tpu.memref_slice %arg6[%add3A_19, %dma_start3A_61] : memref<51200x64xi32, #tpu.memory_space<hbm>> -> memref<64x64xi32, #tpu.memory_space<hbm>>
      %dma_start3A_63 = arith.constant 0 : i32
      %dma_start3A_64 = tpu.memref_slice %arg6[%add3A_19, %dma_start3A_63] : memref<51200x64xi32, #tpu.memory_space<hbm>> -> memref<64x64xi32, #tpu.memory_space<hbm>>
      %dma_start3A_65 = arith.constant 0 : i32
      %dma_start3A_66 = arith.constant 0 : i32
      %dma_start3A_67 = tpu.memref_slice %arg13[%dma_start3A_65, %dma_start3A_66] : memref<128x64xi32, #tpu.memory_space<vmem>> -> memref<64x64xi32, #tpu.memory_space<vmem>>
      tpu.enqueue_dma source(%dma_start3A_67 : memref<64x64xi32, #tpu.memory_space<vmem>>) target(%dma_start3A_64 : memref<64x64xi32, #tpu.memory_space<hbm>>) target_semaphore(%run_scoped3A : memref<!tpu.dma_semaphore, #tpu.memory_space<semaphore_mem>>)
      %dma_wait3A_68 = arith.constant 0 : i32
      %dma_wait3A_69 = arith.constant 0 : i32
      %dma_wait3A_70 = tpu.memref_slice %arg13[%dma_wait3A_68, %dma_wait3A_69] : memref<128x64xi32, #tpu.memory_space<vmem>> -> memref<64x64xi32, #tpu.memory_space<vmem>>
      %dma_wait3A_71 = arith.constant 0 : i32
      %dma_wait3A_72 = tpu.memref_slice %arg6[%add3A_19, %dma_wait3A_71] : memref<51200x64xi32, #tpu.memory_space<hbm>> -> memref<64x64xi32, #tpu.memory_space<hbm>>
      %dma_wait3A_73 = arith.constant 0 : i32
      %dma_wait3A_74 = tpu.memref_slice %arg6[%add3A_19, %dma_wait3A_73] : memref<51200x64xi32, #tpu.memory_space<hbm>> -> memref<64x64xi32, #tpu.memory_space<hbm>>
      %dma_wait3A_75 = arith.constant 0 : i32
      %dma_wait3A_76 = arith.constant 0 : i32
      %dma_wait3A_77 = tpu.memref_slice %arg13[%dma_wait3A_75, %dma_wait3A_76] : memref<128x64xi32, #tpu.memory_space<vmem>> -> memref<64x64xi32, #tpu.memory_space<vmem>>
      tpu.wait_dma2 semaphore(%run_scoped3A : memref<!tpu.dma_semaphore, #tpu.memory_space<semaphore_mem>>) src(%dma_wait3A_77 : memref<64x64xi32, #tpu.memory_space<vmem>>) dst(%dma_wait3A_74 : memref<64x64xi32, #tpu.memory_space<hbm>>)
      tpu.yield
    }) : () -> ()
    return
  }
}

#map = affine_map<(d0, d1) -> (0, 0)>
#map1 = affine_map<(d0, d1) -> (0)>
module attributes {stable_mosaic.version = 14 : i64} {
  func.func @_gather_sum(%arg0: i32, %arg1: i32, %arg2: memref<100000x128xf32, #tpu.memory_space<hbm>>, %arg3: memref<8000x128xf32, #tpu.memory_space<hbm>>, %arg4: memref<204800xi32, #tpu.memory_space<hbm>>, %arg5: memref<204800xi32, #tpu.memory_space<hbm>>, %arg6: memref<51200x64xi32, #tpu.memory_space<hbm>>, %arg7: memref<128xi32, #tpu.memory_space<vmem>>, %arg8: memref<128xi32, #tpu.memory_space<vmem>>, %arg9: memref<128xi32, #tpu.memory_space<vmem>>, %arg10: memref<128xi32, #tpu.memory_space<vmem>>, %arg11: memref<128x128xf32, #tpu.memory_space<vmem>>, %arg12: memref<128x128xf32, #tpu.memory_space<vmem>>, %arg13: memref<128x64xi32, #tpu.memory_space<vmem>>, %arg14: memref<128x64xi32, #tpu.memory_space<vmem>>, %arg15: memref<!tpu.dma_semaphore, #tpu.memory_space<semaphore_mem>>, %arg16: memref<!tpu.dma_semaphore, #tpu.memory_space<semaphore_mem>>, %arg17: memref<!tpu.dma_semaphore, #tpu.memory_space<semaphore_mem>>, %arg18: memref<!tpu.dma_semaphore, #tpu.memory_space<semaphore_mem>>, %arg19: memref<!tpu.dma_semaphore, #tpu.memory_space<semaphore_mem>>, %arg20: memref<!tpu.dma_semaphore, #tpu.memory_space<semaphore_mem>>) attributes {dimension_semantics = [#tpu.dimension_semantics<core_parallel>, #tpu.dimension_semantics<subcore_parallel>], iteration_bounds = array<i64: 2, 16>, scalar_prefetch = 0 : i64, scratch_operands = 14 : i64, tpu.core_type = #tpu.core_type<sc_vector_subcore>, window_params = [{transform_indices = #map}, {transform_indices = #map}, {transform_indices = #map1}, {transform_indices = #map1}, {transform_indices = #map}]} {
    %mul3A = arith.constant 2 : i32
    %mul3A_0 = arith.muli %arg1, %mul3A : i32
    %add3A = arith.addi %mul3A_0, %arg0 : i32
    %mul3A_1 = arith.constant 1600 : i32
    %mul3A_2 = arith.muli %add3A, %mul3A_1 : i32
    %scan3A = arith.constant 0 : i32
    %scan3A_3 = arith.constant 6 : i32
    %scan3A_4 = arith.addi %scan3A, %scan3A_3 : i32
    %scan3A_5 = arith.constant 1 : i32
    scf.for %scan3A_58 = %scan3A to %scan3A_4 step %scan3A_5  : i32 {
      %mul3A_59 = arith.constant 1 : i32
      %mul3A_60 = arith.muli %scan3A_58, %mul3A_59 : i32
      %add3A_61 = arith.constant 0 : i32
      %add3A_62 = arith.addi %add3A_61, %mul3A_60 : i32
      %mul3A_63 = arith.constant 2 : i32
      %mul3A_64 = arith.muli %mul3A_63, %add3A_62 : i32
      %add3A_65 = arith.constant 0 : i32
      %add3A_66 = arith.addi %mul3A_64, %add3A_65 : i32
      %mul3A_67 = arith.constant 128 : i32
      %mul3A_68 = arith.muli %add3A_66, %mul3A_67 : i32
      %add3A_69 = arith.addi %mul3A_2, %mul3A_68 : i32
      %add3A_70 = arith.constant 0 : i32
      %add3A_71 = arith.addi %add3A_70, %add3A_69 : i32
      "tpu.region"() ({
        %run_scoped3A = tpu.sem_alloc : memref<!tpu.dma_semaphore, #tpu.memory_space<semaphore_mem>>
        %dma_start3A_138 = tpu.memref_slice %arg4[%add3A_71] : memref<204800xi32, #tpu.memory_space<hbm>> -> memref<128xi32, #tpu.memory_space<hbm>>
        %dma_start3A_139 = tpu.memref_slice %arg4[%add3A_71] : memref<204800xi32, #tpu.memory_space<hbm>> -> memref<128xi32, #tpu.memory_space<hbm>>
        tpu.enqueue_dma source(%dma_start3A_139 : memref<128xi32, #tpu.memory_space<hbm>>) target(%arg7 : memref<128xi32, #tpu.memory_space<vmem>>) target_semaphore(%run_scoped3A : memref<!tpu.dma_semaphore, #tpu.memory_space<semaphore_mem>>)
        %dma_wait3A_140 = tpu.memref_slice %arg4[%add3A_71] : memref<204800xi32, #tpu.memory_space<hbm>> -> memref<128xi32, #tpu.memory_space<hbm>>
        %dma_wait3A_141 = tpu.memref_slice %arg4[%add3A_71] : memref<204800xi32, #tpu.memory_space<hbm>> -> memref<128xi32, #tpu.memory_space<hbm>>
        tpu.wait_dma2 semaphore(%run_scoped3A : memref<!tpu.dma_semaphore, #tpu.memory_space<semaphore_mem>>) src(%dma_wait3A_141 : memref<128xi32, #tpu.memory_space<hbm>>) dst(%arg7 : memref<128xi32, #tpu.memory_space<vmem>>)
        tpu.yield
      }) : () -> ()
      "tpu.region"() ({
        %run_scoped3A = tpu.sem_alloc : memref<!tpu.dma_semaphore, #tpu.memory_space<semaphore_mem>>
        %dma_start3A_138 = tpu.memref_slice %arg5[%add3A_71] : memref<204800xi32, #tpu.memory_space<hbm>> -> memref<128xi32, #tpu.memory_space<hbm>>
        %dma_start3A_139 = tpu.memref_slice %arg5[%add3A_71] : memref<204800xi32, #tpu.memory_space<hbm>> -> memref<128xi32, #tpu.memory_space<hbm>>
        tpu.enqueue_dma source(%dma_start3A_139 : memref<128xi32, #tpu.memory_space<hbm>>) target(%arg9 : memref<128xi32, #tpu.memory_space<vmem>>) target_semaphore(%run_scoped3A : memref<!tpu.dma_semaphore, #tpu.memory_space<semaphore_mem>>)
        %dma_wait3A_140 = tpu.memref_slice %arg5[%add3A_71] : memref<204800xi32, #tpu.memory_space<hbm>> -> memref<128xi32, #tpu.memory_space<hbm>>
        %dma_wait3A_141 = tpu.memref_slice %arg5[%add3A_71] : memref<204800xi32, #tpu.memory_space<hbm>> -> memref<128xi32, #tpu.memory_space<hbm>>
        tpu.wait_dma2 semaphore(%run_scoped3A : memref<!tpu.dma_semaphore, #tpu.memory_space<semaphore_mem>>) src(%dma_wait3A_141 : memref<128xi32, #tpu.memory_space<hbm>>) dst(%arg9 : memref<128xi32, #tpu.memory_space<vmem>>)
        tpu.yield
      }) : () -> ()
      %gt3A = arith.constant 0 : i32
      %gt3A_72 = arith.cmpi sgt, %add3A_62, %gt3A : i32
      %convert_element_type3A = arith.extui %gt3A_72 : i1 to i32
      %cond3A = arith.constant 0 : i32
      %cond3A_73 = arith.cmpi ne, %convert_element_type3A, %cond3A : i32
      scf.if %cond3A_73 {
        %add3A_138 = arith.constant 0 : i32
        %add3A_139 = arith.addi %mul3A_64, %add3A_138 : i32
        %sub3A = arith.constant 2 : i32
        %sub3A_140 = arith.subi %add3A_139, %sub3A : i32
        %mul3A_141 = arith.constant 128 : i32
        %mul3A_142 = arith.muli %sub3A_140, %mul3A_141 : i32
        %add3A_143 = arith.addi %mul3A_2, %mul3A_142 : i32
        %dma_wait3A_144 = arith.constant 0 : i32
        %dma_wait3A_145 = tpu.memref_slice %arg6[%add3A_143, %dma_wait3A_144] : memref<51200x64xi32, #tpu.memory_space<hbm>> -> memref<128x64xi32, #tpu.memory_space<hbm>>
        %dma_wait3A_146 = arith.constant 0 : i32
        %dma_wait3A_147 = tpu.memref_slice %arg6[%add3A_143, %dma_wait3A_146] : memref<51200x64xi32, #tpu.memory_space<hbm>> -> memref<128x64xi32, #tpu.memory_space<hbm>>
        tpu.wait_dma2 semaphore(%arg19 : memref<!tpu.dma_semaphore, #tpu.memory_space<semaphore_mem>>) src(%arg13 : memref<128x64xi32, #tpu.memory_space<vmem>>) dst(%dma_wait3A_147 : memref<128x64xi32, #tpu.memory_space<hbm>>)
      } else {
      }
      %dma_start3A_74 = arith.constant 0 : i32
      %dma_start3A_75 = arith.constant 0 : i32
      %dma_start3A_76 = tpu.memref_slice %arg2[%dma_start3A_74, %dma_start3A_75] : memref<100000x128xf32, #tpu.memory_space<hbm>> -> memref<100000x128xf32, #tpu.memory_space<hbm>>
      tpu.enqueue_indirect_dma source(%dma_start3A_76 : memref<100000x128xf32, #tpu.memory_space<hbm>>) target(%arg11 : memref<128x128xf32, #tpu.memory_space<vmem>>) offsets(%arg7 : memref<128xi32, #tpu.memory_space<vmem>>) semaphore(%arg15 : memref<!tpu.dma_semaphore, #tpu.memory_space<semaphore_mem>>)
      %add3A_77 = arith.constant 1 : i32
      %add3A_78 = arith.addi %mul3A_64, %add3A_77 : i32
      %mul3A_79 = arith.constant 128 : i32
      %mul3A_80 = arith.muli %add3A_78, %mul3A_79 : i32
      %add3A_81 = arith.addi %mul3A_2, %mul3A_80 : i32
      %add3A_82 = arith.constant 0 : i32
      %add3A_83 = arith.addi %add3A_82, %add3A_81 : i32
      "tpu.region"() ({
        %run_scoped3A = tpu.sem_alloc : memref<!tpu.dma_semaphore, #tpu.memory_space<semaphore_mem>>
        %dma_start3A_138 = tpu.memref_slice %arg4[%add3A_83] : memref<204800xi32, #tpu.memory_space<hbm>> -> memref<128xi32, #tpu.memory_space<hbm>>
        %dma_start3A_139 = tpu.memref_slice %arg4[%add3A_83] : memref<204800xi32, #tpu.memory_space<hbm>> -> memref<128xi32, #tpu.memory_space<hbm>>
        tpu.enqueue_dma source(%dma_start3A_139 : memref<128xi32, #tpu.memory_space<hbm>>) target(%arg8 : memref<128xi32, #tpu.memory_space<vmem>>) target_semaphore(%run_scoped3A : memref<!tpu.dma_semaphore, #tpu.memory_space<semaphore_mem>>)
        %dma_wait3A_140 = tpu.memref_slice %arg4[%add3A_83] : memref<204800xi32, #tpu.memory_space<hbm>> -> memref<128xi32, #tpu.memory_space<hbm>>
        %dma_wait3A_141 = tpu.memref_slice %arg4[%add3A_83] : memref<204800xi32, #tpu.memory_space<hbm>> -> memref<128xi32, #tpu.memory_space<hbm>>
        tpu.wait_dma2 semaphore(%run_scoped3A : memref<!tpu.dma_semaphore, #tpu.memory_space<semaphore_mem>>) src(%dma_wait3A_141 : memref<128xi32, #tpu.memory_space<hbm>>) dst(%arg8 : memref<128xi32, #tpu.memory_space<vmem>>)
        tpu.yield
      }) : () -> ()
      "tpu.region"() ({
        %run_scoped3A = tpu.sem_alloc : memref<!tpu.dma_semaphore, #tpu.memory_space<semaphore_mem>>
        %dma_start3A_138 = tpu.memref_slice %arg5[%add3A_83] : memref<204800xi32, #tpu.memory_space<hbm>> -> memref<128xi32, #tpu.memory_space<hbm>>
        %dma_start3A_139 = tpu.memref_slice %arg5[%add3A_83] : memref<204800xi32, #tpu.memory_space<hbm>> -> memref<128xi32, #tpu.memory_space<hbm>>
        tpu.enqueue_dma source(%dma_start3A_139 : memref<128xi32, #tpu.memory_space<hbm>>) target(%arg10 : memref<128xi32, #tpu.memory_space<vmem>>) target_semaphore(%run_scoped3A : memref<!tpu.dma_semaphore, #tpu.memory_space<semaphore_mem>>)
        %dma_wait3A_140 = tpu.memref_slice %arg5[%add3A_83] : memref<204800xi32, #tpu.memory_space<hbm>> -> memref<128xi32, #tpu.memory_space<hbm>>
        %dma_wait3A_141 = tpu.memref_slice %arg5[%add3A_83] : memref<204800xi32, #tpu.memory_space<hbm>> -> memref<128xi32, #tpu.memory_space<hbm>>
        tpu.wait_dma2 semaphore(%run_scoped3A : memref<!tpu.dma_semaphore, #tpu.memory_space<semaphore_mem>>) src(%dma_wait3A_141 : memref<128xi32, #tpu.memory_space<hbm>>) dst(%arg10 : memref<128xi32, #tpu.memory_space<vmem>>)
        tpu.yield
      }) : () -> ()
      %gt3A_84 = arith.constant 0 : i32
      %gt3A_85 = arith.cmpi sgt, %add3A_62, %gt3A_84 : i32
      %convert_element_type3A_86 = arith.extui %gt3A_85 : i1 to i32
      %cond3A_87 = arith.constant 0 : i32
      %cond3A_88 = arith.cmpi ne, %convert_element_type3A_86, %cond3A_87 : i32
      scf.if %cond3A_88 {
        %add3A_138 = arith.constant 1 : i32
        %add3A_139 = arith.addi %mul3A_64, %add3A_138 : i32
        %sub3A = arith.constant 2 : i32
        %sub3A_140 = arith.subi %add3A_139, %sub3A : i32
        %mul3A_141 = arith.constant 128 : i32
        %mul3A_142 = arith.muli %sub3A_140, %mul3A_141 : i32
        %add3A_143 = arith.addi %mul3A_2, %mul3A_142 : i32
        %dma_wait3A_144 = arith.constant 0 : i32
        %dma_wait3A_145 = tpu.memref_slice %arg6[%add3A_143, %dma_wait3A_144] : memref<51200x64xi32, #tpu.memory_space<hbm>> -> memref<128x64xi32, #tpu.memory_space<hbm>>
        %dma_wait3A_146 = arith.constant 0 : i32
        %dma_wait3A_147 = tpu.memref_slice %arg6[%add3A_143, %dma_wait3A_146] : memref<51200x64xi32, #tpu.memory_space<hbm>> -> memref<128x64xi32, #tpu.memory_space<hbm>>
        tpu.wait_dma2 semaphore(%arg20 : memref<!tpu.dma_semaphore, #tpu.memory_space<semaphore_mem>>) src(%arg14 : memref<128x64xi32, #tpu.memory_space<vmem>>) dst(%dma_wait3A_147 : memref<128x64xi32, #tpu.memory_space<hbm>>)
      } else {
      }
      %dma_start3A_89 = arith.constant 0 : i32
      %dma_start3A_90 = arith.constant 0 : i32
      %dma_start3A_91 = tpu.memref_slice %arg2[%dma_start3A_89, %dma_start3A_90] : memref<100000x128xf32, #tpu.memory_space<hbm>> -> memref<100000x128xf32, #tpu.memory_space<hbm>>
      tpu.enqueue_indirect_dma source(%dma_start3A_91 : memref<100000x128xf32, #tpu.memory_space<hbm>>) target(%arg12 : memref<128x128xf32, #tpu.memory_space<vmem>>) offsets(%arg8 : memref<128xi32, #tpu.memory_space<vmem>>) semaphore(%arg16 : memref<!tpu.dma_semaphore, #tpu.memory_space<semaphore_mem>>)
      %dma_wait3A_92 = arith.constant 0 : i32
      %dma_wait3A_93 = arith.constant 0 : i32
      %dma_wait3A_94 = tpu.memref_slice %arg2[%dma_wait3A_92, %dma_wait3A_93] : memref<100000x128xf32, #tpu.memory_space<hbm>> -> memref<100000x128xf32, #tpu.memory_space<hbm>>
      tpu.wait_indirect_dma semaphore(%arg15 : memref<!tpu.dma_semaphore, #tpu.memory_space<semaphore_mem>>) src(%dma_wait3A_94 : memref<100000x128xf32, #tpu.memory_space<hbm>>) dst(%arg11 : memref<128x128xf32, #tpu.memory_space<vmem>>)
      %dma_start3A_95 = arith.constant 0 : i32
      %dma_start3A_96 = arith.constant 0 : i32
      %dma_start3A_97 = tpu.memref_slice %arg3[%dma_start3A_95, %dma_start3A_96] : memref<8000x128xf32, #tpu.memory_space<hbm>> -> memref<8000x128xf32, #tpu.memory_space<hbm>>
      tpu.enqueue_indirect_dma source(%dma_start3A_97 : memref<8000x128xf32, #tpu.memory_space<hbm>>) target(%arg11 : memref<128x128xf32, #tpu.memory_space<vmem>>) offsets(%arg9 : memref<128xi32, #tpu.memory_space<vmem>>) semaphore(%arg17 : memref<!tpu.dma_semaphore, #tpu.memory_space<semaphore_mem>>) {add = true}
      %dma_wait3A_98 = arith.constant 0 : i32
      %dma_wait3A_99 = arith.constant 0 : i32
      %dma_wait3A_100 = tpu.memref_slice %arg2[%dma_wait3A_98, %dma_wait3A_99] : memref<100000x128xf32, #tpu.memory_space<hbm>> -> memref<100000x128xf32, #tpu.memory_space<hbm>>
      tpu.wait_indirect_dma semaphore(%arg16 : memref<!tpu.dma_semaphore, #tpu.memory_space<semaphore_mem>>) src(%dma_wait3A_100 : memref<100000x128xf32, #tpu.memory_space<hbm>>) dst(%arg12 : memref<128x128xf32, #tpu.memory_space<vmem>>)
      %dma_start3A_101 = arith.constant 0 : i32
      %dma_start3A_102 = arith.constant 0 : i32
      %dma_start3A_103 = tpu.memref_slice %arg3[%dma_start3A_101, %dma_start3A_102] : memref<8000x128xf32, #tpu.memory_space<hbm>> -> memref<8000x128xf32, #tpu.memory_space<hbm>>
      tpu.enqueue_indirect_dma source(%dma_start3A_103 : memref<8000x128xf32, #tpu.memory_space<hbm>>) target(%arg12 : memref<128x128xf32, #tpu.memory_space<vmem>>) offsets(%arg10 : memref<128xi32, #tpu.memory_space<vmem>>) semaphore(%arg18 : memref<!tpu.dma_semaphore, #tpu.memory_space<semaphore_mem>>) {add = true}
      %dma_wait3A_104 = arith.constant 0 : i32
      %dma_wait3A_105 = arith.constant 0 : i32
      %dma_wait3A_106 = tpu.memref_slice %arg3[%dma_wait3A_104, %dma_wait3A_105] : memref<8000x128xf32, #tpu.memory_space<hbm>> -> memref<8000x128xf32, #tpu.memory_space<hbm>>
      tpu.wait_indirect_dma semaphore(%arg17 : memref<!tpu.dma_semaphore, #tpu.memory_space<semaphore_mem>>) src(%dma_wait3A_106 : memref<8000x128xf32, #tpu.memory_space<hbm>>) dst(%arg11 : memref<128x128xf32, #tpu.memory_space<vmem>>)
      %scan3A_107 = arith.constant 0 : i32
      %scan3A_108 = arith.constant 128 : i32
      %scan3A_109 = arith.addi %scan3A_107, %scan3A_108 : i32
      %scan3A_110 = arith.constant 1 : i32
      scf.for %scan3A_138 = %scan3A_107 to %scan3A_109 step %scan3A_110  : i32 {
        %mul3A_139 = arith.constant 1 : i32
        %mul3A_140 = arith.muli %scan3A_138, %mul3A_139 : i32
        %add3A_141 = arith.constant 0 : i32
        %add3A_142 = arith.addi %add3A_141, %mul3A_140 : i32
        %get3A = arith.index_cast %add3A_142 : i32 to index
        %get3A_143 = arith.constant 0 : index
        %get3A_144 = tpu.vector_load %arg11[%get3A, %get3A_143] {strides = array<i32>} : memref<128x128xf32, #tpu.memory_space<vmem>>, vector<16xf32>,
        %get3A_145 = arith.index_cast %add3A_142 : i32 to index
        %get3A_146 = arith.constant 64 : index
        %get3A_147 = tpu.vector_load %arg11[%get3A_145, %get3A_146] {strides = array<i32>} : memref<128x128xf32, #tpu.memory_space<vmem>>, vector<16xf32>,
        %bitcast3A = vector.bitcast %get3A_144 : vector<16xf32> to vector<16xi32>
        %bitcast3A_148 = vector.bitcast %get3A_147 : vector<16xf32> to vector<16xi32>
        %add3A_149 = arith.constant 32767 : i32
        %add3A_150 = vector.broadcast %add3A_149 : i32 to vector<16xi32>
        %add3A_151 = arith.addi %bitcast3A, %add3A_150 : vector<16xi32>
        %shift_right_logical3A = arith.constant 16 : i32
        %shift_right_logical3A_152 = vector.broadcast %shift_right_logical3A : i32 to vector<16xi32>
        %shift_right_logical3A_153 = arith.shrui %bitcast3A, %shift_right_logical3A_152 : vector<16xi32>
        %and3A = arith.constant 1 : i32
        %and3A_154 = vector.broadcast %and3A : i32 to vector<16xi32>
        %and3A_155 = arith.andi %shift_right_logical3A_153, %and3A_154 : vector<16xi32>
        %add3A_156 = arith.addi %add3A_151, %and3A_155 : vector<16xi32>
        %add3A_157 = arith.constant 32767 : i32
        %add3A_158 = vector.broadcast %add3A_157 : i32 to vector<16xi32>
        %add3A_159 = arith.addi %bitcast3A_148, %add3A_158 : vector<16xi32>
        %shift_right_logical3A_160 = arith.constant 16 : i32
        %shift_right_logical3A_161 = vector.broadcast %shift_right_logical3A_160 : i32 to vector<16xi32>
        %shift_right_logical3A_162 = arith.shrui %bitcast3A_148, %shift_right_logical3A_161 : vector<16xi32>
        %and3A_163 = arith.constant 1 : i32
        %and3A_164 = vector.broadcast %and3A_163 : i32 to vector<16xi32>
        %and3A_165 = arith.andi %shift_right_logical3A_162, %and3A_164 : vector<16xi32>
        %add3A_166 = arith.addi %add3A_159, %and3A_165 : vector<16xi32>
        %shift_right_logical3A_167 = arith.constant 16 : i32
        %shift_right_logical3A_168 = vector.broadcast %shift_right_logical3A_167 : i32 to vector<16xi32>
        %shift_right_logical3A_169 = arith.shrui %add3A_156, %shift_right_logical3A_168 : vector<16xi32>
        %and3A_170 = arith.constant -65536 : i32
        %and3A_171 = vector.broadcast %and3A_170 : i32 to vector<16xi32>
        %and3A_172 = arith.andi %add3A_166, %and3A_171 : vector<16xi32>
        %or3A = arith.ori %shift_right_logical3A_169, %and3A_172 : vector<16xi32>
        %swap3A = arith.index_cast %add3A_142 : i32 to index
        %swap3A_173 = arith.constant 0 : index
        %swap3A_174 = tpu.vector_load %arg13[%swap3A, %swap3A_173] {strides = array<i32>} : memref<128x64xi32, #tpu.memory_space<vmem>>, vector<16xi32>,
        tpu.vector_store %arg13[%swap3A, %swap3A_173], %or3A {strides = array<i32>} : memref<128x64xi32, #tpu.memory_space<vmem>>, vector<16xi32>,
        %get3A_175 = arith.index_cast %add3A_142 : i32 to index
        %get3A_176 = arith.constant 16 : index
        %get3A_177 = tpu.vector_load %arg11[%get3A_175, %get3A_176] {strides = array<i32>} : memref<128x128xf32, #tpu.memory_space<vmem>>, vector<16xf32>,
        %get3A_178 = arith.index_cast %add3A_142 : i32 to index
        %get3A_179 = arith.constant 80 : index
        %get3A_180 = tpu.vector_load %arg11[%get3A_178, %get3A_179] {strides = array<i32>} : memref<128x128xf32, #tpu.memory_space<vmem>>, vector<16xf32>,
        %bitcast3A_181 = vector.bitcast %get3A_177 : vector<16xf32> to vector<16xi32>
        %bitcast3A_182 = vector.bitcast %get3A_180 : vector<16xf32> to vector<16xi32>
        %add3A_183 = arith.constant 32767 : i32
        %add3A_184 = vector.broadcast %add3A_183 : i32 to vector<16xi32>
        %add3A_185 = arith.addi %bitcast3A_181, %add3A_184 : vector<16xi32>
        %shift_right_logical3A_186 = arith.constant 16 : i32
        %shift_right_logical3A_187 = vector.broadcast %shift_right_logical3A_186 : i32 to vector<16xi32>
        %shift_right_logical3A_188 = arith.shrui %bitcast3A_181, %shift_right_logical3A_187 : vector<16xi32>
        %and3A_189 = arith.constant 1 : i32
        %and3A_190 = vector.broadcast %and3A_189 : i32 to vector<16xi32>
        %and3A_191 = arith.andi %shift_right_logical3A_188, %and3A_190 : vector<16xi32>
        %add3A_192 = arith.addi %add3A_185, %and3A_191 : vector<16xi32>
        %add3A_193 = arith.constant 32767 : i32
        %add3A_194 = vector.broadcast %add3A_193 : i32 to vector<16xi32>
        %add3A_195 = arith.addi %bitcast3A_182, %add3A_194 : vector<16xi32>
        %shift_right_logical3A_196 = arith.constant 16 : i32
        %shift_right_logical3A_197 = vector.broadcast %shift_right_logical3A_196 : i32 to vector<16xi32>
        %shift_right_logical3A_198 = arith.shrui %bitcast3A_182, %shift_right_logical3A_197 : vector<16xi32>
        %and3A_199 = arith.constant 1 : i32
        %and3A_200 = vector.broadcast %and3A_199 : i32 to vector<16xi32>
        %and3A_201 = arith.andi %shift_right_logical3A_198, %and3A_200 : vector<16xi32>
        %add3A_202 = arith.addi %add3A_195, %and3A_201 : vector<16xi32>
        %shift_right_logical3A_203 = arith.constant 16 : i32
        %shift_right_logical3A_204 = vector.broadcast %shift_right_logical3A_203 : i32 to vector<16xi32>
        %shift_right_logical3A_205 = arith.shrui %add3A_192, %shift_right_logical3A_204 : vector<16xi32>
        %and3A_206 = arith.constant -65536 : i32
        %and3A_207 = vector.broadcast %and3A_206 : i32 to vector<16xi32>
        %and3A_208 = arith.andi %add3A_202, %and3A_207 : vector<16xi32>
        %or3A_209 = arith.ori %shift_right_logical3A_205, %and3A_208 : vector<16xi32>
        %swap3A_210 = arith.index_cast %add3A_142 : i32 to index
        %swap3A_211 = arith.constant 16 : index
        %swap3A_212 = tpu.vector_load %arg13[%swap3A_210, %swap3A_211] {strides = array<i32>} : memref<128x64xi32, #tpu.memory_space<vmem>>, vector<16xi32>,
        tpu.vector_store %arg13[%swap3A_210, %swap3A_211], %or3A_209 {strides = array<i32>} : memref<128x64xi32, #tpu.memory_space<vmem>>, vector<16xi32>,
        %get3A_213 = arith.index_cast %add3A_142 : i32 to index
        %get3A_214 = arith.constant 32 : index
        %get3A_215 = tpu.vector_load %arg11[%get3A_213, %get3A_214] {strides = array<i32>} : memref<128x128xf32, #tpu.memory_space<vmem>>, vector<16xf32>,
        %get3A_216 = arith.index_cast %add3A_142 : i32 to index
        %get3A_217 = arith.constant 96 : index
        %get3A_218 = tpu.vector_load %arg11[%get3A_216, %get3A_217] {strides = array<i32>} : memref<128x128xf32, #tpu.memory_space<vmem>>, vector<16xf32>,
        %bitcast3A_219 = vector.bitcast %get3A_215 : vector<16xf32> to vector<16xi32>
        %bitcast3A_220 = vector.bitcast %get3A_218 : vector<16xf32> to vector<16xi32>
        %add3A_221 = arith.constant 32767 : i32
        %add3A_222 = vector.broadcast %add3A_221 : i32 to vector<16xi32>
        %add3A_223 = arith.addi %bitcast3A_219, %add3A_222 : vector<16xi32>
        %shift_right_logical3A_224 = arith.constant 16 : i32
        %shift_right_logical3A_225 = vector.broadcast %shift_right_logical3A_224 : i32 to vector<16xi32>
        %shift_right_logical3A_226 = arith.shrui %bitcast3A_219, %shift_right_logical3A_225 : vector<16xi32>
        %and3A_227 = arith.constant 1 : i32
        %and3A_228 = vector.broadcast %and3A_227 : i32 to vector<16xi32>
        %and3A_229 = arith.andi %shift_right_logical3A_226, %and3A_228 : vector<16xi32>
        %add3A_230 = arith.addi %add3A_223, %and3A_229 : vector<16xi32>
        %add3A_231 = arith.constant 32767 : i32
        %add3A_232 = vector.broadcast %add3A_231 : i32 to vector<16xi32>
        %add3A_233 = arith.addi %bitcast3A_220, %add3A_232 : vector<16xi32>
        %shift_right_logical3A_234 = arith.constant 16 : i32
        %shift_right_logical3A_235 = vector.broadcast %shift_right_logical3A_234 : i32 to vector<16xi32>
        %shift_right_logical3A_236 = arith.shrui %bitcast3A_220, %shift_right_logical3A_235 : vector<16xi32>
        %and3A_237 = arith.constant 1 : i32
        %and3A_238 = vector.broadcast %and3A_237 : i32 to vector<16xi32>
        %and3A_239 = arith.andi %shift_right_logical3A_236, %and3A_238 : vector<16xi32>
        %add3A_240 = arith.addi %add3A_233, %and3A_239 : vector<16xi32>
        %shift_right_logical3A_241 = arith.constant 16 : i32
        %shift_right_logical3A_242 = vector.broadcast %shift_right_logical3A_241 : i32 to vector<16xi32>
        %shift_right_logical3A_243 = arith.shrui %add3A_230, %shift_right_logical3A_242 : vector<16xi32>
        %and3A_244 = arith.constant -65536 : i32
        %and3A_245 = vector.broadcast %and3A_244 : i32 to vector<16xi32>
        %and3A_246 = arith.andi %add3A_240, %and3A_245 : vector<16xi32>
        %or3A_247 = arith.ori %shift_right_logical3A_243, %and3A_246 : vector<16xi32>
        %swap3A_248 = arith.index_cast %add3A_142 : i32 to index
        %swap3A_249 = arith.constant 32 : index
        %swap3A_250 = tpu.vector_load %arg13[%swap3A_248, %swap3A_249] {strides = array<i32>} : memref<128x64xi32, #tpu.memory_space<vmem>>, vector<16xi32>,
        tpu.vector_store %arg13[%swap3A_248, %swap3A_249], %or3A_247 {strides = array<i32>} : memref<128x64xi32, #tpu.memory_space<vmem>>, vector<16xi32>,
        %get3A_251 = arith.index_cast %add3A_142 : i32 to index
        %get3A_252 = arith.constant 48 : index
        %get3A_253 = tpu.vector_load %arg11[%get3A_251, %get3A_252] {strides = array<i32>} : memref<128x128xf32, #tpu.memory_space<vmem>>, vector<16xf32>,
        %get3A_254 = arith.index_cast %add3A_142 : i32 to index
        %get3A_255 = arith.constant 112 : index
        %get3A_256 = tpu.vector_load %arg11[%get3A_254, %get3A_255] {strides = array<i32>} : memref<128x128xf32, #tpu.memory_space<vmem>>, vector<16xf32>,
        %bitcast3A_257 = vector.bitcast %get3A_253 : vector<16xf32> to vector<16xi32>
        %bitcast3A_258 = vector.bitcast %get3A_256 : vector<16xf32> to vector<16xi32>
        %add3A_259 = arith.constant 32767 : i32
        %add3A_260 = vector.broadcast %add3A_259 : i32 to vector<16xi32>
        %add3A_261 = arith.addi %bitcast3A_257, %add3A_260 : vector<16xi32>
        %shift_right_logical3A_262 = arith.constant 16 : i32
        %shift_right_logical3A_263 = vector.broadcast %shift_right_logical3A_262 : i32 to vector<16xi32>
        %shift_right_logical3A_264 = arith.shrui %bitcast3A_257, %shift_right_logical3A_263 : vector<16xi32>
        %and3A_265 = arith.constant 1 : i32
        %and3A_266 = vector.broadcast %and3A_265 : i32 to vector<16xi32>
        %and3A_267 = arith.andi %shift_right_logical3A_264, %and3A_266 : vector<16xi32>
        %add3A_268 = arith.addi %add3A_261, %and3A_267 : vector<16xi32>
        %add3A_269 = arith.constant 32767 : i32
        %add3A_270 = vector.broadcast %add3A_269 : i32 to vector<16xi32>
        %add3A_271 = arith.addi %bitcast3A_258, %add3A_270 : vector<16xi32>
        %shift_right_logical3A_272 = arith.constant 16 : i32
        %shift_right_logical3A_273 = vector.broadcast %shift_right_logical3A_272 : i32 to vector<16xi32>
        %shift_right_logical3A_274 = arith.shrui %bitcast3A_258, %shift_right_logical3A_273 : vector<16xi32>
        %and3A_275 = arith.constant 1 : i32
        %and3A_276 = vector.broadcast %and3A_275 : i32 to vector<16xi32>
        %and3A_277 = arith.andi %shift_right_logical3A_274, %and3A_276 : vector<16xi32>
        %add3A_278 = arith.addi %add3A_271, %and3A_277 : vector<16xi32>
        %shift_right_logical3A_279 = arith.constant 16 : i32
        %shift_right_logical3A_280 = vector.broadcast %shift_right_logical3A_279 : i32 to vector<16xi32>
        %shift_right_logical3A_281 = arith.shrui %add3A_268, %shift_right_logical3A_280 : vector<16xi32>
        %and3A_282 = arith.constant -65536 : i32
        %and3A_283 = vector.broadcast %and3A_282 : i32 to vector<16xi32>
        %and3A_284 = arith.andi %add3A_278, %and3A_283 : vector<16xi32>
        %or3A_285 = arith.ori %shift_right_logical3A_281, %and3A_284 : vector<16xi32>
        %swap3A_286 = arith.index_cast %add3A_142 : i32 to index
        %swap3A_287 = arith.constant 48 : index
        %swap3A_288 = tpu.vector_load %arg13[%swap3A_286, %swap3A_287] {strides = array<i32>} : memref<128x64xi32, #tpu.memory_space<vmem>>, vector<16xi32>,
        tpu.vector_store %arg13[%swap3A_286, %swap3A_287], %or3A_285 {strides = array<i32>} : memref<128x64xi32, #tpu.memory_space<vmem>>, vector<16xi32>,
      }
      %scan3A_111 = arith.constant 128 : i32
      %add3A_112 = arith.constant 0 : i32
      %add3A_113 = arith.addi %mul3A_64, %add3A_112 : i32
      %mul3A_114 = arith.constant 128 : i32
      %mul3A_115 = arith.muli %add3A_113, %mul3A_114 : i32
      %add3A_116 = arith.addi %mul3A_2, %mul3A_115 : i32
      %dma_start3A_117 = arith.constant 0 : i32
      %dma_start3A_118 = tpu.memref_slice %arg6[%add3A_116, %dma_start3A_117] : memref<51200x64xi32, #tpu.memory_space<hbm>> -> memref<128x64xi32, #tpu.memory_space<hbm>>
      %dma_start3A_119 = arith.constant 0 : i32
      %dma_start3A_120 = tpu.memref_slice %arg6[%add3A_116, %dma_start3A_119] : memref<51200x64xi32, #tpu.memory_space<hbm>> -> memref<128x64xi32, #tpu.memory_space<hbm>>
      tpu.enqueue_dma source(%arg13 : memref<128x64xi32, #tpu.memory_space<vmem>>) target(%dma_start3A_120 : memref<128x64xi32, #tpu.memory_space<hbm>>) target_semaphore(%arg19 : memref<!tpu.dma_semaphore, #tpu.memory_space<semaphore_mem>>)
      %dma_wait3A_121 = arith.constant 0 : i32
      %dma_wait3A_122 = arith.constant 0 : i32
      %dma_wait3A_123 = tpu.memref_slice %arg3[%dma_wait3A_121, %dma_wait3A_122] : memref<8000x128xf32, #tpu.memory_space<hbm>> -> memref<8000x128xf32, #tpu.memory_space<hbm>>
      tpu.wait_indirect_dma semaphore(%arg18 : memref<!tpu.dma_semaphore, #tpu.memory_space<semaphore_mem>>) src(%dma_wait3A_123 : memref<8000x128xf32, #tpu.memory_space<hbm>>) dst(%arg12 : memref<128x128xf32, #tpu.memory_space<vmem>>)
      %scan3A_124 = arith.constant 0 : i32
      %scan3A_125 = arith.constant 128 : i32
      %scan3A_126 = arith.addi %scan3A_124, %scan3A_125 : i32
      %scan3A_127 = arith.constant 1 : i32
      scf.for %scan3A_138 = %scan3A_124 to %scan3A_126 step %scan3A_127  : i32 {
        %mul3A_139 = arith.constant 1 : i32
        %mul3A_140 = arith.muli %scan3A_138, %mul3A_139 : i32
        %add3A_141 = arith.constant 0 : i32
        %add3A_142 = arith.addi %add3A_141, %mul3A_140 : i32
        %get3A = arith.index_cast %add3A_142 : i32 to index
        %get3A_143 = arith.constant 0 : index
        %get3A_144 = tpu.vector_load %arg12[%get3A, %get3A_143] {strides = array<i32>} : memref<128x128xf32, #tpu.memory_space<vmem>>, vector<16xf32>,
        %get3A_145 = arith.index_cast %add3A_142 : i32 to index
        %get3A_146 = arith.constant 64 : index
        %get3A_147 = tpu.vector_load %arg12[%get3A_145, %get3A_146] {strides = array<i32>} : memref<128x128xf32, #tpu.memory_space<vmem>>, vector<16xf32>,
        %bitcast3A = vector.bitcast %get3A_144 : vector<16xf32> to vector<16xi32>
        %bitcast3A_148 = vector.bitcast %get3A_147 : vector<16xf32> to vector<16xi32>
        %add3A_149 = arith.constant 32767 : i32
        %add3A_150 = vector.broadcast %add3A_149 : i32 to vector<16xi32>
        %add3A_151 = arith.addi %bitcast3A, %add3A_150 : vector<16xi32>
        %shift_right_logical3A = arith.constant 16 : i32
        %shift_right_logical3A_152 = vector.broadcast %shift_right_logical3A : i32 to vector<16xi32>
        %shift_right_logical3A_153 = arith.shrui %bitcast3A, %shift_right_logical3A_152 : vector<16xi32>
        %and3A = arith.constant 1 : i32
        %and3A_154 = vector.broadcast %and3A : i32 to vector<16xi32>
        %and3A_155 = arith.andi %shift_right_logical3A_153, %and3A_154 : vector<16xi32>
        %add3A_156 = arith.addi %add3A_151, %and3A_155 : vector<16xi32>
        %add3A_157 = arith.constant 32767 : i32
        %add3A_158 = vector.broadcast %add3A_157 : i32 to vector<16xi32>
        %add3A_159 = arith.addi %bitcast3A_148, %add3A_158 : vector<16xi32>
        %shift_right_logical3A_160 = arith.constant 16 : i32
        %shift_right_logical3A_161 = vector.broadcast %shift_right_logical3A_160 : i32 to vector<16xi32>
        %shift_right_logical3A_162 = arith.shrui %bitcast3A_148, %shift_right_logical3A_161 : vector<16xi32>
        %and3A_163 = arith.constant 1 : i32
        %and3A_164 = vector.broadcast %and3A_163 : i32 to vector<16xi32>
        %and3A_165 = arith.andi %shift_right_logical3A_162, %and3A_164 : vector<16xi32>
        %add3A_166 = arith.addi %add3A_159, %and3A_165 : vector<16xi32>
        %shift_right_logical3A_167 = arith.constant 16 : i32
        %shift_right_logical3A_168 = vector.broadcast %shift_right_logical3A_167 : i32 to vector<16xi32>
        %shift_right_logical3A_169 = arith.shrui %add3A_156, %shift_right_logical3A_168 : vector<16xi32>
        %and3A_170 = arith.constant -65536 : i32
        %and3A_171 = vector.broadcast %and3A_170 : i32 to vector<16xi32>
        %and3A_172 = arith.andi %add3A_166, %and3A_171 : vector<16xi32>
        %or3A = arith.ori %shift_right_logical3A_169, %and3A_172 : vector<16xi32>
        %swap3A = arith.index_cast %add3A_142 : i32 to index
        %swap3A_173 = arith.constant 0 : index
        %swap3A_174 = tpu.vector_load %arg14[%swap3A, %swap3A_173] {strides = array<i32>} : memref<128x64xi32, #tpu.memory_space<vmem>>, vector<16xi32>,
        tpu.vector_store %arg14[%swap3A, %swap3A_173], %or3A {strides = array<i32>} : memref<128x64xi32, #tpu.memory_space<vmem>>, vector<16xi32>,
        %get3A_175 = arith.index_cast %add3A_142 : i32 to index
        %get3A_176 = arith.constant 16 : index
        %get3A_177 = tpu.vector_load %arg12[%get3A_175, %get3A_176] {strides = array<i32>} : memref<128x128xf32, #tpu.memory_space<vmem>>, vector<16xf32>,
        %get3A_178 = arith.index_cast %add3A_142 : i32 to index
        %get3A_179 = arith.constant 80 : index
        %get3A_180 = tpu.vector_load %arg12[%get3A_178, %get3A_179] {strides = array<i32>} : memref<128x128xf32, #tpu.memory_space<vmem>>, vector<16xf32>,
        %bitcast3A_181 = vector.bitcast %get3A_177 : vector<16xf32> to vector<16xi32>
        %bitcast3A_182 = vector.bitcast %get3A_180 : vector<16xf32> to vector<16xi32>
        %add3A_183 = arith.constant 32767 : i32
        %add3A_184 = vector.broadcast %add3A_183 : i32 to vector<16xi32>
        %add3A_185 = arith.addi %bitcast3A_181, %add3A_184 : vector<16xi32>
        %shift_right_logical3A_186 = arith.constant 16 : i32
        %shift_right_logical3A_187 = vector.broadcast %shift_right_logical3A_186 : i32 to vector<16xi32>
        %shift_right_logical3A_188 = arith.shrui %bitcast3A_181, %shift_right_logical3A_187 : vector<16xi32>
        %and3A_189 = arith.constant 1 : i32
        %and3A_190 = vector.broadcast %and3A_189 : i32 to vector<16xi32>
        %and3A_191 = arith.andi %shift_right_logical3A_188, %and3A_190 : vector<16xi32>
        %add3A_192 = arith.addi %add3A_185, %and3A_191 : vector<16xi32>
        %add3A_193 = arith.constant 32767 : i32
        %add3A_194 = vector.broadcast %add3A_193 : i32 to vector<16xi32>
        %add3A_195 = arith.addi %bitcast3A_182, %add3A_194 : vector<16xi32>
        %shift_right_logical3A_196 = arith.constant 16 : i32
        %shift_right_logical3A_197 = vector.broadcast %shift_right_logical3A_196 : i32 to vector<16xi32>
        %shift_right_logical3A_198 = arith.shrui %bitcast3A_182, %shift_right_logical3A_197 : vector<16xi32>
        %and3A_199 = arith.constant 1 : i32
        %and3A_200 = vector.broadcast %and3A_199 : i32 to vector<16xi32>
        %and3A_201 = arith.andi %shift_right_logical3A_198, %and3A_200 : vector<16xi32>
        %add3A_202 = arith.addi %add3A_195, %and3A_201 : vector<16xi32>
        %shift_right_logical3A_203 = arith.constant 16 : i32
        %shift_right_logical3A_204 = vector.broadcast %shift_right_logical3A_203 : i32 to vector<16xi32>
        %shift_right_logical3A_205 = arith.shrui %add3A_192, %shift_right_logical3A_204 : vector<16xi32>
        %and3A_206 = arith.constant -65536 : i32
        %and3A_207 = vector.broadcast %and3A_206 : i32 to vector<16xi32>
        %and3A_208 = arith.andi %add3A_202, %and3A_207 : vector<16xi32>
        %or3A_209 = arith.ori %shift_right_logical3A_205, %and3A_208 : vector<16xi32>
        %swap3A_210 = arith.index_cast %add3A_142 : i32 to index
        %swap3A_211 = arith.constant 16 : index
        %swap3A_212 = tpu.vector_load %arg14[%swap3A_210, %swap3A_211] {strides = array<i32>} : memref<128x64xi32, #tpu.memory_space<vmem>>, vector<16xi32>,
        tpu.vector_store %arg14[%swap3A_210, %swap3A_211], %or3A_209 {strides = array<i32>} : memref<128x64xi32, #tpu.memory_space<vmem>>, vector<16xi32>,
        %get3A_213 = arith.index_cast %add3A_142 : i32 to index
        %get3A_214 = arith.constant 32 : index
        %get3A_215 = tpu.vector_load %arg12[%get3A_213, %get3A_214] {strides = array<i32>} : memref<128x128xf32, #tpu.memory_space<vmem>>, vector<16xf32>,
        %get3A_216 = arith.index_cast %add3A_142 : i32 to index
        %get3A_217 = arith.constant 96 : index
        %get3A_218 = tpu.vector_load %arg12[%get3A_216, %get3A_217] {strides = array<i32>} : memref<128x128xf32, #tpu.memory_space<vmem>>, vector<16xf32>,
        %bitcast3A_219 = vector.bitcast %get3A_215 : vector<16xf32> to vector<16xi32>
        %bitcast3A_220 = vector.bitcast %get3A_218 : vector<16xf32> to vector<16xi32>
        %add3A_221 = arith.constant 32767 : i32
        %add3A_222 = vector.broadcast %add3A_221 : i32 to vector<16xi32>
        %add3A_223 = arith.addi %bitcast3A_219, %add3A_222 : vector<16xi32>
        %shift_right_logical3A_224 = arith.constant 16 : i32
        %shift_right_logical3A_225 = vector.broadcast %shift_right_logical3A_224 : i32 to vector<16xi32>
        %shift_right_logical3A_226 = arith.shrui %bitcast3A_219, %shift_right_logical3A_225 : vector<16xi32>
        %and3A_227 = arith.constant 1 : i32
        %and3A_228 = vector.broadcast %and3A_227 : i32 to vector<16xi32>
        %and3A_229 = arith.andi %shift_right_logical3A_226, %and3A_228 : vector<16xi32>
        %add3A_230 = arith.addi %add3A_223, %and3A_229 : vector<16xi32>
        %add3A_231 = arith.constant 32767 : i32
        %add3A_232 = vector.broadcast %add3A_231 : i32 to vector<16xi32>
        %add3A_233 = arith.addi %bitcast3A_220, %add3A_232 : vector<16xi32>
        %shift_right_logical3A_234 = arith.constant 16 : i32
        %shift_right_logical3A_235 = vector.broadcast %shift_right_logical3A_234 : i32 to vector<16xi32>
        %shift_right_logical3A_236 = arith.shrui %bitcast3A_220, %shift_right_logical3A_235 : vector<16xi32>
        %and3A_237 = arith.constant 1 : i32
        %and3A_238 = vector.broadcast %and3A_237 : i32 to vector<16xi32>
        %and3A_239 = arith.andi %shift_right_logical3A_236, %and3A_238 : vector<16xi32>
        %add3A_240 = arith.addi %add3A_233, %and3A_239 : vector<16xi32>
        %shift_right_logical3A_241 = arith.constant 16 : i32
        %shift_right_logical3A_242 = vector.broadcast %shift_right_logical3A_241 : i32 to vector<16xi32>
        %shift_right_logical3A_243 = arith.shrui %add3A_230, %shift_right_logical3A_242 : vector<16xi32>
        %and3A_244 = arith.constant -65536 : i32
        %and3A_245 = vector.broadcast %and3A_244 : i32 to vector<16xi32>
        %and3A_246 = arith.andi %add3A_240, %and3A_245 : vector<16xi32>
        %or3A_247 = arith.ori %shift_right_logical3A_243, %and3A_246 : vector<16xi32>
        %swap3A_248 = arith.index_cast %add3A_142 : i32 to index
        %swap3A_249 = arith.constant 32 : index
        %swap3A_250 = tpu.vector_load %arg14[%swap3A_248, %swap3A_249] {strides = array<i32>} : memref<128x64xi32, #tpu.memory_space<vmem>>, vector<16xi32>,
        tpu.vector_store %arg14[%swap3A_248, %swap3A_249], %or3A_247 {strides = array<i32>} : memref<128x64xi32, #tpu.memory_space<vmem>>, vector<16xi32>,
        %get3A_251 = arith.index_cast %add3A_142 : i32 to index
        %get3A_252 = arith.constant 48 : index
        %get3A_253 = tpu.vector_load %arg12[%get3A_251, %get3A_252] {strides = array<i32>} : memref<128x128xf32, #tpu.memory_space<vmem>>, vector<16xf32>,
        %get3A_254 = arith.index_cast %add3A_142 : i32 to index
        %get3A_255 = arith.constant 112 : index
        %get3A_256 = tpu.vector_load %arg12[%get3A_254, %get3A_255] {strides = array<i32>} : memref<128x128xf32, #tpu.memory_space<vmem>>, vector<16xf32>,
        %bitcast3A_257 = vector.bitcast %get3A_253 : vector<16xf32> to vector<16xi32>
        %bitcast3A_258 = vector.bitcast %get3A_256 : vector<16xf32> to vector<16xi32>
        %add3A_259 = arith.constant 32767 : i32
        %add3A_260 = vector.broadcast %add3A_259 : i32 to vector<16xi32>
        %add3A_261 = arith.addi %bitcast3A_257, %add3A_260 : vector<16xi32>
        %shift_right_logical3A_262 = arith.constant 16 : i32
        %shift_right_logical3A_263 = vector.broadcast %shift_right_logical3A_262 : i32 to vector<16xi32>
        %shift_right_logical3A_264 = arith.shrui %bitcast3A_257, %shift_right_logical3A_263 : vector<16xi32>
        %and3A_265 = arith.constant 1 : i32
        %and3A_266 = vector.broadcast %and3A_265 : i32 to vector<16xi32>
        %and3A_267 = arith.andi %shift_right_logical3A_264, %and3A_266 : vector<16xi32>
        %add3A_268 = arith.addi %add3A_261, %and3A_267 : vector<16xi32>
        %add3A_269 = arith.constant 32767 : i32
        %add3A_270 = vector.broadcast %add3A_269 : i32 to vector<16xi32>
        %add3A_271 = arith.addi %bitcast3A_258, %add3A_270 : vector<16xi32>
        %shift_right_logical3A_272 = arith.constant 16 : i32
        %shift_right_logical3A_273 = vector.broadcast %shift_right_logical3A_272 : i32 to vector<16xi32>
        %shift_right_logical3A_274 = arith.shrui %bitcast3A_258, %shift_right_logical3A_273 : vector<16xi32>
        %and3A_275 = arith.constant 1 : i32
        %and3A_276 = vector.broadcast %and3A_275 : i32 to vector<16xi32>
        %and3A_277 = arith.andi %shift_right_logical3A_274, %and3A_276 : vector<16xi32>
        %add3A_278 = arith.addi %add3A_271, %and3A_277 : vector<16xi32>
        %shift_right_logical3A_279 = arith.constant 16 : i32
        %shift_right_logical3A_280 = vector.broadcast %shift_right_logical3A_279 : i32 to vector<16xi32>
        %shift_right_logical3A_281 = arith.shrui %add3A_268, %shift_right_logical3A_280 : vector<16xi32>
        %and3A_282 = arith.constant -65536 : i32
        %and3A_283 = vector.broadcast %and3A_282 : i32 to vector<16xi32>
        %and3A_284 = arith.andi %add3A_278, %and3A_283 : vector<16xi32>
        %or3A_285 = arith.ori %shift_right_logical3A_281, %and3A_284 : vector<16xi32>
        %swap3A_286 = arith.index_cast %add3A_142 : i32 to index
        %swap3A_287 = arith.constant 48 : index
        %swap3A_288 = tpu.vector_load %arg14[%swap3A_286, %swap3A_287] {strides = array<i32>} : memref<128x64xi32, #tpu.memory_space<vmem>>, vector<16xi32>,
        tpu.vector_store %arg14[%swap3A_286, %swap3A_287], %or3A_285 {strides = array<i32>} : memref<128x64xi32, #tpu.memory_space<vmem>>, vector<16xi32>,
      }
      %scan3A_128 = arith.constant 128 : i32
      %add3A_129 = arith.constant 1 : i32
      %add3A_130 = arith.addi %mul3A_64, %add3A_129 : i32
      %mul3A_131 = arith.constant 128 : i32
      %mul3A_132 = arith.muli %add3A_130, %mul3A_131 : i32
      %add3A_133 = arith.addi %mul3A_2, %mul3A_132 : i32
      %dma_start3A_134 = arith.constant 0 : i32
      %dma_start3A_135 = tpu.memref_slice %arg6[%add3A_133, %dma_start3A_134] : memref<51200x64xi32, #tpu.memory_space<hbm>> -> memref<128x64xi32, #tpu.memory_space<hbm>>
      %dma_start3A_136 = arith.constant 0 : i32
      %dma_start3A_137 = tpu.memref_slice %arg6[%add3A_133, %dma_start3A_136] : memref<51200x64xi32, #tpu.memory_space<hbm>> -> memref<128x64xi32, #tpu.memory_space<hbm>>
      tpu.enqueue_dma source(%arg14 : memref<128x64xi32, #tpu.memory_space<vmem>>) target(%dma_start3A_137 : memref<128x64xi32, #tpu.memory_space<hbm>>) target_semaphore(%arg20 : memref<!tpu.dma_semaphore, #tpu.memory_space<semaphore_mem>>)
    }
    %scan3A_6 = arith.constant 6 : i32
    %add3A_7 = arith.constant 1280 : i32
    %add3A_8 = arith.addi %mul3A_2, %add3A_7 : i32
    %dma_wait3A = arith.constant 0 : i32
    %dma_wait3A_9 = tpu.memref_slice %arg6[%add3A_8, %dma_wait3A] : memref<51200x64xi32, #tpu.memory_space<hbm>> -> memref<128x64xi32, #tpu.memory_space<hbm>>
    %dma_wait3A_10 = arith.constant 0 : i32
    %dma_wait3A_11 = tpu.memref_slice %arg6[%add3A_8, %dma_wait3A_10] : memref<51200x64xi32, #tpu.memory_space<hbm>> -> memref<128x64xi32, #tpu.memory_space<hbm>>
    tpu.wait_dma2 semaphore(%arg19 : memref<!tpu.dma_semaphore, #tpu.memory_space<semaphore_mem>>) src(%arg13 : memref<128x64xi32, #tpu.memory_space<vmem>>) dst(%dma_wait3A_11 : memref<128x64xi32, #tpu.memory_space<hbm>>)
    %add3A_12 = arith.constant 1408 : i32
    %add3A_13 = arith.addi %mul3A_2, %add3A_12 : i32
    %dma_wait3A_14 = arith.constant 0 : i32
    %dma_wait3A_15 = tpu.memref_slice %arg6[%add3A_13, %dma_wait3A_14] : memref<51200x64xi32, #tpu.memory_space<hbm>> -> memref<128x64xi32, #tpu.memory_space<hbm>>
    %dma_wait3A_16 = arith.constant 0 : i32
    %dma_wait3A_17 = tpu.memref_slice %arg6[%add3A_13, %dma_wait3A_16] : memref<51200x64xi32, #tpu.memory_space<hbm>> -> memref<128x64xi32, #tpu.memory_space<hbm>>
    tpu.wait_dma2 semaphore(%arg20 : memref<!tpu.dma_semaphore, #tpu.memory_space<semaphore_mem>>) src(%arg14 : memref<128x64xi32, #tpu.memory_space<vmem>>) dst(%dma_wait3A_17 : memref<128x64xi32, #tpu.memory_space<hbm>>)
    %add3A_18 = arith.constant 1536 : i32
    %add3A_19 = arith.addi %mul3A_2, %add3A_18 : i32
    %add3A_20 = arith.constant 0 : i32
    %add3A_21 = arith.addi %add3A_20, %add3A_19 : i32
    "tpu.region"() ({
      %run_scoped3A = tpu.sem_alloc : memref<!tpu.dma_semaphore, #tpu.memory_space<semaphore_mem>>
      %dma_start3A_58 = arith.constant 0 : i32
      %dma_start3A_59 = tpu.memref_slice %arg7[%dma_start3A_58] : memref<128xi32, #tpu.memory_space<vmem>> -> memref<64xi32, #tpu.memory_space<vmem>>
      %dma_start3A_60 = tpu.memref_slice %arg4[%add3A_21] : memref<204800xi32, #tpu.memory_space<hbm>> -> memref<64xi32, #tpu.memory_space<hbm>>
      %dma_start3A_61 = arith.constant 0 : i32
      %dma_start3A_62 = tpu.memref_slice %arg7[%dma_start3A_61] : memref<128xi32, #tpu.memory_space<vmem>> -> memref<64xi32, #tpu.memory_space<vmem>>
      %dma_start3A_63 = tpu.memref_slice %arg4[%add3A_21] : memref<204800xi32, #tpu.memory_space<hbm>> -> memref<64xi32, #tpu.memory_space<hbm>>
      tpu.enqueue_dma source(%dma_start3A_63 : memref<64xi32, #tpu.memory_space<hbm>>) target(%dma_start3A_62 : memref<64xi32, #tpu.memory_space<vmem>>) target_semaphore(%run_scoped3A : memref<!tpu.dma_semaphore, #tpu.memory_space<semaphore_mem>>)
      %dma_wait3A_64 = arith.constant 0 : i32
      %dma_wait3A_65 = tpu.memref_slice %arg7[%dma_wait3A_64] : memref<128xi32, #tpu.memory_space<vmem>> -> memref<64xi32, #tpu.memory_space<vmem>>
      %dma_wait3A_66 = tpu.memref_slice %arg4[%add3A_21] : memref<204800xi32, #tpu.memory_space<hbm>> -> memref<64xi32, #tpu.memory_space<hbm>>
      %dma_wait3A_67 = arith.constant 0 : i32
      %dma_wait3A_68 = tpu.memref_slice %arg7[%dma_wait3A_67] : memref<128xi32, #tpu.memory_space<vmem>> -> memref<64xi32, #tpu.memory_space<vmem>>
      %dma_wait3A_69 = tpu.memref_slice %arg4[%add3A_21] : memref<204800xi32, #tpu.memory_space<hbm>> -> memref<64xi32, #tpu.memory_space<hbm>>
      tpu.wait_dma2 semaphore(%run_scoped3A : memref<!tpu.dma_semaphore, #tpu.memory_space<semaphore_mem>>) src(%dma_wait3A_69 : memref<64xi32, #tpu.memory_space<hbm>>) dst(%dma_wait3A_68 : memref<64xi32, #tpu.memory_space<vmem>>)
      tpu.yield
    }) : () -> ()
    "tpu.region"() ({
      %run_scoped3A = tpu.sem_alloc : memref<!tpu.dma_semaphore, #tpu.memory_space<semaphore_mem>>
      %dma_start3A_58 = arith.constant 0 : i32
      %dma_start3A_59 = tpu.memref_slice %arg9[%dma_start3A_58] : memref<128xi32, #tpu.memory_space<vmem>> -> memref<64xi32, #tpu.memory_space<vmem>>
      %dma_start3A_60 = tpu.memref_slice %arg5[%add3A_21] : memref<204800xi32, #tpu.memory_space<hbm>> -> memref<64xi32, #tpu.memory_space<hbm>>
      %dma_start3A_61 = arith.constant 0 : i32
      %dma_start3A_62 = tpu.memref_slice %arg9[%dma_start3A_61] : memref<128xi32, #tpu.memory_space<vmem>> -> memref<64xi32, #tpu.memory_space<vmem>>
      %dma_start3A_63 = tpu.memref_slice %arg5[%add3A_21] : memref<204800xi32, #tpu.memory_space<hbm>> -> memref<64xi32, #tpu.memory_space<hbm>>
      tpu.enqueue_dma source(%dma_start3A_63 : memref<64xi32, #tpu.memory_space<hbm>>) target(%dma_start3A_62 : memref<64xi32, #tpu.memory_space<vmem>>) target_semaphore(%run_scoped3A : memref<!tpu.dma_semaphore, #tpu.memory_space<semaphore_mem>>)
      %dma_wait3A_64 = arith.constant 0 : i32
      %dma_wait3A_65 = tpu.memref_slice %arg9[%dma_wait3A_64] : memref<128xi32, #tpu.memory_space<vmem>> -> memref<64xi32, #tpu.memory_space<vmem>>
      %dma_wait3A_66 = tpu.memref_slice %arg5[%add3A_21] : memref<204800xi32, #tpu.memory_space<hbm>> -> memref<64xi32, #tpu.memory_space<hbm>>
      %dma_wait3A_67 = arith.constant 0 : i32
      %dma_wait3A_68 = tpu.memref_slice %arg9[%dma_wait3A_67] : memref<128xi32, #tpu.memory_space<vmem>> -> memref<64xi32, #tpu.memory_space<vmem>>
      %dma_wait3A_69 = tpu.memref_slice %arg5[%add3A_21] : memref<204800xi32, #tpu.memory_space<hbm>> -> memref<64xi32, #tpu.memory_space<hbm>>
      tpu.wait_dma2 semaphore(%run_scoped3A : memref<!tpu.dma_semaphore, #tpu.memory_space<semaphore_mem>>) src(%dma_wait3A_69 : memref<64xi32, #tpu.memory_space<hbm>>) dst(%dma_wait3A_68 : memref<64xi32, #tpu.memory_space<vmem>>)
      tpu.yield
    }) : () -> ()
    %dma_start3A = arith.constant 0 : i32
    %dma_start3A_22 = arith.constant 0 : i32
    %dma_start3A_23 = tpu.memref_slice %arg11[%dma_start3A, %dma_start3A_22] : memref<128x128xf32, #tpu.memory_space<vmem>> -> memref<64x128xf32, #tpu.memory_space<vmem>>
    %dma_start3A_24 = arith.constant 0 : i32
    %dma_start3A_25 = tpu.memref_slice %arg7[%dma_start3A_24] : memref<128xi32, #tpu.memory_space<vmem>> -> memref<64xi32, #tpu.memory_space<vmem>>
    %dma_start3A_26 = arith.constant 0 : i32
    %dma_start3A_27 = arith.constant 0 : i32
    %dma_start3A_28 = tpu.memref_slice %arg2[%dma_start3A_26, %dma_start3A_27] : memref<100000x128xf32, #tpu.memory_space<hbm>> -> memref<100000x128xf32, #tpu.memory_space<hbm>>
    tpu.enqueue_indirect_dma source(%dma_start3A_28 : memref<100000x128xf32, #tpu.memory_space<hbm>>) target(%dma_start3A_23 : memref<64x128xf32, #tpu.memory_space<vmem>>) offsets(%dma_start3A_25 : memref<64xi32, #tpu.memory_space<vmem>>) semaphore(%arg15 : memref<!tpu.dma_semaphore, #tpu.memory_space<semaphore_mem>>)
    %dma_wait3A_29 = arith.constant 0 : i32
    %dma_wait3A_30 = arith.constant 0 : i32
    %dma_wait3A_31 = tpu.memref_slice %arg11[%dma_wait3A_29, %dma_wait3A_30] : memref<128x128xf32, #tpu.memory_space<vmem>> -> memref<64x128xf32, #tpu.memory_space<vmem>>
    %dma_wait3A_32 = arith.constant 0 : i32
    %dma_wait3A_33 = tpu.memref_slice %arg7[%dma_wait3A_32] : memref<128xi32, #tpu.memory_space<vmem>> -> memref<64xi32, #tpu.memory_space<vmem>>
    %dma_wait3A_34 = arith.constant 0 : i32
    %dma_wait3A_35 = arith.constant 0 : i32
    %dma_wait3A_36 = tpu.memref_slice %arg2[%dma_wait3A_34, %dma_wait3A_35] : memref<100000x128xf32, #tpu.memory_space<hbm>> -> memref<100000x128xf32, #tpu.memory_space<hbm>>
    tpu.wait_indirect_dma semaphore(%arg15 : memref<!tpu.dma_semaphore, #tpu.memory_space<semaphore_mem>>) src(%dma_wait3A_36 : memref<100000x128xf32, #tpu.memory_space<hbm>>) dst(%dma_wait3A_31 : memref<64x128xf32, #tpu.memory_space<vmem>>)
    %dma_start3A_37 = arith.constant 0 : i32
    %dma_start3A_38 = arith.constant 0 : i32
    %dma_start3A_39 = tpu.memref_slice %arg11[%dma_start3A_37, %dma_start3A_38] : memref<128x128xf32, #tpu.memory_space<vmem>> -> memref<64x128xf32, #tpu.memory_space<vmem>>
    %dma_start3A_40 = arith.constant 0 : i32
    %dma_start3A_41 = tpu.memref_slice %arg9[%dma_start3A_40] : memref<128xi32, #tpu.memory_space<vmem>> -> memref<64xi32, #tpu.memory_space<vmem>>
    %dma_start3A_42 = arith.constant 0 : i32
    %dma_start3A_43 = arith.constant 0 : i32
    %dma_start3A_44 = tpu.memref_slice %arg3[%dma_start3A_42, %dma_start3A_43] : memref<8000x128xf32, #tpu.memory_space<hbm>> -> memref<8000x128xf32, #tpu.memory_space<hbm>>
    tpu.enqueue_indirect_dma source(%dma_start3A_44 : memref<8000x128xf32, #tpu.memory_space<hbm>>) target(%dma_start3A_39 : memref<64x128xf32, #tpu.memory_space<vmem>>) offsets(%dma_start3A_41 : memref<64xi32, #tpu.memory_space<vmem>>) semaphore(%arg17 : memref<!tpu.dma_semaphore, #tpu.memory_space<semaphore_mem>>) {add = true}
    %dma_wait3A_45 = arith.constant 0 : i32
    %dma_wait3A_46 = arith.constant 0 : i32
    %dma_wait3A_47 = tpu.memref_slice %arg11[%dma_wait3A_45, %dma_wait3A_46] : memref<128x128xf32, #tpu.memory_space<vmem>> -> memref<64x128xf32, #tpu.memory_space<vmem>>
    %dma_wait3A_48 = arith.constant 0 : i32
    %dma_wait3A_49 = tpu.memref_slice %arg9[%dma_wait3A_48] : memref<128xi32, #tpu.memory_space<vmem>> -> memref<64xi32, #tpu.memory_space<vmem>>
    %dma_wait3A_50 = arith.constant 0 : i32
    %dma_wait3A_51 = arith.constant 0 : i32
    %dma_wait3A_52 = tpu.memref_slice %arg3[%dma_wait3A_50, %dma_wait3A_51] : memref<8000x128xf32, #tpu.memory_space<hbm>> -> memref<8000x128xf32, #tpu.memory_space<hbm>>
    tpu.wait_indirect_dma semaphore(%arg17 : memref<!tpu.dma_semaphore, #tpu.memory_space<semaphore_mem>>) src(%dma_wait3A_52 : memref<8000x128xf32, #tpu.memory_space<hbm>>) dst(%dma_wait3A_47 : memref<64x128xf32, #tpu.memory_space<vmem>>)
    %scan3A_53 = arith.constant 0 : i32
    %scan3A_54 = arith.constant 64 : i32
    %scan3A_55 = arith.addi %scan3A_53, %scan3A_54 : i32
    %scan3A_56 = arith.constant 1 : i32
    scf.for %scan3A_58 = %scan3A_53 to %scan3A_55 step %scan3A_56  : i32 {
      %mul3A_59 = arith.constant 1 : i32
      %mul3A_60 = arith.muli %scan3A_58, %mul3A_59 : i32
      %add3A_61 = arith.constant 0 : i32
      %add3A_62 = arith.addi %add3A_61, %mul3A_60 : i32
      %get3A = arith.index_cast %add3A_62 : i32 to index
      %get3A_63 = arith.constant 0 : index
      %get3A_64 = tpu.vector_load %arg11[%get3A, %get3A_63] {strides = array<i32>} : memref<128x128xf32, #tpu.memory_space<vmem>>, vector<16xf32>,
      %get3A_65 = arith.index_cast %add3A_62 : i32 to index
      %get3A_66 = arith.constant 64 : index
      %get3A_67 = tpu.vector_load %arg11[%get3A_65, %get3A_66] {strides = array<i32>} : memref<128x128xf32, #tpu.memory_space<vmem>>, vector<16xf32>,
      %bitcast3A = vector.bitcast %get3A_64 : vector<16xf32> to vector<16xi32>
      %bitcast3A_68 = vector.bitcast %get3A_67 : vector<16xf32> to vector<16xi32>
      %add3A_69 = arith.constant 32767 : i32
      %add3A_70 = vector.broadcast %add3A_69 : i32 to vector<16xi32>
      %add3A_71 = arith.addi %bitcast3A, %add3A_70 : vector<16xi32>
      %shift_right_logical3A = arith.constant 16 : i32
      %shift_right_logical3A_72 = vector.broadcast %shift_right_logical3A : i32 to vector<16xi32>
      %shift_right_logical3A_73 = arith.shrui %bitcast3A, %shift_right_logical3A_72 : vector<16xi32>
      %and3A = arith.constant 1 : i32
      %and3A_74 = vector.broadcast %and3A : i32 to vector<16xi32>
      %and3A_75 = arith.andi %shift_right_logical3A_73, %and3A_74 : vector<16xi32>
      %add3A_76 = arith.addi %add3A_71, %and3A_75 : vector<16xi32>
      %add3A_77 = arith.constant 32767 : i32
      %add3A_78 = vector.broadcast %add3A_77 : i32 to vector<16xi32>
      %add3A_79 = arith.addi %bitcast3A_68, %add3A_78 : vector<16xi32>
      %shift_right_logical3A_80 = arith.constant 16 : i32
      %shift_right_logical3A_81 = vector.broadcast %shift_right_logical3A_80 : i32 to vector<16xi32>
      %shift_right_logical3A_82 = arith.shrui %bitcast3A_68, %shift_right_logical3A_81 : vector<16xi32>
      %and3A_83 = arith.constant 1 : i32
      %and3A_84 = vector.broadcast %and3A_83 : i32 to vector<16xi32>
      %and3A_85 = arith.andi %shift_right_logical3A_82, %and3A_84 : vector<16xi32>
      %add3A_86 = arith.addi %add3A_79, %and3A_85 : vector<16xi32>
      %shift_right_logical3A_87 = arith.constant 16 : i32
      %shift_right_logical3A_88 = vector.broadcast %shift_right_logical3A_87 : i32 to vector<16xi32>
      %shift_right_logical3A_89 = arith.shrui %add3A_76, %shift_right_logical3A_88 : vector<16xi32>
      %and3A_90 = arith.constant -65536 : i32
      %and3A_91 = vector.broadcast %and3A_90 : i32 to vector<16xi32>
      %and3A_92 = arith.andi %add3A_86, %and3A_91 : vector<16xi32>
      %or3A = arith.ori %shift_right_logical3A_89, %and3A_92 : vector<16xi32>
      %swap3A = arith.index_cast %add3A_62 : i32 to index
      %swap3A_93 = arith.constant 0 : index
      %swap3A_94 = tpu.vector_load %arg13[%swap3A, %swap3A_93] {strides = array<i32>} : memref<128x64xi32, #tpu.memory_space<vmem>>, vector<16xi32>,
      tpu.vector_store %arg13[%swap3A, %swap3A_93], %or3A {strides = array<i32>} : memref<128x64xi32, #tpu.memory_space<vmem>>, vector<16xi32>,
      %get3A_95 = arith.index_cast %add3A_62 : i32 to index
      %get3A_96 = arith.constant 16 : index
      %get3A_97 = tpu.vector_load %arg11[%get3A_95, %get3A_96] {strides = array<i32>} : memref<128x128xf32, #tpu.memory_space<vmem>>, vector<16xf32>,
      %get3A_98 = arith.index_cast %add3A_62 : i32 to index
      %get3A_99 = arith.constant 80 : index
      %get3A_100 = tpu.vector_load %arg11[%get3A_98, %get3A_99] {strides = array<i32>} : memref<128x128xf32, #tpu.memory_space<vmem>>, vector<16xf32>,
      %bitcast3A_101 = vector.bitcast %get3A_97 : vector<16xf32> to vector<16xi32>
      %bitcast3A_102 = vector.bitcast %get3A_100 : vector<16xf32> to vector<16xi32>
      %add3A_103 = arith.constant 32767 : i32
      %add3A_104 = vector.broadcast %add3A_103 : i32 to vector<16xi32>
      %add3A_105 = arith.addi %bitcast3A_101, %add3A_104 : vector<16xi32>
      %shift_right_logical3A_106 = arith.constant 16 : i32
      %shift_right_logical3A_107 = vector.broadcast %shift_right_logical3A_106 : i32 to vector<16xi32>
      %shift_right_logical3A_108 = arith.shrui %bitcast3A_101, %shift_right_logical3A_107 : vector<16xi32>
      %and3A_109 = arith.constant 1 : i32
      %and3A_110 = vector.broadcast %and3A_109 : i32 to vector<16xi32>
      %and3A_111 = arith.andi %shift_right_logical3A_108, %and3A_110 : vector<16xi32>
      %add3A_112 = arith.addi %add3A_105, %and3A_111 : vector<16xi32>
      %add3A_113 = arith.constant 32767 : i32
      %add3A_114 = vector.broadcast %add3A_113 : i32 to vector<16xi32>
      %add3A_115 = arith.addi %bitcast3A_102, %add3A_114 : vector<16xi32>
      %shift_right_logical3A_116 = arith.constant 16 : i32
      %shift_right_logical3A_117 = vector.broadcast %shift_right_logical3A_116 : i32 to vector<16xi32>
      %shift_right_logical3A_118 = arith.shrui %bitcast3A_102, %shift_right_logical3A_117 : vector<16xi32>
      %and3A_119 = arith.constant 1 : i32
      %and3A_120 = vector.broadcast %and3A_119 : i32 to vector<16xi32>
      %and3A_121 = arith.andi %shift_right_logical3A_118, %and3A_120 : vector<16xi32>
      %add3A_122 = arith.addi %add3A_115, %and3A_121 : vector<16xi32>
      %shift_right_logical3A_123 = arith.constant 16 : i32
      %shift_right_logical3A_124 = vector.broadcast %shift_right_logical3A_123 : i32 to vector<16xi32>
      %shift_right_logical3A_125 = arith.shrui %add3A_112, %shift_right_logical3A_124 : vector<16xi32>
      %and3A_126 = arith.constant -65536 : i32
      %and3A_127 = vector.broadcast %and3A_126 : i32 to vector<16xi32>
      %and3A_128 = arith.andi %add3A_122, %and3A_127 : vector<16xi32>
      %or3A_129 = arith.ori %shift_right_logical3A_125, %and3A_128 : vector<16xi32>
      %swap3A_130 = arith.index_cast %add3A_62 : i32 to index
      %swap3A_131 = arith.constant 16 : index
      %swap3A_132 = tpu.vector_load %arg13[%swap3A_130, %swap3A_131] {strides = array<i32>} : memref<128x64xi32, #tpu.memory_space<vmem>>, vector<16xi32>,
      tpu.vector_store %arg13[%swap3A_130, %swap3A_131], %or3A_129 {strides = array<i32>} : memref<128x64xi32, #tpu.memory_space<vmem>>, vector<16xi32>,
      %get3A_133 = arith.index_cast %add3A_62 : i32 to index
      %get3A_134 = arith.constant 32 : index
      %get3A_135 = tpu.vector_load %arg11[%get3A_133, %get3A_134] {strides = array<i32>} : memref<128x128xf32, #tpu.memory_space<vmem>>, vector<16xf32>,
      %get3A_136 = arith.index_cast %add3A_62 : i32 to index
      %get3A_137 = arith.constant 96 : index
      %get3A_138 = tpu.vector_load %arg11[%get3A_136, %get3A_137] {strides = array<i32>} : memref<128x128xf32, #tpu.memory_space<vmem>>, vector<16xf32>,
      %bitcast3A_139 = vector.bitcast %get3A_135 : vector<16xf32> to vector<16xi32>
      %bitcast3A_140 = vector.bitcast %get3A_138 : vector<16xf32> to vector<16xi32>
      %add3A_141 = arith.constant 32767 : i32
      %add3A_142 = vector.broadcast %add3A_141 : i32 to vector<16xi32>
      %add3A_143 = arith.addi %bitcast3A_139, %add3A_142 : vector<16xi32>
      %shift_right_logical3A_144 = arith.constant 16 : i32
      %shift_right_logical3A_145 = vector.broadcast %shift_right_logical3A_144 : i32 to vector<16xi32>
      %shift_right_logical3A_146 = arith.shrui %bitcast3A_139, %shift_right_logical3A_145 : vector<16xi32>
      %and3A_147 = arith.constant 1 : i32
      %and3A_148 = vector.broadcast %and3A_147 : i32 to vector<16xi32>
      %and3A_149 = arith.andi %shift_right_logical3A_146, %and3A_148 : vector<16xi32>
      %add3A_150 = arith.addi %add3A_143, %and3A_149 : vector<16xi32>
      %add3A_151 = arith.constant 32767 : i32
      %add3A_152 = vector.broadcast %add3A_151 : i32 to vector<16xi32>
      %add3A_153 = arith.addi %bitcast3A_140, %add3A_152 : vector<16xi32>
      %shift_right_logical3A_154 = arith.constant 16 : i32
      %shift_right_logical3A_155 = vector.broadcast %shift_right_logical3A_154 : i32 to vector<16xi32>
      %shift_right_logical3A_156 = arith.shrui %bitcast3A_140, %shift_right_logical3A_155 : vector<16xi32>
      %and3A_157 = arith.constant 1 : i32
      %and3A_158 = vector.broadcast %and3A_157 : i32 to vector<16xi32>
      %and3A_159 = arith.andi %shift_right_logical3A_156, %and3A_158 : vector<16xi32>
      %add3A_160 = arith.addi %add3A_153, %and3A_159 : vector<16xi32>
      %shift_right_logical3A_161 = arith.constant 16 : i32
      %shift_right_logical3A_162 = vector.broadcast %shift_right_logical3A_161 : i32 to vector<16xi32>
      %shift_right_logical3A_163 = arith.shrui %add3A_150, %shift_right_logical3A_162 : vector<16xi32>
      %and3A_164 = arith.constant -65536 : i32
      %and3A_165 = vector.broadcast %and3A_164 : i32 to vector<16xi32>
      %and3A_166 = arith.andi %add3A_160, %and3A_165 : vector<16xi32>
      %or3A_167 = arith.ori %shift_right_logical3A_163, %and3A_166 : vector<16xi32>
      %swap3A_168 = arith.index_cast %add3A_62 : i32 to index
      %swap3A_169 = arith.constant 32 : index
      %swap3A_170 = tpu.vector_load %arg13[%swap3A_168, %swap3A_169] {strides = array<i32>} : memref<128x64xi32, #tpu.memory_space<vmem>>, vector<16xi32>,
      tpu.vector_store %arg13[%swap3A_168, %swap3A_169], %or3A_167 {strides = array<i32>} : memref<128x64xi32, #tpu.memory_space<vmem>>, vector<16xi32>,
      %get3A_171 = arith.index_cast %add3A_62 : i32 to index
      %get3A_172 = arith.constant 48 : index
      %get3A_173 = tpu.vector_load %arg11[%get3A_171, %get3A_172] {strides = array<i32>} : memref<128x128xf32, #tpu.memory_space<vmem>>, vector<16xf32>,
      %get3A_174 = arith.index_cast %add3A_62 : i32 to index
      %get3A_175 = arith.constant 112 : index
      %get3A_176 = tpu.vector_load %arg11[%get3A_174, %get3A_175] {strides = array<i32>} : memref<128x128xf32, #tpu.memory_space<vmem>>, vector<16xf32>,
      %bitcast3A_177 = vector.bitcast %get3A_173 : vector<16xf32> to vector<16xi32>
      %bitcast3A_178 = vector.bitcast %get3A_176 : vector<16xf32> to vector<16xi32>
      %add3A_179 = arith.constant 32767 : i32
      %add3A_180 = vector.broadcast %add3A_179 : i32 to vector<16xi32>
      %add3A_181 = arith.addi %bitcast3A_177, %add3A_180 : vector<16xi32>
      %shift_right_logical3A_182 = arith.constant 16 : i32
      %shift_right_logical3A_183 = vector.broadcast %shift_right_logical3A_182 : i32 to vector<16xi32>
      %shift_right_logical3A_184 = arith.shrui %bitcast3A_177, %shift_right_logical3A_183 : vector<16xi32>
      %and3A_185 = arith.constant 1 : i32
      %and3A_186 = vector.broadcast %and3A_185 : i32 to vector<16xi32>
      %and3A_187 = arith.andi %shift_right_logical3A_184, %and3A_186 : vector<16xi32>
      %add3A_188 = arith.addi %add3A_181, %and3A_187 : vector<16xi32>
      %add3A_189 = arith.constant 32767 : i32
      %add3A_190 = vector.broadcast %add3A_189 : i32 to vector<16xi32>
      %add3A_191 = arith.addi %bitcast3A_178, %add3A_190 : vector<16xi32>
      %shift_right_logical3A_192 = arith.constant 16 : i32
      %shift_right_logical3A_193 = vector.broadcast %shift_right_logical3A_192 : i32 to vector<16xi32>
      %shift_right_logical3A_194 = arith.shrui %bitcast3A_178, %shift_right_logical3A_193 : vector<16xi32>
      %and3A_195 = arith.constant 1 : i32
      %and3A_196 = vector.broadcast %and3A_195 : i32 to vector<16xi32>
      %and3A_197 = arith.andi %shift_right_logical3A_194, %and3A_196 : vector<16xi32>
      %add3A_198 = arith.addi %add3A_191, %and3A_197 : vector<16xi32>
      %shift_right_logical3A_199 = arith.constant 16 : i32
      %shift_right_logical3A_200 = vector.broadcast %shift_right_logical3A_199 : i32 to vector<16xi32>
      %shift_right_logical3A_201 = arith.shrui %add3A_188, %shift_right_logical3A_200 : vector<16xi32>
      %and3A_202 = arith.constant -65536 : i32
      %and3A_203 = vector.broadcast %and3A_202 : i32 to vector<16xi32>
      %and3A_204 = arith.andi %add3A_198, %and3A_203 : vector<16xi32>
      %or3A_205 = arith.ori %shift_right_logical3A_201, %and3A_204 : vector<16xi32>
      %swap3A_206 = arith.index_cast %add3A_62 : i32 to index
      %swap3A_207 = arith.constant 48 : index
      %swap3A_208 = tpu.vector_load %arg13[%swap3A_206, %swap3A_207] {strides = array<i32>} : memref<128x64xi32, #tpu.memory_space<vmem>>, vector<16xi32>,
      tpu.vector_store %arg13[%swap3A_206, %swap3A_207], %or3A_205 {strides = array<i32>} : memref<128x64xi32, #tpu.memory_space<vmem>>, vector<16xi32>,
    }
    %scan3A_57 = arith.constant 64 : i32
    "tpu.region"() ({
      %run_scoped3A = tpu.sem_alloc : memref<!tpu.dma_semaphore, #tpu.memory_space<semaphore_mem>>
      %dma_start3A_58 = arith.constant 0 : i32
      %dma_start3A_59 = arith.constant 0 : i32
      %dma_start3A_60 = tpu.memref_slice %arg13[%dma_start3A_58, %dma_start3A_59] : memref<128x64xi32, #tpu.memory_space<vmem>> -> memref<64x64xi32, #tpu.memory_space<vmem>>
      %dma_start3A_61 = arith.constant 0 : i32
      %dma_start3A_62 = tpu.memref_slice %arg6[%add3A_19, %dma_start3A_61] : memref<51200x64xi32, #tpu.memory_space<hbm>> -> memref<64x64xi32, #tpu.memory_space<hbm>>
      %dma_start3A_63 = arith.constant 0 : i32
      %dma_start3A_64 = tpu.memref_slice %arg6[%add3A_19, %dma_start3A_63] : memref<51200x64xi32, #tpu.memory_space<hbm>> -> memref<64x64xi32, #tpu.memory_space<hbm>>
      %dma_start3A_65 = arith.constant 0 : i32
      %dma_start3A_66 = arith.constant 0 : i32
      %dma_start3A_67 = tpu.memref_slice %arg13[%dma_start3A_65, %dma_start3A_66] : memref<128x64xi32, #tpu.memory_space<vmem>> -> memref<64x64xi32, #tpu.memory_space<vmem>>
      tpu.enqueue_dma source(%dma_start3A_67 : memref<64x64xi32, #tpu.memory_space<vmem>>) target(%dma_start3A_64 : memref<64x64xi32, #tpu.memory_space<hbm>>) target_semaphore(%run_scoped3A : memref<!tpu.dma_semaphore, #tpu.memory_space<semaphore_mem>>)
      %dma_wait3A_68 = arith.constant 0 : i32
      %dma_wait3A_69 = arith.constant 0 : i32
      %dma_wait3A_70 = tpu.memref_slice %arg13[%dma_wait3A_68, %dma_wait3A_69] : memref<128x64xi32, #tpu.memory_space<vmem>> -> memref<64x64xi32, #tpu.memory_space<vmem>>
      %dma_wait3A_71 = arith.constant 0 : i32
      %dma_wait3A_72 = tpu.memref_slice %arg6[%add3A_19, %dma_wait3A_71] : memref<51200x64xi32, #tpu.memory_space<hbm>> -> memref<64x64xi32, #tpu.memory_space<hbm>>
      %dma_wait3A_73 = arith.constant 0 : i32
      %dma_wait3A_74 = tpu.memref_slice %arg6[%add3A_19, %dma_wait3A_73] : memref<51200x64xi32, #tpu.memory_space<hbm>> -> memref<64x64xi32, #tpu.memory_space<hbm>>
      %dma_wait3A_75 = arith.constant 0 : i32
      %dma_wait3A_76 = arith.constant 0 : i32
      %dma_wait3A_77 = tpu.memref_slice %arg13[%dma_wait3A_75, %dma_wait3A_76] : memref<128x64xi32, #tpu.memory_space<vmem>> -> memref<64x64xi32, #tpu.memory_space<vmem>>
      tpu.wait_dma2 semaphore(%run_scoped3A : memref<!tpu.dma_semaphore, #tpu.memory_space<semaphore_mem>>) src(%dma_wait3A_77 : memref<64x64xi32, #tpu.memory_space<vmem>>) dst(%dma_wait3A_74 : memref<64x64xi32, #tpu.memory_space<hbm>>)
      tpu.yield
    }) : () -> ()
    return
  }
}

module attributes {stable_mosaic.version = 14 : i64} {
  func.func @_word_transform_body(%arg0: i32, %arg1: memref<10000x128xf32, #tpu.memory_space<vmem>>, %arg2: memref<128x128xf32, #tpu.memory_space<vmem>>, %arg3: memref<10000x128xf32, #tpu.memory_space<vmem>>) attributes {dimension_semantics = [#tpu.dimension_semantics<arbitrary>], iteration_bounds = array<i64: 10>, scalar_prefetch = 0 : i64, scratch_operands = 0 : i64, tpu.core_type = #tpu.core_type<tc>, window_params = [{transform_indices = @transform_0, window_bounds = array<i64: 10000, 128>}, {pipeline_mode = #tpu.pipeline_mode<synchronous>, transform_indices = @transform_1, window_bounds = array<i64: 128, 128>}, {transform_indices = @transform_2, window_bounds = array<i64: 10000, 128>}]} {
    %get3A = arith.constant 0 : index
    %get3A_0 = arith.constant 0 : index
    %get3A_1 = vector.load %arg1[%get3A, %get3A_0] : memref<10000x128xf32, #tpu.memory_space<vmem>>, vector<10000x128xf32>
    %get3A_2 = arith.constant 0 : index
    %get3A_3 = arith.constant 0 : index
    %get3A_4 = vector.load %arg2[%get3A_2, %get3A_3] : memref<128x128xf32, #tpu.memory_space<vmem>>, vector<128x128xf32>
    %dot_general3A = arith.constant dense<0.000000e+00> : vector<10000x128xf32>
    %dot_general3A_5 = tpu.matmul %get3A_1, %get3A_4, %dot_general3A {dimension_numbers = #tpu.dot_dimension_numbers<[1], [0], [0], [1], [0, 0, 1, 1], [], []>, transpose_lhs_hint = false} : vector<10000x128xf32>, vector<128x128xf32>, vector<10000x128xf32> -> vector<10000x128xf32>
    %swap3A = arith.constant 0 : index
    %swap3A_6 = arith.constant 0 : index
    %swap3A_7 = vector.load %arg3[%swap3A, %swap3A_6] : memref<10000x128xf32, #tpu.memory_space<vmem>>, vector<10000x128xf32>
    tpu.vector_store %arg3[%swap3A, %swap3A_6], %dot_general3A_5 {strides = array<i32>} : memref<10000x128xf32, #tpu.memory_space<vmem>>, vector<10000x128xf32>,
    return
  }
  func.func @transform_0(%arg0: i32) -> (i32, i32) {
    %c0_i32 = arith.constant 0 : i32
    %c0_i32_0 = arith.constant 0 : i32
    return %arg0, %c0_i32 : i32, i32
  }
  func.func @transform_1(%arg0: i32) -> (i32, i32) {
    %c0_i32 = arith.constant 0 : i32
    %c0_i32_0 = arith.constant 0 : i32
    %c0_i32_1 = arith.constant 0 : i32
    return %c0_i32, %c0_i32_0 : i32, i32
  }
  func.func @transform_2(%arg0: i32) -> (i32, i32) {
    %c0_i32 = arith.constant 0 : i32
    %c0_i32_0 = arith.constant 0 : i32
    return %arg0, %c0_i32 : i32, i32
  }
}

module attributes {stable_mosaic.version = 14 : i64} {
  func.func @_glyph_transform_body(%arg0: memref<8000x128xf32, #tpu.memory_space<vmem>>, %arg1: memref<128x128xf32, #tpu.memory_space<vmem>>, %arg2: memref<128x128xf32, #tpu.memory_space<vmem>>, %arg3: memref<1x128xf32, #tpu.memory_space<vmem>>, %arg4: memref<1x128xf32, #tpu.memory_space<vmem>>, %arg5: memref<1x1x200xi32, #tpu.memory_space<vmem>>, %arg6: memref<512x128xf32, #tpu.memory_space<vmem>>, %arg7: memref<8000x128xf32, #tpu.memory_space<vmem>>, %arg8: memref<200x128xf32, #tpu.memory_space<vmem>>) attributes {dimension_semantics = [], scalar_prefetch = 0 : i64, scratch_operands = 0 : i64, tpu.core_type = #tpu.core_type<tc>} {
    %get3A = arith.constant 0 : index
    %get3A_0 = arith.constant 0 : index
    %get3A_1 = vector.load %arg1[%get3A, %get3A_0] : memref<128x128xf32, #tpu.memory_space<vmem>>, vector<128x128xf32>
    %get3A_2 = arith.constant 0 : index
    %get3A_3 = arith.constant 0 : index
    %get3A_4 = vector.load %arg2[%get3A_2, %get3A_3] : memref<128x128xf32, #tpu.memory_space<vmem>>, vector<128x128xf32>
    %dot_general3A = arith.constant dense<0.000000e+00> : vector<128x128xf32>
    %dot_general3A_5 = tpu.matmul %get3A_1, %get3A_4, %dot_general3A {dimension_numbers = #tpu.dot_dimension_numbers<[1], [0], [0], [1], [0, 0, 1, 1], [], []>, transpose_lhs_hint = false} : vector<128x128xf32>, vector<128x128xf32>, vector<128x128xf32> -> vector<128x128xf32>
    %get3A_6 = arith.constant 0 : index
    %get3A_7 = arith.constant 0 : index
    %get3A_8 = vector.load %arg0[%get3A_6, %get3A_7] : memref<8000x128xf32, #tpu.memory_space<vmem>>, vector<8000x128xf32>
    %dot_general3A_9 = arith.constant dense<0.000000e+00> : vector<8000x128xf32>
    %dot_general3A_10 = tpu.matmul %get3A_8, %dot_general3A_5, %dot_general3A_9 {dimension_numbers = #tpu.dot_dimension_numbers<[1], [0], [0], [1], [0, 0, 1, 1], [], []>, transpose_lhs_hint = false} : vector<8000x128xf32>, vector<128x128xf32>, vector<8000x128xf32> -> vector<8000x128xf32>
    %swap3A = arith.constant 0 : index
    %swap3A_11 = arith.constant 0 : index
    %swap3A_12 = vector.load %arg7[%swap3A, %swap3A_11] : memref<8000x128xf32, #tpu.memory_space<vmem>>, vector<8000x128xf32>
    tpu.vector_store %arg7[%swap3A, %swap3A_11], %dot_general3A_10 {strides = array<i32>} : memref<8000x128xf32, #tpu.memory_space<vmem>>, vector<8000x128xf32>,
    %get3A_13 = arith.constant 0 : index
    %get3A_14 = arith.constant 0 : index
    %get3A_15 = vector.load %arg3[%get3A_13, %get3A_14] : memref<1x128xf32, #tpu.memory_space<vmem>>, vector<1x128xf32>
    %get3A_16 = arith.constant 0 : index
    %get3A_17 = arith.constant 0 : index
    %get3A_18 = vector.load %arg2[%get3A_16, %get3A_17] : memref<128x128xf32, #tpu.memory_space<vmem>>, vector<128x128xf32>
    %dot_general3A_19 = arith.constant dense<0.000000e+00> : vector<1x128xf32>
    %dot_general3A_20 = tpu.matmul %get3A_15, %get3A_18, %dot_general3A_19 {dimension_numbers = #tpu.dot_dimension_numbers<[1], [0], [0], [1], [0, 0, 1, 1], [], []>, transpose_lhs_hint = false} : vector<1x128xf32>, vector<128x128xf32>, vector<1x128xf32> -> vector<1x128xf32>
    %get3A_21 = arith.constant 0 : index
    %get3A_22 = arith.constant 0 : index
    %get3A_23 = vector.load %arg4[%get3A_21, %get3A_22] : memref<1x128xf32, #tpu.memory_space<vmem>>, vector<1x128xf32>
    %add3A = arith.addf %dot_general3A_20, %get3A_23 : vector<1x128xf32>
    %get3A_24 = arith.constant 0 : index
    %get3A_25 = arith.constant 0 : index
    %get3A_26 = arith.constant 0 : index
    %get3A_27 = vector.load %arg5[%get3A_24, %get3A_25, %get3A_26] : memref<1x1x200xi32, #tpu.memory_space<vmem>>, vector<1x1x200xi32>
    %get3A_28 = vector.shape_cast %get3A_27 : vector<1x1x200xi32> to vector<200xi32>
    %broadcast_in_dim3A = vector.shape_cast %get3A_28 : vector<200xi32> to vector<200x1xi32>
    %iota3A = tpu.iota {dimensions = array<i32: 1>} : vector<200x512xi32>
    %eq3A = vector.broadcast %broadcast_in_dim3A : vector<200x1xi32> to vector<200x512xi32>
    %eq3A_29 = arith.cmpi eq, %eq3A, %iota3A : vector<200x512xi32>
    %convert_element_type3A = arith.extui %eq3A_29 : vector<200x512xi1> to vector<200x512xi32>
    %convert_element_type3A_30 = arith.sitofp %convert_element_type3A : vector<200x512xi32> to vector<200x512xf32>
    %get3A_31 = arith.constant 0 : index
    %get3A_32 = arith.constant 0 : index
    %get3A_33 = vector.load %arg6[%get3A_31, %get3A_32] : memref<512x128xf32, #tpu.memory_space<vmem>>, vector<512x128xf32>
    %dot_general3A_34 = arith.constant dense<0.000000e+00> : vector<200x128xf32>
    %dot_general3A_35 = tpu.matmul %convert_element_type3A_30, %get3A_33, %dot_general3A_34 {dimension_numbers = #tpu.dot_dimension_numbers<[1], [0], [0], [1], [0, 0, 1, 1], [], []>, transpose_lhs_hint = false} : vector<200x512xf32>, vector<512x128xf32>, vector<200x128xf32> -> vector<200x128xf32>
    %add3A_36 = vector.broadcast %add3A : vector<1x128xf32> to vector<200x128xf32>
    %add3A_37 = arith.addf %dot_general3A_35, %add3A_36 : vector<200x128xf32>
    %swap3A_38 = arith.constant 0 : index
    %swap3A_39 = arith.constant 0 : index
    %swap3A_40 = vector.load %arg8[%swap3A_38, %swap3A_39] : memref<200x128xf32, #tpu.memory_space<vmem>>, vector<200x128xf32>
    tpu.vector_store %arg8[%swap3A_38, %swap3A_39], %add3A_37 {strides = array<i32>} : memref<200x128xf32, #tpu.memory_space<vmem>>, vector<200x128xf32>,
    return
  }
}

module attributes {stable_mosaic.version = 14 : i64} {
  func.func @_post_ln_body(%arg0: i32, %arg1: memref<16x200x64xi32, #tpu.memory_space<vmem>>, %arg2: memref<16x1x200xi32, #tpu.memory_space<vmem>>, %arg3: memref<2x64xf32, #tpu.memory_space<vmem>>, %arg4: memref<2x64xf32, #tpu.memory_space<vmem>>, %arg5: memref<200x64xf32, #tpu.memory_space<vmem>>, %arg6: memref<200x64xf32, #tpu.memory_space<vmem>>, %arg7: memref<1x64xf32, #tpu.memory_space<vmem>>, %arg8: memref<1x64xf32, #tpu.memory_space<vmem>>, %arg9: memref<1x64xf32, #tpu.memory_space<vmem>>, %arg10: memref<1x64xf32, #tpu.memory_space<vmem>>, %arg11: memref<16x200x128xf32, #tpu.memory_space<vmem>>) attributes {dimension_semantics = [#tpu.dimension_semantics<arbitrary>], iteration_bounds = array<i64: 16>, scalar_prefetch = 0 : i64, scratch_operands = 0 : i64, tpu.core_type = #tpu.core_type<tc>, window_params = [{transform_indices = @transform_0, window_bounds = array<i64: 16, 200, 64>}, {transform_indices = @transform_1, window_bounds = array<i64: 16, 1, 200>}, {pipeline_mode = #tpu.pipeline_mode<synchronous>, transform_indices = @transform_2, window_bounds = array<i64: 2, 64>}, {pipeline_mode = #tpu.pipeline_mode<synchronous>, transform_indices = @transform_3, window_bounds = array<i64: 2, 64>}, {pipeline_mode = #tpu.pipeline_mode<synchronous>, transform_indices = @transform_4, window_bounds = array<i64: 200, 64>}, {pipeline_mode = #tpu.pipeline_mode<synchronous>, transform_indices = @transform_5, window_bounds = array<i64: 200, 64>}, {pipeline_mode = #tpu.pipeline_mode<synchronous>, transform_indices = @transform_6, window_bounds = array<i64: 1, 64>}, {pipeline_mode = #tpu.pipeline_mode<synchronous>, transform_indices = @transform_7, window_bounds = array<i64: 1, 64>}, {pipeline_mode = #tpu.pipeline_mode<synchronous>, transform_indices = @transform_8, window_bounds = array<i64: 1, 64>}, {pipeline_mode = #tpu.pipeline_mode<synchronous>, transform_indices = @transform_9, window_bounds = array<i64: 1, 64>}, {transform_indices = @transform_10, window_bounds = array<i64: 16, 200, 128>}]} {
    %get3A = arith.constant 0 : index
    %get3A_0 = arith.constant 0 : index
    %get3A_1 = arith.constant 0 : index
    %get3A_2 = vector.load %arg1[%get3A, %get3A_0, %get3A_1] : memref<16x200x64xi32, #tpu.memory_space<vmem>>, vector<16x200x64xi32>
    %shift_left3A = arith.constant 16 : i32
    %shift_left3A_3 = vector.broadcast %shift_left3A : i32 to vector<16x200x64xi32>
    %shift_left3A_4 = arith.shli %get3A_2, %shift_left3A_3 : vector<16x200x64xi32>
    %bitcast_convert_type3A = tpu.bitcast %shift_left3A_4 : vector<16x200x64xi32> -> vector<16x200x64xf32>
    %and3A = arith.constant -65536 : i32
    %and3A_5 = vector.broadcast %and3A : i32 to vector<16x200x64xi32>
    %and3A_6 = arith.andi %get3A_2, %and3A_5 : vector<16x200x64xi32>
    %bitcast_convert_type3A_7 = tpu.bitcast %and3A_6 : vector<16x200x64xi32> -> vector<16x200x64xf32>
    %get3A_8 = arith.constant 0 : index
    %get3A_9 = arith.constant 0 : index
    %get3A_10 = vector.load %arg5[%get3A_8, %get3A_9] : memref<200x64xf32, #tpu.memory_space<vmem>>, vector<200x64xf32>
    %broadcast_in_dim3A = vector.shape_cast %get3A_10 : vector<200x64xf32> to vector<1x200x64xf32>
    %add3A = vector.broadcast %broadcast_in_dim3A : vector<1x200x64xf32> to vector<16x200x64xf32>
    %add3A_11 = arith.addf %bitcast_convert_type3A, %add3A : vector<16x200x64xf32>
    %get3A_12 = arith.constant 0 : index
    %get3A_13 = arith.constant 0 : index
    %get3A_14 = arith.constant 0 : index
    %get3A_15 = vector.load %arg2[%get3A_12, %get3A_13, %get3A_14] : memref<16x1x200xi32, #tpu.memory_space<vmem>>, vector<16x1x200xi32>
    %get3A_16 = vector.shape_cast %get3A_15 : vector<16x1x200xi32> to vector<16x200xi32>
    %convert_element_type3A = arith.sitofp %get3A_16 : vector<16x200xi32> to vector<16x200xf32>
    %broadcast_in_dim3A_17 = vector.shape_cast %convert_element_type3A : vector<16x200xf32> to vector<16x200x1xf32>
    %broadcast_in_dim3A_18 = vector.broadcast %broadcast_in_dim3A_17 : vector<16x200x1xf32> to vector<16x200x64xf32>
    %get3A_19 = arith.constant 0 : index
    %get3A_20 = arith.constant 0 : index
    %get3A_21 = vector.load %arg3[%get3A_19, %get3A_20] : memref<2x64xf32, #tpu.memory_space<vmem>>, vector<1x64xf32>
    %get3A_22 = vector.shape_cast %get3A_21 : vector<1x64xf32> to vector<64xf32>
    %get3A_23 = arith.constant 1 : index
    %get3A_24 = arith.constant 0 : index
    %get3A_25 = vector.load %arg3[%get3A_23, %get3A_24] : memref<2x64xf32, #tpu.memory_space<vmem>>, vector<1x64xf32>
    %get3A_26 = vector.shape_cast %get3A_25 : vector<1x64xf32> to vector<64xf32>
    %get3A_27 = arith.constant 0 : index
    %get3A_28 = arith.constant 0 : index
    %get3A_29 = vector.load %arg3[%get3A_27, %get3A_28] : memref<2x64xf32, #tpu.memory_space<vmem>>, vector<1x64xf32>
    %get3A_30 = vector.shape_cast %get3A_29 : vector<1x64xf32> to vector<64xf32>
    %sub3A = arith.subf %get3A_26, %get3A_30 : vector<64xf32>
    %broadcast_in_dim3A_31 = vector.shape_cast %sub3A : vector<64xf32> to vector<1x1x64xf32>
    %mul3A = vector.broadcast %broadcast_in_dim3A_31 : vector<1x1x64xf32> to vector<16x200x64xf32>
    %mul3A_32 = arith.mulf %broadcast_in_dim3A_18, %mul3A : vector<16x200x64xf32>
    %broadcast_in_dim3A_33 = vector.shape_cast %get3A_22 : vector<64xf32> to vector<1x1x64xf32>
    %add3A_34 = vector.broadcast %broadcast_in_dim3A_33 : vector<1x1x64xf32> to vector<16x200x64xf32>
    %add3A_35 = arith.addf %add3A_34, %mul3A_32 : vector<16x200x64xf32>
    %add3A_36 = arith.addf %add3A_11, %add3A_35 : vector<16x200x64xf32>
    %get3A_37 = arith.constant 0 : index
    %get3A_38 = arith.constant 0 : index
    %get3A_39 = vector.load %arg6[%get3A_37, %get3A_38] : memref<200x64xf32, #tpu.memory_space<vmem>>, vector<200x64xf32>
    %broadcast_in_dim3A_40 = vector.shape_cast %get3A_39 : vector<200x64xf32> to vector<1x200x64xf32>
    %add3A_41 = vector.broadcast %broadcast_in_dim3A_40 : vector<1x200x64xf32> to vector<16x200x64xf32>
    %add3A_42 = arith.addf %bitcast_convert_type3A_7, %add3A_41 : vector<16x200x64xf32>
    %get3A_43 = arith.constant 0 : index
    %get3A_44 = arith.constant 0 : index
    %get3A_45 = arith.constant 0 : index
    %get3A_46 = vector.load %arg2[%get3A_43, %get3A_44, %get3A_45] : memref<16x1x200xi32, #tpu.memory_space<vmem>>, vector<16x1x200xi32>
    %get3A_47 = vector.shape_cast %get3A_46 : vector<16x1x200xi32> to vector<16x200xi32>
    %convert_element_type3A_48 = arith.sitofp %get3A_47 : vector<16x200xi32> to vector<16x200xf32>
    %broadcast_in_dim3A_49 = vector.shape_cast %convert_element_type3A_48 : vector<16x200xf32> to vector<16x200x1xf32>
    %broadcast_in_dim3A_50 = vector.broadcast %broadcast_in_dim3A_49 : vector<16x200x1xf32> to vector<16x200x64xf32>
    %get3A_51 = arith.constant 0 : index
    %get3A_52 = arith.constant 0 : index
    %get3A_53 = vector.load %arg4[%get3A_51, %get3A_52] : memref<2x64xf32, #tpu.memory_space<vmem>>, vector<1x64xf32>
    %get3A_54 = vector.shape_cast %get3A_53 : vector<1x64xf32> to vector<64xf32>
    %get3A_55 = arith.constant 1 : index
    %get3A_56 = arith.constant 0 : index
    %get3A_57 = vector.load %arg4[%get3A_55, %get3A_56] : memref<2x64xf32, #tpu.memory_space<vmem>>, vector<1x64xf32>
    %get3A_58 = vector.shape_cast %get3A_57 : vector<1x64xf32> to vector<64xf32>
    %get3A_59 = arith.constant 0 : index
    %get3A_60 = arith.constant 0 : index
    %get3A_61 = vector.load %arg4[%get3A_59, %get3A_60] : memref<2x64xf32, #tpu.memory_space<vmem>>, vector<1x64xf32>
    %get3A_62 = vector.shape_cast %get3A_61 : vector<1x64xf32> to vector<64xf32>
    %sub3A_63 = arith.subf %get3A_58, %get3A_62 : vector<64xf32>
    %broadcast_in_dim3A_64 = vector.shape_cast %sub3A_63 : vector<64xf32> to vector<1x1x64xf32>
    %mul3A_65 = vector.broadcast %broadcast_in_dim3A_64 : vector<1x1x64xf32> to vector<16x200x64xf32>
    %mul3A_66 = arith.mulf %broadcast_in_dim3A_50, %mul3A_65 : vector<16x200x64xf32>
    %broadcast_in_dim3A_67 = vector.shape_cast %get3A_54 : vector<64xf32> to vector<1x1x64xf32>
    %add3A_68 = vector.broadcast %broadcast_in_dim3A_67 : vector<1x1x64xf32> to vector<16x200x64xf32>
    %add3A_69 = arith.addf %add3A_68, %mul3A_66 : vector<16x200x64xf32>
    %add3A_70 = arith.addf %add3A_42, %add3A_69 : vector<16x200x64xf32>
    %reduce_sum3A = arith.constant dense<0.000000e+00> : vector<16x200xf32>
    %reduce_sum3A_71 = vector.multi_reduction <add>, %add3A_36, %reduce_sum3A [2] : vector<16x200x64xf32> to vector<16x200xf32>
    %broadcast_in_dim3A_72 = vector.shape_cast %reduce_sum3A_71 : vector<16x200xf32> to vector<16x200x1xf32>
    %reduce_sum3A_73 = arith.constant dense<0.000000e+00> : vector<16x200xf32>
    %reduce_sum3A_74 = vector.multi_reduction <add>, %add3A_70, %reduce_sum3A_73 [2] : vector<16x200x64xf32> to vector<16x200xf32>
    %broadcast_in_dim3A_75 = vector.shape_cast %reduce_sum3A_74 : vector<16x200xf32> to vector<16x200x1xf32>
    %add3A_76 = arith.addf %broadcast_in_dim3A_72, %broadcast_in_dim3A_75 : vector<16x200x1xf32>
    %mul3A_77 = arith.constant 7.812500e-03 : f32
    %mul3A_78 = vector.broadcast %mul3A_77 : f32 to vector<16x200x1xf32>
    %mul3A_79 = arith.mulf %add3A_76, %mul3A_78 : vector<16x200x1xf32>
    %sub3A_80 = vector.broadcast %mul3A_79 : vector<16x200x1xf32> to vector<16x200x64xf32>
    %sub3A_81 = arith.subf %add3A_36, %sub3A_80 : vector<16x200x64xf32>
    %sub3A_82 = vector.broadcast %mul3A_79 : vector<16x200x1xf32> to vector<16x200x64xf32>
    %sub3A_83 = arith.subf %add3A_70, %sub3A_82 : vector<16x200x64xf32>
    %mul3A_84 = arith.mulf %sub3A_81, %sub3A_81 : vector<16x200x64xf32>
    %reduce_sum3A_85 = arith.constant dense<0.000000e+00> : vector<16x200xf32>
    %reduce_sum3A_86 = vector.multi_reduction <add>, %mul3A_84, %reduce_sum3A_85 [2] : vector<16x200x64xf32> to vector<16x200xf32>
    %broadcast_in_dim3A_87 = vector.shape_cast %reduce_sum3A_86 : vector<16x200xf32> to vector<16x200x1xf32>
    %mul3A_88 = arith.mulf %sub3A_83, %sub3A_83 : vector<16x200x64xf32>
    %reduce_sum3A_89 = arith.constant dense<0.000000e+00> : vector<16x200xf32>
    %reduce_sum3A_90 = vector.multi_reduction <add>, %mul3A_88, %reduce_sum3A_89 [2] : vector<16x200x64xf32> to vector<16x200xf32>
    %broadcast_in_dim3A_91 = vector.shape_cast %reduce_sum3A_90 : vector<16x200xf32> to vector<16x200x1xf32>
    %add3A_92 = arith.addf %broadcast_in_dim3A_87, %broadcast_in_dim3A_91 : vector<16x200x1xf32>
    %mul3A_93 = arith.constant 7.812500e-03 : f32
    %mul3A_94 = vector.broadcast %mul3A_93 : f32 to vector<16x200x1xf32>
    %mul3A_95 = arith.mulf %add3A_92, %mul3A_94 : vector<16x200x1xf32>
    %add3A_96 = arith.constant 9.99999996E-13 : f32
    %add3A_97 = vector.broadcast %add3A_96 : f32 to vector<16x200x1xf32>
    %add3A_98 = arith.addf %mul3A_95, %add3A_97 : vector<16x200x1xf32>
    %rsqrt3A = math.rsqrt %add3A_98 : vector<16x200x1xf32>
    %mul3A_99 = vector.broadcast %rsqrt3A : vector<16x200x1xf32> to vector<16x200x64xf32>
    %mul3A_100 = arith.mulf %sub3A_81, %mul3A_99 : vector<16x200x64xf32>
    %get3A_101 = arith.constant 0 : index
    %get3A_102 = arith.constant 0 : index
    %get3A_103 = vector.load %arg7[%get3A_101, %get3A_102] : memref<1x64xf32, #tpu.memory_space<vmem>>, vector<1x64xf32>
    %get3A_104 = vector.shape_cast %get3A_103 : vector<1x64xf32> to vector<64xf32>
    %broadcast_in_dim3A_105 = vector.shape_cast %get3A_104 : vector<64xf32> to vector<1x1x64xf32>
    %mul3A_106 = vector.broadcast %broadcast_in_dim3A_105 : vector<1x1x64xf32> to vector<16x200x64xf32>
    %mul3A_107 = arith.mulf %mul3A_100, %mul3A_106 : vector<16x200x64xf32>
    %get3A_108 = arith.constant 0 : index
    %get3A_109 = arith.constant 0 : index
    %get3A_110 = vector.load %arg9[%get3A_108, %get3A_109] : memref<1x64xf32, #tpu.memory_space<vmem>>, vector<1x64xf32>
    %get3A_111 = vector.shape_cast %get3A_110 : vector<1x64xf32> to vector<64xf32>
    %broadcast_in_dim3A_112 = vector.shape_cast %get3A_111 : vector<64xf32> to vector<1x1x64xf32>
    %add3A_113 = vector.broadcast %broadcast_in_dim3A_112 : vector<1x1x64xf32> to vector<16x200x64xf32>
    %add3A_114 = arith.addf %mul3A_107, %add3A_113 : vector<16x200x64xf32>
    %mul3A_115 = vector.broadcast %rsqrt3A : vector<16x200x1xf32> to vector<16x200x64xf32>
    %mul3A_116 = arith.mulf %sub3A_83, %mul3A_115 : vector<16x200x64xf32>
    %get3A_117 = arith.constant 0 : index
    %get3A_118 = arith.constant 0 : index
    %get3A_119 = vector.load %arg8[%get3A_117, %get3A_118] : memref<1x64xf32, #tpu.memory_space<vmem>>, vector<1x64xf32>
    %get3A_120 = vector.shape_cast %get3A_119 : vector<1x64xf32> to vector<64xf32>
    %broadcast_in_dim3A_121 = vector.shape_cast %get3A_120 : vector<64xf32> to vector<1x1x64xf32>
    %mul3A_122 = vector.broadcast %broadcast_in_dim3A_121 : vector<1x1x64xf32> to vector<16x200x64xf32>
    %mul3A_123 = arith.mulf %mul3A_116, %mul3A_122 : vector<16x200x64xf32>
    %get3A_124 = arith.constant 0 : index
    %get3A_125 = arith.constant 0 : index
    %get3A_126 = vector.load %arg10[%get3A_124, %get3A_125] : memref<1x64xf32, #tpu.memory_space<vmem>>, vector<1x64xf32>
    %get3A_127 = vector.shape_cast %get3A_126 : vector<1x64xf32> to vector<64xf32>
    %broadcast_in_dim3A_128 = vector.shape_cast %get3A_127 : vector<64xf32> to vector<1x1x64xf32>
    %add3A_129 = vector.broadcast %broadcast_in_dim3A_128 : vector<1x1x64xf32> to vector<16x200x64xf32>
    %add3A_130 = arith.addf %mul3A_123, %add3A_129 : vector<16x200x64xf32>
    %concatenate3A = tpu.concatenate %add3A_114, %add3A_130 in 2 : vector<16x200x64xf32>, vector<16x200x64xf32> -> vector<16x200x128xf32>
    %swap3A = arith.constant 0 : index
    %swap3A_131 = arith.constant 0 : index
    %swap3A_132 = arith.constant 0 : index
    %swap3A_133 = vector.load %arg11[%swap3A, %swap3A_131, %swap3A_132] : memref<16x200x128xf32, #tpu.memory_space<vmem>>, vector<16x200x128xf32>
    tpu.vector_store %arg11[%swap3A, %swap3A_131, %swap3A_132], %concatenate3A {strides = array<i32>} : memref<16x200x128xf32, #tpu.memory_space<vmem>>, vector<16x200x128xf32>,
    return
  }
  func.func @transform_0(%arg0: i32) -> (i32, i32, i32) {
    %c0_i32 = arith.constant 0 : i32
    %c0_i32_0 = arith.constant 0 : i32
    %c0_i32_1 = arith.constant 0 : i32
    return %arg0, %c0_i32, %c0_i32_0 : i32, i32, i32
  }
  func.func @transform_1(%arg0: i32) -> (i32, i32, i32) {
    %c0_i32 = arith.constant 0 : i32
    %c0_i32_0 = arith.constant 0 : i32
    %c0_i32_1 = arith.constant 0 : i32
    return %arg0, %c0_i32, %c0_i32_0 : i32, i32, i32
  }
  func.func @transform_2(%arg0: i32) -> (i32, i32) {
    %c0_i32 = arith.constant 0 : i32
    %c0_i32_0 = arith.constant 0 : i32
    %c0_i32_1 = arith.constant 0 : i32
    return %c0_i32, %c0_i32_0 : i32, i32
  }
  func.func @transform_3(%arg0: i32) -> (i32, i32) {
    %c0_i32 = arith.constant 0 : i32
    %c0_i32_0 = arith.constant 0 : i32
    %c0_i32_1 = arith.constant 0 : i32
    return %c0_i32, %c0_i32_0 : i32, i32
  }
  func.func @transform_4(%arg0: i32) -> (i32, i32) {
    %c0_i32 = arith.constant 0 : i32
    %c0_i32_0 = arith.constant 0 : i32
    %c0_i32_1 = arith.constant 0 : i32
    return %c0_i32, %c0_i32_0 : i32, i32
  }
  func.func @transform_5(%arg0: i32) -> (i32, i32) {
    %c0_i32 = arith.constant 0 : i32
    %c0_i32_0 = arith.constant 0 : i32
    %c0_i32_1 = arith.constant 0 : i32
    return %c0_i32, %c0_i32_0 : i32, i32
  }
  func.func @transform_6(%arg0: i32) -> (i32, i32) {
    %c0_i32 = arith.constant 0 : i32
    %c0_i32_0 = arith.constant 0 : i32
    %c0_i32_1 = arith.constant 0 : i32
    return %c0_i32, %c0_i32_0 : i32, i32
  }
  func.func @transform_7(%arg0: i32) -> (i32, i32) {
    %c0_i32 = arith.constant 0 : i32
    %c0_i32_0 = arith.constant 0 : i32
    %c0_i32_1 = arith.constant 0 : i32
    return %c0_i32, %c0_i32_0 : i32, i32
  }
  func.func @transform_8(%arg0: i32) -> (i32, i32) {
    %c0_i32 = arith.constant 0 : i32
    %c0_i32_0 = arith.constant 0 : i32
    %c0_i32_1 = arith.constant 0 : i32
    return %c0_i32, %c0_i32_0 : i32, i32
  }
  func.func @transform_9(%arg0: i32) -> (i32, i32) {
    %c0_i32 = arith.constant 0 : i32
    %c0_i32_0 = arith.constant 0 : i32
    %c0_i32_1 = arith.constant 0 : i32
    return %c0_i32, %c0_i32_0 : i32, i32
  }
  func.func @transform_10(%arg0: i32) -> (i32, i32, i32) {
    %add3A = arith.constant 0 : i32
    %add3A_0 = arith.addi %arg0, %add3A : i32
    %c0_i32 = arith.constant 0 : i32
    %c0_i32_1 = arith.constant 0 : i32
    %c0_i32_2 = arith.constant 0 : i32
    return %add3A_0, %c0_i32, %c0_i32_1 : i32, i32, i32
  }
}

module attributes {stable_mosaic.version = 14 : i64} {
  func.func @_post_ln_alias_body(%arg0: i32, %arg1: memref<1024x200x128xf32, #tpu.memory_space<hbm>>, %arg2: memref<16x200x64xi32, #tpu.memory_space<vmem>>, %arg3: memref<16x1x200xi32, #tpu.memory_space<vmem>>, %arg4: memref<2x64xf32, #tpu.memory_space<vmem>>, %arg5: memref<2x64xf32, #tpu.memory_space<vmem>>, %arg6: memref<200x64xf32, #tpu.memory_space<vmem>>, %arg7: memref<200x64xf32, #tpu.memory_space<vmem>>, %arg8: memref<1x64xf32, #tpu.memory_space<vmem>>, %arg9: memref<1x64xf32, #tpu.memory_space<vmem>>, %arg10: memref<1x64xf32, #tpu.memory_space<vmem>>, %arg11: memref<1x64xf32, #tpu.memory_space<vmem>>, %arg12: memref<16x200x128xf32, #tpu.memory_space<vmem>>) attributes {dimension_semantics = [#tpu.dimension_semantics<arbitrary>], iteration_bounds = array<i64: 16>, scalar_prefetch = 0 : i64, scratch_operands = 0 : i64, tpu.core_type = #tpu.core_type<tc>, window_params = [{}, {transform_indices = @transform_1, window_bounds = array<i64: 16, 200, 64>}, {transform_indices = @transform_2, window_bounds = array<i64: 16, 1, 200>}, {pipeline_mode = #tpu.pipeline_mode<synchronous>, transform_indices = @transform_3, window_bounds = array<i64: 2, 64>}, {pipeline_mode = #tpu.pipeline_mode<synchronous>, transform_indices = @transform_4, window_bounds = array<i64: 2, 64>}, {pipeline_mode = #tpu.pipeline_mode<synchronous>, transform_indices = @transform_5, window_bounds = array<i64: 200, 64>}, {pipeline_mode = #tpu.pipeline_mode<synchronous>, transform_indices = @transform_6, window_bounds = array<i64: 200, 64>}, {pipeline_mode = #tpu.pipeline_mode<synchronous>, transform_indices = @transform_7, window_bounds = array<i64: 1, 64>}, {pipeline_mode = #tpu.pipeline_mode<synchronous>, transform_indices = @transform_8, window_bounds = array<i64: 1, 64>}, {pipeline_mode = #tpu.pipeline_mode<synchronous>, transform_indices = @transform_9, window_bounds = array<i64: 1, 64>}, {pipeline_mode = #tpu.pipeline_mode<synchronous>, transform_indices = @transform_10, window_bounds = array<i64: 1, 64>}, {transform_indices = @transform_11, window_bounds = array<i64: 16, 200, 128>}]} {
    %get3A = arith.constant 0 : index
    %get3A_0 = arith.constant 0 : index
    %get3A_1 = arith.constant 0 : index
    %get3A_2 = vector.load %arg2[%get3A, %get3A_0, %get3A_1] : memref<16x200x64xi32, #tpu.memory_space<vmem>>, vector<16x200x64xi32>
    %shift_left3A = arith.constant 16 : i32
    %shift_left3A_3 = vector.broadcast %shift_left3A : i32 to vector<16x200x64xi32>
    %shift_left3A_4 = arith.shli %get3A_2, %shift_left3A_3 : vector<16x200x64xi32>
    %bitcast_convert_type3A = tpu.bitcast %shift_left3A_4 : vector<16x200x64xi32> -> vector<16x200x64xf32>
    %and3A = arith.constant -65536 : i32
    %and3A_5 = vector.broadcast %and3A : i32 to vector<16x200x64xi32>
    %and3A_6 = arith.andi %get3A_2, %and3A_5 : vector<16x200x64xi32>
    %bitcast_convert_type3A_7 = tpu.bitcast %and3A_6 : vector<16x200x64xi32> -> vector<16x200x64xf32>
    %get3A_8 = arith.constant 0 : index
    %get3A_9 = arith.constant 0 : index
    %get3A_10 = vector.load %arg6[%get3A_8, %get3A_9] : memref<200x64xf32, #tpu.memory_space<vmem>>, vector<200x64xf32>
    %broadcast_in_dim3A = vector.shape_cast %get3A_10 : vector<200x64xf32> to vector<1x200x64xf32>
    %add3A = vector.broadcast %broadcast_in_dim3A : vector<1x200x64xf32> to vector<16x200x64xf32>
    %add3A_11 = arith.addf %bitcast_convert_type3A, %add3A : vector<16x200x64xf32>
    %get3A_12 = arith.constant 0 : index
    %get3A_13 = arith.constant 0 : index
    %get3A_14 = arith.constant 0 : index
    %get3A_15 = vector.load %arg3[%get3A_12, %get3A_13, %get3A_14] : memref<16x1x200xi32, #tpu.memory_space<vmem>>, vector<16x1x200xi32>
    %get3A_16 = vector.shape_cast %get3A_15 : vector<16x1x200xi32> to vector<16x200xi32>
    %convert_element_type3A = arith.sitofp %get3A_16 : vector<16x200xi32> to vector<16x200xf32>
    %broadcast_in_dim3A_17 = vector.shape_cast %convert_element_type3A : vector<16x200xf32> to vector<16x200x1xf32>
    %broadcast_in_dim3A_18 = vector.broadcast %broadcast_in_dim3A_17 : vector<16x200x1xf32> to vector<16x200x64xf32>
    %get3A_19 = arith.constant 0 : index
    %get3A_20 = arith.constant 0 : index
    %get3A_21 = vector.load %arg4[%get3A_19, %get3A_20] : memref<2x64xf32, #tpu.memory_space<vmem>>, vector<1x64xf32>
    %get3A_22 = vector.shape_cast %get3A_21 : vector<1x64xf32> to vector<64xf32>
    %get3A_23 = arith.constant 1 : index
    %get3A_24 = arith.constant 0 : index
    %get3A_25 = vector.load %arg4[%get3A_23, %get3A_24] : memref<2x64xf32, #tpu.memory_space<vmem>>, vector<1x64xf32>
    %get3A_26 = vector.shape_cast %get3A_25 : vector<1x64xf32> to vector<64xf32>
    %get3A_27 = arith.constant 0 : index
    %get3A_28 = arith.constant 0 : index
    %get3A_29 = vector.load %arg4[%get3A_27, %get3A_28] : memref<2x64xf32, #tpu.memory_space<vmem>>, vector<1x64xf32>
    %get3A_30 = vector.shape_cast %get3A_29 : vector<1x64xf32> to vector<64xf32>
    %sub3A = arith.subf %get3A_26, %get3A_30 : vector<64xf32>
    %broadcast_in_dim3A_31 = vector.shape_cast %sub3A : vector<64xf32> to vector<1x1x64xf32>
    %mul3A = vector.broadcast %broadcast_in_dim3A_31 : vector<1x1x64xf32> to vector<16x200x64xf32>
    %mul3A_32 = arith.mulf %broadcast_in_dim3A_18, %mul3A : vector<16x200x64xf32>
    %broadcast_in_dim3A_33 = vector.shape_cast %get3A_22 : vector<64xf32> to vector<1x1x64xf32>
    %add3A_34 = vector.broadcast %broadcast_in_dim3A_33 : vector<1x1x64xf32> to vector<16x200x64xf32>
    %add3A_35 = arith.addf %add3A_34, %mul3A_32 : vector<16x200x64xf32>
    %add3A_36 = arith.addf %add3A_11, %add3A_35 : vector<16x200x64xf32>
    %get3A_37 = arith.constant 0 : index
    %get3A_38 = arith.constant 0 : index
    %get3A_39 = vector.load %arg7[%get3A_37, %get3A_38] : memref<200x64xf32, #tpu.memory_space<vmem>>, vector<200x64xf32>
    %broadcast_in_dim3A_40 = vector.shape_cast %get3A_39 : vector<200x64xf32> to vector<1x200x64xf32>
    %add3A_41 = vector.broadcast %broadcast_in_dim3A_40 : vector<1x200x64xf32> to vector<16x200x64xf32>
    %add3A_42 = arith.addf %bitcast_convert_type3A_7, %add3A_41 : vector<16x200x64xf32>
    %get3A_43 = arith.constant 0 : index
    %get3A_44 = arith.constant 0 : index
    %get3A_45 = arith.constant 0 : index
    %get3A_46 = vector.load %arg3[%get3A_43, %get3A_44, %get3A_45] : memref<16x1x200xi32, #tpu.memory_space<vmem>>, vector<16x1x200xi32>
    %get3A_47 = vector.shape_cast %get3A_46 : vector<16x1x200xi32> to vector<16x200xi32>
    %convert_element_type3A_48 = arith.sitofp %get3A_47 : vector<16x200xi32> to vector<16x200xf32>
    %broadcast_in_dim3A_49 = vector.shape_cast %convert_element_type3A_48 : vector<16x200xf32> to vector<16x200x1xf32>
    %broadcast_in_dim3A_50 = vector.broadcast %broadcast_in_dim3A_49 : vector<16x200x1xf32> to vector<16x200x64xf32>
    %get3A_51 = arith.constant 0 : index
    %get3A_52 = arith.constant 0 : index
    %get3A_53 = vector.load %arg5[%get3A_51, %get3A_52] : memref<2x64xf32, #tpu.memory_space<vmem>>, vector<1x64xf32>
    %get3A_54 = vector.shape_cast %get3A_53 : vector<1x64xf32> to vector<64xf32>
    %get3A_55 = arith.constant 1 : index
    %get3A_56 = arith.constant 0 : index
    %get3A_57 = vector.load %arg5[%get3A_55, %get3A_56] : memref<2x64xf32, #tpu.memory_space<vmem>>, vector<1x64xf32>
    %get3A_58 = vector.shape_cast %get3A_57 : vector<1x64xf32> to vector<64xf32>
    %get3A_59 = arith.constant 0 : index
    %get3A_60 = arith.constant 0 : index
    %get3A_61 = vector.load %arg5[%get3A_59, %get3A_60] : memref<2x64xf32, #tpu.memory_space<vmem>>, vector<1x64xf32>
    %get3A_62 = vector.shape_cast %get3A_61 : vector<1x64xf32> to vector<64xf32>
    %sub3A_63 = arith.subf %get3A_58, %get3A_62 : vector<64xf32>
    %broadcast_in_dim3A_64 = vector.shape_cast %sub3A_63 : vector<64xf32> to vector<1x1x64xf32>
    %mul3A_65 = vector.broadcast %broadcast_in_dim3A_64 : vector<1x1x64xf32> to vector<16x200x64xf32>
    %mul3A_66 = arith.mulf %broadcast_in_dim3A_50, %mul3A_65 : vector<16x200x64xf32>
    %broadcast_in_dim3A_67 = vector.shape_cast %get3A_54 : vector<64xf32> to vector<1x1x64xf32>
    %add3A_68 = vector.broadcast %broadcast_in_dim3A_67 : vector<1x1x64xf32> to vector<16x200x64xf32>
    %add3A_69 = arith.addf %add3A_68, %mul3A_66 : vector<16x200x64xf32>
    %add3A_70 = arith.addf %add3A_42, %add3A_69 : vector<16x200x64xf32>
    %reduce_sum3A = arith.constant dense<0.000000e+00> : vector<16x200xf32>
    %reduce_sum3A_71 = vector.multi_reduction <add>, %add3A_36, %reduce_sum3A [2] : vector<16x200x64xf32> to vector<16x200xf32>
    %broadcast_in_dim3A_72 = vector.shape_cast %reduce_sum3A_71 : vector<16x200xf32> to vector<16x200x1xf32>
    %reduce_sum3A_73 = arith.constant dense<0.000000e+00> : vector<16x200xf32>
    %reduce_sum3A_74 = vector.multi_reduction <add>, %add3A_70, %reduce_sum3A_73 [2] : vector<16x200x64xf32> to vector<16x200xf32>
    %broadcast_in_dim3A_75 = vector.shape_cast %reduce_sum3A_74 : vector<16x200xf32> to vector<16x200x1xf32>
    %add3A_76 = arith.addf %broadcast_in_dim3A_72, %broadcast_in_dim3A_75 : vector<16x200x1xf32>
    %mul3A_77 = arith.constant 7.812500e-03 : f32
    %mul3A_78 = vector.broadcast %mul3A_77 : f32 to vector<16x200x1xf32>
    %mul3A_79 = arith.mulf %add3A_76, %mul3A_78 : vector<16x200x1xf32>
    %sub3A_80 = vector.broadcast %mul3A_79 : vector<16x200x1xf32> to vector<16x200x64xf32>
    %sub3A_81 = arith.subf %add3A_36, %sub3A_80 : vector<16x200x64xf32>
    %sub3A_82 = vector.broadcast %mul3A_79 : vector<16x200x1xf32> to vector<16x200x64xf32>
    %sub3A_83 = arith.subf %add3A_70, %sub3A_82 : vector<16x200x64xf32>
    %mul3A_84 = arith.mulf %sub3A_81, %sub3A_81 : vector<16x200x64xf32>
    %reduce_sum3A_85 = arith.constant dense<0.000000e+00> : vector<16x200xf32>
    %reduce_sum3A_86 = vector.multi_reduction <add>, %mul3A_84, %reduce_sum3A_85 [2] : vector<16x200x64xf32> to vector<16x200xf32>
    %broadcast_in_dim3A_87 = vector.shape_cast %reduce_sum3A_86 : vector<16x200xf32> to vector<16x200x1xf32>
    %mul3A_88 = arith.mulf %sub3A_83, %sub3A_83 : vector<16x200x64xf32>
    %reduce_sum3A_89 = arith.constant dense<0.000000e+00> : vector<16x200xf32>
    %reduce_sum3A_90 = vector.multi_reduction <add>, %mul3A_88, %reduce_sum3A_89 [2] : vector<16x200x64xf32> to vector<16x200xf32>
    %broadcast_in_dim3A_91 = vector.shape_cast %reduce_sum3A_90 : vector<16x200xf32> to vector<16x200x1xf32>
    %add3A_92 = arith.addf %broadcast_in_dim3A_87, %broadcast_in_dim3A_91 : vector<16x200x1xf32>
    %mul3A_93 = arith.constant 7.812500e-03 : f32
    %mul3A_94 = vector.broadcast %mul3A_93 : f32 to vector<16x200x1xf32>
    %mul3A_95 = arith.mulf %add3A_92, %mul3A_94 : vector<16x200x1xf32>
    %add3A_96 = arith.constant 9.99999996E-13 : f32
    %add3A_97 = vector.broadcast %add3A_96 : f32 to vector<16x200x1xf32>
    %add3A_98 = arith.addf %mul3A_95, %add3A_97 : vector<16x200x1xf32>
    %rsqrt3A = math.rsqrt %add3A_98 : vector<16x200x1xf32>
    %mul3A_99 = vector.broadcast %rsqrt3A : vector<16x200x1xf32> to vector<16x200x64xf32>
    %mul3A_100 = arith.mulf %sub3A_81, %mul3A_99 : vector<16x200x64xf32>
    %get3A_101 = arith.constant 0 : index
    %get3A_102 = arith.constant 0 : index
    %get3A_103 = vector.load %arg8[%get3A_101, %get3A_102] : memref<1x64xf32, #tpu.memory_space<vmem>>, vector<1x64xf32>
    %get3A_104 = vector.shape_cast %get3A_103 : vector<1x64xf32> to vector<64xf32>
    %broadcast_in_dim3A_105 = vector.shape_cast %get3A_104 : vector<64xf32> to vector<1x1x64xf32>
    %mul3A_106 = vector.broadcast %broadcast_in_dim3A_105 : vector<1x1x64xf32> to vector<16x200x64xf32>
    %mul3A_107 = arith.mulf %mul3A_100, %mul3A_106 : vector<16x200x64xf32>
    %get3A_108 = arith.constant 0 : index
    %get3A_109 = arith.constant 0 : index
    %get3A_110 = vector.load %arg10[%get3A_108, %get3A_109] : memref<1x64xf32, #tpu.memory_space<vmem>>, vector<1x64xf32>
    %get3A_111 = vector.shape_cast %get3A_110 : vector<1x64xf32> to vector<64xf32>
    %broadcast_in_dim3A_112 = vector.shape_cast %get3A_111 : vector<64xf32> to vector<1x1x64xf32>
    %add3A_113 = vector.broadcast %broadcast_in_dim3A_112 : vector<1x1x64xf32> to vector<16x200x64xf32>
    %add3A_114 = arith.addf %mul3A_107, %add3A_113 : vector<16x200x64xf32>
    %mul3A_115 = vector.broadcast %rsqrt3A : vector<16x200x1xf32> to vector<16x200x64xf32>
    %mul3A_116 = arith.mulf %sub3A_83, %mul3A_115 : vector<16x200x64xf32>
    %get3A_117 = arith.constant 0 : index
    %get3A_118 = arith.constant 0 : index
    %get3A_119 = vector.load %arg9[%get3A_117, %get3A_118] : memref<1x64xf32, #tpu.memory_space<vmem>>, vector<1x64xf32>
    %get3A_120 = vector.shape_cast %get3A_119 : vector<1x64xf32> to vector<64xf32>
    %broadcast_in_dim3A_121 = vector.shape_cast %get3A_120 : vector<64xf32> to vector<1x1x64xf32>
    %mul3A_122 = vector.broadcast %broadcast_in_dim3A_121 : vector<1x1x64xf32> to vector<16x200x64xf32>
    %mul3A_123 = arith.mulf %mul3A_116, %mul3A_122 : vector<16x200x64xf32>
    %get3A_124 = arith.constant 0 : index
    %get3A_125 = arith.constant 0 : index
    %get3A_126 = vector.load %arg11[%get3A_124, %get3A_125] : memref<1x64xf32, #tpu.memory_space<vmem>>, vector<1x64xf32>
    %get3A_127 = vector.shape_cast %get3A_126 : vector<1x64xf32> to vector<64xf32>
    %broadcast_in_dim3A_128 = vector.shape_cast %get3A_127 : vector<64xf32> to vector<1x1x64xf32>
    %add3A_129 = vector.broadcast %broadcast_in_dim3A_128 : vector<1x1x64xf32> to vector<16x200x64xf32>
    %add3A_130 = arith.addf %mul3A_123, %add3A_129 : vector<16x200x64xf32>
    %concatenate3A = tpu.concatenate %add3A_114, %add3A_130 in 2 : vector<16x200x64xf32>, vector<16x200x64xf32> -> vector<16x200x128xf32>
    %swap3A = arith.constant 0 : index
    %swap3A_131 = arith.constant 0 : index
    %swap3A_132 = arith.constant 0 : index
    %swap3A_133 = vector.load %arg12[%swap3A, %swap3A_131, %swap3A_132] : memref<16x200x128xf32, #tpu.memory_space<vmem>>, vector<16x200x128xf32>
    tpu.vector_store %arg12[%swap3A, %swap3A_131, %swap3A_132], %concatenate3A {strides = array<i32>} : memref<16x200x128xf32, #tpu.memory_space<vmem>>, vector<16x200x128xf32>,
    return
  }
  func.func @transform_1(%arg0: i32) -> (i32, i32, i32) {
    %c0_i32 = arith.constant 0 : i32
    %c0_i32_0 = arith.constant 0 : i32
    %c0_i32_1 = arith.constant 0 : i32
    return %arg0, %c0_i32, %c0_i32_0 : i32, i32, i32
  }
  func.func @transform_2(%arg0: i32) -> (i32, i32, i32) {
    %c0_i32 = arith.constant 0 : i32
    %c0_i32_0 = arith.constant 0 : i32
    %c0_i32_1 = arith.constant 0 : i32
    return %arg0, %c0_i32, %c0_i32_0 : i32, i32, i32
  }
  func.func @transform_3(%arg0: i32) -> (i32, i32) {
    %c0_i32 = arith.constant 0 : i32
    %c0_i32_0 = arith.constant 0 : i32
    %c0_i32_1 = arith.constant 0 : i32
    return %c0_i32, %c0_i32_0 : i32, i32
  }
  func.func @transform_4(%arg0: i32) -> (i32, i32) {
    %c0_i32 = arith.constant 0 : i32
    %c0_i32_0 = arith.constant 0 : i32
    %c0_i32_1 = arith.constant 0 : i32
    return %c0_i32, %c0_i32_0 : i32, i32
  }
  func.func @transform_5(%arg0: i32) -> (i32, i32) {
    %c0_i32 = arith.constant 0 : i32
    %c0_i32_0 = arith.constant 0 : i32
    %c0_i32_1 = arith.constant 0 : i32
    return %c0_i32, %c0_i32_0 : i32, i32
  }
  func.func @transform_6(%arg0: i32) -> (i32, i32) {
    %c0_i32 = arith.constant 0 : i32
    %c0_i32_0 = arith.constant 0 : i32
    %c0_i32_1 = arith.constant 0 : i32
    return %c0_i32, %c0_i32_0 : i32, i32
  }
  func.func @transform_7(%arg0: i32) -> (i32, i32) {
    %c0_i32 = arith.constant 0 : i32
    %c0_i32_0 = arith.constant 0 : i32
    %c0_i32_1 = arith.constant 0 : i32
    return %c0_i32, %c0_i32_0 : i32, i32
  }
  func.func @transform_8(%arg0: i32) -> (i32, i32) {
    %c0_i32 = arith.constant 0 : i32
    %c0_i32_0 = arith.constant 0 : i32
    %c0_i32_1 = arith.constant 0 : i32
    return %c0_i32, %c0_i32_0 : i32, i32
  }
  func.func @transform_9(%arg0: i32) -> (i32, i32) {
    %c0_i32 = arith.constant 0 : i32
    %c0_i32_0 = arith.constant 0 : i32
    %c0_i32_1 = arith.constant 0 : i32
    return %c0_i32, %c0_i32_0 : i32, i32
  }
  func.func @transform_10(%arg0: i32) -> (i32, i32) {
    %c0_i32 = arith.constant 0 : i32
    %c0_i32_0 = arith.constant 0 : i32
    %c0_i32_1 = arith.constant 0 : i32
    return %c0_i32, %c0_i32_0 : i32, i32
  }
  func.func @transform_11(%arg0: i32) -> (i32, i32, i32) {
    %add3A = arith.constant 16 : i32
    %add3A_0 = arith.addi %arg0, %add3A : i32
    %c0_i32 = arith.constant 0 : i32
    %c0_i32_1 = arith.constant 0 : i32
    %c0_i32_2 = arith.constant 0 : i32
    return %add3A_0, %c0_i32, %c0_i32_1 : i32, i32, i32
  }
}

module attributes {stable_mosaic.version = 14 : i64} {
  func.func @_post_ln_alias_body(%arg0: i32, %arg1: memref<1024x200x128xf32, #tpu.memory_space<hbm>>, %arg2: memref<16x200x64xi32, #tpu.memory_space<vmem>>, %arg3: memref<16x1x200xi32, #tpu.memory_space<vmem>>, %arg4: memref<2x64xf32, #tpu.memory_space<vmem>>, %arg5: memref<2x64xf32, #tpu.memory_space<vmem>>, %arg6: memref<200x64xf32, #tpu.memory_space<vmem>>, %arg7: memref<200x64xf32, #tpu.memory_space<vmem>>, %arg8: memref<1x64xf32, #tpu.memory_space<vmem>>, %arg9: memref<1x64xf32, #tpu.memory_space<vmem>>, %arg10: memref<1x64xf32, #tpu.memory_space<vmem>>, %arg11: memref<1x64xf32, #tpu.memory_space<vmem>>, %arg12: memref<16x200x128xf32, #tpu.memory_space<vmem>>) attributes {dimension_semantics = [#tpu.dimension_semantics<arbitrary>], iteration_bounds = array<i64: 16>, scalar_prefetch = 0 : i64, scratch_operands = 0 : i64, tpu.core_type = #tpu.core_type<tc>, window_params = [{}, {transform_indices = @transform_1, window_bounds = array<i64: 16, 200, 64>}, {transform_indices = @transform_2, window_bounds = array<i64: 16, 1, 200>}, {pipeline_mode = #tpu.pipeline_mode<synchronous>, transform_indices = @transform_3, window_bounds = array<i64: 2, 64>}, {pipeline_mode = #tpu.pipeline_mode<synchronous>, transform_indices = @transform_4, window_bounds = array<i64: 2, 64>}, {pipeline_mode = #tpu.pipeline_mode<synchronous>, transform_indices = @transform_5, window_bounds = array<i64: 200, 64>}, {pipeline_mode = #tpu.pipeline_mode<synchronous>, transform_indices = @transform_6, window_bounds = array<i64: 200, 64>}, {pipeline_mode = #tpu.pipeline_mode<synchronous>, transform_indices = @transform_7, window_bounds = array<i64: 1, 64>}, {pipeline_mode = #tpu.pipeline_mode<synchronous>, transform_indices = @transform_8, window_bounds = array<i64: 1, 64>}, {pipeline_mode = #tpu.pipeline_mode<synchronous>, transform_indices = @transform_9, window_bounds = array<i64: 1, 64>}, {pipeline_mode = #tpu.pipeline_mode<synchronous>, transform_indices = @transform_10, window_bounds = array<i64: 1, 64>}, {transform_indices = @transform_11, window_bounds = array<i64: 16, 200, 128>}]} {
    %get3A = arith.constant 0 : index
    %get3A_0 = arith.constant 0 : index
    %get3A_1 = arith.constant 0 : index
    %get3A_2 = vector.load %arg2[%get3A, %get3A_0, %get3A_1] : memref<16x200x64xi32, #tpu.memory_space<vmem>>, vector<16x200x64xi32>
    %shift_left3A = arith.constant 16 : i32
    %shift_left3A_3 = vector.broadcast %shift_left3A : i32 to vector<16x200x64xi32>
    %shift_left3A_4 = arith.shli %get3A_2, %shift_left3A_3 : vector<16x200x64xi32>
    %bitcast_convert_type3A = tpu.bitcast %shift_left3A_4 : vector<16x200x64xi32> -> vector<16x200x64xf32>
    %and3A = arith.constant -65536 : i32
    %and3A_5 = vector.broadcast %and3A : i32 to vector<16x200x64xi32>
    %and3A_6 = arith.andi %get3A_2, %and3A_5 : vector<16x200x64xi32>
    %bitcast_convert_type3A_7 = tpu.bitcast %and3A_6 : vector<16x200x64xi32> -> vector<16x200x64xf32>
    %get3A_8 = arith.constant 0 : index
    %get3A_9 = arith.constant 0 : index
    %get3A_10 = vector.load %arg6[%get3A_8, %get3A_9] : memref<200x64xf32, #tpu.memory_space<vmem>>, vector<200x64xf32>
    %broadcast_in_dim3A = vector.shape_cast %get3A_10 : vector<200x64xf32> to vector<1x200x64xf32>
    %add3A = vector.broadcast %broadcast_in_dim3A : vector<1x200x64xf32> to vector<16x200x64xf32>
    %add3A_11 = arith.addf %bitcast_convert_type3A, %add3A : vector<16x200x64xf32>
    %get3A_12 = arith.constant 0 : index
    %get3A_13 = arith.constant 0 : index
    %get3A_14 = arith.constant 0 : index
    %get3A_15 = vector.load %arg3[%get3A_12, %get3A_13, %get3A_14] : memref<16x1x200xi32, #tpu.memory_space<vmem>>, vector<16x1x200xi32>
    %get3A_16 = vector.shape_cast %get3A_15 : vector<16x1x200xi32> to vector<16x200xi32>
    %convert_element_type3A = arith.sitofp %get3A_16 : vector<16x200xi32> to vector<16x200xf32>
    %broadcast_in_dim3A_17 = vector.shape_cast %convert_element_type3A : vector<16x200xf32> to vector<16x200x1xf32>
    %broadcast_in_dim3A_18 = vector.broadcast %broadcast_in_dim3A_17 : vector<16x200x1xf32> to vector<16x200x64xf32>
    %get3A_19 = arith.constant 0 : index
    %get3A_20 = arith.constant 0 : index
    %get3A_21 = vector.load %arg4[%get3A_19, %get3A_20] : memref<2x64xf32, #tpu.memory_space<vmem>>, vector<1x64xf32>
    %get3A_22 = vector.shape_cast %get3A_21 : vector<1x64xf32> to vector<64xf32>
    %get3A_23 = arith.constant 1 : index
    %get3A_24 = arith.constant 0 : index
    %get3A_25 = vector.load %arg4[%get3A_23, %get3A_24] : memref<2x64xf32, #tpu.memory_space<vmem>>, vector<1x64xf32>
    %get3A_26 = vector.shape_cast %get3A_25 : vector<1x64xf32> to vector<64xf32>
    %get3A_27 = arith.constant 0 : index
    %get3A_28 = arith.constant 0 : index
    %get3A_29 = vector.load %arg4[%get3A_27, %get3A_28] : memref<2x64xf32, #tpu.memory_space<vmem>>, vector<1x64xf32>
    %get3A_30 = vector.shape_cast %get3A_29 : vector<1x64xf32> to vector<64xf32>
    %sub3A = arith.subf %get3A_26, %get3A_30 : vector<64xf32>
    %broadcast_in_dim3A_31 = vector.shape_cast %sub3A : vector<64xf32> to vector<1x1x64xf32>
    %mul3A = vector.broadcast %broadcast_in_dim3A_31 : vector<1x1x64xf32> to vector<16x200x64xf32>
    %mul3A_32 = arith.mulf %broadcast_in_dim3A_18, %mul3A : vector<16x200x64xf32>
    %broadcast_in_dim3A_33 = vector.shape_cast %get3A_22 : vector<64xf32> to vector<1x1x64xf32>
    %add3A_34 = vector.broadcast %broadcast_in_dim3A_33 : vector<1x1x64xf32> to vector<16x200x64xf32>
    %add3A_35 = arith.addf %add3A_34, %mul3A_32 : vector<16x200x64xf32>
    %add3A_36 = arith.addf %add3A_11, %add3A_35 : vector<16x200x64xf32>
    %get3A_37 = arith.constant 0 : index
    %get3A_38 = arith.constant 0 : index
    %get3A_39 = vector.load %arg7[%get3A_37, %get3A_38] : memref<200x64xf32, #tpu.memory_space<vmem>>, vector<200x64xf32>
    %broadcast_in_dim3A_40 = vector.shape_cast %get3A_39 : vector<200x64xf32> to vector<1x200x64xf32>
    %add3A_41 = vector.broadcast %broadcast_in_dim3A_40 : vector<1x200x64xf32> to vector<16x200x64xf32>
    %add3A_42 = arith.addf %bitcast_convert_type3A_7, %add3A_41 : vector<16x200x64xf32>
    %get3A_43 = arith.constant 0 : index
    %get3A_44 = arith.constant 0 : index
    %get3A_45 = arith.constant 0 : index
    %get3A_46 = vector.load %arg3[%get3A_43, %get3A_44, %get3A_45] : memref<16x1x200xi32, #tpu.memory_space<vmem>>, vector<16x1x200xi32>
    %get3A_47 = vector.shape_cast %get3A_46 : vector<16x1x200xi32> to vector<16x200xi32>
    %convert_element_type3A_48 = arith.sitofp %get3A_47 : vector<16x200xi32> to vector<16x200xf32>
    %broadcast_in_dim3A_49 = vector.shape_cast %convert_element_type3A_48 : vector<16x200xf32> to vector<16x200x1xf32>
    %broadcast_in_dim3A_50 = vector.broadcast %broadcast_in_dim3A_49 : vector<16x200x1xf32> to vector<16x200x64xf32>
    %get3A_51 = arith.constant 0 : index
    %get3A_52 = arith.constant 0 : index
    %get3A_53 = vector.load %arg5[%get3A_51, %get3A_52] : memref<2x64xf32, #tpu.memory_space<vmem>>, vector<1x64xf32>
    %get3A_54 = vector.shape_cast %get3A_53 : vector<1x64xf32> to vector<64xf32>
    %get3A_55 = arith.constant 1 : index
    %get3A_56 = arith.constant 0 : index
    %get3A_57 = vector.load %arg5[%get3A_55, %get3A_56] : memref<2x64xf32, #tpu.memory_space<vmem>>, vector<1x64xf32>
    %get3A_58 = vector.shape_cast %get3A_57 : vector<1x64xf32> to vector<64xf32>
    %get3A_59 = arith.constant 0 : index
    %get3A_60 = arith.constant 0 : index
    %get3A_61 = vector.load %arg5[%get3A_59, %get3A_60] : memref<2x64xf32, #tpu.memory_space<vmem>>, vector<1x64xf32>
    %get3A_62 = vector.shape_cast %get3A_61 : vector<1x64xf32> to vector<64xf32>
    %sub3A_63 = arith.subf %get3A_58, %get3A_62 : vector<64xf32>
    %broadcast_in_dim3A_64 = vector.shape_cast %sub3A_63 : vector<64xf32> to vector<1x1x64xf32>
    %mul3A_65 = vector.broadcast %broadcast_in_dim3A_64 : vector<1x1x64xf32> to vector<16x200x64xf32>
    %mul3A_66 = arith.mulf %broadcast_in_dim3A_50, %mul3A_65 : vector<16x200x64xf32>
    %broadcast_in_dim3A_67 = vector.shape_cast %get3A_54 : vector<64xf32> to vector<1x1x64xf32>
    %add3A_68 = vector.broadcast %broadcast_in_dim3A_67 : vector<1x1x64xf32> to vector<16x200x64xf32>
    %add3A_69 = arith.addf %add3A_68, %mul3A_66 : vector<16x200x64xf32>
    %add3A_70 = arith.addf %add3A_42, %add3A_69 : vector<16x200x64xf32>
    %reduce_sum3A = arith.constant dense<0.000000e+00> : vector<16x200xf32>
    %reduce_sum3A_71 = vector.multi_reduction <add>, %add3A_36, %reduce_sum3A [2] : vector<16x200x64xf32> to vector<16x200xf32>
    %broadcast_in_dim3A_72 = vector.shape_cast %reduce_sum3A_71 : vector<16x200xf32> to vector<16x200x1xf32>
    %reduce_sum3A_73 = arith.constant dense<0.000000e+00> : vector<16x200xf32>
    %reduce_sum3A_74 = vector.multi_reduction <add>, %add3A_70, %reduce_sum3A_73 [2] : vector<16x200x64xf32> to vector<16x200xf32>
    %broadcast_in_dim3A_75 = vector.shape_cast %reduce_sum3A_74 : vector<16x200xf32> to vector<16x200x1xf32>
    %add3A_76 = arith.addf %broadcast_in_dim3A_72, %broadcast_in_dim3A_75 : vector<16x200x1xf32>
    %mul3A_77 = arith.constant 7.812500e-03 : f32
    %mul3A_78 = vector.broadcast %mul3A_77 : f32 to vector<16x200x1xf32>
    %mul3A_79 = arith.mulf %add3A_76, %mul3A_78 : vector<16x200x1xf32>
    %sub3A_80 = vector.broadcast %mul3A_79 : vector<16x200x1xf32> to vector<16x200x64xf32>
    %sub3A_81 = arith.subf %add3A_36, %sub3A_80 : vector<16x200x64xf32>
    %sub3A_82 = vector.broadcast %mul3A_79 : vector<16x200x1xf32> to vector<16x200x64xf32>
    %sub3A_83 = arith.subf %add3A_70, %sub3A_82 : vector<16x200x64xf32>
    %mul3A_84 = arith.mulf %sub3A_81, %sub3A_81 : vector<16x200x64xf32>
    %reduce_sum3A_85 = arith.constant dense<0.000000e+00> : vector<16x200xf32>
    %reduce_sum3A_86 = vector.multi_reduction <add>, %mul3A_84, %reduce_sum3A_85 [2] : vector<16x200x64xf32> to vector<16x200xf32>
    %broadcast_in_dim3A_87 = vector.shape_cast %reduce_sum3A_86 : vector<16x200xf32> to vector<16x200x1xf32>
    %mul3A_88 = arith.mulf %sub3A_83, %sub3A_83 : vector<16x200x64xf32>
    %reduce_sum3A_89 = arith.constant dense<0.000000e+00> : vector<16x200xf32>
    %reduce_sum3A_90 = vector.multi_reduction <add>, %mul3A_88, %reduce_sum3A_89 [2] : vector<16x200x64xf32> to vector<16x200xf32>
    %broadcast_in_dim3A_91 = vector.shape_cast %reduce_sum3A_90 : vector<16x200xf32> to vector<16x200x1xf32>
    %add3A_92 = arith.addf %broadcast_in_dim3A_87, %broadcast_in_dim3A_91 : vector<16x200x1xf32>
    %mul3A_93 = arith.constant 7.812500e-03 : f32
    %mul3A_94 = vector.broadcast %mul3A_93 : f32 to vector<16x200x1xf32>
    %mul3A_95 = arith.mulf %add3A_92, %mul3A_94 : vector<16x200x1xf32>
    %add3A_96 = arith.constant 9.99999996E-13 : f32
    %add3A_97 = vector.broadcast %add3A_96 : f32 to vector<16x200x1xf32>
    %add3A_98 = arith.addf %mul3A_95, %add3A_97 : vector<16x200x1xf32>
    %rsqrt3A = math.rsqrt %add3A_98 : vector<16x200x1xf32>
    %mul3A_99 = vector.broadcast %rsqrt3A : vector<16x200x1xf32> to vector<16x200x64xf32>
    %mul3A_100 = arith.mulf %sub3A_81, %mul3A_99 : vector<16x200x64xf32>
    %get3A_101 = arith.constant 0 : index
    %get3A_102 = arith.constant 0 : index
    %get3A_103 = vector.load %arg8[%get3A_101, %get3A_102] : memref<1x64xf32, #tpu.memory_space<vmem>>, vector<1x64xf32>
    %get3A_104 = vector.shape_cast %get3A_103 : vector<1x64xf32> to vector<64xf32>
    %broadcast_in_dim3A_105 = vector.shape_cast %get3A_104 : vector<64xf32> to vector<1x1x64xf32>
    %mul3A_106 = vector.broadcast %broadcast_in_dim3A_105 : vector<1x1x64xf32> to vector<16x200x64xf32>
    %mul3A_107 = arith.mulf %mul3A_100, %mul3A_106 : vector<16x200x64xf32>
    %get3A_108 = arith.constant 0 : index
    %get3A_109 = arith.constant 0 : index
    %get3A_110 = vector.load %arg10[%get3A_108, %get3A_109] : memref<1x64xf32, #tpu.memory_space<vmem>>, vector<1x64xf32>
    %get3A_111 = vector.shape_cast %get3A_110 : vector<1x64xf32> to vector<64xf32>
    %broadcast_in_dim3A_112 = vector.shape_cast %get3A_111 : vector<64xf32> to vector<1x1x64xf32>
    %add3A_113 = vector.broadcast %broadcast_in_dim3A_112 : vector<1x1x64xf32> to vector<16x200x64xf32>
    %add3A_114 = arith.addf %mul3A_107, %add3A_113 : vector<16x200x64xf32>
    %mul3A_115 = vector.broadcast %rsqrt3A : vector<16x200x1xf32> to vector<16x200x64xf32>
    %mul3A_116 = arith.mulf %sub3A_83, %mul3A_115 : vector<16x200x64xf32>
    %get3A_117 = arith.constant 0 : index
    %get3A_118 = arith.constant 0 : index
    %get3A_119 = vector.load %arg9[%get3A_117, %get3A_118] : memref<1x64xf32, #tpu.memory_space<vmem>>, vector<1x64xf32>
    %get3A_120 = vector.shape_cast %get3A_119 : vector<1x64xf32> to vector<64xf32>
    %broadcast_in_dim3A_121 = vector.shape_cast %get3A_120 : vector<64xf32> to vector<1x1x64xf32>
    %mul3A_122 = vector.broadcast %broadcast_in_dim3A_121 : vector<1x1x64xf32> to vector<16x200x64xf32>
    %mul3A_123 = arith.mulf %mul3A_116, %mul3A_122 : vector<16x200x64xf32>
    %get3A_124 = arith.constant 0 : index
    %get3A_125 = arith.constant 0 : index
    %get3A_126 = vector.load %arg11[%get3A_124, %get3A_125] : memref<1x64xf32, #tpu.memory_space<vmem>>, vector<1x64xf32>
    %get3A_127 = vector.shape_cast %get3A_126 : vector<1x64xf32> to vector<64xf32>
    %broadcast_in_dim3A_128 = vector.shape_cast %get3A_127 : vector<64xf32> to vector<1x1x64xf32>
    %add3A_129 = vector.broadcast %broadcast_in_dim3A_128 : vector<1x1x64xf32> to vector<16x200x64xf32>
    %add3A_130 = arith.addf %mul3A_123, %add3A_129 : vector<16x200x64xf32>
    %concatenate3A = tpu.concatenate %add3A_114, %add3A_130 in 2 : vector<16x200x64xf32>, vector<16x200x64xf32> -> vector<16x200x128xf32>
    %swap3A = arith.constant 0 : index
    %swap3A_131 = arith.constant 0 : index
    %swap3A_132 = arith.constant 0 : index
    %swap3A_133 = vector.load %arg12[%swap3A, %swap3A_131, %swap3A_132] : memref<16x200x128xf32, #tpu.memory_space<vmem>>, vector<16x200x128xf32>
    tpu.vector_store %arg12[%swap3A, %swap3A_131, %swap3A_132], %concatenate3A {strides = array<i32>} : memref<16x200x128xf32, #tpu.memory_space<vmem>>, vector<16x200x128xf32>,
    return
  }
  func.func @transform_1(%arg0: i32) -> (i32, i32, i32) {
    %c0_i32 = arith.constant 0 : i32
    %c0_i32_0 = arith.constant 0 : i32
    %c0_i32_1 = arith.constant 0 : i32
    return %arg0, %c0_i32, %c0_i32_0 : i32, i32, i32
  }
  func.func @transform_2(%arg0: i32) -> (i32, i32, i32) {
    %c0_i32 = arith.constant 0 : i32
    %c0_i32_0 = arith.constant 0 : i32
    %c0_i32_1 = arith.constant 0 : i32
    return %arg0, %c0_i32, %c0_i32_0 : i32, i32, i32
  }
  func.func @transform_3(%arg0: i32) -> (i32, i32) {
    %c0_i32 = arith.constant 0 : i32
    %c0_i32_0 = arith.constant 0 : i32
    %c0_i32_1 = arith.constant 0 : i32
    return %c0_i32, %c0_i32_0 : i32, i32
  }
  func.func @transform_4(%arg0: i32) -> (i32, i32) {
    %c0_i32 = arith.constant 0 : i32
    %c0_i32_0 = arith.constant 0 : i32
    %c0_i32_1 = arith.constant 0 : i32
    return %c0_i32, %c0_i32_0 : i32, i32
  }
  func.func @transform_5(%arg0: i32) -> (i32, i32) {
    %c0_i32 = arith.constant 0 : i32
    %c0_i32_0 = arith.constant 0 : i32
    %c0_i32_1 = arith.constant 0 : i32
    return %c0_i32, %c0_i32_0 : i32, i32
  }
  func.func @transform_6(%arg0: i32) -> (i32, i32) {
    %c0_i32 = arith.constant 0 : i32
    %c0_i32_0 = arith.constant 0 : i32
    %c0_i32_1 = arith.constant 0 : i32
    return %c0_i32, %c0_i32_0 : i32, i32
  }
  func.func @transform_7(%arg0: i32) -> (i32, i32) {
    %c0_i32 = arith.constant 0 : i32
    %c0_i32_0 = arith.constant 0 : i32
    %c0_i32_1 = arith.constant 0 : i32
    return %c0_i32, %c0_i32_0 : i32, i32
  }
  func.func @transform_8(%arg0: i32) -> (i32, i32) {
    %c0_i32 = arith.constant 0 : i32
    %c0_i32_0 = arith.constant 0 : i32
    %c0_i32_1 = arith.constant 0 : i32
    return %c0_i32, %c0_i32_0 : i32, i32
  }
  func.func @transform_9(%arg0: i32) -> (i32, i32) {
    %c0_i32 = arith.constant 0 : i32
    %c0_i32_0 = arith.constant 0 : i32
    %c0_i32_1 = arith.constant 0 : i32
    return %c0_i32, %c0_i32_0 : i32, i32
  }
  func.func @transform_10(%arg0: i32) -> (i32, i32) {
    %c0_i32 = arith.constant 0 : i32
    %c0_i32_0 = arith.constant 0 : i32
    %c0_i32_1 = arith.constant 0 : i32
    return %c0_i32, %c0_i32_0 : i32, i32
  }
  func.func @transform_11(%arg0: i32) -> (i32, i32, i32) {
    %add3A = arith.constant 32 : i32
    %add3A_0 = arith.addi %arg0, %add3A : i32
    %c0_i32 = arith.constant 0 : i32
    %c0_i32_1 = arith.constant 0 : i32
    %c0_i32_2 = arith.constant 0 : i32
    return %add3A_0, %c0_i32, %c0_i32_1 : i32, i32, i32
  }
}

module attributes {stable_mosaic.version = 14 : i64} {
  func.func @_post_ln_alias_body(%arg0: i32, %arg1: memref<1024x200x128xf32, #tpu.memory_space<hbm>>, %arg2: memref<16x200x64xi32, #tpu.memory_space<vmem>>, %arg3: memref<16x1x200xi32, #tpu.memory_space<vmem>>, %arg4: memref<2x64xf32, #tpu.memory_space<vmem>>, %arg5: memref<2x64xf32, #tpu.memory_space<vmem>>, %arg6: memref<200x64xf32, #tpu.memory_space<vmem>>, %arg7: memref<200x64xf32, #tpu.memory_space<vmem>>, %arg8: memref<1x64xf32, #tpu.memory_space<vmem>>, %arg9: memref<1x64xf32, #tpu.memory_space<vmem>>, %arg10: memref<1x64xf32, #tpu.memory_space<vmem>>, %arg11: memref<1x64xf32, #tpu.memory_space<vmem>>, %arg12: memref<16x200x128xf32, #tpu.memory_space<vmem>>) attributes {dimension_semantics = [#tpu.dimension_semantics<arbitrary>], iteration_bounds = array<i64: 16>, scalar_prefetch = 0 : i64, scratch_operands = 0 : i64, tpu.core_type = #tpu.core_type<tc>, window_params = [{}, {transform_indices = @transform_1, window_bounds = array<i64: 16, 200, 64>}, {transform_indices = @transform_2, window_bounds = array<i64: 16, 1, 200>}, {pipeline_mode = #tpu.pipeline_mode<synchronous>, transform_indices = @transform_3, window_bounds = array<i64: 2, 64>}, {pipeline_mode = #tpu.pipeline_mode<synchronous>, transform_indices = @transform_4, window_bounds = array<i64: 2, 64>}, {pipeline_mode = #tpu.pipeline_mode<synchronous>, transform_indices = @transform_5, window_bounds = array<i64: 200, 64>}, {pipeline_mode = #tpu.pipeline_mode<synchronous>, transform_indices = @transform_6, window_bounds = array<i64: 200, 64>}, {pipeline_mode = #tpu.pipeline_mode<synchronous>, transform_indices = @transform_7, window_bounds = array<i64: 1, 64>}, {pipeline_mode = #tpu.pipeline_mode<synchronous>, transform_indices = @transform_8, window_bounds = array<i64: 1, 64>}, {pipeline_mode = #tpu.pipeline_mode<synchronous>, transform_indices = @transform_9, window_bounds = array<i64: 1, 64>}, {pipeline_mode = #tpu.pipeline_mode<synchronous>, transform_indices = @transform_10, window_bounds = array<i64: 1, 64>}, {transform_indices = @transform_11, window_bounds = array<i64: 16, 200, 128>}]} {
    %get3A = arith.constant 0 : index
    %get3A_0 = arith.constant 0 : index
    %get3A_1 = arith.constant 0 : index
    %get3A_2 = vector.load %arg2[%get3A, %get3A_0, %get3A_1] : memref<16x200x64xi32, #tpu.memory_space<vmem>>, vector<16x200x64xi32>
    %shift_left3A = arith.constant 16 : i32
    %shift_left3A_3 = vector.broadcast %shift_left3A : i32 to vector<16x200x64xi32>
    %shift_left3A_4 = arith.shli %get3A_2, %shift_left3A_3 : vector<16x200x64xi32>
    %bitcast_convert_type3A = tpu.bitcast %shift_left3A_4 : vector<16x200x64xi32> -> vector<16x200x64xf32>
    %and3A = arith.constant -65536 : i32
    %and3A_5 = vector.broadcast %and3A : i32 to vector<16x200x64xi32>
    %and3A_6 = arith.andi %get3A_2, %and3A_5 : vector<16x200x64xi32>
    %bitcast_convert_type3A_7 = tpu.bitcast %and3A_6 : vector<16x200x64xi32> -> vector<16x200x64xf32>
    %get3A_8 = arith.constant 0 : index
    %get3A_9 = arith.constant 0 : index
    %get3A_10 = vector.load %arg6[%get3A_8, %get3A_9] : memref<200x64xf32, #tpu.memory_space<vmem>>, vector<200x64xf32>
    %broadcast_in_dim3A = vector.shape_cast %get3A_10 : vector<200x64xf32> to vector<1x200x64xf32>
    %add3A = vector.broadcast %broadcast_in_dim3A : vector<1x200x64xf32> to vector<16x200x64xf32>
    %add3A_11 = arith.addf %bitcast_convert_type3A, %add3A : vector<16x200x64xf32>
    %get3A_12 = arith.constant 0 : index
    %get3A_13 = arith.constant 0 : index
    %get3A_14 = arith.constant 0 : index
    %get3A_15 = vector.load %arg3[%get3A_12, %get3A_13, %get3A_14] : memref<16x1x200xi32, #tpu.memory_space<vmem>>, vector<16x1x200xi32>
    %get3A_16 = vector.shape_cast %get3A_15 : vector<16x1x200xi32> to vector<16x200xi32>
    %convert_element_type3A = arith.sitofp %get3A_16 : vector<16x200xi32> to vector<16x200xf32>
    %broadcast_in_dim3A_17 = vector.shape_cast %convert_element_type3A : vector<16x200xf32> to vector<16x200x1xf32>
    %broadcast_in_dim3A_18 = vector.broadcast %broadcast_in_dim3A_17 : vector<16x200x1xf32> to vector<16x200x64xf32>
    %get3A_19 = arith.constant 0 : index
    %get3A_20 = arith.constant 0 : index
    %get3A_21 = vector.load %arg4[%get3A_19, %get3A_20] : memref<2x64xf32, #tpu.memory_space<vmem>>, vector<1x64xf32>
    %get3A_22 = vector.shape_cast %get3A_21 : vector<1x64xf32> to vector<64xf32>
    %get3A_23 = arith.constant 1 : index
    %get3A_24 = arith.constant 0 : index
    %get3A_25 = vector.load %arg4[%get3A_23, %get3A_24] : memref<2x64xf32, #tpu.memory_space<vmem>>, vector<1x64xf32>
    %get3A_26 = vector.shape_cast %get3A_25 : vector<1x64xf32> to vector<64xf32>
    %get3A_27 = arith.constant 0 : index
    %get3A_28 = arith.constant 0 : index
    %get3A_29 = vector.load %arg4[%get3A_27, %get3A_28] : memref<2x64xf32, #tpu.memory_space<vmem>>, vector<1x64xf32>
    %get3A_30 = vector.shape_cast %get3A_29 : vector<1x64xf32> to vector<64xf32>
    %sub3A = arith.subf %get3A_26, %get3A_30 : vector<64xf32>
    %broadcast_in_dim3A_31 = vector.shape_cast %sub3A : vector<64xf32> to vector<1x1x64xf32>
    %mul3A = vector.broadcast %broadcast_in_dim3A_31 : vector<1x1x64xf32> to vector<16x200x64xf32>
    %mul3A_32 = arith.mulf %broadcast_in_dim3A_18, %mul3A : vector<16x200x64xf32>
    %broadcast_in_dim3A_33 = vector.shape_cast %get3A_22 : vector<64xf32> to vector<1x1x64xf32>
    %add3A_34 = vector.broadcast %broadcast_in_dim3A_33 : vector<1x1x64xf32> to vector<16x200x64xf32>
    %add3A_35 = arith.addf %add3A_34, %mul3A_32 : vector<16x200x64xf32>
    %add3A_36 = arith.addf %add3A_11, %add3A_35 : vector<16x200x64xf32>
    %get3A_37 = arith.constant 0 : index
    %get3A_38 = arith.constant 0 : index
    %get3A_39 = vector.load %arg7[%get3A_37, %get3A_38] : memref<200x64xf32, #tpu.memory_space<vmem>>, vector<200x64xf32>
    %broadcast_in_dim3A_40 = vector.shape_cast %get3A_39 : vector<200x64xf32> to vector<1x200x64xf32>
    %add3A_41 = vector.broadcast %broadcast_in_dim3A_40 : vector<1x200x64xf32> to vector<16x200x64xf32>
    %add3A_42 = arith.addf %bitcast_convert_type3A_7, %add3A_41 : vector<16x200x64xf32>
    %get3A_43 = arith.constant 0 : index
    %get3A_44 = arith.constant 0 : index
    %get3A_45 = arith.constant 0 : index
    %get3A_46 = vector.load %arg3[%get3A_43, %get3A_44, %get3A_45] : memref<16x1x200xi32, #tpu.memory_space<vmem>>, vector<16x1x200xi32>
    %get3A_47 = vector.shape_cast %get3A_46 : vector<16x1x200xi32> to vector<16x200xi32>
    %convert_element_type3A_48 = arith.sitofp %get3A_47 : vector<16x200xi32> to vector<16x200xf32>
    %broadcast_in_dim3A_49 = vector.shape_cast %convert_element_type3A_48 : vector<16x200xf32> to vector<16x200x1xf32>
    %broadcast_in_dim3A_50 = vector.broadcast %broadcast_in_dim3A_49 : vector<16x200x1xf32> to vector<16x200x64xf32>
    %get3A_51 = arith.constant 0 : index
    %get3A_52 = arith.constant 0 : index
    %get3A_53 = vector.load %arg5[%get3A_51, %get3A_52] : memref<2x64xf32, #tpu.memory_space<vmem>>, vector<1x64xf32>
    %get3A_54 = vector.shape_cast %get3A_53 : vector<1x64xf32> to vector<64xf32>
    %get3A_55 = arith.constant 1 : index
    %get3A_56 = arith.constant 0 : index
    %get3A_57 = vector.load %arg5[%get3A_55, %get3A_56] : memref<2x64xf32, #tpu.memory_space<vmem>>, vector<1x64xf32>
    %get3A_58 = vector.shape_cast %get3A_57 : vector<1x64xf32> to vector<64xf32>
    %get3A_59 = arith.constant 0 : index
    %get3A_60 = arith.constant 0 : index
    %get3A_61 = vector.load %arg5[%get3A_59, %get3A_60] : memref<2x64xf32, #tpu.memory_space<vmem>>, vector<1x64xf32>
    %get3A_62 = vector.shape_cast %get3A_61 : vector<1x64xf32> to vector<64xf32>
    %sub3A_63 = arith.subf %get3A_58, %get3A_62 : vector<64xf32>
    %broadcast_in_dim3A_64 = vector.shape_cast %sub3A_63 : vector<64xf32> to vector<1x1x64xf32>
    %mul3A_65 = vector.broadcast %broadcast_in_dim3A_64 : vector<1x1x64xf32> to vector<16x200x64xf32>
    %mul3A_66 = arith.mulf %broadcast_in_dim3A_50, %mul3A_65 : vector<16x200x64xf32>
    %broadcast_in_dim3A_67 = vector.shape_cast %get3A_54 : vector<64xf32> to vector<1x1x64xf32>
    %add3A_68 = vector.broadcast %broadcast_in_dim3A_67 : vector<1x1x64xf32> to vector<16x200x64xf32>
    %add3A_69 = arith.addf %add3A_68, %mul3A_66 : vector<16x200x64xf32>
    %add3A_70 = arith.addf %add3A_42, %add3A_69 : vector<16x200x64xf32>
    %reduce_sum3A = arith.constant dense<0.000000e+00> : vector<16x200xf32>
    %reduce_sum3A_71 = vector.multi_reduction <add>, %add3A_36, %reduce_sum3A [2] : vector<16x200x64xf32> to vector<16x200xf32>
    %broadcast_in_dim3A_72 = vector.shape_cast %reduce_sum3A_71 : vector<16x200xf32> to vector<16x200x1xf32>
    %reduce_sum3A_73 = arith.constant dense<0.000000e+00> : vector<16x200xf32>
    %reduce_sum3A_74 = vector.multi_reduction <add>, %add3A_70, %reduce_sum3A_73 [2] : vector<16x200x64xf32> to vector<16x200xf32>
    %broadcast_in_dim3A_75 = vector.shape_cast %reduce_sum3A_74 : vector<16x200xf32> to vector<16x200x1xf32>
    %add3A_76 = arith.addf %broadcast_in_dim3A_72, %broadcast_in_dim3A_75 : vector<16x200x1xf32>
    %mul3A_77 = arith.constant 7.812500e-03 : f32
    %mul3A_78 = vector.broadcast %mul3A_77 : f32 to vector<16x200x1xf32>
    %mul3A_79 = arith.mulf %add3A_76, %mul3A_78 : vector<16x200x1xf32>
    %sub3A_80 = vector.broadcast %mul3A_79 : vector<16x200x1xf32> to vector<16x200x64xf32>
    %sub3A_81 = arith.subf %add3A_36, %sub3A_80 : vector<16x200x64xf32>
    %sub3A_82 = vector.broadcast %mul3A_79 : vector<16x200x1xf32> to vector<16x200x64xf32>
    %sub3A_83 = arith.subf %add3A_70, %sub3A_82 : vector<16x200x64xf32>
    %mul3A_84 = arith.mulf %sub3A_81, %sub3A_81 : vector<16x200x64xf32>
    %reduce_sum3A_85 = arith.constant dense<0.000000e+00> : vector<16x200xf32>
    %reduce_sum3A_86 = vector.multi_reduction <add>, %mul3A_84, %reduce_sum3A_85 [2] : vector<16x200x64xf32> to vector<16x200xf32>
    %broadcast_in_dim3A_87 = vector.shape_cast %reduce_sum3A_86 : vector<16x200xf32> to vector<16x200x1xf32>
    %mul3A_88 = arith.mulf %sub3A_83, %sub3A_83 : vector<16x200x64xf32>
    %reduce_sum3A_89 = arith.constant dense<0.000000e+00> : vector<16x200xf32>
    %reduce_sum3A_90 = vector.multi_reduction <add>, %mul3A_88, %reduce_sum3A_89 [2] : vector<16x200x64xf32> to vector<16x200xf32>
    %broadcast_in_dim3A_91 = vector.shape_cast %reduce_sum3A_90 : vector<16x200xf32> to vector<16x200x1xf32>
    %add3A_92 = arith.addf %broadcast_in_dim3A_87, %broadcast_in_dim3A_91 : vector<16x200x1xf32>
    %mul3A_93 = arith.constant 7.812500e-03 : f32
    %mul3A_94 = vector.broadcast %mul3A_93 : f32 to vector<16x200x1xf32>
    %mul3A_95 = arith.mulf %add3A_92, %mul3A_94 : vector<16x200x1xf32>
    %add3A_96 = arith.constant 9.99999996E-13 : f32
    %add3A_97 = vector.broadcast %add3A_96 : f32 to vector<16x200x1xf32>
    %add3A_98 = arith.addf %mul3A_95, %add3A_97 : vector<16x200x1xf32>
    %rsqrt3A = math.rsqrt %add3A_98 : vector<16x200x1xf32>
    %mul3A_99 = vector.broadcast %rsqrt3A : vector<16x200x1xf32> to vector<16x200x64xf32>
    %mul3A_100 = arith.mulf %sub3A_81, %mul3A_99 : vector<16x200x64xf32>
    %get3A_101 = arith.constant 0 : index
    %get3A_102 = arith.constant 0 : index
    %get3A_103 = vector.load %arg8[%get3A_101, %get3A_102] : memref<1x64xf32, #tpu.memory_space<vmem>>, vector<1x64xf32>
    %get3A_104 = vector.shape_cast %get3A_103 : vector<1x64xf32> to vector<64xf32>
    %broadcast_in_dim3A_105 = vector.shape_cast %get3A_104 : vector<64xf32> to vector<1x1x64xf32>
    %mul3A_106 = vector.broadcast %broadcast_in_dim3A_105 : vector<1x1x64xf32> to vector<16x200x64xf32>
    %mul3A_107 = arith.mulf %mul3A_100, %mul3A_106 : vector<16x200x64xf32>
    %get3A_108 = arith.constant 0 : index
    %get3A_109 = arith.constant 0 : index
    %get3A_110 = vector.load %arg10[%get3A_108, %get3A_109] : memref<1x64xf32, #tpu.memory_space<vmem>>, vector<1x64xf32>
    %get3A_111 = vector.shape_cast %get3A_110 : vector<1x64xf32> to vector<64xf32>
    %broadcast_in_dim3A_112 = vector.shape_cast %get3A_111 : vector<64xf32> to vector<1x1x64xf32>
    %add3A_113 = vector.broadcast %broadcast_in_dim3A_112 : vector<1x1x64xf32> to vector<16x200x64xf32>
    %add3A_114 = arith.addf %mul3A_107, %add3A_113 : vector<16x200x64xf32>
    %mul3A_115 = vector.broadcast %rsqrt3A : vector<16x200x1xf32> to vector<16x200x64xf32>
    %mul3A_116 = arith.mulf %sub3A_83, %mul3A_115 : vector<16x200x64xf32>
    %get3A_117 = arith.constant 0 : index
    %get3A_118 = arith.constant 0 : index
    %get3A_119 = vector.load %arg9[%get3A_117, %get3A_118] : memref<1x64xf32, #tpu.memory_space<vmem>>, vector<1x64xf32>
    %get3A_120 = vector.shape_cast %get3A_119 : vector<1x64xf32> to vector<64xf32>
    %broadcast_in_dim3A_121 = vector.shape_cast %get3A_120 : vector<64xf32> to vector<1x1x64xf32>
    %mul3A_122 = vector.broadcast %broadcast_in_dim3A_121 : vector<1x1x64xf32> to vector<16x200x64xf32>
    %mul3A_123 = arith.mulf %mul3A_116, %mul3A_122 : vector<16x200x64xf32>
    %get3A_124 = arith.constant 0 : index
    %get3A_125 = arith.constant 0 : index
    %get3A_126 = vector.load %arg11[%get3A_124, %get3A_125] : memref<1x64xf32, #tpu.memory_space<vmem>>, vector<1x64xf32>
    %get3A_127 = vector.shape_cast %get3A_126 : vector<1x64xf32> to vector<64xf32>
    %broadcast_in_dim3A_128 = vector.shape_cast %get3A_127 : vector<64xf32> to vector<1x1x64xf32>
    %add3A_129 = vector.broadcast %broadcast_in_dim3A_128 : vector<1x1x64xf32> to vector<16x200x64xf32>
    %add3A_130 = arith.addf %mul3A_123, %add3A_129 : vector<16x200x64xf32>
    %concatenate3A = tpu.concatenate %add3A_114, %add3A_130 in 2 : vector<16x200x64xf32>, vector<16x200x64xf32> -> vector<16x200x128xf32>
    %swap3A = arith.constant 0 : index
    %swap3A_131 = arith.constant 0 : index
    %swap3A_132 = arith.constant 0 : index
    %swap3A_133 = vector.load %arg12[%swap3A, %swap3A_131, %swap3A_132] : memref<16x200x128xf32, #tpu.memory_space<vmem>>, vector<16x200x128xf32>
    tpu.vector_store %arg12[%swap3A, %swap3A_131, %swap3A_132], %concatenate3A {strides = array<i32>} : memref<16x200x128xf32, #tpu.memory_space<vmem>>, vector<16x200x128xf32>,
    return
  }
  func.func @transform_1(%arg0: i32) -> (i32, i32, i32) {
    %c0_i32 = arith.constant 0 : i32
    %c0_i32_0 = arith.constant 0 : i32
    %c0_i32_1 = arith.constant 0 : i32
    return %arg0, %c0_i32, %c0_i32_0 : i32, i32, i32
  }
  func.func @transform_2(%arg0: i32) -> (i32, i32, i32) {
    %c0_i32 = arith.constant 0 : i32
    %c0_i32_0 = arith.constant 0 : i32
    %c0_i32_1 = arith.constant 0 : i32
    return %arg0, %c0_i32, %c0_i32_0 : i32, i32, i32
  }
  func.func @transform_3(%arg0: i32) -> (i32, i32) {
    %c0_i32 = arith.constant 0 : i32
    %c0_i32_0 = arith.constant 0 : i32
    %c0_i32_1 = arith.constant 0 : i32
    return %c0_i32, %c0_i32_0 : i32, i32
  }
  func.func @transform_4(%arg0: i32) -> (i32, i32) {
    %c0_i32 = arith.constant 0 : i32
    %c0_i32_0 = arith.constant 0 : i32
    %c0_i32_1 = arith.constant 0 : i32
    return %c0_i32, %c0_i32_0 : i32, i32
  }
  func.func @transform_5(%arg0: i32) -> (i32, i32) {
    %c0_i32 = arith.constant 0 : i32
    %c0_i32_0 = arith.constant 0 : i32
    %c0_i32_1 = arith.constant 0 : i32
    return %c0_i32, %c0_i32_0 : i32, i32
  }
  func.func @transform_6(%arg0: i32) -> (i32, i32) {
    %c0_i32 = arith.constant 0 : i32
    %c0_i32_0 = arith.constant 0 : i32
    %c0_i32_1 = arith.constant 0 : i32
    return %c0_i32, %c0_i32_0 : i32, i32
  }
  func.func @transform_7(%arg0: i32) -> (i32, i32) {
    %c0_i32 = arith.constant 0 : i32
    %c0_i32_0 = arith.constant 0 : i32
    %c0_i32_1 = arith.constant 0 : i32
    return %c0_i32, %c0_i32_0 : i32, i32
  }
  func.func @transform_8(%arg0: i32) -> (i32, i32) {
    %c0_i32 = arith.constant 0 : i32
    %c0_i32_0 = arith.constant 0 : i32
    %c0_i32_1 = arith.constant 0 : i32
    return %c0_i32, %c0_i32_0 : i32, i32
  }
  func.func @transform_9(%arg0: i32) -> (i32, i32) {
    %c0_i32 = arith.constant 0 : i32
    %c0_i32_0 = arith.constant 0 : i32
    %c0_i32_1 = arith.constant 0 : i32
    return %c0_i32, %c0_i32_0 : i32, i32
  }
  func.func @transform_10(%arg0: i32) -> (i32, i32) {
    %c0_i32 = arith.constant 0 : i32
    %c0_i32_0 = arith.constant 0 : i32
    %c0_i32_1 = arith.constant 0 : i32
    return %c0_i32, %c0_i32_0 : i32, i32
  }
  func.func @transform_11(%arg0: i32) -> (i32, i32, i32) {
    %add3A = arith.constant 48 : i32
    %add3A_0 = arith.addi %arg0, %add3A : i32
    %c0_i32 = arith.constant 0 : i32
    %c0_i32_1 = arith.constant 0 : i32
    %c0_i32_2 = arith.constant 0 : i32
    return %add3A_0, %c0_i32, %c0_i32_1 : i32, i32, i32
  }
}

</mosaic_0001>

<sc_bundles>
// kernel: kernel.12.cloned.1.call-start
scs
__scs_entry_jumppad:
0x0: {  	(pc) =	sbr.rel $0x88, $3  }
0x1: {  	(tag) =	ssettag $0x0;
	lr =	simm.s32 $0x1  }
0x2: {  	[smem:$0x3F93] =	sst lr;
	_ =	strace $0xD0000000  }
0x3: {  	_ = 	snop  }
0x4: {  	_ = 	snop  }
0x5: {  	_ = 	snop  }
0x6: {  	_ = 	snop  }
0x7: {  	_ = 	snop  }
__scs_overlays_trampoline_lowered:
0x8: {  	[smem:$0x3FA2] =	sst s0  }
0x9: {  	[smem:$0x3FA3] =	sst s1  }
0xa: {  	[smem:$0x3FA4] =	sst s2  }
0xb: {  	[smem:$0x3FA5] =	sst s3  }
0xc: {  	[smem:$0x3FA6] =	sst s4  }
0xd: {  	[smem:$0x3FA7] =	sst s5  }
0xe: {  	[smem:$0x3FA8] =	sst s6  }
0xf: {  	[smem:$0x3FA9] =	sst s7  }
0x10: {  	[smem:$0x3FAA] =	sst s8  }
0x11: {  	[smem:$0x3FAB] =	sst s9;
	s0 =	simm.s32 @!p0 $0x0  }
0x12: {  	s1 =	sld [smem:$0x3F91];
	s0 =	simm.s32 @p0 $0x1  }
0x13: {  	[smem:$0x3FAC] =	sst s0;
	s0 =	simm.s32 @!p1 $0x0  }
0x14: {  	s2 =	sld [smem:$0x3F90];
	s0 =	simm.s32 @p1 $0x1  }
0x15: {  	[smem:$0x3FAD] =	sst s0;
	s0 =	simm.s32 @!p2 $0x0  }
0x16: {  	s3 =	sld [smem:$0x3FDB];
	s0 =	simm.s32 @p2 $0x1  }
0x17: {  	s4 =	simm.s32 $0x1BF5;
	[smem:$0x3FAF] =	sst s0  }
0x18: {  	s0 =	sld [smem:$0x3F92];
	_ =	swait.ge [sflag:s4], $0x0  }
0x19: {  	s7 =	sld [smem:$0x3F93]  }
0x1a: {  	s8 =	sadd.s32 $0xFFFFE003, lr  }
0x1b: {  	s9 =	sadd.s32 $0xFFFFFEF7, lr;
	s5 =	simm.s32 $0xFFFFFFFF;
	p2 =	slt.u32 s8, $0xFFFFF086  }
0x1c: {  	p1 =	slt.u32 s9, $0xF7A;
	s5 =	simm.s32 @!p2 $0x0  }
0x1d: {  	s5 =	simm.s32 @p1 $0x1;
	p0 =	seq.s32 s7, s2  }
0x1e: {  	s7 =	smul.u32 @!p0 $0xF7A, s2;
	p2 =	seq.s32 @!p0 s5, $0x0  }
0x1f: {  	s9 =	smul.u32 $0xF7A, s1;
	s8 =	simm.s32 @!p0 $0x1BF5;
	p2 =	por !p2, p0  }
0x20: {  	[sflag:s8] =	ssyncset.s32 @!p0 $0xFFFFF086;
	s6 =	sadd.s32 @!p0 s3, s7;
	s7 =	simm.s32 @!p0 $0x108  }
0x21: {  	s3 =	sadd.s32 s3, s9;
	s6 =	sadd.s32 @!p0 $0x88, s6;
	s7 =	simm.s32 @p2 $0x1082  }
0x22: {  	[simem:s7], [sflag:s8] =	dma.local @!p0 [hbm:s6], $0xF7A  }
0x23: {  	s9 =	sor.u32 $0xD0000000, s2;
	s6 =	simm.s32 $0x108;
	_ =	swait.ge @!p0 [sflag:s8], $0x0  }
0x24: {  	s3 =	sadd.s32 $0x88, s3;
	s6 =	simm.s32 @!p1 $0x1082;
	[sflag:s4] =	ssyncset.s32 $0xFFFFF086  }
0x25: {  	[simem:s6], [sflag:s4] =	dma.local [hbm:s3], $0xF7A  }
0x26: {  	[smem:$0x3F93] =	sst s1;
	(tag) =	ssettag s2;
	_ =	strace s9  }
0x27: {  	s1 =	sld [smem:$0x3FA3]  }
0x28: {  	s2 =	sld [smem:$0x3FA4]  }
0x29: {  	s4 =	sld [smem:$0x3FA6]  }
0x2a: {  	p0 =	seq.s32 s5, $0x0;
	s5 =	sld [smem:$0x3FA7]  }
0x2b: {  	s6 =	sld [smem:$0x3FA8]  }
0x2c: {  	s7 =	sld [smem:$0x3FA9]  }
0x2d: {  	s3 =	simm.s32 $0x108;
	s8 =	sld [smem:$0x3FAA]  }
0x2e: {  	s3 =	simm.s32 @!p0 $0x1082;
	s9 =	sld [smem:$0x3FAB]  }
0x2f: {  	lr =	sadd.s32 s0, s3;
	s0 =	sld [smem:$0x3FA2]  }
0x30: {  	s3 =	sld [smem:$0x3FA5]  }
0x31: {  	[smem:$0x3FAE] =	sst s10  }
0x32: {  	s10 =	sld [smem:$0x3FAC];
	_ =	sdelay $0x3  }
0x33: {  	p0 =	seq.s32 s10, $0x1;
	s10 =	sld [smem:$0x3FAE];
	_ =	sdelay $0x3  }
0x34: {  	[smem:$0x3FAE] =	sst s10  }
0x35: {  	s10 =	sld [smem:$0x3FAD];
	_ =	sdelay $0x3  }
0x36: {  	p1 =	seq.s32 s10, $0x1;
	s10 =	sld [smem:$0x3FAE];
	_ =	sdelay $0x3  }
0x37: {  	[smem:$0x3FAE] =	sst s10  }
0x38: {  	s10 =	sld [smem:$0x3FAF]  }
0x39: {  	_ = 	snop;
	(pc) =	sbr.ind lr, $3  }
0x3a: {  	_ = 	snop  }
0x3b: {  	_ = 	snop  }
0x3c: {  	p2 =	seq.s32 s10, $0x1;
	s10 =	sld [smem:$0x3FAE]  }
0x3d: {  	_ =	shalt  }
0x3e: {  	_ =	shalt  }
0x3f: {  	_ =	shalt  }
0x40: {  	_ =	shalt  }
0x41: {  	_ =	shalt  }
0x42: {  	_ =	shalt  }
0x43: {  	_ =	shalt  }
0x44: {  	_ =	shalt  }
0x45: {  	_ =	shalt  }
0x46: {  	_ =	shalt  }
0x47: {  	_ =	shalt  }
0x48: {  	_ =	shalt  }
0x49: {  	_ =	shalt  }
0x4a: {  	_ =	shalt  }
0x4b: {  	_ =	shalt  }
0x4c: {  	_ =	shalt  }
0x4d: {  	_ =	shalt  }
0x4e: {  	_ =	shalt  }
0x4f: {  	_ =	shalt  }
0x50: {  	_ =	shalt  }
0x51: {  	_ =	shalt  }
0x52: {  	_ =	shalt  }
0x53: {  	_ =	shalt  }
0x54: {  	_ =	shalt  }
0x55: {  	_ =	shalt  }
0x56: {  	_ =	shalt  }
0x57: {  	_ =	shalt  }
0x58: {  	_ =	shalt  }
0x59: {  	_ =	shalt  }
0x5a: {  	_ =	shalt  }
0x5b: {  	_ =	shalt  }
0x5c: {  	_ =	shalt  }
0x5d: {  	_ =	shalt  }
0x5e: {  	_ =	shalt  }
0x5f: {  	_ =	shalt  }
0x60: {  	_ =	shalt  }
0x61: {  	_ =	shalt  }
0x62: {  	_ =	shalt  }
0x63: {  	_ =	shalt  }
0x64: {  	_ =	shalt  }
0x65: {  	_ =	shalt  }
0x66: {  	_ =	shalt  }
0x67: {  	_ =	shalt  }
0x68: {  	_ =	shalt  }
0x69: {  	_ =	shalt  }
0x6a: {  	_ =	shalt  }
0x6b: {  	_ =	shalt  }
0x6c: {  	_ =	shalt  }
0x6d: {  	_ =	shalt  }
0x6e: {  	_ =	shalt  }
0x6f: {  	_ =	shalt  }
0x70: {  	_ =	shalt  }
0x71: {  	_ =	shalt  }
0x72: {  	_ =	shalt  }
0x73: {  	_ =	shalt  }
0x74: {  	_ =	shalt  }
0x75: {  	_ =	shalt  }
0x76: {  	_ =	shalt  }
0x77: {  	_ =	shalt  }
0x78: {  	_ =	shalt  }
0x79: {  	_ =	shalt  }
0x7a: {  	_ =	shalt  }
0x7b: {  	_ =	shalt  }
0x7c: {  	_ =	shalt  }
0x7d: {  	_ =	shalt  }
0x7e: {  	_ =	shalt  }
0x7f: {  	_ =	shalt  }
0x80: {  	_ =	shalt  }
0x81: {  	_ =	shalt  }
0x82: {  	_ =	shalt  }
0x83: {  	_ =	shalt  }
0x84: {  	_ =	shalt  }
0x85: {  	_ =	shalt  }
0x86: {  	_ =	shalt  }
0x87: {  	_ =	shalt  }
.Lfunc_end0:
.L_simem_size_0:
called_computation_lowered:
.L_overlay_start_0:
0x88: {  	s2 =	sld [smem:$0x3FD9]  }
0x89: {  	s3 =	sld [smem:$0x3FFE];
	_ =	sdelay $0x1  }
0x8a: {  	s1 =	srdreg.scid  }
0x8b: {  	s0 =	sand.u32 $0x1, s1  }
0x8c: {  	s16 =	sshll.u32 s0, $0xA;
	s2 =	sadd.s32 s3, s2  }
0x8d: {  	s2 =	sadd.s32 s2, s16  }
0x8e: {  	[smem:$0x3FBA] =	sst s2  }
0x8f: {  	_ = 	snop  }
0x90: {  	(tm) =	ssettm $0x1  }
0x91: {  	s17 =	sld [smem:$0x3FFB];
	_ =	sdelay $0x3  }
0x92: {  	_ =	strace s17  }
0x93: {  	s2 =	sld [smem:$0x3FFC];
	_ =	sdelay $0x3  }
0x94: {  	_ =	strace s2  }
0x95: {  	s2 =	sld [smem:$0x3FFD];
	_ =	sdelay $0x3  }
0x96: {  	_ =	strace s2  }
0x97: {  	_ =	strace $0x8FFFFFFF  }
0x98: {  	s18 =	sld [smem:$0x3FDB];
	_ =	sdelay $0x1  }
0x99: {  	s19 =	simm.s32 $_scs_section_size  }
0x9a: {  	s4 =	simm.s32 $_size__tile_overlayer_lowered;
	s5 =	simm.s32 $_tile_overlayer_lowered  }
0x9b: {  	s22 =	simm.s32 $0x1BFF;
	s21 =	sshll.u32 s5, $0x1;
	s2 =	sadd.s32 s19, s18  }
0x9c: {  	s6 =	simm.s32 $0x0;
	s20 =	sshll.u32 s4, $0x1;
	s4 =	sadd.s32 s21, s2  }
0x9d: {  	[timem:s6], [sflag:s22] =	dma.local [hbm:s4], s20  }
0x9e: {  	_ =	swait.ge [sflag:s22], s20  }
0x9f: {  	s3 =	ssub.s32 $0x0, s20;
	[sflag:s22] =	ssyncset.done $0x0  }
0xa0: {  	[sflag:s22] =	ssyncadd.s32 s3;
	_ =	sdelay $0x1  }
0xa1: {  	s23 =	simm.s32 $0x1B8B  }
0xa2: {  	_ =	swait.ge [sflag:s23], $0x1  }
0xa3: {  	[sflag:s23] =	ssyncset.done $0x0  }
0xa4: {  	s25 =	simm.s32 $0x1B8E;
	s24 =	sld [smem:$0x3FFE];
	[sflag:s23] =	ssyncadd.s32 $0xFFFFFFFF  }
0xa5: {  	s26 =	simm.s32 $execute0_lowered;
	[smem:$0x3FD2] =	sst s25  }
0xa6: {  	s4 =	sshll.u32 s26, $0x1;
	_ =	strace $0x80000046;
	[dreg:$0x1] =	wrdreg $0xFFFFFFFF  }
0xa7: {  	s28 =	simm.s32 $_size_execute0_lowered;
	s2 =	sadd.s32 s2, s4;
	[dreg:$0x0] =	wrdreg $0x0  }
0xa8: {  	s4 =	sshll.u32 s28, $0x1;
	[dreg:$0x2] =	wrdreg s2  }
0xa9: {  	[dreg:$0x3] =	wrdreg s4  }
0xaa: {  	[dreg:$0x4] =	wrdreg $0xC0  }
0xab: {  	_ =	task [dreg:s6], $0x5FFFF  }
0xac: {  	[dreg:$0x1] =	wrdreg $0xFFFFFFFF  }
0xad: {  	[dreg:$0x0] =	wrdreg $0x60  }
0xae: {  	[dreg:$0x2] =	wrdreg s24  }
0xaf: {  	[dreg:$0x3] =	wrdreg $0x9  }
0xb0: {  	_ =	task.clear_ibuf [dreg:s6], $0x4FFFF;
	_ =	strace $0x90000046  }
0xb1: {  	s29 =	simm.s32 $0x9;
	_ =	strace $0x80000048  }
0xb2: {  	_ =	swait.ge [sflag:s29], $0x1  }
0xb3: {  	[sflag:s29] =	ssyncadd.s32 $0xFFFFFFFF  }
0xb4: {  	_ =	strace $0x90000048  }
0xb5: {  	_ =	sfence  }
0xb6: {  	s30 =	sld [smem:$0x0];
	_ =	sdelay $0x2  }
0xb7: {  	s31 =	sshll.u32 s1, $0xD;
	s1 =	sshrl.u32 s1, $0x2  }
0xb8: {  	s3 =	sand.u32 $0x4000, s31;
	s1 =	sadd.s32 s1, s30  }
0xb9: {  	s0 =	sor.u32 s3, s0;
	s1 =	sshll.u32 s1, $0x11  }
0xba: {  	s0 =	sor.u32 s1, s0  }
0xbb: {  	s0 =	sadd.s32 $0x8F2B, s0  }
0xbc: {  	[sflag:s0] =	ssyncadd.remote.s32 $0x1  }
0xbd: {  	_ =	sfence.sel $0xFFFF  }
0xbe: {  	[dreg:$0x0] =	wrdreg $0xFFFFFFFF;
	(pc) =	sbr.abs _section_cstart, $3  }
0xbf: {  	[dreg:$0x1] =	wrdreg $0xFFFFFFFF  }
0xc0: {  	_ =	task.clear_ibuf [dreg:s6], $0x2FFFF;
	_ =	strace $0x9FFFFFFF  }
0xc1: {  	(tm) =	ssettm $0x7FFFFFFF  }
tec
execute0_lowered:
.L_overlay_start_1:
0x0: {  	(tag) =	ssettag $0x1  }
0x1: {  	s0 =	rddreg [dreg:$0x0]  }
0x2: {  	s1 =	srdreg.scid;
	s3 =	stileid.u32;
	s2 =	simm.s32 $0x0  }
0x3: {  	s13 =	simm.s32 $0x7;
	s14 =	simm.s32 $0x100;
	s15 =	simm.s32 $0x80  }
0x4: {  	s16 =	simm.s32 $0x200;
	s17 =	simm.s32 $0x180;
	s18 =	simm.s32 $0x4200  }
0x5: {  	s19 =	simm.s32 $0x1;
	s20 =	simm.s32 $0x2;
	s21 =	simm.s32 $0x3  }
0x6: {  	s22 =	simm.s32 $0x8200;
	s23 =	simm.s32 $0x4;
	s24 =	simm.s32 $0xC200  }
0x7: {  	s28 =	simm.s32 $0x40;
	s1 =	sand.u32 $0x1, s1;
	s3 =	sshll.u32 s3, $0x1  }
0x8: {  	s29 =	simm.s32 $0x0;
	[smem:$0x7FF] =	sst s2;
	s4 =	sor.u32 s1, s3  }
0x9: {  	s5 =	sadd.s32 $0x196A00, s0;
	s6 =	sadd.s32 $0x3800, s0;
	s4 =	smul.u32 $0x640, s4  }
0xa: {  	s7 =	sadd.s32 $0x9C00, s0;
	s8 =	sadd.s32 $0x1B5E00, s0;
	s1 =	ssub.s32 $0x2, s1  }
0xb: {  	_ =	strace $0x80000047;
	s9 =	sshrl.u32 s1, $0x1;
	s10 =	sadd.s32 $0x600, s4  }
0xc: {  	s3 =	sadd.s32 $0x10000, s0;
	s25 =	ssub.s32 s1, s9;
	s26 =	sshrl.u32 s10, $0x3  }
0xd: {  	s12 =	smax.u32 s25, $0x1;
	s25 =	simm.s32 $0x5;
	s30 =	sadd.s32 s6, s26  }
0xe: {  	s31 =	sshll.u32 s10, $0x4;
	s1 =	sadd.s32 s7, s26;
	[dreg:$0x2] =	wrdreg s30  }
0xf: {  	s11 =	sadd.s32 s8, s31;
	s26 =	simm.s32 $0x6;
	[dreg:$0x3] =	wrdreg s1  }
.LBB2_1:
0x10: {  	s30 =	simm.s32 $0x0  }
.LBB2_2:
0x11: {  	s1 =	sshll.u32 s30, $0x8  }
0x12: {  	s0 =	sadd.s32 s4, s1  }
0x13: {  	s9 =	sshrl.u32 s0, $0x3  }
0x14: {  	s10 =	sadd.s32 s6, s9  }
0x15: {  	[tilespmem:s2], [sflag:$0x7] =	stream.linear.gather [hbm4b:s10+s2], $0x80, $0x38;
	[tilespmem:$0x10200] =	vst v63  }
0x16: {  	_ =	swait.ge [sflag:s13], $0x80  }
0x17: {  	[sflag:s13] =	ssyncset.done $0x0  }
0x18: {  	s9 =	sadd.s32 s7, s9;
	[sflag:s13] =	ssyncadd.s32 $0xFFFFFF80  }
0x19: {  	[tilespmem:s14], [sflag:$0x7] =	stream.linear.gather [hbm4b:s9+s2], $0x80, $0x38;
	[tilespmem:$0x10200] =	vst v63  }
0x1a: {  	_ =	swait.ge [sflag:s13], $0x80  }
0x1b: {  	p0 =	seq.s32 s30, $0x0;
	[sflag:s13] =	ssyncset.done $0x0  }
0x1c: {  	s9 =	simm.s32 @!p0 $0x5;
	[sflag:s13] =	ssyncadd.s32 $0xFFFFFF80  }
0x1d: {  	s1 =	sadd.s32 s1, s4;
	_ =	swait.ge @!p0 [sflag:s9], $0x4000  }
0x1e: {  	s31 =	sadd.s32 $0x80, s1;
	[sflag:s9] =	ssyncset.done @!p0 $0x0  }
0x1f: {  	s1 =	sshrl.u32 s31, $0x3;
	[sflag:s9] =	ssyncadd.s32 @!p0 $0xFFFFC000  }
0x20: {  	[tilespmem:s16], [sflag:$0x1] =	stream.indirect.gather [hbm4b:s3+s15], $0x80, s2, s15, $0xb8;
	[tilespmem:$0x10200] =	vst v63  }
0x21: {  	s10 =	sadd.s32 s6, s1  }
0x22: {  	[tilespmem:s15], [sflag:$0x7] =	stream.linear.gather [hbm4b:s10+s2], $0x80, $0x38;
	[tilespmem:$0x10200] =	vst v63  }
0x23: {  	_ =	swait.ge [sflag:s13], $0x80  }
0x24: {  	[sflag:s13] =	ssyncset.done $0x0  }
0x25: {  	s1 =	sadd.s32 s7, s1;
	[sflag:s13] =	ssyncadd.s32 $0xFFFFFF80  }
0x26: {  	[tilespmem:s17], [sflag:$0x7] =	stream.linear.gather [hbm4b:s1+s2], $0x80, $0x38;
	[tilespmem:$0x10200] =	vst v63  }
0x27: {  	_ =	swait.ge [sflag:s13], $0x80  }
0x28: {  	[sflag:s13] =	ssyncset.done $0x0  }
0x29: {  	s1 =	simm.s32 @!p0 $0x6;
	[sflag:s13] =	ssyncadd.s32 $0xFFFFFF80  }
0x2a: {  	_ =	swait.ge @!p0 [sflag:s1], $0x4000  }
0x2b: {  	[sflag:s1] =	ssyncset.done @!p0 $0x0  }
0x2c: {  	[sflag:s1] =	ssyncadd.s32 @!p0 $0xFFFFC000  }
0x2d: {  	[tilespmem:s18], [sflag:$0x2] =	stream.indirect.gather [hbm4b:s3+s15], $0x80, s15, s15, $0xb8;
	[tilespmem:$0x10200] =	vst v63  }
0x2e: {  	_ =	swait.ge [sflag:s19], $0x4000  }
0x2f: {  	[sflag:s19] =	ssyncset.done $0x0  }
0x30: {  	[sflag:s19] =	ssyncadd.s32 $0xFFFFC000  }
0x31: {  	[tilespmem:s16], [sflag:$0x3] =	stream.indirect.gather.add.f32 [hbm:s5], $0x80, s14, s15, $0xb8;
	[tilespmem:$0x10200] =	vst v63  }
0x32: {  	_ =	swait.ge [sflag:s20], $0x4000  }
0x33: {  	[sflag:s20] =	ssyncset.done $0x0  }
0x34: {  	[sflag:s20] =	ssyncadd.s32 $0xFFFFC000  }
0x35: {  	[tilespmem:s18], [sflag:$0x4] =	stream.indirect.gather.add.f32 [hbm:s5], $0x80, s17, s15, $0xb8;
	[tilespmem:$0x10200] =	vst v63  }
0x36: {  	_ =	swait.ge [sflag:s21], $0x4000  }
0x37: {  	[sflag:s21] =	ssyncset.done $0x0  }
0x38: {  	s1 =	simm.s32 $0x0;
	[sflag:s21] =	ssyncadd.s32 $0xFFFFC000  }
0x39: {  	v0 =	vld [tilespmem:s1+$0x230]  }
0x3a: {  	v1 =	vld [tilespmem:s1+$0x270]  }
0x3b: {  	v2 =	vld [tilespmem:s1+$0x200]  }
0x3c: {  	v3 =	vld [tilespmem:s1+$0x240]  }
0x3d: {  	v6 =	vld [tilespmem:s1+$0x220];
	_ =	sdelay $0x2  }
0x3e: {  	v4 =	vld [tilespmem:s1+$0x210]  }
0x3f: {  	v5 =	vld [tilespmem:s1+$0x250];
	v7 =	vshrl.u32 v0, $0x10;
	v8 =	vshrl.u32 v1, $0x10  }
0x40: {  	v10 =	vld [tilespmem:s1+$0x260];
	v9 =	vshrl.u32 v2, $0x10;
	v11 =	vshrl.u32 v3, $0x10;
	v12 =	vshrl.u32 v6, $0x10  }
0x41: {  	v7 =	vand.u32 $0x1, v7;
	v8 =	vand.u32 $0x1, v8;
	v9 =	vand.u32 $0x1, v9  }
0x42: {  	v11 =	vand.u32 $0x1, v11;
	v0 =	vadd.s32 v7, v0;
	v1 =	vadd.s32 v8, v1  }
0x43: {  	v12 =	vand.u32 $0x1, v12;
	v0 =	vadd.s32 $0x7FFF, v0;
	v1 =	vadd.s32 $0x7FFF, v1  }
0x44: {  	v7 =	vshrl.u32 v4, $0x10;
	v0 =	vshrl.u32 v0, $0x10;
	v1 =	vand.u32 $0xFFFF0000, v1  }
0x45: {  	v8 =	vshrl.u32 v5, $0x10;
	v0 =	vor.u32 v0, v1;
	v1 =	vshrl.u32 v10, $0x10  }
0x46: {  	v7 =	vand.u32 $0x1, v7;
	v8 =	vand.u32 $0x1, v8;
	v13 =	vand.u32 $0x1, v1  }
0x47: {  	s9 =	simm.s32 $0x80;
	[tilespmem:s1+$0x8230] =	vst v0;
	v1 =	vadd.s32 v9, v2;
	v2 =	vadd.s32 v11, v3;
	v3 =	vadd.s32 v7, v4  }
0x48: {  	s10 =	simm.s32 $0x400;
	v4 =	vadd.s32 v8, v5;
	v5 =	vadd.s32 v12, v6;
	v0 =	vld [tilespmem:s9+$0x230];
	v6 =	vadd.s32 v13, v10  }
.LBB2_3:
0x49: {  	p0 =	sne.s32 s10, $0xFE00;
	v7 =	vld [tilespmem:s9+$0x270];
	v1 =	vadd.s32 $0x7FFF, v1;
	v2 =	vadd.s32 $0x7FFF, v2;
	v3 =	vadd.s32 $0x7FFF, v3  }
0x4a: {  	v4 =	vadd.s32 $0x7FFF, v4;
	v5 =	vadd.s32 $0x7FFF, v5;
	v6 =	vadd.s32 $0x7FFF, v6;
	v8 =	vld [tilespmem:s9+$0x200]  }
0x4b: {  	v1 =	vshrl.u32 v1, $0x10;
	v2 =	vand.u32 $0xFFFF0000, v2;
	v3 =	vshrl.u32 v3, $0x10;
	v9 =	vld [tilespmem:s9+$0x240]  }
0x4c: {  	v4 =	vand.u32 $0xFFFF0000, v4;
	v5 =	vshrl.u32 v5, $0x10;
	v6 =	vand.u32 $0xFFFF0000, v6;
	v10 =	vld [tilespmem:s9+$0x210]  }
0x4d: {  	v1 =	vor.u32 v1, v2;
	v2 =	vor.u32 v3, v4;
	v3 =	vor.u32 v5, v6;
	v11 =	vld [tilespmem:s9+$0x250]  }
0x4e: {  	v4 =	vshrl.u32 v0, $0x10;
	v5 =	vld [tilespmem:s9+$0x220];
	v6 =	vshrl.u32 v7, $0x10;
	[tilespmem:s1+$0x8200] =	vst v1  }
0x4f: {  	v4 =	vand.u32 $0x1, v4;
	v1 =	vshrl.u32 v8, $0x10;
	v12 =	vld [tilespmem:s9+$0x260];
	v6 =	vand.u32 $0x1, v6;
	[tilespmem:s1+$0x8210] =	vst v2  }
0x50: {  	v0 =	vadd.s32 v4, v0;
	v2 =	vshrl.u32 v9, $0x10;
	v4 =	vadd.s32 v6, v7;
	[tilespmem:s1+$0x8220] =	vst v3;
	s1 =	smov.u32 s9  }
0x51: {  	v0 =	vadd.s32 $0x7FFF, v0;
	v3 =	vshrl.u32 v10, $0x10;
	v4 =	vadd.s32 $0x7FFF, v4  }
0x52: {  	v0 =	vshrl.u32 v0, $0x10;
	v6 =	vshrl.u32 v11, $0x10;
	v4 =	vand.u32 $0xFFFF0000, v4  }
.Ltmp0:
0x53: {  	v1 =	vand.u32 $0x1, v1;
	v7 =	vshrl.u32 v5, $0x10;
	v0 =	vor.u32 v0, v4;
	(pc) =	sbr.rel @p0 .LBB2_3-.Ltmp0, $4  }
0x54: {  	v2 =	vand.u32 $0x1, v2;
	v3 =	vand.u32 $0x1, v3;
	v4 =	vshrl.u32 v12, $0x10;
	[tilespmem:s1+$0x8230] =	vst v0  }
0x55: {  	v6 =	vand.u32 $0x1, v6;
	v7 =	vand.u32 $0x1, v7;
	v13 =	vand.u32 $0x1, v4  }
0x56: {  	s9 =	sshra.s32 s10, $0x2;
	v1 =	vadd.s32 v1, v8;
	v2 =	vadd.s32 v2, v9;
	v3 =	vadd.s32 v3, v10  }
0x57: {  	s10 =	sadd.s32 $0x200, s10;
	v4 =	vadd.s32 v6, v11;
	v5 =	vadd.s32 v7, v5;
	v6 =	vadd.s32 v13, v12;
	v0 =	vld [tilespmem:s9+$0x230]  }
0x58: {  	v7 =	vld [tilespmem:s9+$0x270];
	v1 =	vadd.s32 $0x7FFF, v1;
	v2 =	vadd.s32 $0x7FFF, v2  }
0x59: {  	v3 =	vadd.s32 $0x7FFF, v3;
	v8 =	vld [tilespmem:s9+$0x200];
	v4 =	vadd.s32 $0x7FFF, v4;
	v5 =	vadd.s32 $0x7FFF, v5  }
0x5a: {  	v6 =	vadd.s32 $0x7FFF, v6;
	v9 =	vld [tilespmem:s9+$0x240];
	v1 =	vshrl.u32 v1, $0x10;
	v2 =	vand.u32 $0xFFFF0000, v2  }
0x5b: {  	v10 =	vld [tilespmem:s9+$0x210];
	v3 =	vshrl.u32 v3, $0x10;
	v4 =	vand.u32 $0xFFFF0000, v4;
	v5 =	vshrl.u32 v5, $0x10  }
0x5c: {  	v6 =	vand.u32 $0xFFFF0000, v6;
	v1 =	vor.u32 v1, v2;
	v2 =	vor.u32 v3, v4;
	v3 =	vld [tilespmem:s9+$0x220]  }
0x5d: {  	v5 =	vor.u32 v5, v6;
	v4 =	vshrl.u32 v0, $0x10  }
0x5e: {  	v11 =	vld [tilespmem:s9+$0x250];
	[tilespmem:s1+$0x8200] =	vst v1;
	v12 =	vshrl.u32 v7, $0x10;
	v1 =	vand.u32 $0x1, v4;
	v6 =	vshrl.u32 v8, $0x10  }
0x5f: {  	v58 =	vld [tilespmem:s9+$0x260];
	v4 =	vand.u32 $0x1, v12;
	v0 =	vadd.s32 v1, v0;
	v6 =	vand.u32 $0x1, v6  }
0x60: {  	v1 =	vadd.s32 v4, v7;
	v4 =	vshrl.u32 v9, $0x10;
	v0 =	vadd.s32 $0x7FFF, v0  }
0x61: {  	v7 =	vshrl.u32 v10, $0x10;
	v6 =	vadd.s32 v6, v8;
	v8 =	vshrl.u32 v3, $0x10  }
0x62: {  	v1 =	vadd.s32 $0x7FFF, v1;
	v0 =	vshrl.u32 v0, $0x10;
	v4 =	vand.u32 $0x1, v4  }
0x63: {  	v7 =	vand.u32 $0x1, v7;
	v8 =	vand.u32 $0x1, v8;
	v6 =	vadd.s32 $0x7FFF, v6  }
0x64: {  	v1 =	vand.u32 $0xFFFF0000, v1;
	v4 =	vadd.s32 v4, v9;
	v59 =	vshrl.u32 v58, $0x10  }
0x65: {  	v7 =	vadd.s32 v7, v10;
	v3 =	vadd.s32 v8, v3;
	v6 =	vshrl.u32 v6, $0x10  }
0x66: {  	v0 =	vor.u32 v0, v1;
	v1 =	vshrl.u32 v11, $0x10;
	v9 =	vand.u32 $0x1, v59  }
0x67: {  	[tilespmem:s1+$0x8210] =	vst v2;
	v4 =	vadd.s32 $0x7FFF, v4;
	v2 =	vadd.s32 $0x7FFF, v7;
	v1 =	vand.u32 $0x1, v1  }
0x68: {  	[tilespmem:s1+$0x8220] =	vst v5;
	v3 =	vadd.s32 $0x7FFF, v3;
	v8 =	vadd.s32 v9, v58;
	v1 =	vadd.s32 v1, v11  }
0x69: {  	v4 =	vand.u32 $0xFFFF0000, v4;
	[tilespmem:s9+$0x8230] =	vst v0;
	v0 =	vshrl.u32 v2, $0x10;
	v1 =	vadd.s32 $0x7FFF, v1  }
0x6a: {  	v5 =	vadd.s32 $0x7FFF, v8;
	v2 =	vor.u32 v6, v4;
	v1 =	vand.u32 $0xFFFF0000, v1  }
0x6b: {  	v3 =	vshrl.u32 v3, $0x10;
	v4 =	vand.u32 $0xFFFF0000, v5;
	[tilespmem:s9+$0x8200] =	vst v2;
	v0 =	vor.u32 v0, v1  }
0x6c: {  	s0 =	sshll.u32 s0, $0x4;
	v1 =	vor.u32 v3, v4;
	[tilespmem:s9+$0x8210] =	vst v0  }
0x6d: {  	s10 =	simm.s32 $0x0;
	s0 =	sadd.s32 s8, s0;
	[tilespmem:s9+$0x8220] =	vst v1  }
0x6e: {  	[hbm4b:s0+s10] =	stream.linear.scatter [tilespmem:s22], [sflag:$0x5], $0x4000, $0x38;
	[tilespmem:$0x10200] =	vst v63  }
0x6f: {  	_ =	swait.ge [sflag:s23], $0x4000  }
0x70: {  	[sflag:s23] =	ssyncset.done $0x0  }
0x71: {  	s0 =	simm.s32 $0x0;
	[sflag:s23] =	ssyncadd.s32 $0xFFFFC000  }
0x72: {  	v0 =	vld [tilespmem:s0+$0x4230]  }
0x73: {  	v1 =	vld [tilespmem:s0+$0x4270]  }
0x74: {  	v2 =	vld [tilespmem:s0+$0x4200]  }
0x75: {  	v3 =	vld [tilespmem:s0+$0x4240]  }
0x76: {  	v6 =	vld [tilespmem:s0+$0x4220];
	_ =	sdelay $0x2  }
0x77: {  	v4 =	vld [tilespmem:s0+$0x4210]  }
0x78: {  	v5 =	vld [tilespmem:s0+$0x4250];
	v7 =	vshrl.u32 v0, $0x10;
	v8 =	vshrl.u32 v1, $0x10  }
0x79: {  	v61 =	vld [tilespmem:s0+$0x4260];
	v60 =	vshrl.u32 v2, $0x10;
	v62 =	vshrl.u32 v3, $0x10;
	v63 =	vshrl.u32 v6, $0x10  }
0x7a: {  	v7 =	vand.u32 $0x1, v7;
	v8 =	vand.u32 $0x1, v8;
	v9 =	vand.u32 $0x1, v60  }
0x7b: {  	v11 =	vand.u32 $0x1, v62;
	v0 =	vadd.s32 v7, v0;
	v1 =	vadd.s32 v8, v1  }
0x7c: {  	v12 =	vand.u32 $0x1, v63;
	v0 =	vadd.s32 $0x7FFF, v0;
	v1 =	vadd.s32 $0x7FFF, v1  }
0x7d: {  	v7 =	vshrl.u32 v4, $0x10;
	v0 =	vshrl.u32 v0, $0x10;
	v1 =	vand.u32 $0xFFFF0000, v1  }
0x7e: {  	v8 =	vshrl.u32 v5, $0x10;
	v0 =	vor.u32 v0, v1;
	v1 =	vshrl.u32 v61, $0x10  }
0x7f: {  	v7 =	vand.u32 $0x1, v7;
	v8 =	vand.u32 $0x1, v8;
	v13 =	vand.u32 $0x1, v1  }
0x80: {  	s1 =	simm.s32 $0x80;
	[tilespmem:s0+$0xC230] =	vst v0;
	v1 =	vadd.s32 v9, v2;
	v2 =	vadd.s32 v11, v3;
	v3 =	vadd.s32 v7, v4  }
0x81: {  	s9 =	simm.s32 $0x400;
	v4 =	vadd.s32 v8, v5;
	v5 =	vadd.s32 v12, v6;
	v0 =	vld [tilespmem:s1+$0x4230];
	v6 =	vadd.s32 v13, v61  }
.LBB2_5:
0x82: {  	p0 =	sne.s32 s9, $0xFE00;
	v7 =	vld [tilespmem:s1+$0x4270];
	v1 =	vadd.s32 $0x7FFF, v1;
	v2 =	vadd.s32 $0x7FFF, v2;
	v3 =	vadd.s32 $0x7FFF, v3  }
0x83: {  	v4 =	vadd.s32 $0x7FFF, v4;
	v5 =	vadd.s32 $0x7FFF, v5;
	v6 =	vadd.s32 $0x7FFF, v6;
	v8 =	vld [tilespmem:s1+$0x4200]  }
0x84: {  	v1 =	vshrl.u32 v1, $0x10;
	v2 =	vand.u32 $0xFFFF0000, v2;
	v3 =	vshrl.u32 v3, $0x10;
	v9 =	vld [tilespmem:s1+$0x4240]  }
0x85: {  	v4 =	vand.u32 $0xFFFF0000, v4;
	v5 =	vshrl.u32 v5, $0x10;
	v6 =	vand.u32 $0xFFFF0000, v6;
	v10 =	vld [tilespmem:s1+$0x4210]  }
0x86: {  	v1 =	vor.u32 v1, v2;
	v2 =	vor.u32 v3, v4;
	v3 =	vor.u32 v5, v6;
	v11 =	vld [tilespmem:s1+$0x4250]  }
0x87: {  	v4 =	vshrl.u32 v0, $0x10;
	v5 =	vld [tilespmem:s1+$0x4220];
	v6 =	vshrl.u32 v7, $0x10;
	[tilespmem:s0+$0xC200] =	vst v1  }
0x88: {  	v4 =	vand.u32 $0x1, v4;
	v1 =	vshrl.u32 v8, $0x10;
	v12 =	vld [tilespmem:s1+$0x4260];
	v6 =	vand.u32 $0x1, v6;
	[tilespmem:s0+$0xC210] =	vst v2  }
0x89: {  	v0 =	vadd.s32 v4, v0;
	v2 =	vshrl.u32 v9, $0x10;
	v4 =	vadd.s32 v6, v7;
	[tilespmem:s0+$0xC220] =	vst v3;
	s0 =	smov.u32 s1  }
0x8a: {  	v0 =	vadd.s32 $0x7FFF, v0;
	v3 =	vshrl.u32 v10, $0x10;
	v4 =	vadd.s32 $0x7FFF, v4  }
0x8b: {  	v0 =	vshrl.u32 v0, $0x10;
	v6 =	vshrl.u32 v11, $0x10;
	v4 =	vand.u32 $0xFFFF0000, v4  }
.Ltmp1:
0x8c: {  	v1 =	vand.u32 $0x1, v1;
	v7 =	vshrl.u32 v5, $0x10;
	v0 =	vor.u32 v0, v4;
	(pc) =	sbr.rel @p0 .LBB2_5-.Ltmp1, $4  }
0x8d: {  	v2 =	vand.u32 $0x1, v2;
	v3 =	vand.u32 $0x1, v3;
	v4 =	vshrl.u32 v12, $0x10;
	[tilespmem:s0+$0xC230] =	vst v0  }
0x8e: {  	v6 =	vand.u32 $0x1, v6;
	v7 =	vand.u32 $0x1, v7;
	v13 =	vand.u32 $0x1, v4  }
0x8f: {  	s1 =	sshra.s32 s9, $0x2;
	v1 =	vadd.s32 v1, v8;
	v2 =	vadd.s32 v2, v9;
	v3 =	vadd.s32 v3, v10  }
0x90: {  	s9 =	sadd.s32 $0x200, s9;
	v4 =	vadd.s32 v6, v11;
	v5 =	vadd.s32 v7, v5;
	v6 =	vadd.s32 v13, v12;
	v0 =	vld [tilespmem:s1+$0x4230]  }
0x91: {  	v7 =	vld [tilespmem:s1+$0x4270]  }
0x92: {  	v8 =	vld [tilespmem:s1+$0x4200]  }
0x93: {  	v1 =	vadd.s32 $0x7FFF, v1;
	v9 =	vld [tilespmem:s1+$0x4240]  }
0x94: {  	v2 =	vadd.s32 $0x7FFF, v2;
	v3 =	vadd.s32 $0x7FFF, v3;
	v4 =	vadd.s32 $0x7FFF, v4;
	v10 =	vld [tilespmem:s1+$0x4210]  }
0x95: {  	v5 =	vadd.s32 $0x7FFF, v5;
	v6 =	vadd.s32 $0x7FFF, v6;
	v11 =	vld [tilespmem:s1+$0x4250];
	v1 =	vshrl.u32 v1, $0x10  }
0x96: {  	v44 =	vld [tilespmem:s1+$0x4220];
	v2 =	vand.u32 $0xFFFF0000, v2;
	v3 =	vshrl.u32 v3, $0x10;
	v4 =	vand.u32 $0xFFFF0000, v4  }
0x97: {  	v5 =	vshrl.u32 v5, $0x10;
	v6 =	vand.u32 $0xFFFF0000, v6;
	v1 =	vor.u32 v1, v2  }
0x98: {  	v43 =	vor.u32 v3, v4;
	v5 =	vor.u32 v5, v6;
	v45 =	vshrl.u32 v0, $0x10  }
0x99: {  	v12 =	vshrl.u32 v7, $0x10;
	v46 =	vand.u32 $0x1, v45;
	v48 =	vshrl.u32 v8, $0x10  }
0x9a: {  	v52 =	vshrl.u32 v9, $0x10;
	v53 =	vshrl.u32 v10, $0x10;
	v54 =	vshrl.u32 v11, $0x10  }
0x9b: {  	[tilespmem:s0+$0xC200] =	vst v1;
	v55 =	vshrl.u32 v44, $0x10;
	v47 =	vand.u32 $0x1, v12;
	v50 =	vadd.s32 v46, v0  }
0x9c: {  	v49 =	vld [tilespmem:s1+$0x4260];
	v6 =	vand.u32 $0x1, v48;
	v4 =	vand.u32 $0x1, v52;
	v51 =	vadd.s32 v47, v7  }
0x9d: {  	v0 =	vadd.s32 $0x7FFF, v50;
	v6 =	vadd.s32 v6, v8;
	v7 =	vand.u32 $0x1, v53  }
0x9e: {  	v4 =	vadd.s32 v4, v9;
	v8 =	vand.u32 $0x1, v55;
	v1 =	vadd.s32 $0x7FFF, v51  }
0x9f: {  	v0 =	vshrl.u32 v0, $0x10;
	v7 =	vadd.s32 v7, v10;
	v3 =	vadd.s32 v8, v44  }
0xa0: {  	v6 =	vadd.s32 $0x7FFF, v6;
	v4 =	vadd.s32 $0x7FFF, v4;
	v1 =	vand.u32 $0xFFFF0000, v1  }
0xa1: {  	v56 =	vshrl.u32 v49, $0x10;
	v58 =	vadd.s32 $0x7FFF, v7;
	v3 =	vadd.s32 $0x7FFF, v3  }
0xa2: {  	v6 =	vshrl.u32 v6, $0x10;
	v0 =	vor.u32 v0, v1;
	v1 =	vand.u32 $0x1, v54  }
0xa3: {  	s30 =	sadd.s32 $0x1, s30;
	[tilespmem:s0+$0xC210] =	vst v43;
	v4 =	vand.u32 $0xFFFF0000, v4;
	v9 =	vand.u32 $0x1, v56;
	v1 =	vadd.s32 v1, v11  }
0xa4: {  	p0 =	sne.s32 s30, $0x6;
	[tilespmem:s0+$0xC220] =	vst v5;
	v60 =	vshrl.u32 v58, $0x10;
	v57 =	vadd.s32 v9, v49;
	v1 =	vadd.s32 $0x7FFF, v1  }
.Ltmp2:
0xa5: {  	v61 =	vor.u32 v6, v4;
	[tilespmem:s1+$0xC230] =	vst v0;
	v59 =	vadd.s32 $0x7FFF, v57;
	v1 =	vand.u32 $0xFFFF0000, v1;
	(pc) =	sbr.rel @p0 .LBB2_2-.Ltmp2, $4  }
0xa6: {  	v3 =	vshrl.u32 v3, $0x10;
	[tilespmem:s1+$0xC200] =	vst v61;
	v62 =	vand.u32 $0xFFFF0000, v59;
	v0 =	vor.u32 v60, v1  }
0xa7: {  	s31 =	sshll.u32 s31, $0x4;
	v63 =	vor.u32 v3, v62;
	[tilespmem:s1+$0xC210] =	vst v0  }
0xa8: {  	s0 =	sadd.s32 s8, s31;
	[tilespmem:s1+$0xC220] =	vst v63  }
0xa9: {  	[hbm4b:s0+s2] =	stream.linear.scatter [tilespmem:s24], [sflag:$0x6], $0x4000, $0x38;
	[tilespmem:$0x10200] =	vst v63  }
0xaa: {  	_ =	swait.ge [sflag:s25], $0x4000  }
0xab: {  	[sflag:s25] =	ssyncset.done $0x0  }
0xac: {  	[sflag:s25] =	ssyncadd.s32 $0xFFFFC000  }
0xad: {  	_ =	swait.ge [sflag:s26], $0x4000  }
0xae: {  	[sflag:s26] =	ssyncset.done $0x0  }
0xaf: {  	s0 =	simm.s32 $0x0;
	s1 =	rddreg [dreg:$0x2];
	[sflag:s26] =	ssyncadd.s32 $0xFFFFC000  }
0xb0: {  	[tilespmem:s0], [sflag:$0x7] =	stream.linear.gather [hbm4b:s1+s0], $0x40, $0x38;
	[tilespmem:$0x10200] =	vst v63  }
0xb1: {  	_ =	swait.ge [sflag:s13], $0x40  }
0xb2: {  	[sflag:s13] =	ssyncset.done $0x0  }
0xb3: {  	s31 =	rddreg [dreg:$0x3];
	[sflag:s13] =	ssyncadd.s32 $0xFFFFFFC0  }
0xb4: {  	[tilespmem:s14], [sflag:$0x7] =	stream.linear.gather [hbm4b:s31+s0], $0x40, $0x38;
	[tilespmem:$0x10200] =	vst v63  }
0xb5: {  	_ =	swait.ge [sflag:s13], $0x40  }
0xb6: {  	[sflag:s13] =	ssyncset.done $0x0  }
0xb7: {  	[sflag:s13] =	ssyncadd.s32 $0xFFFFFFC0  }
0xb8: {  	[tilespmem:s16], [sflag:$0x1] =	stream.indirect.gather [hbm4b:s3+s28], $0x80, s0, s28, $0xb8;
	[tilespmem:$0x10200] =	vst v63  }
0xb9: {  	_ =	swait.ge [sflag:s19], $0x2000  }
0xba: {  	[sflag:s19] =	ssyncset.done $0x0  }
0xbb: {  	[sflag:s19] =	ssyncadd.s32 $0xFFFFE000  }
0xbc: {  	[tilespmem:s16], [sflag:$0x3] =	stream.indirect.gather.add.f32 [hbm:s5], $0x80, s14, s28, $0xb8;
	[tilespmem:$0x10200] =	vst v63  }
0xbd: {  	_ =	swait.ge [sflag:s21], $0x2000  }
0xbe: {  	[sflag:s21] =	ssyncset.done $0x0  }
0xbf: {  	s0 =	simm.s32 $0x0;
	[sflag:s21] =	ssyncadd.s32 $0xFFFFE000  }
0xc0: {  	v0 =	vld [tilespmem:s0+$0x230]  }
0xc1: {  	v1 =	vld [tilespmem:s0+$0x270]  }
0xc2: {  	v2 =	vld [tilespmem:s0+$0x200]  }
0xc3: {  	v3 =	vld [tilespmem:s0+$0x240]  }
0xc4: {  	v6 =	vld [tilespmem:s0+$0x220];
	_ =	sdelay $0x2  }
0xc5: {  	v4 =	vld [tilespmem:s0+$0x210]  }
0xc6: {  	v5 =	vld [tilespmem:s0+$0x250];
	v7 =	vshrl.u32 v0, $0x10;
	v8 =	vshrl.u32 v1, $0x10  }
0xc7: {  	v10 =	vld [tilespmem:s0+$0x260];
	v9 =	vshrl.u32 v2, $0x10;
	v11 =	vshrl.u32 v3, $0x10;
	v12 =	vshrl.u32 v6, $0x10  }
0xc8: {  	v7 =	vand.u32 $0x1, v7;
	v8 =	vand.u32 $0x1, v8;
	v9 =	vand.u32 $0x1, v9  }
0xc9: {  	v11 =	vand.u32 $0x1, v11;
	v0 =	vadd.s32 v7, v0;
	v1 =	vadd.s32 v8, v1  }
0xca: {  	v12 =	vand.u32 $0x1, v12;
	v0 =	vadd.s32 $0x7FFF, v0;
	v1 =	vadd.s32 $0x7FFF, v1  }
0xcb: {  	v7 =	vshrl.u32 v4, $0x10;
	v0 =	vshrl.u32 v0, $0x10;
	v1 =	vand.u32 $0xFFFF0000, v1  }
0xcc: {  	v8 =	vshrl.u32 v5, $0x10;
	v0 =	vor.u32 v0, v1;
	v1 =	vshrl.u32 v10, $0x10  }
0xcd: {  	v7 =	vand.u32 $0x1, v7;
	v8 =	vand.u32 $0x1, v8;
	v13 =	vand.u32 $0x1, v1  }
0xce: {  	s1 =	simm.s32 $0x80;
	[tilespmem:s0+$0x8230] =	vst v0;
	v1 =	vadd.s32 v9, v2;
	v2 =	vadd.s32 v11, v3;
	v3 =	vadd.s32 v7, v4  }
0xcf: {  	s9 =	simm.s32 $0x400;
	v4 =	vadd.s32 v8, v5;
	v5 =	vadd.s32 v12, v6;
	v0 =	vld [tilespmem:s1+$0x230];
	v6 =	vadd.s32 v13, v10  }
.LBB2_8:
0xd0: {  	p0 =	sne.s32 s9, $0x7E00;
	v7 =	vld [tilespmem:s1+$0x270];
	v1 =	vadd.s32 $0x7FFF, v1;
	v2 =	vadd.s32 $0x7FFF, v2;
	v3 =	vadd.s32 $0x7FFF, v3  }
0xd1: {  	v4 =	vadd.s32 $0x7FFF, v4;
	v5 =	vadd.s32 $0x7FFF, v5;
	v6 =	vadd.s32 $0x7FFF, v6;
	v8 =	vld [tilespmem:s1+$0x200]  }
0xd2: {  	v1 =	vshrl.u32 v1, $0x10;
	v2 =	vand.u32 $0xFFFF0000, v2;
	v3 =	vshrl.u32 v3, $0x10;
	v9 =	vld [tilespmem:s1+$0x240]  }
0xd3: {  	v4 =	vand.u32 $0xFFFF0000, v4;
	v5 =	vshrl.u32 v5, $0x10;
	v6 =	vand.u32 $0xFFFF0000, v6;
	v10 =	vld [tilespmem:s1+$0x210]  }
0xd4: {  	v1 =	vor.u32 v1, v2;
	v2 =	vor.u32 v3, v4;
	v3 =	vor.u32 v5, v6;
	v11 =	vld [tilespmem:s1+$0x250]  }
0xd5: {  	v4 =	vshrl.u32 v0, $0x10;
	v5 =	vld [tilespmem:s1+$0x220];
	v6 =	vshrl.u32 v7, $0x10;
	[tilespmem:s0+$0x8200] =	vst v1  }
0xd6: {  	v4 =	vand.u32 $0x1, v4;
	v1 =	vshrl.u32 v8, $0x10;
	v12 =	vld [tilespmem:s1+$0x260];
	v6 =	vand.u32 $0x1, v6;
	[tilespmem:s0+$0x8210] =	vst v2  }
0xd7: {  	v0 =	vadd.s32 v4, v0;
	v2 =	vshrl.u32 v9, $0x10;
	v4 =	vadd.s32 v6, v7;
	[tilespmem:s0+$0x8220] =	vst v3;
	s0 =	smov.u32 s1  }
0xd8: {  	v0 =	vadd.s32 $0x7FFF, v0;
	v3 =	vshrl.u32 v10, $0x10;
	v4 =	vadd.s32 $0x7FFF, v4  }
0xd9: {  	v0 =	vshrl.u32 v0, $0x10;
	v6 =	vshrl.u32 v11, $0x10;
	v4 =	vand.u32 $0xFFFF0000, v4  }
.Ltmp3:
0xda: {  	v1 =	vand.u32 $0x1, v1;
	v7 =	vshrl.u32 v5, $0x10;
	v0 =	vor.u32 v0, v4;
	(pc) =	sbr.rel @p0 .LBB2_8-.Ltmp3, $4  }
0xdb: {  	v2 =	vand.u32 $0x1, v2;
	v3 =	vand.u32 $0x1, v3;
	v4 =	vshrl.u32 v12, $0x10;
	[tilespmem:s0+$0x8230] =	vst v0  }
0xdc: {  	v6 =	vand.u32 $0x1, v6;
	v7 =	vand.u32 $0x1, v7;
	v13 =	vand.u32 $0x1, v4  }
0xdd: {  	s1 =	sshra.s32 s9, $0x2;
	v1 =	vadd.s32 v1, v8;
	v2 =	vadd.s32 v2, v9;
	v3 =	vadd.s32 v3, v10  }
0xde: {  	s9 =	sadd.s32 $0x200, s9;
	v4 =	vadd.s32 v6, v11;
	v5 =	vadd.s32 v7, v5;
	v6 =	vadd.s32 v13, v12;
	v0 =	vld [tilespmem:s1+$0x230]  }
0xdf: {  	v7 =	vld [tilespmem:s1+$0x270]  }
0xe0: {  	v8 =	vld [tilespmem:s1+$0x200]  }
0xe1: {  	v1 =	vadd.s32 $0x7FFF, v1;
	v9 =	vld [tilespmem:s1+$0x240]  }
0xe2: {  	v2 =	vadd.s32 $0x7FFF, v2;
	v3 =	vadd.s32 $0x7FFF, v3;
	v4 =	vadd.s32 $0x7FFF, v4;
	v10 =	vld [tilespmem:s1+$0x210]  }
0xe3: {  	v5 =	vadd.s32 $0x7FFF, v5;
	v6 =	vadd.s32 $0x7FFF, v6;
	v11 =	vld [tilespmem:s1+$0x250];
	v1 =	vshrl.u32 v1, $0x10  }
0xe4: {  	v44 =	vld [tilespmem:s1+$0x220];
	v2 =	vand.u32 $0xFFFF0000, v2;
	v3 =	vshrl.u32 v3, $0x10;
	v4 =	vand.u32 $0xFFFF0000, v4  }
0xe5: {  	v5 =	vshrl.u32 v5, $0x10;
	v6 =	vand.u32 $0xFFFF0000, v6;
	v1 =	vor.u32 v1, v2  }
0xe6: {  	v43 =	vor.u32 v3, v4;
	v5 =	vor.u32 v5, v6;
	v45 =	vshrl.u32 v0, $0x10  }
0xe7: {  	v12 =	vshrl.u32 v7, $0x10;
	v46 =	vand.u32 $0x1, v45;
	v48 =	vshrl.u32 v8, $0x10  }
0xe8: {  	v52 =	vshrl.u32 v9, $0x10;
	v53 =	vshrl.u32 v10, $0x10;
	v54 =	vshrl.u32 v11, $0x10  }
0xe9: {  	[tilespmem:s0+$0x8200] =	vst v1;
	v55 =	vshrl.u32 v44, $0x10;
	v47 =	vand.u32 $0x1, v12;
	v50 =	vadd.s32 v46, v0  }
0xea: {  	v49 =	vld [tilespmem:s1+$0x260];
	v6 =	vand.u32 $0x1, v48;
	v4 =	vand.u32 $0x1, v52;
	v51 =	vadd.s32 v47, v7  }
0xeb: {  	v0 =	vadd.s32 $0x7FFF, v50;
	v6 =	vadd.s32 v6, v8;
	v7 =	vand.u32 $0x1, v53  }
0xec: {  	v4 =	vadd.s32 v4, v9;
	v8 =	vand.u32 $0x1, v55;
	v1 =	vadd.s32 $0x7FFF, v51  }
0xed: {  	v0 =	vshrl.u32 v0, $0x10;
	v7 =	vadd.s32 v7, v10;
	v3 =	vadd.s32 v8, v44  }
0xee: {  	v6 =	vadd.s32 $0x7FFF, v6;
	v4 =	vadd.s32 $0x7FFF, v4;
	v1 =	vand.u32 $0xFFFF0000, v1  }
0xef: {  	v56 =	vshrl.u32 v49, $0x10;
	v58 =	vadd.s32 $0x7FFF, v7;
	v3 =	vadd.s32 $0x7FFF, v3  }
0xf0: {  	v6 =	vshrl.u32 v6, $0x10;
	v0 =	vor.u32 v0, v1;
	v1 =	vand.u32 $0x1, v54  }
0xf1: {  	[tilespmem:s0+$0x8210] =	vst v43;
	v4 =	vand.u32 $0xFFFF0000, v4;
	v9 =	vand.u32 $0x1, v56;
	v1 =	vadd.s32 v1, v11  }
0xf2: {  	[tilespmem:s0+$0x8220] =	vst v5;
	v60 =	vshrl.u32 v58, $0x10;
	v57 =	vadd.s32 v9, v49;
	v1 =	vadd.s32 $0x7FFF, v1  }
0xf3: {  	v61 =	vor.u32 v6, v4;
	[tilespmem:s1+$0x8230] =	vst v0;
	v59 =	vadd.s32 $0x7FFF, v57;
	v1 =	vand.u32 $0xFFFF0000, v1  }
0xf4: {  	s29 =	sadd.s32 $0x1, s29;
	v3 =	vshrl.u32 v3, $0x10;
	[tilespmem:s1+$0x8200] =	vst v61;
	v62 =	vand.u32 $0xFFFF0000, v59;
	v0 =	vor.u32 v60, v1  }
0xf5: {  	p0 =	sne.s32 s29, s12;
	v63 =	vor.u32 v3, v62;
	[tilespmem:s1+$0x8210] =	vst v0  }
.Ltmp4:
0xf6: {  	[tilespmem:s1+$0x8220] =	vst v63;
	(pc) =	sbr.rel @p0 .LBB2_1-.Ltmp4, $4  }
0xf7: {  	[hbm4b:s11+s2] =	stream.linear.scatter [tilespmem:s22], [sflag:$0x7], $0x2000, $0x38;
	[tilespmem:$0x10200] =	vst v63  }
0xf8: {  	_ =	swait.ge [sflag:s13], $0x2000  }
0xf9: {  	[sflag:s13] =	ssyncset.done $0x0  }
0xfa: {  	[sflag:s13] =	ssyncadd.s32 $0xFFFFE000  }
0xfb: {  	_ =	sfence.sel $0x180000  }
0xfc: {  	[bflag:$0x0] =	sbarrier.arrive $0xFFFF  }
0xfd: {  	_ =	strace $0x90000047  }
0xfe: {  	s0 =	stileid.u32;
	[bflag:$0x2] =	sbarrier.arrive $0xFFFF  }
0xff: {  	p0 =	sne.s32 s0, $0x0;
	s0 =	rddreg [dreg:$0x1]  }
0x100: {  	s0 =	sadd.s32 @!p0 $0x100000, s0  }
0x101: {  	[sflag:s0] =	ssyncadd.tile.s32 @!p0 $0x1;
	_ =	shalt  }
.Lfunc_end2:
_tile_overlayer_lowered:
.L_overlay_start_2:
0x102: {  	(tag) =	ssettag $0x2  }
0x103: {  	s0 =	rddreg [dreg:$0x0];
	s2 =	stileid.u32  }
0x104: {  	s1 =	rddreg [dreg:$0x1];
	p0 =	sne.s32 s2, $0x0  }
0x105: {  	s3 =	rddreg [dreg:$0x2];
	[bflag:$0x3] =	sbarrier.arrive $0xFFFF;
	s2 =	simm.s32 @!p0 $0x1C07  }
0x106: {  	[timem:s3], [sflag:s2] =	dma.local @!p0 [hbm:s0], s1  }
0x107: {  	s0 =	simm.s32 @!p0 $0x7  }
0x108: {  	_ =	swait.ge @!p0 [sflag:s0], s1  }
0x109: {  	s1 =	ssub.s32 @!p0 $0x0, s1;
	[sflag:s0] =	ssyncset.done @!p0 $0x0  }
0x10a: {  	[sflag:s0] =	ssyncadd.s32 @!p0 s1  }
0x10b: {  	[bflag:$0x3] =	sbarrier.arrive $0xFFFF  }
0x10c: {  	_ =	shalt  }

// kernel: kernel.15.cloned.1.call-start
scs
__scs_entry_jumppad:
0x0: {  	(pc) =	sbr.rel $0x88, $3  }
0x1: {  	(tag) =	ssettag $0x0;
	lr =	simm.s32 $0x1  }
0x2: {  	[smem:$0x3F93] =	sst lr;
	_ =	strace $0xD0000000  }
0x3: {  	_ = 	snop  }
0x4: {  	_ = 	snop  }
0x5: {  	_ = 	snop  }
0x6: {  	_ = 	snop  }
0x7: {  	_ = 	snop  }
__scs_overlays_trampoline_lowered:
0x8: {  	[smem:$0x3FA2] =	sst s0  }
0x9: {  	[smem:$0x3FA3] =	sst s1  }
0xa: {  	[smem:$0x3FA4] =	sst s2  }
0xb: {  	[smem:$0x3FA5] =	sst s3  }
0xc: {  	[smem:$0x3FA6] =	sst s4  }
0xd: {  	[smem:$0x3FA7] =	sst s5  }
0xe: {  	[smem:$0x3FA8] =	sst s6  }
0xf: {  	[smem:$0x3FA9] =	sst s7  }
0x10: {  	[smem:$0x3FAA] =	sst s8  }
0x11: {  	[smem:$0x3FAB] =	sst s9;
	s0 =	simm.s32 @!p0 $0x0  }
0x12: {  	s1 =	sld [smem:$0x3F91];
	s0 =	simm.s32 @p0 $0x1  }
0x13: {  	[smem:$0x3FAC] =	sst s0;
	s0 =	simm.s32 @!p1 $0x0  }
0x14: {  	s2 =	sld [smem:$0x3F90];
	s0 =	simm.s32 @p1 $0x1  }
0x15: {  	[smem:$0x3FAD] =	sst s0;
	s0 =	simm.s32 @!p2 $0x0  }
0x16: {  	s3 =	sld [smem:$0x3FDB];
	s0 =	simm.s32 @p2 $0x1  }
0x17: {  	s4 =	simm.s32 $0x1BF5;
	[smem:$0x3FAF] =	sst s0  }
0x18: {  	s0 =	sld [smem:$0x3F92];
	_ =	swait.ge [sflag:s4], $0x0  }
0x19: {  	s7 =	sld [smem:$0x3F93]  }
0x1a: {  	s8 =	sadd.s32 $0xFFFFE003, lr  }
0x1b: {  	s9 =	sadd.s32 $0xFFFFFEF7, lr;
	s5 =	simm.s32 $0xFFFFFFFF;
	p2 =	slt.u32 s8, $0xFFFFF086  }
0x1c: {  	p1 =	slt.u32 s9, $0xF7A;
	s5 =	simm.s32 @!p2 $0x0  }
0x1d: {  	s5 =	simm.s32 @p1 $0x1;
	p0 =	seq.s32 s7, s2  }
0x1e: {  	s7 =	smul.u32 @!p0 $0xF7A, s2;
	p2 =	seq.s32 @!p0 s5, $0x0  }
0x1f: {  	s9 =	smul.u32 $0xF7A, s1;
	s8 =	simm.s32 @!p0 $0x1BF5;
	p2 =	por !p2, p0  }
0x20: {  	[sflag:s8] =	ssyncset.s32 @!p0 $0xFFFFF086;
	s6 =	sadd.s32 @!p0 s3, s7;
	s7 =	simm.s32 @!p0 $0x108  }
0x21: {  	s3 =	sadd.s32 s3, s9;
	s6 =	sadd.s32 @!p0 $0x88, s6;
	s7 =	simm.s32 @p2 $0x1082  }
0x22: {  	[simem:s7], [sflag:s8] =	dma.local @!p0 [hbm:s6], $0xF7A  }
0x23: {  	s9 =	sor.u32 $0xD0000000, s2;
	s6 =	simm.s32 $0x108;
	_ =	swait.ge @!p0 [sflag:s8], $0x0  }
0x24: {  	s3 =	sadd.s32 $0x88, s3;
	s6 =	simm.s32 @!p1 $0x1082;
	[sflag:s4] =	ssyncset.s32 $0xFFFFF086  }
0x25: {  	[simem:s6], [sflag:s4] =	dma.local [hbm:s3], $0xF7A  }
0x26: {  	[smem:$0x3F93] =	sst s1;
	(tag) =	ssettag s2;
	_ =	strace s9  }
0x27: {  	s1 =	sld [smem:$0x3FA3]  }
0x28: {  	s2 =	sld [smem:$0x3FA4]  }
0x29: {  	s4 =	sld [smem:$0x3FA6]  }
0x2a: {  	p0 =	seq.s32 s5, $0x0;
	s5 =	sld [smem:$0x3FA7]  }
0x2b: {  	s6 =	sld [smem:$0x3FA8]  }
0x2c: {  	s7 =	sld [smem:$0x3FA9]  }
0x2d: {  	s3 =	simm.s32 $0x108;
	s8 =	sld [smem:$0x3FAA]  }
0x2e: {  	s3 =	simm.s32 @!p0 $0x1082;
	s9 =	sld [smem:$0x3FAB]  }
0x2f: {  	lr =	sadd.s32 s0, s3;
	s0 =	sld [smem:$0x3FA2]  }
0x30: {  	s3 =	sld [smem:$0x3FA5]  }
0x31: {  	[smem:$0x3FAE] =	sst s10  }
0x32: {  	s10 =	sld [smem:$0x3FAC];
	_ =	sdelay $0x3  }
0x33: {  	p0 =	seq.s32 s10, $0x1;
	s10 =	sld [smem:$0x3FAE];
	_ =	sdelay $0x3  }
0x34: {  	[smem:$0x3FAE] =	sst s10  }
0x35: {  	s10 =	sld [smem:$0x3FAD];
	_ =	sdelay $0x3  }
0x36: {  	p1 =	seq.s32 s10, $0x1;
	s10 =	sld [smem:$0x3FAE];
	_ =	sdelay $0x3  }
0x37: {  	[smem:$0x3FAE] =	sst s10  }
0x38: {  	s10 =	sld [smem:$0x3FAF]  }
0x39: {  	_ = 	snop;
	(pc) =	sbr.ind lr, $3  }
0x3a: {  	_ = 	snop  }
0x3b: {  	_ = 	snop  }
0x3c: {  	p2 =	seq.s32 s10, $0x1;
	s10 =	sld [smem:$0x3FAE]  }
0x3d: {  	_ =	shalt  }
0x3e: {  	_ =	shalt  }
0x3f: {  	_ =	shalt  }
0x40: {  	_ =	shalt  }
0x41: {  	_ =	shalt  }
0x42: {  	_ =	shalt  }
0x43: {  	_ =	shalt  }
0x44: {  	_ =	shalt  }
0x45: {  	_ =	shalt  }
0x46: {  	_ =	shalt  }
0x47: {  	_ =	shalt  }
0x48: {  	_ =	shalt  }
0x49: {  	_ =	shalt  }
0x4a: {  	_ =	shalt  }
0x4b: {  	_ =	shalt  }
0x4c: {  	_ =	shalt  }
0x4d: {  	_ =	shalt  }
0x4e: {  	_ =	shalt  }
0x4f: {  	_ =	shalt  }
0x50: {  	_ =	shalt  }
0x51: {  	_ =	shalt  }
0x52: {  	_ =	shalt  }
0x53: {  	_ =	shalt  }
0x54: {  	_ =	shalt  }
0x55: {  	_ =	shalt  }
0x56: {  	_ =	shalt  }
0x57: {  	_ =	shalt  }
0x58: {  	_ =	shalt  }
0x59: {  	_ =	shalt  }
0x5a: {  	_ =	shalt  }
0x5b: {  	_ =	shalt  }
0x5c: {  	_ =	shalt  }
0x5d: {  	_ =	shalt  }
0x5e: {  	_ =	shalt  }
0x5f: {  	_ =	shalt  }
0x60: {  	_ =	shalt  }
0x61: {  	_ =	shalt  }
0x62: {  	_ =	shalt  }
0x63: {  	_ =	shalt  }
0x64: {  	_ =	shalt  }
0x65: {  	_ =	shalt  }
0x66: {  	_ =	shalt  }
0x67: {  	_ =	shalt  }
0x68: {  	_ =	shalt  }
0x69: {  	_ =	shalt  }
0x6a: {  	_ =	shalt  }
0x6b: {  	_ =	shalt  }
0x6c: {  	_ =	shalt  }
0x6d: {  	_ =	shalt  }
0x6e: {  	_ =	shalt  }
0x6f: {  	_ =	shalt  }
0x70: {  	_ =	shalt  }
0x71: {  	_ =	shalt  }
0x72: {  	_ =	shalt  }
0x73: {  	_ =	shalt  }
0x74: {  	_ =	shalt  }
0x75: {  	_ =	shalt  }
0x76: {  	_ =	shalt  }
0x77: {  	_ =	shalt  }
0x78: {  	_ =	shalt  }
0x79: {  	_ =	shalt  }
0x7a: {  	_ =	shalt  }
0x7b: {  	_ =	shalt  }
0x7c: {  	_ =	shalt  }
0x7d: {  	_ =	shalt  }
0x7e: {  	_ =	shalt  }
0x7f: {  	_ =	shalt  }
0x80: {  	_ =	shalt  }
0x81: {  	_ =	shalt  }
0x82: {  	_ =	shalt  }
0x83: {  	_ =	shalt  }
0x84: {  	_ =	shalt  }
0x85: {  	_ =	shalt  }
0x86: {  	_ =	shalt  }
0x87: {  	_ =	shalt  }
.Lfunc_end0:
.L_simem_size_0:
called_computation.1_lowered:
.L_overlay_start_0:
0x88: {  	s2 =	sld [smem:$0x3FD9]  }
0x89: {  	s3 =	sld [smem:$0x3FFE];
	_ =	sdelay $0x1  }
0x8a: {  	s1 =	srdreg.scid  }
0x8b: {  	s0 =	sand.u32 $0x1, s1  }
0x8c: {  	s17 =	sshll.u32 s0, $0xA;
	s2 =	sadd.s32 s3, s2  }
0x8d: {  	s2 =	sadd.s32 s2, s17  }
0x8e: {  	[smem:$0x3FBA] =	sst s2  }
0x8f: {  	_ = 	snop  }
0x90: {  	(tm) =	ssettm $0x1  }
0x91: {  	s18 =	sld [smem:$0x3FFB];
	_ =	sdelay $0x3  }
0x92: {  	_ =	strace s18  }
0x93: {  	s2 =	sld [smem:$0x3FFC];
	_ =	sdelay $0x3  }
0x94: {  	_ =	strace s2  }
0x95: {  	s2 =	sld [smem:$0x3FFD];
	_ =	sdelay $0x3  }
0x96: {  	_ =	strace s2  }
0x97: {  	_ =	strace $0x8FFFFFFF  }
0x98: {  	s19 =	sld [smem:$0x3FDB];
	_ =	sdelay $0x1  }
0x99: {  	s20 =	simm.s32 $_scs_section_size  }
0x9a: {  	s4 =	simm.s32 $_size__tile_overlayer_lowered;
	s5 =	simm.s32 $_tile_overlayer_lowered  }
0x9b: {  	s6 =	simm.s32 $0x1BFF;
	s21 =	sshll.u32 s5, $0x1;
	s3 =	sadd.s32 s20, s19  }
0x9c: {  	s22 =	simm.s32 $0x0;
	s4 =	sshll.u32 s4, $0x1;
	s5 =	sadd.s32 s21, s3  }
0x9d: {  	[timem:s22], [sflag:s6] =	dma.local [hbm:s5], s4  }
0x9e: {  	_ =	swait.ge [sflag:s6], s4  }
0x9f: {  	s4 =	ssub.s32 $0x0, s4;
	[sflag:s6] =	ssyncset.done $0x0  }
0xa0: {  	[sflag:s6] =	ssyncadd.s32 s4;
	_ =	sdelay $0x1  }
0xa1: {  	s23 =	simm.s32 $0x1B8B  }
0xa2: {  	_ =	swait.ge [sflag:s23], $0x1  }
0xa3: {  	[sflag:s23] =	ssyncset.done $0x0  }
0xa4: {  	[sflag:s23] =	ssyncadd.s32 $0xFFFFFFFF  }
0xa5: {  	s4 =	sld [smem:$0x0]  }
0xa6: {  	s5 =	sand.u32 $0xFFFFFFFE, s1  }
0xa7: {  	p0 =	sne.s32 s1, s5  }
0xa8: {  	s5 =	sshll.u32 @p0 s5, $0xE  }
0xa9: {  	s5 =	sadd.s32 @p0 $0x11B8D, s5;
	s6 =	sshll.u32 @p0 s4, $0x11  }
0xaa: {  	s5 =	sor.u32 @p0 s6, s5  }
0xab: {  	[sflag:s5] =	ssyncadd.remote.s32 @p0 $0x1;
	_ =	sdelay $0x1  }
0xac: {  	s5 =	simm.s32 @p0 $0x1B8D  }
0xad: {  	_ =	swait.eq @p0 [sflag:s5], $0x1  }
0xae: {  	[sflag:s5] =	ssyncadd.s32 @p0 $0xFFFFFFFF  }
0xaf: {  	s6 =	sshll.u32 @!p0 s1, $0xE  }
0xb0: {  	s6 =	sor.u32 @!p0 $0x4000, s6;
	s5 =	simm.s32 @!p0 $0x1B8D  }
0xb1: {  	s4 =	sshll.u32 @!p0 s4, $0x11;
	s6 =	sadd.s32 @!p0 $0x11B8D, s6;
	_ =	swait.eq @!p0 [sflag:s5], $0x1  }
0xb2: {  	s4 =	sor.u32 @!p0 s4, s6;
	[sflag:s5] =	ssyncadd.s32 @!p0 $0xFFFFFFFF  }
0xb3: {  	s25 =	simm.s32 $0x1B8E;
	s24 =	sld [smem:$0x3FFE];
	[sflag:s4] =	ssyncadd.remote.s32 @!p0 $0x1  }
0xb4: {  	s26 =	simm.s32 $execute0_lowered;
	[smem:$0x3FD2] =	sst s25  }
0xb5: {  	s5 =	sshll.u32 s26, $0x1;
	_ =	strace $0x80000049;
	[dreg:$0x1] =	wrdreg $0xFFFFFFFF  }
0xb6: {  	s28 =	simm.s32 $_size_execute0_lowered;
	s3 =	sadd.s32 s3, s5;
	[dreg:$0x0] =	wrdreg $0x0  }
0xb7: {  	s5 =	sshll.u32 s28, $0x1;
	[dreg:$0x2] =	wrdreg s3  }
0xb8: {  	[dreg:$0x3] =	wrdreg s5  }
0xb9: {  	[dreg:$0x4] =	wrdreg $0xC0  }
0xba: {  	_ =	task [dreg:s22], $0x5FFFF  }
0xbb: {  	[dreg:$0x1] =	wrdreg $0xFFFFFFFF  }
0xbc: {  	[dreg:$0x0] =	wrdreg $0x60  }
0xbd: {  	[dreg:$0x2] =	wrdreg s24  }
0xbe: {  	[dreg:$0x3] =	wrdreg $0xA  }
0xbf: {  	_ =	task.clear_ibuf [dreg:s22], $0x4FFFF;
	_ =	strace $0x90000049  }
0xc0: {  	s29 =	simm.s32 $0xA;
	_ =	strace $0x8000004B  }
0xc1: {  	_ =	swait.ge [sflag:s29], $0x1  }
0xc2: {  	[sflag:s29] =	ssyncadd.s32 $0xFFFFFFFF  }
0xc3: {  	_ =	strace $0x9000004B  }
0xc4: {  	_ =	sfence  }
0xc5: {  	s30 =	sld [smem:$0x0];
	_ =	sdelay $0x2  }
0xc6: {  	s31 =	sshll.u32 s1, $0xD;
	s1 =	sshrl.u32 s1, $0x2  }
0xc7: {  	s4 =	sand.u32 $0x4000, s31;
	s1 =	sadd.s32 s1, s30  }
0xc8: {  	s0 =	sor.u32 s4, s0;
	s1 =	sshll.u32 s1, $0x11  }
0xc9: {  	s0 =	sor.u32 s1, s0  }
0xca: {  	s0 =	sadd.s32 $0x8F2B, s0  }
0xcb: {  	[sflag:s0] =	ssyncadd.remote.s32 $0x1  }
0xcc: {  	_ =	sfence.sel $0xFFFF  }
0xcd: {  	[dreg:$0x0] =	wrdreg $0xFFFFFFFF;
	(pc) =	sbr.abs _section_cstart, $3  }
0xce: {  	[dreg:$0x1] =	wrdreg $0xFFFFFFFF  }
0xcf: {  	_ =	task.clear_ibuf [dreg:s22], $0x2FFFF;
	_ =	strace $0x9FFFFFFF  }
0xd0: {  	(tm) =	ssettm $0x7FFFFFFF  }
0xd1: {  	_ =	shalt  }
tec
execute0_lowered:
.L_overlay_start_1:
0x0: {  	(tag) =	ssettag $0x1  }
0x1: {  	s0 =	rddreg [dreg:$0x0];
	s2 =	simm.s32 $0x0;
	s1 =	srdreg.scid  }
0x2: {  	s3 =	stileid.u32;
	s13 =	simm.s32 $0x7;
	s14 =	simm.s32 $0x100  }
0x3: {  	s15 =	simm.s32 $0x80;
	s16 =	simm.s32 $0x200;
	s17 =	simm.s32 $0x180  }
0x4: {  	s18 =	simm.s32 $0x4200;
	s19 =	simm.s32 $0x1;
	s20 =	simm.s32 $0x2  }
0x5: {  	s21 =	simm.s32 $0x3;
	s22 =	simm.s32 $0x8200;
	s23 =	simm.s32 $0x4  }
0x6: {  	s24 =	simm.s32 $0xC200;
	s25 =	simm.s32 $0x5;
	s28 =	simm.s32 $0x40  }
0x7: {  	s29 =	simm.s32 $0x0;
	s1 =	sand.u32 $0x1, s1;
	s4 =	sshll.u32 s3, $0x1  }
0x8: {  	[smem:$0x7FF] =	sst s2;
	s3 =	sadd.s32 $0x10000, s0;
	s8 =	sor.u32 s1, s4  }
0x9: {  	s5 =	sadd.s32 $0x3800, s0;
	s7 =	sadd.s32 $0x9C00, s0;
	s6 =	smul.u32 $0x640, s8  }
0xa: {  	_ =	strace $0x8000004A;
	s4 =	sadd.s32 $0x196A00, s0;
	s1 =	ssub.s32 $0x2, s1  }
0xb: {  	s9 =	smul.u32 $0x32000, s8;
	s26 =	sshrl.u32 s1, $0x1;
	s10 =	sshrl.u32 s6, $0x3  }
0xc: {  	s8 =	sadd.s32 $0x27DE00, s0;
	s0 =	ssub.s32 s1, s26;
	s30 =	sadd.s32 $0x19C0, s10  }
0xd: {  	s26 =	simm.s32 $0x6;
	s9 =	sshrl.u32 s9, $0x3;
	s10 =	sadd.s32 s5, s30  }
0xe: {  	s31 =	sadd.s32 s8, s9;
	s1 =	sadd.s32 s7, s30;
	[dreg:$0x2] =	wrdreg s10  }
0xf: {  	s12 =	smax.u32 s0, $0x1;
	s11 =	sadd.s32 $0x6000, s31;
	[dreg:$0x3] =	wrdreg s1  }
.LBB2_1:
0x10: {  	s30 =	simm.s32 $0x0  }
.LBB2_2:
0x11: {  	s1 =	sshll.u32 s30, $0x8  }
0x12: {  	s0 =	sadd.s32 s6, s1  }
0x13: {  	s9 =	sshrl.u32 s0, $0x3  }
0x14: {  	s9 =	sadd.s32 $0x1900, s9  }
0x15: {  	s10 =	sadd.s32 s5, s9  }
0x16: {  	[tilespmem:s2], [sflag:$0x7] =	stream.linear.gather [hbm4b:s10+s2], $0x80, $0x38;
	[tilespmem:$0x10200] =	vst v63  }
0x17: {  	_ =	swait.ge [sflag:s13], $0x80  }
0x18: {  	[sflag:s13] =	ssyncset.done $0x0  }
0x19: {  	s9 =	sadd.s32 s7, s9;
	[sflag:s13] =	ssyncadd.s32 $0xFFFFFF80  }
0x1a: {  	[tilespmem:s14], [sflag:$0x7] =	stream.linear.gather [hbm4b:s9+s2], $0x80, $0x38;
	[tilespmem:$0x10200] =	vst v63  }
0x1b: {  	_ =	swait.ge [sflag:s13], $0x80  }
0x1c: {  	p0 =	seq.s32 s30, $0x0;
	[sflag:s13] =	ssyncset.done $0x0  }
0x1d: {  	s1 =	sadd.s32 s1, s6;
	s9 =	simm.s32 @!p0 $0x5;
	[sflag:s13] =	ssyncadd.s32 $0xFFFFFF80  }
0x1e: {  	s31 =	sadd.s32 $0x80, s1;
	_ =	swait.ge @!p0 [sflag:s9], $0x4000  }
0x1f: {  	s1 =	sshrl.u32 s31, $0x3;
	[sflag:s9] =	ssyncset.done @!p0 $0x0  }
0x20: {  	s1 =	sadd.s32 $0x1900, s1;
	[sflag:s9] =	ssyncadd.s32 @!p0 $0xFFFFC000  }
0x21: {  	[tilespmem:s16], [sflag:$0x1] =	stream.indirect.gather [hbm4b:s3+s15], $0x80, s2, s15, $0xb8;
	[tilespmem:$0x10200] =	vst v63  }
0x22: {  	s10 =	sadd.s32 s5, s1  }
0x23: {  	[tilespmem:s15], [sflag:$0x7] =	stream.linear.gather [hbm4b:s10+s2], $0x80, $0x38;
	[tilespmem:$0x10200] =	vst v63  }
0x24: {  	_ =	swait.ge [sflag:s13], $0x80  }
0x25: {  	[sflag:s13] =	ssyncset.done $0x0  }
0x26: {  	s1 =	sadd.s32 s7, s1;
	[sflag:s13] =	ssyncadd.s32 $0xFFFFFF80  }
0x27: {  	[tilespmem:s17], [sflag:$0x7] =	stream.linear.gather [hbm4b:s1+s2], $0x80, $0x38;
	[tilespmem:$0x10200] =	vst v63  }
0x28: {  	_ =	swait.ge [sflag:s13], $0x80  }
0x29: {  	[sflag:s13] =	ssyncset.done $0x0  }
0x2a: {  	s1 =	simm.s32 @!p0 $0x6;
	[sflag:s13] =	ssyncadd.s32 $0xFFFFFF80  }
0x2b: {  	_ =	swait.ge @!p0 [sflag:s1], $0x4000  }
0x2c: {  	[sflag:s1] =	ssyncset.done @!p0 $0x0  }
0x2d: {  	[sflag:s1] =	ssyncadd.s32 @!p0 $0xFFFFC000  }
0x2e: {  	[tilespmem:s18], [sflag:$0x2] =	stream.indirect.gather [hbm4b:s3+s15], $0x80, s15, s15, $0xb8;
	[tilespmem:$0x10200] =	vst v63  }
0x2f: {  	_ =	swait.ge [sflag:s19], $0x4000  }
0x30: {  	[sflag:s19] =	ssyncset.done $0x0  }
0x31: {  	[sflag:s19] =	ssyncadd.s32 $0xFFFFC000  }
0x32: {  	[tilespmem:s16], [sflag:$0x3] =	stream.indirect.gather.add.f32 [hbm:s4], $0x80, s14, s15, $0xb8;
	[tilespmem:$0x10200] =	vst v63  }
0x33: {  	_ =	swait.ge [sflag:s20], $0x4000  }
0x34: {  	[sflag:s20] =	ssyncset.done $0x0  }
0x35: {  	[sflag:s20] =	ssyncadd.s32 $0xFFFFC000  }
0x36: {  	[tilespmem:s18], [sflag:$0x4] =	stream.indirect.gather.add.f32 [hbm:s4], $0x80, s17, s15, $0xb8;
	[tilespmem:$0x10200] =	vst v63  }
0x37: {  	_ =	swait.ge [sflag:s21], $0x4000  }
0x38: {  	[sflag:s21] =	ssyncset.done $0x0  }
0x39: {  	s1 =	simm.s32 $0x0;
	[sflag:s21] =	ssyncadd.s32 $0xFFFFC000  }
0x3a: {  	v0 =	vld [tilespmem:s1+$0x230]  }
0x3b: {  	v1 =	vld [tilespmem:s1+$0x270]  }
0x3c: {  	v2 =	vld [tilespmem:s1+$0x200]  }
0x3d: {  	v3 =	vld [tilespmem:s1+$0x240]  }
0x3e: {  	v6 =	vld [tilespmem:s1+$0x220];
	_ =	sdelay $0x2  }
0x3f: {  	v4 =	vld [tilespmem:s1+$0x210]  }
0x40: {  	v5 =	vld [tilespmem:s1+$0x250];
	v7 =	vshrl.u32 v0, $0x10;
	v8 =	vshrl.u32 v1, $0x10  }
0x41: {  	v10 =	vld [tilespmem:s1+$0x260];
	v9 =	vshrl.u32 v2, $0x10;
	v11 =	vshrl.u32 v3, $0x10;
	v12 =	vshrl.u32 v6, $0x10  }
0x42: {  	v7 =	vand.u32 $0x1, v7;
	v8 =	vand.u32 $0x1, v8;
	v9 =	vand.u32 $0x1, v9  }
0x43: {  	v11 =	vand.u32 $0x1, v11;
	v0 =	vadd.s32 v7, v0;
	v1 =	vadd.s32 v8, v1  }
0x44: {  	v12 =	vand.u32 $0x1, v12;
	v0 =	vadd.s32 $0x7FFF, v0;
	v1 =	vadd.s32 $0x7FFF, v1  }
0x45: {  	v7 =	vshrl.u32 v4, $0x10;
	v0 =	vshrl.u32 v0, $0x10;
	v1 =	vand.u32 $0xFFFF0000, v1  }
0x46: {  	v8 =	vshrl.u32 v5, $0x10;
	v0 =	vor.u32 v0, v1;
	v1 =	vshrl.u32 v10, $0x10  }
0x47: {  	v7 =	vand.u32 $0x1, v7;
	v8 =	vand.u32 $0x1, v8;
	v13 =	vand.u32 $0x1, v1  }
0x48: {  	s9 =	simm.s32 $0x80;
	[tilespmem:s1+$0x8230] =	vst v0;
	v1 =	vadd.s32 v9, v2;
	v2 =	vadd.s32 v11, v3;
	v3 =	vadd.s32 v7, v4  }
0x49: {  	s10 =	simm.s32 $0x400;
	v4 =	vadd.s32 v8, v5;
	v5 =	vadd.s32 v12, v6;
	v0 =	vld [tilespmem:s9+$0x230];
	v6 =	vadd.s32 v13, v10  }
.LBB2_3:
0x4a: {  	p0 =	sne.s32 s10, $0xFE00;
	v7 =	vld [tilespmem:s9+$0x270];
	v1 =	vadd.s32 $0x7FFF, v1;
	v2 =	vadd.s32 $0x7FFF, v2;
	v3 =	vadd.s32 $0x7FFF, v3  }
0x4b: {  	v4 =	vadd.s32 $0x7FFF, v4;
	v5 =	vadd.s32 $0x7FFF, v5;
	v6 =	vadd.s32 $0x7FFF, v6;
	v8 =	vld [tilespmem:s9+$0x200]  }
0x4c: {  	v1 =	vshrl.u32 v1, $0x10;
	v2 =	vand.u32 $0xFFFF0000, v2;
	v3 =	vshrl.u32 v3, $0x10;
	v9 =	vld [tilespmem:s9+$0x240]  }
0x4d: {  	v4 =	vand.u32 $0xFFFF0000, v4;
	v5 =	vshrl.u32 v5, $0x10;
	v6 =	vand.u32 $0xFFFF0000, v6;
	v10 =	vld [tilespmem:s9+$0x210]  }
0x4e: {  	v1 =	vor.u32 v1, v2;
	v2 =	vor.u32 v3, v4;
	v3 =	vor.u32 v5, v6;
	v11 =	vld [tilespmem:s9+$0x250]  }
0x4f: {  	v4 =	vshrl.u32 v0, $0x10;
	v5 =	vld [tilespmem:s9+$0x220];
	v6 =	vshrl.u32 v7, $0x10;
	[tilespmem:s1+$0x8200] =	vst v1  }
0x50: {  	v4 =	vand.u32 $0x1, v4;
	v1 =	vshrl.u32 v8, $0x10;
	v12 =	vld [tilespmem:s9+$0x260];
	v6 =	vand.u32 $0x1, v6;
	[tilespmem:s1+$0x8210] =	vst v2  }
0x51: {  	v0 =	vadd.s32 v4, v0;
	v2 =	vshrl.u32 v9, $0x10;
	v4 =	vadd.s32 v6, v7;
	[tilespmem:s1+$0x8220] =	vst v3;
	s1 =	smov.u32 s9  }
0x52: {  	v0 =	vadd.s32 $0x7FFF, v0;
	v3 =	vshrl.u32 v10, $0x10;
	v4 =	vadd.s32 $0x7FFF, v4  }
0x53: {  	v0 =	vshrl.u32 v0, $0x10;
	v6 =	vshrl.u32 v11, $0x10;
	v4 =	vand.u32 $0xFFFF0000, v4  }
.Ltmp0:
0x54: {  	v1 =	vand.u32 $0x1, v1;
	v7 =	vshrl.u32 v5, $0x10;
	v0 =	vor.u32 v0, v4;
	(pc) =	sbr.rel @p0 .LBB2_3-.Ltmp0, $4  }
0x55: {  	v2 =	vand.u32 $0x1, v2;
	v3 =	vand.u32 $0x1, v3;
	v4 =	vshrl.u32 v12, $0x10;
	[tilespmem:s1+$0x8230] =	vst v0  }
0x56: {  	v6 =	vand.u32 $0x1, v6;
	v7 =	vand.u32 $0x1, v7;
	v13 =	vand.u32 $0x1, v4  }
0x57: {  	s9 =	sshra.s32 s10, $0x2;
	v1 =	vadd.s32 v1, v8;
	v2 =	vadd.s32 v2, v9;
	v3 =	vadd.s32 v3, v10  }
0x58: {  	s10 =	sadd.s32 $0x200, s10;
	v4 =	vadd.s32 v6, v11;
	v5 =	vadd.s32 v7, v5;
	v6 =	vadd.s32 v13, v12;
	v0 =	vld [tilespmem:s9+$0x230]  }
0x59: {  	v7 =	vld [tilespmem:s9+$0x270];
	v1 =	vadd.s32 $0x7FFF, v1;
	v2 =	vadd.s32 $0x7FFF, v2  }
0x5a: {  	v3 =	vadd.s32 $0x7FFF, v3;
	v8 =	vld [tilespmem:s9+$0x200];
	v4 =	vadd.s32 $0x7FFF, v4;
	v5 =	vadd.s32 $0x7FFF, v5  }
0x5b: {  	v6 =	vadd.s32 $0x7FFF, v6;
	v9 =	vld [tilespmem:s9+$0x240];
	v1 =	vshrl.u32 v1, $0x10;
	v2 =	vand.u32 $0xFFFF0000, v2  }
0x5c: {  	v10 =	vld [tilespmem:s9+$0x210];
	v3 =	vshrl.u32 v3, $0x10;
	v4 =	vand.u32 $0xFFFF0000, v4;
	v5 =	vshrl.u32 v5, $0x10  }
0x5d: {  	v6 =	vand.u32 $0xFFFF0000, v6;
	v1 =	vor.u32 v1, v2;
	v2 =	vor.u32 v3, v4;
	v3 =	vld [tilespmem:s9+$0x220]  }
0x5e: {  	v5 =	vor.u32 v5, v6;
	v4 =	vshrl.u32 v0, $0x10  }
0x5f: {  	v11 =	vld [tilespmem:s9+$0x250];
	[tilespmem:s1+$0x8200] =	vst v1;
	v12 =	vshrl.u32 v7, $0x10;
	v1 =	vand.u32 $0x1, v4;
	v6 =	vshrl.u32 v8, $0x10  }
0x60: {  	v58 =	vld [tilespmem:s9+$0x260];
	v4 =	vand.u32 $0x1, v12;
	v0 =	vadd.s32 v1, v0;
	v6 =	vand.u32 $0x1, v6  }
0x61: {  	v1 =	vadd.s32 v4, v7;
	v4 =	vshrl.u32 v9, $0x10;
	v0 =	vadd.s32 $0x7FFF, v0  }
0x62: {  	v7 =	vshrl.u32 v10, $0x10;
	v6 =	vadd.s32 v6, v8;
	v8 =	vshrl.u32 v3, $0x10  }
0x63: {  	v1 =	vadd.s32 $0x7FFF, v1;
	v0 =	vshrl.u32 v0, $0x10;
	v4 =	vand.u32 $0x1, v4  }
0x64: {  	v7 =	vand.u32 $0x1, v7;
	v8 =	vand.u32 $0x1, v8;
	v6 =	vadd.s32 $0x7FFF, v6  }
0x65: {  	v1 =	vand.u32 $0xFFFF0000, v1;
	v4 =	vadd.s32 v4, v9;
	v59 =	vshrl.u32 v58, $0x10  }
0x66: {  	v7 =	vadd.s32 v7, v10;
	v3 =	vadd.s32 v8, v3;
	v6 =	vshrl.u32 v6, $0x10  }
0x67: {  	v0 =	vor.u32 v0, v1;
	v1 =	vshrl.u32 v11, $0x10;
	v9 =	vand.u32 $0x1, v59  }
0x68: {  	[tilespmem:s1+$0x8210] =	vst v2;
	v4 =	vadd.s32 $0x7FFF, v4;
	v2 =	vadd.s32 $0x7FFF, v7;
	v1 =	vand.u32 $0x1, v1  }
0x69: {  	[tilespmem:s1+$0x8220] =	vst v5;
	v3 =	vadd.s32 $0x7FFF, v3;
	v8 =	vadd.s32 v9, v58;
	v1 =	vadd.s32 v1, v11  }
0x6a: {  	v4 =	vand.u32 $0xFFFF0000, v4;
	[tilespmem:s9+$0x8230] =	vst v0;
	v0 =	vshrl.u32 v2, $0x10;
	v1 =	vadd.s32 $0x7FFF, v1  }
0x6b: {  	v5 =	vadd.s32 $0x7FFF, v8;
	v2 =	vor.u32 v6, v4;
	v1 =	vand.u32 $0xFFFF0000, v1  }
0x6c: {  	v3 =	vshrl.u32 v3, $0x10;
	v4 =	vand.u32 $0xFFFF0000, v5;
	[tilespmem:s9+$0x8200] =	vst v2;
	v0 =	vor.u32 v0, v1  }
0x6d: {  	s0 =	sshll.u32 s0, $0x4;
	v1 =	vor.u32 v3, v4;
	[tilespmem:s9+$0x8210] =	vst v0  }
0x6e: {  	s10 =	simm.s32 $0x0;
	s0 =	sadd.s32 s8, s0;
	[tilespmem:s9+$0x8220] =	vst v1  }
0x6f: {  	[hbm4b:s0+s10] =	stream.linear.scatter [tilespmem:s22], [sflag:$0x5], $0x4000, $0x38;
	[tilespmem:$0x10200] =	vst v63  }
0x70: {  	_ =	swait.ge [sflag:s23], $0x4000  }
0x71: {  	[sflag:s23] =	ssyncset.done $0x0  }
0x72: {  	s0 =	simm.s32 $0x0;
	[sflag:s23] =	ssyncadd.s32 $0xFFFFC000  }
0x73: {  	v0 =	vld [tilespmem:s0+$0x4230]  }
0x74: {  	v1 =	vld [tilespmem:s0+$0x4270]  }
0x75: {  	v2 =	vld [tilespmem:s0+$0x4200]  }
0x76: {  	v3 =	vld [tilespmem:s0+$0x4240]  }
0x77: {  	v6 =	vld [tilespmem:s0+$0x4220];
	_ =	sdelay $0x2  }
0x78: {  	v4 =	vld [tilespmem:s0+$0x4210]  }
0x79: {  	v5 =	vld [tilespmem:s0+$0x4250];
	v7 =	vshrl.u32 v0, $0x10;
	v8 =	vshrl.u32 v1, $0x10  }
0x7a: {  	v61 =	vld [tilespmem:s0+$0x4260];
	v60 =	vshrl.u32 v2, $0x10;
	v62 =	vshrl.u32 v3, $0x10;
	v63 =	vshrl.u32 v6, $0x10  }
0x7b: {  	v7 =	vand.u32 $0x1, v7;
	v8 =	vand.u32 $0x1, v8;
	v9 =	vand.u32 $0x1, v60  }
0x7c: {  	v11 =	vand.u32 $0x1, v62;
	v0 =	vadd.s32 v7, v0;
	v1 =	vadd.s32 v8, v1  }
0x7d: {  	v12 =	vand.u32 $0x1, v63;
	v0 =	vadd.s32 $0x7FFF, v0;
	v1 =	vadd.s32 $0x7FFF, v1  }
0x7e: {  	v7 =	vshrl.u32 v4, $0x10;
	v0 =	vshrl.u32 v0, $0x10;
	v1 =	vand.u32 $0xFFFF0000, v1  }
0x7f: {  	v8 =	vshrl.u32 v5, $0x10;
	v0 =	vor.u32 v0, v1;
	v1 =	vshrl.u32 v61, $0x10  }
0x80: {  	v7 =	vand.u32 $0x1, v7;
	v8 =	vand.u32 $0x1, v8;
	v13 =	vand.u32 $0x1, v1  }
0x81: {  	s1 =	simm.s32 $0x80;
	[tilespmem:s0+$0xC230] =	vst v0;
	v1 =	vadd.s32 v9, v2;
	v2 =	vadd.s32 v11, v3;
	v3 =	vadd.s32 v7, v4  }
0x82: {  	s9 =	simm.s32 $0x400;
	v4 =	vadd.s32 v8, v5;
	v5 =	vadd.s32 v12, v6;
	v0 =	vld [tilespmem:s1+$0x4230];
	v6 =	vadd.s32 v13, v61  }
.LBB2_5:
0x83: {  	p0 =	sne.s32 s9, $0xFE00;
	v7 =	vld [tilespmem:s1+$0x4270];
	v1 =	vadd.s32 $0x7FFF, v1;
	v2 =	vadd.s32 $0x7FFF, v2;
	v3 =	vadd.s32 $0x7FFF, v3  }
0x84: {  	v4 =	vadd.s32 $0x7FFF, v4;
	v5 =	vadd.s32 $0x7FFF, v5;
	v6 =	vadd.s32 $0x7FFF, v6;
	v8 =	vld [tilespmem:s1+$0x4200]  }
0x85: {  	v1 =	vshrl.u32 v1, $0x10;
	v2 =	vand.u32 $0xFFFF0000, v2;
	v3 =	vshrl.u32 v3, $0x10;
	v9 =	vld [tilespmem:s1+$0x4240]  }
0x86: {  	v4 =	vand.u32 $0xFFFF0000, v4;
	v5 =	vshrl.u32 v5, $0x10;
	v6 =	vand.u32 $0xFFFF0000, v6;
	v10 =	vld [tilespmem:s1+$0x4210]  }
0x87: {  	v1 =	vor.u32 v1, v2;
	v2 =	vor.u32 v3, v4;
	v3 =	vor.u32 v5, v6;
	v11 =	vld [tilespmem:s1+$0x4250]  }
0x88: {  	v4 =	vshrl.u32 v0, $0x10;
	v5 =	vld [tilespmem:s1+$0x4220];
	v6 =	vshrl.u32 v7, $0x10;
	[tilespmem:s0+$0xC200] =	vst v1  }
0x89: {  	v4 =	vand.u32 $0x1, v4;
	v1 =	vshrl.u32 v8, $0x10;
	v12 =	vld [tilespmem:s1+$0x4260];
	v6 =	vand.u32 $0x1, v6;
	[tilespmem:s0+$0xC210] =	vst v2  }
0x8a: {  	v0 =	vadd.s32 v4, v0;
	v2 =	vshrl.u32 v9, $0x10;
	v4 =	vadd.s32 v6, v7;
	[tilespmem:s0+$0xC220] =	vst v3;
	s0 =	smov.u32 s1  }
0x8b: {  	v0 =	vadd.s32 $0x7FFF, v0;
	v3 =	vshrl.u32 v10, $0x10;
	v4 =	vadd.s32 $0x7FFF, v4  }
0x8c: {  	v0 =	vshrl.u32 v0, $0x10;
	v6 =	vshrl.u32 v11, $0x10;
	v4 =	vand.u32 $0xFFFF0000, v4  }
.Ltmp1:
0x8d: {  	v1 =	vand.u32 $0x1, v1;
	v7 =	vshrl.u32 v5, $0x10;
	v0 =	vor.u32 v0, v4;
	(pc) =	sbr.rel @p0 .LBB2_5-.Ltmp1, $4  }
0x8e: {  	v2 =	vand.u32 $0x1, v2;
	v3 =	vand.u32 $0x1, v3;
	v4 =	vshrl.u32 v12, $0x10;
	[tilespmem:s0+$0xC230] =	vst v0  }
0x8f: {  	v6 =	vand.u32 $0x1, v6;
	v7 =	vand.u32 $0x1, v7;
	v13 =	vand.u32 $0x1, v4  }
0x90: {  	s1 =	sshra.s32 s9, $0x2;
	v1 =	vadd.s32 v1, v8;
	v2 =	vadd.s32 v2, v9;
	v3 =	vadd.s32 v3, v10  }
0x91: {  	s9 =	sadd.s32 $0x200, s9;
	v4 =	vadd.s32 v6, v11;
	v5 =	vadd.s32 v7, v5;
	v6 =	vadd.s32 v13, v12;
	v0 =	vld [tilespmem:s1+$0x4230]  }
0x92: {  	v7 =	vld [tilespmem:s1+$0x4270]  }
0x93: {  	v8 =	vld [tilespmem:s1+$0x4200]  }
0x94: {  	v1 =	vadd.s32 $0x7FFF, v1;
	v9 =	vld [tilespmem:s1+$0x4240]  }
0x95: {  	v2 =	vadd.s32 $0x7FFF, v2;
	v3 =	vadd.s32 $0x7FFF, v3;
	v4 =	vadd.s32 $0x7FFF, v4;
	v10 =	vld [tilespmem:s1+$0x4210]  }
0x96: {  	v5 =	vadd.s32 $0x7FFF, v5;
	v6 =	vadd.s32 $0x7FFF, v6;
	v11 =	vld [tilespmem:s1+$0x4250];
	v1 =	vshrl.u32 v1, $0x10  }
0x97: {  	v44 =	vld [tilespmem:s1+$0x4220];
	v2 =	vand.u32 $0xFFFF0000, v2;
	v3 =	vshrl.u32 v3, $0x10;
	v4 =	vand.u32 $0xFFFF0000, v4  }
0x98: {  	v5 =	vshrl.u32 v5, $0x10;
	v6 =	vand.u32 $0xFFFF0000, v6;
	v1 =	vor.u32 v1, v2  }
0x99: {  	v43 =	vor.u32 v3, v4;
	v5 =	vor.u32 v5, v6;
	v45 =	vshrl.u32 v0, $0x10  }
0x9a: {  	v12 =	vshrl.u32 v7, $0x10;
	v46 =	vand.u32 $0x1, v45;
	v48 =	vshrl.u32 v8, $0x10  }
0x9b: {  	v52 =	vshrl.u32 v9, $0x10;
	v53 =	vshrl.u32 v10, $0x10;
	v54 =	vshrl.u32 v11, $0x10  }
0x9c: {  	[tilespmem:s0+$0xC200] =	vst v1;
	v55 =	vshrl.u32 v44, $0x10;
	v47 =	vand.u32 $0x1, v12;
	v50 =	vadd.s32 v46, v0  }
0x9d: {  	v49 =	vld [tilespmem:s1+$0x4260];
	v6 =	vand.u32 $0x1, v48;
	v4 =	vand.u32 $0x1, v52;
	v51 =	vadd.s32 v47, v7  }
0x9e: {  	v0 =	vadd.s32 $0x7FFF, v50;
	v6 =	vadd.s32 v6, v8;
	v7 =	vand.u32 $0x1, v53  }
0x9f: {  	v4 =	vadd.s32 v4, v9;
	v8 =	vand.u32 $0x1, v55;
	v1 =	vadd.s32 $0x7FFF, v51  }
0xa0: {  	v0 =	vshrl.u32 v0, $0x10;
	v7 =	vadd.s32 v7, v10;
	v3 =	vadd.s32 v8, v44  }
0xa1: {  	v6 =	vadd.s32 $0x7FFF, v6;
	v4 =	vadd.s32 $0x7FFF, v4;
	v1 =	vand.u32 $0xFFFF0000, v1  }
0xa2: {  	v56 =	vshrl.u32 v49, $0x10;
	v58 =	vadd.s32 $0x7FFF, v7;
	v3 =	vadd.s32 $0x7FFF, v3  }
0xa3: {  	v6 =	vshrl.u32 v6, $0x10;
	v0 =	vor.u32 v0, v1;
	v1 =	vand.u32 $0x1, v54  }
0xa4: {  	s30 =	sadd.s32 $0x1, s30;
	[tilespmem:s0+$0xC210] =	vst v43;
	v4 =	vand.u32 $0xFFFF0000, v4;
	v9 =	vand.u32 $0x1, v56;
	v1 =	vadd.s32 v1, v11  }
0xa5: {  	p0 =	sne.s32 s30, $0x6;
	[tilespmem:s0+$0xC220] =	vst v5;
	v60 =	vshrl.u32 v58, $0x10;
	v57 =	vadd.s32 v9, v49;
	v1 =	vadd.s32 $0x7FFF, v1  }
.Ltmp2:
0xa6: {  	v61 =	vor.u32 v6, v4;
	[tilespmem:s1+$0xC230] =	vst v0;
	v59 =	vadd.s32 $0x7FFF, v57;
	v1 =	vand.u32 $0xFFFF0000, v1;
	(pc) =	sbr.rel @p0 .LBB2_2-.Ltmp2, $4  }
0xa7: {  	v3 =	vshrl.u32 v3, $0x10;
	[tilespmem:s1+$0xC200] =	vst v61;
	v62 =	vand.u32 $0xFFFF0000, v59;
	v0 =	vor.u32 v60, v1  }
0xa8: {  	s31 =	sshll.u32 s31, $0x4;
	v63 =	vor.u32 v3, v62;
	[tilespmem:s1+$0xC210] =	vst v0  }
0xa9: {  	s0 =	sadd.s32 s8, s31;
	[tilespmem:s1+$0xC220] =	vst v63  }
0xaa: {  	[hbm4b:s0+s2] =	stream.linear.scatter [tilespmem:s24], [sflag:$0x6], $0x4000, $0x38;
	[tilespmem:$0x10200] =	vst v63  }
0xab: {  	_ =	swait.ge [sflag:s25], $0x4000  }
0xac: {  	[sflag:s25] =	ssyncset.done $0x0  }
0xad: {  	[sflag:s25] =	ssyncadd.s32 $0xFFFFC000  }
0xae: {  	_ =	swait.ge [sflag:s26], $0x4000  }
0xaf: {  	[sflag:s26] =	ssyncset.done $0x0  }
0xb0: {  	s0 =	simm.s32 $0x0;
	s1 =	rddreg [dreg:$0x2];
	[sflag:s26] =	ssyncadd.s32 $0xFFFFC000  }
0xb1: {  	[tilespmem:s0], [sflag:$0x7] =	stream.linear.gather [hbm4b:s1+s0], $0x40, $0x38;
	[tilespmem:$0x10200] =	vst v63  }
0xb2: {  	_ =	swait.ge [sflag:s13], $0x40  }
0xb3: {  	[sflag:s13] =	ssyncset.done $0x0  }
0xb4: {  	s31 =	rddreg [dreg:$0x3];
	[sflag:s13] =	ssyncadd.s32 $0xFFFFFFC0  }
0xb5: {  	[tilespmem:s14], [sflag:$0x7] =	stream.linear.gather [hbm4b:s31+s0], $0x40, $0x38;
	[tilespmem:$0x10200] =	vst v63  }
0xb6: {  	_ =	swait.ge [sflag:s13], $0x40  }
0xb7: {  	[sflag:s13] =	ssyncset.done $0x0  }
0xb8: {  	[sflag:s13] =	ssyncadd.s32 $0xFFFFFFC0  }
0xb9: {  	[tilespmem:s16], [sflag:$0x1] =	stream.indirect.gather [hbm4b:s3+s28], $0x80, s0, s28, $0xb8;
	[tilespmem:$0x10200] =	vst v63  }
0xba: {  	_ =	swait.ge [sflag:s19], $0x2000  }
0xbb: {  	[sflag:s19] =	ssyncset.done $0x0  }
0xbc: {  	[sflag:s19] =	ssyncadd.s32 $0xFFFFE000  }
0xbd: {  	[tilespmem:s16], [sflag:$0x3] =	stream.indirect.gather.add.f32 [hbm:s4], $0x80, s14, s28, $0xb8;
	[tilespmem:$0x10200] =	vst v63  }
0xbe: {  	_ =	swait.ge [sflag:s21], $0x2000  }
0xbf: {  	[sflag:s21] =	ssyncset.done $0x0  }
0xc0: {  	s0 =	simm.s32 $0x0;
	[sflag:s21] =	ssyncadd.s32 $0xFFFFE000  }
0xc1: {  	v0 =	vld [tilespmem:s0+$0x230]  }
0xc2: {  	v1 =	vld [tilespmem:s0+$0x270]  }
0xc3: {  	v2 =	vld [tilespmem:s0+$0x200]  }
0xc4: {  	v3 =	vld [tilespmem:s0+$0x240]  }
0xc5: {  	v6 =	vld [tilespmem:s0+$0x220];
	_ =	sdelay $0x2  }
0xc6: {  	v4 =	vld [tilespmem:s0+$0x210]  }
0xc7: {  	v5 =	vld [tilespmem:s0+$0x250];
	v7 =	vshrl.u32 v0, $0x10;
	v8 =	vshrl.u32 v1, $0x10  }
0xc8: {  	v10 =	vld [tilespmem:s0+$0x260];
	v9 =	vshrl.u32 v2, $0x10;
	v11 =	vshrl.u32 v3, $0x10;
	v12 =	vshrl.u32 v6, $0x10  }
0xc9: {  	v7 =	vand.u32 $0x1, v7;
	v8 =	vand.u32 $0x1, v8;
	v9 =	vand.u32 $0x1, v9  }
0xca: {  	v11 =	vand.u32 $0x1, v11;
	v0 =	vadd.s32 v7, v0;
	v1 =	vadd.s32 v8, v1  }
0xcb: {  	v12 =	vand.u32 $0x1, v12;
	v0 =	vadd.s32 $0x7FFF, v0;
	v1 =	vadd.s32 $0x7FFF, v1  }
0xcc: {  	v7 =	vshrl.u32 v4, $0x10;
	v0 =	vshrl.u32 v0, $0x10;
	v1 =	vand.u32 $0xFFFF0000, v1  }
0xcd: {  	v8 =	vshrl.u32 v5, $0x10;
	v0 =	vor.u32 v0, v1;
	v1 =	vshrl.u32 v10, $0x10  }
0xce: {  	v7 =	vand.u32 $0x1, v7;
	v8 =	vand.u32 $0x1, v8;
	v13 =	vand.u32 $0x1, v1  }
0xcf: {  	s1 =	simm.s32 $0x80;
	[tilespmem:s0+$0x8230] =	vst v0;
	v1 =	vadd.s32 v9, v2;
	v2 =	vadd.s32 v11, v3;
	v3 =	vadd.s32 v7, v4  }
0xd0: {  	s9 =	simm.s32 $0x400;
	v4 =	vadd.s32 v8, v5;
	v5 =	vadd.s32 v12, v6;
	v0 =	vld [tilespmem:s1+$0x230];
	v6 =	vadd.s32 v13, v10  }
.LBB2_8:
0xd1: {  	p0 =	sne.s32 s9, $0x7E00;
	v7 =	vld [tilespmem:s1+$0x270];
	v1 =	vadd.s32 $0x7FFF, v1;
	v2 =	vadd.s32 $0x7FFF, v2;
	v3 =	vadd.s32 $0x7FFF, v3  }
0xd2: {  	v4 =	vadd.s32 $0x7FFF, v4;
	v5 =	vadd.s32 $0x7FFF, v5;
	v6 =	vadd.s32 $0x7FFF, v6;
	v8 =	vld [tilespmem:s1+$0x200]  }
0xd3: {  	v1 =	vshrl.u32 v1, $0x10;
	v2 =	vand.u32 $0xFFFF0000, v2;
	v3 =	vshrl.u32 v3, $0x10;
	v9 =	vld [tilespmem:s1+$0x240]  }
0xd4: {  	v4 =	vand.u32 $0xFFFF0000, v4;
	v5 =	vshrl.u32 v5, $0x10;
	v6 =	vand.u32 $0xFFFF0000, v6;
	v10 =	vld [tilespmem:s1+$0x210]  }
0xd5: {  	v1 =	vor.u32 v1, v2;
	v2 =	vor.u32 v3, v4;
	v3 =	vor.u32 v5, v6;
	v11 =	vld [tilespmem:s1+$0x250]  }
0xd6: {  	v4 =	vshrl.u32 v0, $0x10;
	v5 =	vld [tilespmem:s1+$0x220];
	v6 =	vshrl.u32 v7, $0x10;
	[tilespmem:s0+$0x8200] =	vst v1  }
0xd7: {  	v4 =	vand.u32 $0x1, v4;
	v1 =	vshrl.u32 v8, $0x10;
	v12 =	vld [tilespmem:s1+$0x260];
	v6 =	vand.u32 $0x1, v6;
	[tilespmem:s0+$0x8210] =	vst v2  }
0xd8: {  	v0 =	vadd.s32 v4, v0;
	v2 =	vshrl.u32 v9, $0x10;
	v4 =	vadd.s32 v6, v7;
	[tilespmem:s0+$0x8220] =	vst v3;
	s0 =	smov.u32 s1  }
0xd9: {  	v0 =	vadd.s32 $0x7FFF, v0;
	v3 =	vshrl.u32 v10, $0x10;
	v4 =	vadd.s32 $0x7FFF, v4  }
0xda: {  	v0 =	vshrl.u32 v0, $0x10;
	v6 =	vshrl.u32 v11, $0x10;
	v4 =	vand.u32 $0xFFFF0000, v4  }
.Ltmp3:
0xdb: {  	v1 =	vand.u32 $0x1, v1;
	v7 =	vshrl.u32 v5, $0x10;
	v0 =	vor.u32 v0, v4;
	(pc) =	sbr.rel @p0 .LBB2_8-.Ltmp3, $4  }
0xdc: {  	v2 =	vand.u32 $0x1, v2;
	v3 =	vand.u32 $0x1, v3;
	v4 =	vshrl.u32 v12, $0x10;
	[tilespmem:s0+$0x8230] =	vst v0  }
0xdd: {  	v6 =	vand.u32 $0x1, v6;
	v7 =	vand.u32 $0x1, v7;
	v13 =	vand.u32 $0x1, v4  }
0xde: {  	s1 =	sshra.s32 s9, $0x2;
	v1 =	vadd.s32 v1, v8;
	v2 =	vadd.s32 v2, v9;
	v3 =	vadd.s32 v3, v10  }
0xdf: {  	s9 =	sadd.s32 $0x200, s9;
	v4 =	vadd.s32 v6, v11;
	v5 =	vadd.s32 v7, v5;
	v6 =	vadd.s32 v13, v12;
	v0 =	vld [tilespmem:s1+$0x230]  }
0xe0: {  	v7 =	vld [tilespmem:s1+$0x270]  }
0xe1: {  	v8 =	vld [tilespmem:s1+$0x200]  }
0xe2: {  	v1 =	vadd.s32 $0x7FFF, v1;
	v9 =	vld [tilespmem:s1+$0x240]  }
0xe3: {  	v2 =	vadd.s32 $0x7FFF, v2;
	v3 =	vadd.s32 $0x7FFF, v3;
	v4 =	vadd.s32 $0x7FFF, v4;
	v10 =	vld [tilespmem:s1+$0x210]  }
0xe4: {  	v5 =	vadd.s32 $0x7FFF, v5;
	v6 =	vadd.s32 $0x7FFF, v6;
	v11 =	vld [tilespmem:s1+$0x250];
	v1 =	vshrl.u32 v1, $0x10  }
0xe5: {  	v44 =	vld [tilespmem:s1+$0x220];
	v2 =	vand.u32 $0xFFFF0000, v2;
	v3 =	vshrl.u32 v3, $0x10;
	v4 =	vand.u32 $0xFFFF0000, v4  }
0xe6: {  	v5 =	vshrl.u32 v5, $0x10;
	v6 =	vand.u32 $0xFFFF0000, v6;
	v1 =	vor.u32 v1, v2  }
0xe7: {  	v43 =	vor.u32 v3, v4;
	v5 =	vor.u32 v5, v6;
	v45 =	vshrl.u32 v0, $0x10  }
0xe8: {  	v12 =	vshrl.u32 v7, $0x10;
	v46 =	vand.u32 $0x1, v45;
	v48 =	vshrl.u32 v8, $0x10  }
0xe9: {  	v52 =	vshrl.u32 v9, $0x10;
	v53 =	vshrl.u32 v10, $0x10;
	v54 =	vshrl.u32 v11, $0x10  }
0xea: {  	[tilespmem:s0+$0x8200] =	vst v1;
	v55 =	vshrl.u32 v44, $0x10;
	v47 =	vand.u32 $0x1, v12;
	v50 =	vadd.s32 v46, v0  }
0xeb: {  	v49 =	vld [tilespmem:s1+$0x260];
	v6 =	vand.u32 $0x1, v48;
	v4 =	vand.u32 $0x1, v52;
	v51 =	vadd.s32 v47, v7  }
0xec: {  	v0 =	vadd.s32 $0x7FFF, v50;
	v6 =	vadd.s32 v6, v8;
	v7 =	vand.u32 $0x1, v53  }
0xed: {  	v4 =	vadd.s32 v4, v9;
	v8 =	vand.u32 $0x1, v55;
	v1 =	vadd.s32 $0x7FFF, v51  }
0xee: {  	v0 =	vshrl.u32 v0, $0x10;
	v7 =	vadd.s32 v7, v10;
	v3 =	vadd.s32 v8, v44  }
0xef: {  	v6 =	vadd.s32 $0x7FFF, v6;
	v4 =	vadd.s32 $0x7FFF, v4;
	v1 =	vand.u32 $0xFFFF0000, v1  }
0xf0: {  	v56 =	vshrl.u32 v49, $0x10;
	v58 =	vadd.s32 $0x7FFF, v7;
	v3 =	vadd.s32 $0x7FFF, v3  }
0xf1: {  	v6 =	vshrl.u32 v6, $0x10;
	v0 =	vor.u32 v0, v1;
	v1 =	vand.u32 $0x1, v54  }
0xf2: {  	[tilespmem:s0+$0x8210] =	vst v43;
	v4 =	vand.u32 $0xFFFF0000, v4;
	v9 =	vand.u32 $0x1, v56;
	v1 =	vadd.s32 v1, v11  }
0xf3: {  	[tilespmem:s0+$0x8220] =	vst v5;
	v60 =	vshrl.u32 v58, $0x10;
	v57 =	vadd.s32 v9, v49;
	v1 =	vadd.s32 $0x7FFF, v1  }
0xf4: {  	v61 =	vor.u32 v6, v4;
	[tilespmem:s1+$0x8230] =	vst v0;
	v59 =	vadd.s32 $0x7FFF, v57;
	v1 =	vand.u32 $0xFFFF0000, v1  }
0xf5: {  	s29 =	sadd.s32 $0x1, s29;
	v3 =	vshrl.u32 v3, $0x10;
	[tilespmem:s1+$0x8200] =	vst v61;
	v62 =	vand.u32 $0xFFFF0000, v59;
	v0 =	vor.u32 v60, v1  }
0xf6: {  	p0 =	sne.s32 s29, s12;
	v63 =	vor.u32 v3, v62;
	[tilespmem:s1+$0x8210] =	vst v0  }
.Ltmp4:
0xf7: {  	[tilespmem:s1+$0x8220] =	vst v63;
	(pc) =	sbr.rel @p0 .LBB2_1-.Ltmp4, $4  }
0xf8: {  	[hbm4b:s11+s2] =	stream.linear.scatter [tilespmem:s22], [sflag:$0x7], $0x2000, $0x38;
	[tilespmem:$0x10200] =	vst v63  }
0xf9: {  	_ =	swait.ge [sflag:s13], $0x2000  }
0xfa: {  	[sflag:s13] =	ssyncset.done $0x0  }
0xfb: {  	[sflag:s13] =	ssyncadd.s32 $0xFFFFE000  }
0xfc: {  	_ =	sfence.sel $0x180000  }
0xfd: {  	[bflag:$0x0] =	sbarrier.arrive $0xFFFF  }
0xfe: {  	_ =	strace $0x9000004A  }
0xff: {  	s0 =	stileid.u32;
	[bflag:$0x2] =	sbarrier.arrive $0xFFFF  }
0x100: {  	p0 =	sne.s32 s0, $0x0;
	s0 =	rddreg [dreg:$0x1]  }
0x101: {  	s0 =	sadd.s32 @!p0 $0x100000, s0  }
0x102: {  	[sflag:s0] =	ssyncadd.tile.s32 @!p0 $0x1;
	_ =	shalt  }
.Lfunc_end2:
_tile_overlayer_lowered:
.L_overlay_start_2:
0x103: {  	(tag) =	ssettag $0x2  }
0x104: {  	s0 =	rddreg [dreg:$0x0];
	s2 =	stileid.u32  }
0x105: {  	s1 =	rddreg [dreg:$0x1];
	p0 =	sne.s32 s2, $0x0  }
0x106: {  	s3 =	rddreg [dreg:$0x2];
	[bflag:$0x3] =	sbarrier.arrive $0xFFFF;
	s2 =	simm.s32 @!p0 $0x1C07  }
0x107: {  	[timem:s3], [sflag:s2] =	dma.local @!p0 [hbm:s0], s1  }
0x108: {  	s0 =	simm.s32 @!p0 $0x7  }
0x109: {  	_ =	swait.ge @!p0 [sflag:s0], s1  }
0x10a: {  	s1 =	ssub.s32 @!p0 $0x0, s1;
	[sflag:s0] =	ssyncset.done @!p0 $0x0  }
0x10b: {  	[sflag:s0] =	ssyncadd.s32 @!p0 s1  }
0x10c: {  	[bflag:$0x3] =	sbarrier.arrive $0xFFFF  }
0x10d: {  	_ =	shalt  }

// kernel: kernel.18.cloned.1.call-start
scs
__scs_entry_jumppad:
0x0: {  	(pc) =	sbr.rel $0x88, $3  }
0x1: {  	(tag) =	ssettag $0x0;
	lr =	simm.s32 $0x1  }
0x2: {  	[smem:$0x3F93] =	sst lr;
	_ =	strace $0xD0000000  }
0x3: {  	_ = 	snop  }
0x4: {  	_ = 	snop  }
0x5: {  	_ = 	snop  }
0x6: {  	_ = 	snop  }
0x7: {  	_ = 	snop  }
__scs_overlays_trampoline_lowered:
0x8: {  	[smem:$0x3FA2] =	sst s0  }
0x9: {  	[smem:$0x3FA3] =	sst s1  }
0xa: {  	[smem:$0x3FA4] =	sst s2  }
0xb: {  	[smem:$0x3FA5] =	sst s3  }
0xc: {  	[smem:$0x3FA6] =	sst s4  }
0xd: {  	[smem:$0x3FA7] =	sst s5  }
0xe: {  	[smem:$0x3FA8] =	sst s6  }
0xf: {  	[smem:$0x3FA9] =	sst s7  }
0x10: {  	[smem:$0x3FAA] =	sst s8  }
0x11: {  	[smem:$0x3FAB] =	sst s9;
	s0 =	simm.s32 @!p0 $0x0  }
0x12: {  	s1 =	sld [smem:$0x3F91];
	s0 =	simm.s32 @p0 $0x1  }
0x13: {  	[smem:$0x3FAC] =	sst s0;
	s0 =	simm.s32 @!p1 $0x0  }
0x14: {  	s2 =	sld [smem:$0x3F90];
	s0 =	simm.s32 @p1 $0x1  }
0x15: {  	[smem:$0x3FAD] =	sst s0;
	s0 =	simm.s32 @!p2 $0x0  }
0x16: {  	s3 =	sld [smem:$0x3FDB];
	s0 =	simm.s32 @p2 $0x1  }
0x17: {  	s4 =	simm.s32 $0x1BF5;
	[smem:$0x3FAF] =	sst s0  }
0x18: {  	s0 =	sld [smem:$0x3F92];
	_ =	swait.ge [sflag:s4], $0x0  }
0x19: {  	s7 =	sld [smem:$0x3F93]  }
0x1a: {  	s8 =	sadd.s32 $0xFFFFE003, lr  }
0x1b: {  	s9 =	sadd.s32 $0xFFFFFEF7, lr;
	s5 =	simm.s32 $0xFFFFFFFF;
	p2 =	slt.u32 s8, $0xFFFFF086  }
0x1c: {  	p1 =	slt.u32 s9, $0xF7A;
	s5 =	simm.s32 @!p2 $0x0  }
0x1d: {  	s5 =	simm.s32 @p1 $0x1;
	p0 =	seq.s32 s7, s2  }
0x1e: {  	s7 =	smul.u32 @!p0 $0xF7A, s2;
	p2 =	seq.s32 @!p0 s5, $0x0  }
0x1f: {  	s9 =	smul.u32 $0xF7A, s1;
	s8 =	simm.s32 @!p0 $0x1BF5;
	p2 =	por !p2, p0  }
0x20: {  	[sflag:s8] =	ssyncset.s32 @!p0 $0xFFFFF086;
	s6 =	sadd.s32 @!p0 s3, s7;
	s7 =	simm.s32 @!p0 $0x108  }
0x21: {  	s3 =	sadd.s32 s3, s9;
	s6 =	sadd.s32 @!p0 $0x88, s6;
	s7 =	simm.s32 @p2 $0x1082  }
0x22: {  	[simem:s7], [sflag:s8] =	dma.local @!p0 [hbm:s6], $0xF7A  }
0x23: {  	s9 =	sor.u32 $0xD0000000, s2;
	s6 =	simm.s32 $0x108;
	_ =	swait.ge @!p0 [sflag:s8], $0x0  }
0x24: {  	s3 =	sadd.s32 $0x88, s3;
	s6 =	simm.s32 @!p1 $0x1082;
	[sflag:s4] =	ssyncset.s32 $0xFFFFF086  }
0x25: {  	[simem:s6], [sflag:s4] =	dma.local [hbm:s3], $0xF7A  }
0x26: {  	[smem:$0x3F93] =	sst s1;
	(tag) =	ssettag s2;
	_ =	strace s9  }
0x27: {  	s1 =	sld [smem:$0x3FA3]  }
0x28: {  	s2 =	sld [smem:$0x3FA4]  }
0x29: {  	s4 =	sld [smem:$0x3FA6]  }
0x2a: {  	p0 =	seq.s32 s5, $0x0;
	s5 =	sld [smem:$0x3FA7]  }
0x2b: {  	s6 =	sld [smem:$0x3FA8]  }
0x2c: {  	s7 =	sld [smem:$0x3FA9]  }
0x2d: {  	s3 =	simm.s32 $0x108;
	s8 =	sld [smem:$0x3FAA]  }
0x2e: {  	s3 =	simm.s32 @!p0 $0x1082;
	s9 =	sld [smem:$0x3FAB]  }
0x2f: {  	lr =	sadd.s32 s0, s3;
	s0 =	sld [smem:$0x3FA2]  }
0x30: {  	s3 =	sld [smem:$0x3FA5]  }
0x31: {  	[smem:$0x3FAE] =	sst s10  }
0x32: {  	s10 =	sld [smem:$0x3FAC];
	_ =	sdelay $0x3  }
0x33: {  	p0 =	seq.s32 s10, $0x1;
	s10 =	sld [smem:$0x3FAE];
	_ =	sdelay $0x3  }
0x34: {  	[smem:$0x3FAE] =	sst s10  }
0x35: {  	s10 =	sld [smem:$0x3FAD];
	_ =	sdelay $0x3  }
0x36: {  	p1 =	seq.s32 s10, $0x1;
	s10 =	sld [smem:$0x3FAE];
	_ =	sdelay $0x3  }
0x37: {  	[smem:$0x3FAE] =	sst s10  }
0x38: {  	s10 =	sld [smem:$0x3FAF]  }
0x39: {  	_ = 	snop;
	(pc) =	sbr.ind lr, $3  }
0x3a: {  	_ = 	snop  }
0x3b: {  	_ = 	snop  }
0x3c: {  	p2 =	seq.s32 s10, $0x1;
	s10 =	sld [smem:$0x3FAE]  }
0x3d: {  	_ =	shalt  }
0x3e: {  	_ =	shalt  }
0x3f: {  	_ =	shalt  }
0x40: {  	_ =	shalt  }
0x41: {  	_ =	shalt  }
0x42: {  	_ =	shalt  }
0x43: {  	_ =	shalt  }
0x44: {  	_ =	shalt  }
0x45: {  	_ =	shalt  }
0x46: {  	_ =	shalt  }
0x47: {  	_ =	shalt  }
0x48: {  	_ =	shalt  }
0x49: {  	_ =	shalt  }
0x4a: {  	_ =	shalt  }
0x4b: {  	_ =	shalt  }
0x4c: {  	_ =	shalt  }
0x4d: {  	_ =	shalt  }
0x4e: {  	_ =	shalt  }
0x4f: {  	_ =	shalt  }
0x50: {  	_ =	shalt  }
0x51: {  	_ =	shalt  }
0x52: {  	_ =	shalt  }
0x53: {  	_ =	shalt  }
0x54: {  	_ =	shalt  }
0x55: {  	_ =	shalt  }
0x56: {  	_ =	shalt  }
0x57: {  	_ =	shalt  }
0x58: {  	_ =	shalt  }
0x59: {  	_ =	shalt  }
0x5a: {  	_ =	shalt  }
0x5b: {  	_ =	shalt  }
0x5c: {  	_ =	shalt  }
0x5d: {  	_ =	shalt  }
0x5e: {  	_ =	shalt  }
0x5f: {  	_ =	shalt  }
0x60: {  	_ =	shalt  }
0x61: {  	_ =	shalt  }
0x62: {  	_ =	shalt  }
0x63: {  	_ =	shalt  }
0x64: {  	_ =	shalt  }
0x65: {  	_ =	shalt  }
0x66: {  	_ =	shalt  }
0x67: {  	_ =	shalt  }
0x68: {  	_ =	shalt  }
0x69: {  	_ =	shalt  }
0x6a: {  	_ =	shalt  }
0x6b: {  	_ =	shalt  }
0x6c: {  	_ =	shalt  }
0x6d: {  	_ =	shalt  }
0x6e: {  	_ =	shalt  }
0x6f: {  	_ =	shalt  }
0x70: {  	_ =	shalt  }
0x71: {  	_ =	shalt  }
0x72: {  	_ =	shalt  }
0x73: {  	_ =	shalt  }
0x74: {  	_ =	shalt  }
0x75: {  	_ =	shalt  }
0x76: {  	_ =	shalt  }
0x77: {  	_ =	shalt  }
0x78: {  	_ =	shalt  }
0x79: {  	_ =	shalt  }
0x7a: {  	_ =	shalt  }
0x7b: {  	_ =	shalt  }
0x7c: {  	_ =	shalt  }
0x7d: {  	_ =	shalt  }
0x7e: {  	_ =	shalt  }
0x7f: {  	_ =	shalt  }
0x80: {  	_ =	shalt  }
0x81: {  	_ =	shalt  }
0x82: {  	_ =	shalt  }
0x83: {  	_ =	shalt  }
0x84: {  	_ =	shalt  }
0x85: {  	_ =	shalt  }
0x86: {  	_ =	shalt  }
0x87: {  	_ =	shalt  }
.Lfunc_end0:
.L_simem_size_0:
called_computation.2_lowered:
.L_overlay_start_0:
0x88: {  	s2 =	sld [smem:$0x3FD9]  }
0x89: {  	s3 =	sld [smem:$0x3FFE];
	_ =	sdelay $0x1  }
0x8a: {  	s1 =	srdreg.scid  }
0x8b: {  	s0 =	sand.u32 $0x1, s1  }
0x8c: {  	s17 =	sshll.u32 s0, $0xA;
	s2 =	sadd.s32 s3, s2  }
0x8d: {  	s2 =	sadd.s32 s2, s17  }
0x8e: {  	[smem:$0x3FBA] =	sst s2  }
0x8f: {  	_ = 	snop  }
0x90: {  	(tm) =	ssettm $0x1  }
0x91: {  	s18 =	sld [smem:$0x3FFB];
	_ =	sdelay $0x3  }
0x92: {  	_ =	strace s18  }
0x93: {  	s2 =	sld [smem:$0x3FFC];
	_ =	sdelay $0x3  }
0x94: {  	_ =	strace s2  }
0x95: {  	s2 =	sld [smem:$0x3FFD];
	_ =	sdelay $0x3  }
0x96: {  	_ =	strace s2  }
0x97: {  	_ =	strace $0x8FFFFFFF  }
0x98: {  	s19 =	sld [smem:$0x3FDB];
	_ =	sdelay $0x1  }
0x99: {  	s20 =	simm.s32 $_scs_section_size  }
0x9a: {  	s4 =	simm.s32 $_size__tile_overlayer_lowered;
	s5 =	simm.s32 $_tile_overlayer_lowered  }
0x9b: {  	s6 =	simm.s32 $0x1BFF;
	s21 =	sshll.u32 s5, $0x1;
	s3 =	sadd.s32 s20, s19  }
0x9c: {  	s22 =	simm.s32 $0x0;
	s4 =	sshll.u32 s4, $0x1;
	s5 =	sadd.s32 s21, s3  }
0x9d: {  	[timem:s22], [sflag:s6] =	dma.local [hbm:s5], s4  }
0x9e: {  	_ =	swait.ge [sflag:s6], s4  }
0x9f: {  	s4 =	ssub.s32 $0x0, s4;
	[sflag:s6] =	ssyncset.done $0x0  }
0xa0: {  	[sflag:s6] =	ssyncadd.s32 s4;
	_ =	sdelay $0x1  }
0xa1: {  	s23 =	simm.s32 $0x1B8B  }
0xa2: {  	_ =	swait.ge [sflag:s23], $0x1  }
0xa3: {  	[sflag:s23] =	ssyncset.done $0x0  }
0xa4: {  	[sflag:s23] =	ssyncadd.s32 $0xFFFFFFFF  }
0xa5: {  	s4 =	sld [smem:$0x0]  }
0xa6: {  	s5 =	sand.u32 $0xFFFFFFFE, s1  }
0xa7: {  	p0 =	sne.s32 s1, s5  }
0xa8: {  	s5 =	sshll.u32 @p0 s5, $0xE  }
0xa9: {  	s5 =	sadd.s32 @p0 $0x11B8D, s5;
	s6 =	sshll.u32 @p0 s4, $0x11  }
0xaa: {  	s5 =	sor.u32 @p0 s6, s5  }
0xab: {  	[sflag:s5] =	ssyncadd.remote.s32 @p0 $0x1;
	_ =	sdelay $0x1  }
0xac: {  	s5 =	simm.s32 @p0 $0x1B8D  }
0xad: {  	_ =	swait.eq @p0 [sflag:s5], $0x1  }
0xae: {  	[sflag:s5] =	ssyncadd.s32 @p0 $0xFFFFFFFF  }
0xaf: {  	s6 =	sshll.u32 @!p0 s1, $0xE  }
0xb0: {  	s6 =	sor.u32 @!p0 $0x4000, s6;
	s5 =	simm.s32 @!p0 $0x1B8D  }
0xb1: {  	s4 =	sshll.u32 @!p0 s4, $0x11;
	s6 =	sadd.s32 @!p0 $0x11B8D, s6;
	_ =	swait.eq @!p0 [sflag:s5], $0x1  }
0xb2: {  	s4 =	sor.u32 @!p0 s4, s6;
	[sflag:s5] =	ssyncadd.s32 @!p0 $0xFFFFFFFF  }
0xb3: {  	s25 =	simm.s32 $0x1B8E;
	s24 =	sld [smem:$0x3FFE];
	[sflag:s4] =	ssyncadd.remote.s32 @!p0 $0x1  }
0xb4: {  	s26 =	simm.s32 $execute0_lowered;
	[smem:$0x3FD2] =	sst s25  }
0xb5: {  	s5 =	sshll.u32 s26, $0x1;
	_ =	strace $0x8000004C;
	[dreg:$0x1] =	wrdreg $0xFFFFFFFF  }
0xb6: {  	s28 =	simm.s32 $_size_execute0_lowered;
	s3 =	sadd.s32 s3, s5;
	[dreg:$0x0] =	wrdreg $0x0  }
0xb7: {  	s5 =	sshll.u32 s28, $0x1;
	[dreg:$0x2] =	wrdreg s3  }
0xb8: {  	[dreg:$0x3] =	wrdreg s5  }
0xb9: {  	[dreg:$0x4] =	wrdreg $0xC0  }
0xba: {  	_ =	task [dreg:s22], $0x5FFFF  }
0xbb: {  	[dreg:$0x1] =	wrdreg $0xFFFFFFFF  }
0xbc: {  	[dreg:$0x0] =	wrdreg $0x60  }
0xbd: {  	[dreg:$0x2] =	wrdreg s24  }
0xbe: {  	[dreg:$0x3] =	wrdreg $0xB  }
0xbf: {  	_ =	task.clear_ibuf [dreg:s22], $0x4FFFF;
	_ =	strace $0x9000004C  }
0xc0: {  	s29 =	simm.s32 $0xB;
	_ =	strace $0x8000004E  }
0xc1: {  	_ =	swait.ge [sflag:s29], $0x1  }
0xc2: {  	[sflag:s29] =	ssyncadd.s32 $0xFFFFFFFF  }
0xc3: {  	_ =	strace $0x9000004E  }
0xc4: {  	_ =	sfence  }
0xc5: {  	s30 =	sld [smem:$0x0];
	_ =	sdelay $0x2  }
0xc6: {  	s31 =	sshll.u32 s1, $0xD;
	s1 =	sshrl.u32 s1, $0x2  }
0xc7: {  	s4 =	sand.u32 $0x4000, s31;
	s1 =	sadd.s32 s1, s30  }
0xc8: {  	s0 =	sor.u32 s4, s0;
	s1 =	sshll.u32 s1, $0x11  }
0xc9: {  	s0 =	sor.u32 s1, s0  }
0xca: {  	s0 =	sadd.s32 $0x8F2B, s0  }
0xcb: {  	[sflag:s0] =	ssyncadd.remote.s32 $0x1  }
0xcc: {  	_ =	sfence.sel $0xFFFF  }
0xcd: {  	[dreg:$0x0] =	wrdreg $0xFFFFFFFF;
	(pc) =	sbr.abs _section_cstart, $3  }
0xce: {  	[dreg:$0x1] =	wrdreg $0xFFFFFFFF  }
0xcf: {  	_ =	task.clear_ibuf [dreg:s22], $0x2FFFF;
	_ =	strace $0x9FFFFFFF  }
0xd0: {  	(tm) =	ssettm $0x7FFFFFFF  }
0xd1: {  	_ =	shalt  }
tec
execute0_lowered:
.L_overlay_start_1:
0x0: {  	(tag) =	ssettag $0x1  }
0x1: {  	s0 =	rddreg [dreg:$0x0];
	s2 =	simm.s32 $0x0;
	s1 =	srdreg.scid  }
0x2: {  	s3 =	stileid.u32;
	s13 =	simm.s32 $0x7;
	s14 =	simm.s32 $0x100  }
0x3: {  	s15 =	simm.s32 $0x80;
	s16 =	simm.s32 $0x200;
	s17 =	simm.s32 $0x180  }
0x4: {  	s18 =	simm.s32 $0x4200;
	s19 =	simm.s32 $0x1;
	s20 =	simm.s32 $0x2  }
0x5: {  	s21 =	simm.s32 $0x3;
	s22 =	simm.s32 $0x8200;
	s23 =	simm.s32 $0x4  }
0x6: {  	s24 =	simm.s32 $0xC200;
	s25 =	simm.s32 $0x5;
	s28 =	simm.s32 $0x40  }
0x7: {  	s29 =	simm.s32 $0x0;
	s1 =	sand.u32 $0x1, s1;
	s4 =	sshll.u32 s3, $0x1  }
0x8: {  	[smem:$0x7FF] =	sst s2;
	s3 =	sadd.s32 $0x10000, s0;
	s8 =	sor.u32 s1, s4  }
0x9: {  	s5 =	sadd.s32 $0x3800, s0;
	s7 =	sadd.s32 $0x9C00, s0;
	s6 =	smul.u32 $0x640, s8  }
0xa: {  	_ =	strace $0x8000004D;
	s4 =	sadd.s32 $0x196A00, s0;
	s1 =	ssub.s32 $0x2, s1  }
0xb: {  	s9 =	smul.u32 $0x32000, s8;
	s26 =	sshrl.u32 s1, $0x1;
	s10 =	sshrl.u32 s6, $0x3  }
0xc: {  	s8 =	sadd.s32 $0x345E00, s0;
	s0 =	ssub.s32 s1, s26;
	s30 =	sadd.s32 $0x32C0, s10  }
0xd: {  	s26 =	simm.s32 $0x6;
	s9 =	sshrl.u32 s9, $0x3;
	s10 =	sadd.s32 s5, s30  }
0xe: {  	s31 =	sadd.s32 s8, s9;
	s1 =	sadd.s32 s7, s30;
	[dreg:$0x2] =	wrdreg s10  }
0xf: {  	s12 =	smax.u32 s0, $0x1;
	s11 =	sadd.s32 $0x6000, s31;
	[dreg:$0x3] =	wrdreg s1  }
.LBB2_1:
0x10: {  	s30 =	simm.s32 $0x0  }
.LBB2_2:
0x11: {  	s1 =	sshll.u32 s30, $0x8  }
0x12: {  	s0 =	sadd.s32 s6, s1  }
0x13: {  	s9 =	sshrl.u32 s0, $0x3  }
0x14: {  	s9 =	sadd.s32 $0x3200, s9  }
0x15: {  	s10 =	sadd.s32 s5, s9  }
0x16: {  	[tilespmem:s2], [sflag:$0x7] =	stream.linear.gather [hbm4b:s10+s2], $0x80, $0x38;
	[tilespmem:$0x10200] =	vst v63  }
0x17: {  	_ =	swait.ge [sflag:s13], $0x80  }
0x18: {  	[sflag:s13] =	ssyncset.done $0x0  }
0x19: {  	s9 =	sadd.s32 s7, s9;
	[sflag:s13] =	ssyncadd.s32 $0xFFFFFF80  }
0x1a: {  	[tilespmem:s14], [sflag:$0x7] =	stream.linear.gather [hbm4b:s9+s2], $0x80, $0x38;
	[tilespmem:$0x10200] =	vst v63  }
0x1b: {  	_ =	swait.ge [sflag:s13], $0x80  }
0x1c: {  	p0 =	seq.s32 s30, $0x0;
	[sflag:s13] =	ssyncset.done $0x0  }
0x1d: {  	s1 =	sadd.s32 s1, s6;
	s9 =	simm.s32 @!p0 $0x5;
	[sflag:s13] =	ssyncadd.s32 $0xFFFFFF80  }
0x1e: {  	s31 =	sadd.s32 $0x80, s1;
	_ =	swait.ge @!p0 [sflag:s9], $0x4000  }
0x1f: {  	s1 =	sshrl.u32 s31, $0x3;
	[sflag:s9] =	ssyncset.done @!p0 $0x0  }
0x20: {  	s1 =	sadd.s32 $0x3200, s1;
	[sflag:s9] =	ssyncadd.s32 @!p0 $0xFFFFC000  }
0x21: {  	[tilespmem:s16], [sflag:$0x1] =	stream.indirect.gather [hbm4b:s3+s15], $0x80, s2, s15, $0xb8;
	[tilespmem:$0x10200] =	vst v63  }
0x22: {  	s10 =	sadd.s32 s5, s1  }
0x23: {  	[tilespmem:s15], [sflag:$0x7] =	stream.linear.gather [hbm4b:s10+s2], $0x80, $0x38;
	[tilespmem:$0x10200] =	vst v63  }
0x24: {  	_ =	swait.ge [sflag:s13], $0x80  }
0x25: {  	[sflag:s13] =	ssyncset.done $0x0  }
0x26: {  	s1 =	sadd.s32 s7, s1;
	[sflag:s13] =	ssyncadd.s32 $0xFFFFFF80  }
0x27: {  	[tilespmem:s17], [sflag:$0x7] =	stream.linear.gather [hbm4b:s1+s2], $0x80, $0x38;
	[tilespmem:$0x10200] =	vst v63  }
0x28: {  	_ =	swait.ge [sflag:s13], $0x80  }
0x29: {  	[sflag:s13] =	ssyncset.done $0x0  }
0x2a: {  	s1 =	simm.s32 @!p0 $0x6;
	[sflag:s13] =	ssyncadd.s32 $0xFFFFFF80  }
0x2b: {  	_ =	swait.ge @!p0 [sflag:s1], $0x4000  }
0x2c: {  	[sflag:s1] =	ssyncset.done @!p0 $0x0  }
0x2d: {  	[sflag:s1] =	ssyncadd.s32 @!p0 $0xFFFFC000  }
0x2e: {  	[tilespmem:s18], [sflag:$0x2] =	stream.indirect.gather [hbm4b:s3+s15], $0x80, s15, s15, $0xb8;
	[tilespmem:$0x10200] =	vst v63  }
0x2f: {  	_ =	swait.ge [sflag:s19], $0x4000  }
0x30: {  	[sflag:s19] =	ssyncset.done $0x0  }
0x31: {  	[sflag:s19] =	ssyncadd.s32 $0xFFFFC000  }
0x32: {  	[tilespmem:s16], [sflag:$0x3] =	stream.indirect.gather.add.f32 [hbm:s4], $0x80, s14, s15, $0xb8;
	[tilespmem:$0x10200] =	vst v63  }
0x33: {  	_ =	swait.ge [sflag:s20], $0x4000  }
0x34: {  	[sflag:s20] =	ssyncset.done $0x0  }
0x35: {  	[sflag:s20] =	ssyncadd.s32 $0xFFFFC000  }
0x36: {  	[tilespmem:s18], [sflag:$0x4] =	stream.indirect.gather.add.f32 [hbm:s4], $0x80, s17, s15, $0xb8;
	[tilespmem:$0x10200] =	vst v63  }
0x37: {  	_ =	swait.ge [sflag:s21], $0x4000  }
0x38: {  	[sflag:s21] =	ssyncset.done $0x0  }
0x39: {  	s1 =	simm.s32 $0x0;
	[sflag:s21] =	ssyncadd.s32 $0xFFFFC000  }
0x3a: {  	v0 =	vld [tilespmem:s1+$0x230]  }
0x3b: {  	v1 =	vld [tilespmem:s1+$0x270]  }
0x3c: {  	v2 =	vld [tilespmem:s1+$0x200]  }
0x3d: {  	v3 =	vld [tilespmem:s1+$0x240]  }
0x3e: {  	v6 =	vld [tilespmem:s1+$0x220];
	_ =	sdelay $0x2  }
0x3f: {  	v4 =	vld [tilespmem:s1+$0x210]  }
0x40: {  	v5 =	vld [tilespmem:s1+$0x250];
	v7 =	vshrl.u32 v0, $0x10;
	v8 =	vshrl.u32 v1, $0x10  }
0x41: {  	v10 =	vld [tilespmem:s1+$0x260];
	v9 =	vshrl.u32 v2, $0x10;
	v11 =	vshrl.u32 v3, $0x10;
	v12 =	vshrl.u32 v6, $0x10  }
0x42: {  	v7 =	vand.u32 $0x1, v7;
	v8 =	vand.u32 $0x1, v8;
	v9 =	vand.u32 $0x1, v9  }
0x43: {  	v11 =	vand.u32 $0x1, v11;
	v0 =	vadd.s32 v7, v0;
	v1 =	vadd.s32 v8, v1  }
0x44: {  	v12 =	vand.u32 $0x1, v12;
	v0 =	vadd.s32 $0x7FFF, v0;
	v1 =	vadd.s32 $0x7FFF, v1  }
0x45: {  	v7 =	vshrl.u32 v4, $0x10;
	v0 =	vshrl.u32 v0, $0x10;
	v1 =	vand.u32 $0xFFFF0000, v1  }
0x46: {  	v8 =	vshrl.u32 v5, $0x10;
	v0 =	vor.u32 v0, v1;
	v1 =	vshrl.u32 v10, $0x10  }
0x47: {  	v7 =	vand.u32 $0x1, v7;
	v8 =	vand.u32 $0x1, v8;
	v13 =	vand.u32 $0x1, v1  }
0x48: {  	s9 =	simm.s32 $0x80;
	[tilespmem:s1+$0x8230] =	vst v0;
	v1 =	vadd.s32 v9, v2;
	v2 =	vadd.s32 v11, v3;
	v3 =	vadd.s32 v7, v4  }
0x49: {  	s10 =	simm.s32 $0x400;
	v4 =	vadd.s32 v8, v5;
	v5 =	vadd.s32 v12, v6;
	v0 =	vld [tilespmem:s9+$0x230];
	v6 =	vadd.s32 v13, v10  }
.LBB2_3:
0x4a: {  	p0 =	sne.s32 s10, $0xFE00;
	v7 =	vld [tilespmem:s9+$0x270];
	v1 =	vadd.s32 $0x7FFF, v1;
	v2 =	vadd.s32 $0x7FFF, v2;
	v3 =	vadd.s32 $0x7FFF, v3  }
0x4b: {  	v4 =	vadd.s32 $0x7FFF, v4;
	v5 =	vadd.s32 $0x7FFF, v5;
	v6 =	vadd.s32 $0x7FFF, v6;
	v8 =	vld [tilespmem:s9+$0x200]  }
0x4c: {  	v1 =	vshrl.u32 v1, $0x10;
	v2 =	vand.u32 $0xFFFF0000, v2;
	v3 =	vshrl.u32 v3, $0x10;
	v9 =	vld [tilespmem:s9+$0x240]  }
0x4d: {  	v4 =	vand.u32 $0xFFFF0000, v4;
	v5 =	vshrl.u32 v5, $0x10;
	v6 =	vand.u32 $0xFFFF0000, v6;
	v10 =	vld [tilespmem:s9+$0x210]  }
0x4e: {  	v1 =	vor.u32 v1, v2;
	v2 =	vor.u32 v3, v4;
	v3 =	vor.u32 v5, v6;
	v11 =	vld [tilespmem:s9+$0x250]  }
0x4f: {  	v4 =	vshrl.u32 v0, $0x10;
	v5 =	vld [tilespmem:s9+$0x220];
	v6 =	vshrl.u32 v7, $0x10;
	[tilespmem:s1+$0x8200] =	vst v1  }
0x50: {  	v4 =	vand.u32 $0x1, v4;
	v1 =	vshrl.u32 v8, $0x10;
	v12 =	vld [tilespmem:s9+$0x260];
	v6 =	vand.u32 $0x1, v6;
	[tilespmem:s1+$0x8210] =	vst v2  }
0x51: {  	v0 =	vadd.s32 v4, v0;
	v2 =	vshrl.u32 v9, $0x10;
	v4 =	vadd.s32 v6, v7;
	[tilespmem:s1+$0x8220] =	vst v3;
	s1 =	smov.u32 s9  }
0x52: {  	v0 =	vadd.s32 $0x7FFF, v0;
	v3 =	vshrl.u32 v10, $0x10;
	v4 =	vadd.s32 $0x7FFF, v4  }
0x53: {  	v0 =	vshrl.u32 v0, $0x10;
	v6 =	vshrl.u32 v11, $0x10;
	v4 =	vand.u32 $0xFFFF0000, v4  }
.Ltmp0:
0x54: {  	v1 =	vand.u32 $0x1, v1;
	v7 =	vshrl.u32 v5, $0x10;
	v0 =	vor.u32 v0, v4;
	(pc) =	sbr.rel @p0 .LBB2_3-.Ltmp0, $4  }
0x55: {  	v2 =	vand.u32 $0x1, v2;
	v3 =	vand.u32 $0x1, v3;
	v4 =	vshrl.u32 v12, $0x10;
	[tilespmem:s1+$0x8230] =	vst v0  }
0x56: {  	v6 =	vand.u32 $0x1, v6;
	v7 =	vand.u32 $0x1, v7;
	v13 =	vand.u32 $0x1, v4  }
0x57: {  	s9 =	sshra.s32 s10, $0x2;
	v1 =	vadd.s32 v1, v8;
	v2 =	vadd.s32 v2, v9;
	v3 =	vadd.s32 v3, v10  }
0x58: {  	s10 =	sadd.s32 $0x200, s10;
	v4 =	vadd.s32 v6, v11;
	v5 =	vadd.s32 v7, v5;
	v6 =	vadd.s32 v13, v12;
	v0 =	vld [tilespmem:s9+$0x230]  }
0x59: {  	v7 =	vld [tilespmem:s9+$0x270];
	v1 =	vadd.s32 $0x7FFF, v1;
	v2 =	vadd.s32 $0x7FFF, v2  }
0x5a: {  	v3 =	vadd.s32 $0x7FFF, v3;
	v8 =	vld [tilespmem:s9+$0x200];
	v4 =	vadd.s32 $0x7FFF, v4;
	v5 =	vadd.s32 $0x7FFF, v5  }
0x5b: {  	v6 =	vadd.s32 $0x7FFF, v6;
	v9 =	vld [tilespmem:s9+$0x240];
	v1 =	vshrl.u32 v1, $0x10;
	v2 =	vand.u32 $0xFFFF0000, v2  }
0x5c: {  	v10 =	vld [tilespmem:s9+$0x210];
	v3 =	vshrl.u32 v3, $0x10;
	v4 =	vand.u32 $0xFFFF0000, v4;
	v5 =	vshrl.u32 v5, $0x10  }
0x5d: {  	v6 =	vand.u32 $0xFFFF0000, v6;
	v1 =	vor.u32 v1, v2;
	v2 =	vor.u32 v3, v4;
	v3 =	vld [tilespmem:s9+$0x220]  }
0x5e: {  	v5 =	vor.u32 v5, v6;
	v4 =	vshrl.u32 v0, $0x10  }
0x5f: {  	v11 =	vld [tilespmem:s9+$0x250];
	[tilespmem:s1+$0x8200] =	vst v1;
	v12 =	vshrl.u32 v7, $0x10;
	v1 =	vand.u32 $0x1, v4;
	v6 =	vshrl.u32 v8, $0x10  }
0x60: {  	v58 =	vld [tilespmem:s9+$0x260];
	v4 =	vand.u32 $0x1, v12;
	v0 =	vadd.s32 v1, v0;
	v6 =	vand.u32 $0x1, v6  }
0x61: {  	v1 =	vadd.s32 v4, v7;
	v4 =	vshrl.u32 v9, $0x10;
	v0 =	vadd.s32 $0x7FFF, v0  }
0x62: {  	v7 =	vshrl.u32 v10, $0x10;
	v6 =	vadd.s32 v6, v8;
	v8 =	vshrl.u32 v3, $0x10  }
0x63: {  	v1 =	vadd.s32 $0x7FFF, v1;
	v0 =	vshrl.u32 v0, $0x10;
	v4 =	vand.u32 $0x1, v4  }
0x64: {  	v7 =	vand.u32 $0x1, v7;
	v8 =	vand.u32 $0x1, v8;
	v6 =	vadd.s32 $0x7FFF, v6  }
0x65: {  	v1 =	vand.u32 $0xFFFF0000, v1;
	v4 =	vadd.s32 v4, v9;
	v59 =	vshrl.u32 v58, $0x10  }
0x66: {  	v7 =	vadd.s32 v7, v10;
	v3 =	vadd.s32 v8, v3;
	v6 =	vshrl.u32 v6, $0x10  }
0x67: {  	v0 =	vor.u32 v0, v1;
	v1 =	vshrl.u32 v11, $0x10;
	v9 =	vand.u32 $0x1, v59  }
0x68: {  	[tilespmem:s1+$0x8210] =	vst v2;
	v4 =	vadd.s32 $0x7FFF, v4;
	v2 =	vadd.s32 $0x7FFF, v7;
	v1 =	vand.u32 $0x1, v1  }
0x69: {  	[tilespmem:s1+$0x8220] =	vst v5;
	v3 =	vadd.s32 $0x7FFF, v3;
	v8 =	vadd.s32 v9, v58;
	v1 =	vadd.s32 v1, v11  }
0x6a: {  	v4 =	vand.u32 $0xFFFF0000, v4;
	[tilespmem:s9+$0x8230] =	vst v0;
	v0 =	vshrl.u32 v2, $0x10;
	v1 =	vadd.s32 $0x7FFF, v1  }
0x6b: {  	v5 =	vadd.s32 $0x7FFF, v8;
	v2 =	vor.u32 v6, v4;
	v1 =	vand.u32 $0xFFFF0000, v1  }
0x6c: {  	v3 =	vshrl.u32 v3, $0x10;
	v4 =	vand.u32 $0xFFFF0000, v5;
	[tilespmem:s9+$0x8200] =	vst v2;
	v0 =	vor.u32 v0, v1  }
0x6d: {  	s0 =	sshll.u32 s0, $0x4;
	v1 =	vor.u32 v3, v4;
	[tilespmem:s9+$0x8210] =	vst v0  }
0x6e: {  	s10 =	simm.s32 $0x0;
	s0 =	sadd.s32 s8, s0;
	[tilespmem:s9+$0x8220] =	vst v1  }
0x6f: {  	[hbm4b:s0+s10] =	stream.linear.scatter [tilespmem:s22], [sflag:$0x5], $0x4000, $0x38;
	[tilespmem:$0x10200] =	vst v63  }
0x70: {  	_ =	swait.ge [sflag:s23], $0x4000  }
0x71: {  	[sflag:s23] =	ssyncset.done $0x0  }
0x72: {  	s0 =	simm.s32 $0x0;
	[sflag:s23] =	ssyncadd.s32 $0xFFFFC000  }
0x73: {  	v0 =	vld [tilespmem:s0+$0x4230]  }
0x74: {  	v1 =	vld [tilespmem:s0+$0x4270]  }
0x75: {  	v2 =	vld [tilespmem:s0+$0x4200]  }
0x76: {  	v3 =	vld [tilespmem:s0+$0x4240]  }
0x77: {  	v6 =	vld [tilespmem:s0+$0x4220];
	_ =	sdelay $0x2  }
0x78: {  	v4 =	vld [tilespmem:s0+$0x4210]  }
0x79: {  	v5 =	vld [tilespmem:s0+$0x4250];
	v7 =	vshrl.u32 v0, $0x10;
	v8 =	vshrl.u32 v1, $0x10  }
0x7a: {  	v61 =	vld [tilespmem:s0+$0x4260];
	v60 =	vshrl.u32 v2, $0x10;
	v62 =	vshrl.u32 v3, $0x10;
	v63 =	vshrl.u32 v6, $0x10  }
0x7b: {  	v7 =	vand.u32 $0x1, v7;
	v8 =	vand.u32 $0x1, v8;
	v9 =	vand.u32 $0x1, v60  }
0x7c: {  	v11 =	vand.u32 $0x1, v62;
	v0 =	vadd.s32 v7, v0;
	v1 =	vadd.s32 v8, v1  }
0x7d: {  	v12 =	vand.u32 $0x1, v63;
	v0 =	vadd.s32 $0x7FFF, v0;
	v1 =	vadd.s32 $0x7FFF, v1  }
0x7e: {  	v7 =	vshrl.u32 v4, $0x10;
	v0 =	vshrl.u32 v0, $0x10;
	v1 =	vand.u32 $0xFFFF0000, v1  }
0x7f: {  	v8 =	vshrl.u32 v5, $0x10;
	v0 =	vor.u32 v0, v1;
	v1 =	vshrl.u32 v61, $0x10  }
0x80: {  	v7 =	vand.u32 $0x1, v7;
	v8 =	vand.u32 $0x1, v8;
	v13 =	vand.u32 $0x1, v1  }
0x81: {  	s1 =	simm.s32 $0x80;
	[tilespmem:s0+$0xC230] =	vst v0;
	v1 =	vadd.s32 v9, v2;
	v2 =	vadd.s32 v11, v3;
	v3 =	vadd.s32 v7, v4  }
0x82: {  	s9 =	simm.s32 $0x400;
	v4 =	vadd.s32 v8, v5;
	v5 =	vadd.s32 v12, v6;
	v0 =	vld [tilespmem:s1+$0x4230];
	v6 =	vadd.s32 v13, v61  }
.LBB2_5:
0x83: {  	p0 =	sne.s32 s9, $0xFE00;
	v7 =	vld [tilespmem:s1+$0x4270];
	v1 =	vadd.s32 $0x7FFF, v1;
	v2 =	vadd.s32 $0x7FFF, v2;
	v3 =	vadd.s32 $0x7FFF, v3  }
0x84: {  	v4 =	vadd.s32 $0x7FFF, v4;
	v5 =	vadd.s32 $0x7FFF, v5;
	v6 =	vadd.s32 $0x7FFF, v6;
	v8 =	vld [tilespmem:s1+$0x4200]  }
0x85: {  	v1 =	vshrl.u32 v1, $0x10;
	v2 =	vand.u32 $0xFFFF0000, v2;
	v3 =	vshrl.u32 v3, $0x10;
	v9 =	vld [tilespmem:s1+$0x4240]  }
0x86: {  	v4 =	vand.u32 $0xFFFF0000, v4;
	v5 =	vshrl.u32 v5, $0x10;
	v6 =	vand.u32 $0xFFFF0000, v6;
	v10 =	vld [tilespmem:s1+$0x4210]  }
0x87: {  	v1 =	vor.u32 v1, v2;
	v2 =	vor.u32 v3, v4;
	v3 =	vor.u32 v5, v6;
	v11 =	vld [tilespmem:s1+$0x4250]  }
0x88: {  	v4 =	vshrl.u32 v0, $0x10;
	v5 =	vld [tilespmem:s1+$0x4220];
	v6 =	vshrl.u32 v7, $0x10;
	[tilespmem:s0+$0xC200] =	vst v1  }
0x89: {  	v4 =	vand.u32 $0x1, v4;
	v1 =	vshrl.u32 v8, $0x10;
	v12 =	vld [tilespmem:s1+$0x4260];
	v6 =	vand.u32 $0x1, v6;
	[tilespmem:s0+$0xC210] =	vst v2  }
0x8a: {  	v0 =	vadd.s32 v4, v0;
	v2 =	vshrl.u32 v9, $0x10;
	v4 =	vadd.s32 v6, v7;
	[tilespmem:s0+$0xC220] =	vst v3;
	s0 =	smov.u32 s1  }
0x8b: {  	v0 =	vadd.s32 $0x7FFF, v0;
	v3 =	vshrl.u32 v10, $0x10;
	v4 =	vadd.s32 $0x7FFF, v4  }
0x8c: {  	v0 =	vshrl.u32 v0, $0x10;
	v6 =	vshrl.u32 v11, $0x10;
	v4 =	vand.u32 $0xFFFF0000, v4  }
.Ltmp1:
0x8d: {  	v1 =	vand.u32 $0x1, v1;
	v7 =	vshrl.u32 v5, $0x10;
	v0 =	vor.u32 v0, v4;
	(pc) =	sbr.rel @p0 .LBB2_5-.Ltmp1, $4  }
0x8e: {  	v2 =	vand.u32 $0x1, v2;
	v3 =	vand.u32 $0x1, v3;
	v4 =	vshrl.u32 v12, $0x10;
	[tilespmem:s0+$0xC230] =	vst v0  }
0x8f: {  	v6 =	vand.u32 $0x1, v6;
	v7 =	vand.u32 $0x1, v7;
	v13 =	vand.u32 $0x1, v4  }
0x90: {  	s1 =	sshra.s32 s9, $0x2;
	v1 =	vadd.s32 v1, v8;
	v2 =	vadd.s32 v2, v9;
	v3 =	vadd.s32 v3, v10  }
0x91: {  	s9 =	sadd.s32 $0x200, s9;
	v4 =	vadd.s32 v6, v11;
	v5 =	vadd.s32 v7, v5;
	v6 =	vadd.s32 v13, v12;
	v0 =	vld [tilespmem:s1+$0x4230]  }
0x92: {  	v7 =	vld [tilespmem:s1+$0x4270]  }
0x93: {  	v8 =	vld [tilespmem:s1+$0x4200]  }
0x94: {  	v1 =	vadd.s32 $0x7FFF, v1;
	v9 =	vld [tilespmem:s1+$0x4240]  }
0x95: {  	v2 =	vadd.s32 $0x7FFF, v2;
	v3 =	vadd.s32 $0x7FFF, v3;
	v4 =	vadd.s32 $0x7FFF, v4;
	v10 =	vld [tilespmem:s1+$0x4210]  }
0x96: {  	v5 =	vadd.s32 $0x7FFF, v5;
	v6 =	vadd.s32 $0x7FFF, v6;
	v11 =	vld [tilespmem:s1+$0x4250];
	v1 =	vshrl.u32 v1, $0x10  }
0x97: {  	v44 =	vld [tilespmem:s1+$0x4220];
	v2 =	vand.u32 $0xFFFF0000, v2;
	v3 =	vshrl.u32 v3, $0x10;
	v4 =	vand.u32 $0xFFFF0000, v4  }
0x98: {  	v5 =	vshrl.u32 v5, $0x10;
	v6 =	vand.u32 $0xFFFF0000, v6;
	v1 =	vor.u32 v1, v2  }
0x99: {  	v43 =	vor.u32 v3, v4;
	v5 =	vor.u32 v5, v6;
	v45 =	vshrl.u32 v0, $0x10  }
0x9a: {  	v12 =	vshrl.u32 v7, $0x10;
	v46 =	vand.u32 $0x1, v45;
	v48 =	vshrl.u32 v8, $0x10  }
0x9b: {  	v52 =	vshrl.u32 v9, $0x10;
	v53 =	vshrl.u32 v10, $0x10;
	v54 =	vshrl.u32 v11, $0x10  }
0x9c: {  	[tilespmem:s0+$0xC200] =	vst v1;
	v55 =	vshrl.u32 v44, $0x10;
	v47 =	vand.u32 $0x1, v12;
	v50 =	vadd.s32 v46, v0  }
0x9d: {  	v49 =	vld [tilespmem:s1+$0x4260];
	v6 =	vand.u32 $0x1, v48;
	v4 =	vand.u32 $0x1, v52;
	v51 =	vadd.s32 v47, v7  }
0x9e: {  	v0 =	vadd.s32 $0x7FFF, v50;
	v6 =	vadd.s32 v6, v8;
	v7 =	vand.u32 $0x1, v53  }
0x9f: {  	v4 =	vadd.s32 v4, v9;
	v8 =	vand.u32 $0x1, v55;
	v1 =	vadd.s32 $0x7FFF, v51  }
0xa0: {  	v0 =	vshrl.u32 v0, $0x10;
	v7 =	vadd.s32 v7, v10;
	v3 =	vadd.s32 v8, v44  }
0xa1: {  	v6 =	vadd.s32 $0x7FFF, v6;
	v4 =	vadd.s32 $0x7FFF, v4;
	v1 =	vand.u32 $0xFFFF0000, v1  }
0xa2: {  	v56 =	vshrl.u32 v49, $0x10;
	v58 =	vadd.s32 $0x7FFF, v7;
	v3 =	vadd.s32 $0x7FFF, v3  }
0xa3: {  	v6 =	vshrl.u32 v6, $0x10;
	v0 =	vor.u32 v0, v1;
	v1 =	vand.u32 $0x1, v54  }
0xa4: {  	s30 =	sadd.s32 $0x1, s30;
	[tilespmem:s0+$0xC210] =	vst v43;
	v4 =	vand.u32 $0xFFFF0000, v4;
	v9 =	vand.u32 $0x1, v56;
	v1 =	vadd.s32 v1, v11  }
0xa5: {  	p0 =	sne.s32 s30, $0x6;
	[tilespmem:s0+$0xC220] =	vst v5;
	v60 =	vshrl.u32 v58, $0x10;
	v57 =	vadd.s32 v9, v49;
	v1 =	vadd.s32 $0x7FFF, v1  }
.Ltmp2:
0xa6: {  	v61 =	vor.u32 v6, v4;
	[tilespmem:s1+$0xC230] =	vst v0;
	v59 =	vadd.s32 $0x7FFF, v57;
	v1 =	vand.u32 $0xFFFF0000, v1;
	(pc) =	sbr.rel @p0 .LBB2_2-.Ltmp2, $4  }
0xa7: {  	v3 =	vshrl.u32 v3, $0x10;
	[tilespmem:s1+$0xC200] =	vst v61;
	v62 =	vand.u32 $0xFFFF0000, v59;
	v0 =	vor.u32 v60, v1  }
0xa8: {  	s31 =	sshll.u32 s31, $0x4;
	v63 =	vor.u32 v3, v62;
	[tilespmem:s1+$0xC210] =	vst v0  }
0xa9: {  	s0 =	sadd.s32 s8, s31;
	[tilespmem:s1+$0xC220] =	vst v63  }
0xaa: {  	[hbm4b:s0+s2] =	stream.linear.scatter [tilespmem:s24], [sflag:$0x6], $0x4000, $0x38;
	[tilespmem:$0x10200] =	vst v63  }
0xab: {  	_ =	swait.ge [sflag:s25], $0x4000  }
0xac: {  	[sflag:s25] =	ssyncset.done $0x0  }
0xad: {  	[sflag:s25] =	ssyncadd.s32 $0xFFFFC000  }
0xae: {  	_ =	swait.ge [sflag:s26], $0x4000  }
0xaf: {  	[sflag:s26] =	ssyncset.done $0x0  }
0xb0: {  	s0 =	simm.s32 $0x0;
	s1 =	rddreg [dreg:$0x2];
	[sflag:s26] =	ssyncadd.s32 $0xFFFFC000  }
0xb1: {  	[tilespmem:s0], [sflag:$0x7] =	stream.linear.gather [hbm4b:s1+s0], $0x40, $0x38;
	[tilespmem:$0x10200] =	vst v63  }
0xb2: {  	_ =	swait.ge [sflag:s13], $0x40  }
0xb3: {  	[sflag:s13] =	ssyncset.done $0x0  }
0xb4: {  	s31 =	rddreg [dreg:$0x3];
	[sflag:s13] =	ssyncadd.s32 $0xFFFFFFC0  }
0xb5: {  	[tilespmem:s14], [sflag:$0x7] =	stream.linear.gather [hbm4b:s31+s0], $0x40, $0x38;
	[tilespmem:$0x10200] =	vst v63  }
0xb6: {  	_ =	swait.ge [sflag:s13], $0x40  }
0xb7: {  	[sflag:s13] =	ssyncset.done $0x0  }
0xb8: {  	[sflag:s13] =	ssyncadd.s32 $0xFFFFFFC0  }
0xb9: {  	[tilespmem:s16], [sflag:$0x1] =	stream.indirect.gather [hbm4b:s3+s28], $0x80, s0, s28, $0xb8;
	[tilespmem:$0x10200] =	vst v63  }
0xba: {  	_ =	swait.ge [sflag:s19], $0x2000  }
0xbb: {  	[sflag:s19] =	ssyncset.done $0x0  }
0xbc: {  	[sflag:s19] =	ssyncadd.s32 $0xFFFFE000  }
0xbd: {  	[tilespmem:s16], [sflag:$0x3] =	stream.indirect.gather.add.f32 [hbm:s4], $0x80, s14, s28, $0xb8;
	[tilespmem:$0x10200] =	vst v63  }
0xbe: {  	_ =	swait.ge [sflag:s21], $0x2000  }
0xbf: {  	[sflag:s21] =	ssyncset.done $0x0  }
0xc0: {  	s0 =	simm.s32 $0x0;
	[sflag:s21] =	ssyncadd.s32 $0xFFFFE000  }
0xc1: {  	v0 =	vld [tilespmem:s0+$0x230]  }
0xc2: {  	v1 =	vld [tilespmem:s0+$0x270]  }
0xc3: {  	v2 =	vld [tilespmem:s0+$0x200]  }
0xc4: {  	v3 =	vld [tilespmem:s0+$0x240]  }
0xc5: {  	v6 =	vld [tilespmem:s0+$0x220];
	_ =	sdelay $0x2  }
0xc6: {  	v4 =	vld [tilespmem:s0+$0x210]  }
0xc7: {  	v5 =	vld [tilespmem:s0+$0x250];
	v7 =	vshrl.u32 v0, $0x10;
	v8 =	vshrl.u32 v1, $0x10  }
0xc8: {  	v10 =	vld [tilespmem:s0+$0x260];
	v9 =	vshrl.u32 v2, $0x10;
	v11 =	vshrl.u32 v3, $0x10;
	v12 =	vshrl.u32 v6, $0x10  }
0xc9: {  	v7 =	vand.u32 $0x1, v7;
	v8 =	vand.u32 $0x1, v8;
	v9 =	vand.u32 $0x1, v9  }
0xca: {  	v11 =	vand.u32 $0x1, v11;
	v0 =	vadd.s32 v7, v0;
	v1 =	vadd.s32 v8, v1  }
0xcb: {  	v12 =	vand.u32 $0x1, v12;
	v0 =	vadd.s32 $0x7FFF, v0;
	v1 =	vadd.s32 $0x7FFF, v1  }
0xcc: {  	v7 =	vshrl.u32 v4, $0x10;
	v0 =	vshrl.u32 v0, $0x10;
	v1 =	vand.u32 $0xFFFF0000, v1  }
0xcd: {  	v8 =	vshrl.u32 v5, $0x10;
	v0 =	vor.u32 v0, v1;
	v1 =	vshrl.u32 v10, $0x10  }
0xce: {  	v7 =	vand.u32 $0x1, v7;
	v8 =	vand.u32 $0x1, v8;
	v13 =	vand.u32 $0x1, v1  }
0xcf: {  	s1 =	simm.s32 $0x80;
	[tilespmem:s0+$0x8230] =	vst v0;
	v1 =	vadd.s32 v9, v2;
	v2 =	vadd.s32 v11, v3;
	v3 =	vadd.s32 v7, v4  }
0xd0: {  	s9 =	simm.s32 $0x400;
	v4 =	vadd.s32 v8, v5;
	v5 =	vadd.s32 v12, v6;
	v0 =	vld [tilespmem:s1+$0x230];
	v6 =	vadd.s32 v13, v10  }
.LBB2_8:
0xd1: {  	p0 =	sne.s32 s9, $0x7E00;
	v7 =	vld [tilespmem:s1+$0x270];
	v1 =	vadd.s32 $0x7FFF, v1;
	v2 =	vadd.s32 $0x7FFF, v2;
	v3 =	vadd.s32 $0x7FFF, v3  }
0xd2: {  	v4 =	vadd.s32 $0x7FFF, v4;
	v5 =	vadd.s32 $0x7FFF, v5;
	v6 =	vadd.s32 $0x7FFF, v6;
	v8 =	vld [tilespmem:s1+$0x200]  }
0xd3: {  	v1 =	vshrl.u32 v1, $0x10;
	v2 =	vand.u32 $0xFFFF0000, v2;
	v3 =	vshrl.u32 v3, $0x10;
	v9 =	vld [tilespmem:s1+$0x240]  }
0xd4: {  	v4 =	vand.u32 $0xFFFF0000, v4;
	v5 =	vshrl.u32 v5, $0x10;
	v6 =	vand.u32 $0xFFFF0000, v6;
	v10 =	vld [tilespmem:s1+$0x210]  }
0xd5: {  	v1 =	vor.u32 v1, v2;
	v2 =	vor.u32 v3, v4;
	v3 =	vor.u32 v5, v6;
	v11 =	vld [tilespmem:s1+$0x250]  }
0xd6: {  	v4 =	vshrl.u32 v0, $0x10;
	v5 =	vld [tilespmem:s1+$0x220];
	v6 =	vshrl.u32 v7, $0x10;
	[tilespmem:s0+$0x8200] =	vst v1  }
0xd7: {  	v4 =	vand.u32 $0x1, v4;
	v1 =	vshrl.u32 v8, $0x10;
	v12 =	vld [tilespmem:s1+$0x260];
	v6 =	vand.u32 $0x1, v6;
	[tilespmem:s0+$0x8210] =	vst v2  }
0xd8: {  	v0 =	vadd.s32 v4, v0;
	v2 =	vshrl.u32 v9, $0x10;
	v4 =	vadd.s32 v6, v7;
	[tilespmem:s0+$0x8220] =	vst v3;
	s0 =	smov.u32 s1  }
0xd9: {  	v0 =	vadd.s32 $0x7FFF, v0;
	v3 =	vshrl.u32 v10, $0x10;
	v4 =	vadd.s32 $0x7FFF, v4  }
0xda: {  	v0 =	vshrl.u32 v0, $0x10;
	v6 =	vshrl.u32 v11, $0x10;
	v4 =	vand.u32 $0xFFFF0000, v4  }
.Ltmp3:
0xdb: {  	v1 =	vand.u32 $0x1, v1;
	v7 =	vshrl.u32 v5, $0x10;
	v0 =	vor.u32 v0, v4;
	(pc) =	sbr.rel @p0 .LBB2_8-.Ltmp3, $4  }
0xdc: {  	v2 =	vand.u32 $0x1, v2;
	v3 =	vand.u32 $0x1, v3;
	v4 =	vshrl.u32 v12, $0x10;
	[tilespmem:s0+$0x8230] =	vst v0  }
0xdd: {  	v6 =	vand.u32 $0x1, v6;
	v7 =	vand.u32 $0x1, v7;
	v13 =	vand.u32 $0x1, v4  }
0xde: {  	s1 =	sshra.s32 s9, $0x2;
	v1 =	vadd.s32 v1, v8;
	v2 =	vadd.s32 v2, v9;
	v3 =	vadd.s32 v3, v10  }
0xdf: {  	s9 =	sadd.s32 $0x200, s9;
	v4 =	vadd.s32 v6, v11;
	v5 =	vadd.s32 v7, v5;
	v6 =	vadd.s32 v13, v12;
	v0 =	vld [tilespmem:s1+$0x230]  }
0xe0: {  	v7 =	vld [tilespmem:s1+$0x270]  }
0xe1: {  	v8 =	vld [tilespmem:s1+$0x200]  }
0xe2: {  	v1 =	vadd.s32 $0x7FFF, v1;
	v9 =	vld [tilespmem:s1+$0x240]  }
0xe3: {  	v2 =	vadd.s32 $0x7FFF, v2;
	v3 =	vadd.s32 $0x7FFF, v3;
	v4 =	vadd.s32 $0x7FFF, v4;
	v10 =	vld [tilespmem:s1+$0x210]  }
0xe4: {  	v5 =	vadd.s32 $0x7FFF, v5;
	v6 =	vadd.s32 $0x7FFF, v6;
	v11 =	vld [tilespmem:s1+$0x250];
	v1 =	vshrl.u32 v1, $0x10  }
0xe5: {  	v44 =	vld [tilespmem:s1+$0x220];
	v2 =	vand.u32 $0xFFFF0000, v2;
	v3 =	vshrl.u32 v3, $0x10;
	v4 =	vand.u32 $0xFFFF0000, v4  }
0xe6: {  	v5 =	vshrl.u32 v5, $0x10;
	v6 =	vand.u32 $0xFFFF0000, v6;
	v1 =	vor.u32 v1, v2  }
0xe7: {  	v43 =	vor.u32 v3, v4;
	v5 =	vor.u32 v5, v6;
	v45 =	vshrl.u32 v0, $0x10  }
0xe8: {  	v12 =	vshrl.u32 v7, $0x10;
	v46 =	vand.u32 $0x1, v45;
	v48 =	vshrl.u32 v8, $0x10  }
0xe9: {  	v52 =	vshrl.u32 v9, $0x10;
	v53 =	vshrl.u32 v10, $0x10;
	v54 =	vshrl.u32 v11, $0x10  }
0xea: {  	[tilespmem:s0+$0x8200] =	vst v1;
	v55 =	vshrl.u32 v44, $0x10;
	v47 =	vand.u32 $0x1, v12;
	v50 =	vadd.s32 v46, v0  }
0xeb: {  	v49 =	vld [tilespmem:s1+$0x260];
	v6 =	vand.u32 $0x1, v48;
	v4 =	vand.u32 $0x1, v52;
	v51 =	vadd.s32 v47, v7  }
0xec: {  	v0 =	vadd.s32 $0x7FFF, v50;
	v6 =	vadd.s32 v6, v8;
	v7 =	vand.u32 $0x1, v53  }
0xed: {  	v4 =	vadd.s32 v4, v9;
	v8 =	vand.u32 $0x1, v55;
	v1 =	vadd.s32 $0x7FFF, v51  }
0xee: {  	v0 =	vshrl.u32 v0, $0x10;
	v7 =	vadd.s32 v7, v10;
	v3 =	vadd.s32 v8, v44  }
0xef: {  	v6 =	vadd.s32 $0x7FFF, v6;
	v4 =	vadd.s32 $0x7FFF, v4;
	v1 =	vand.u32 $0xFFFF0000, v1  }
0xf0: {  	v56 =	vshrl.u32 v49, $0x10;
	v58 =	vadd.s32 $0x7FFF, v7;
	v3 =	vadd.s32 $0x7FFF, v3  }
0xf1: {  	v6 =	vshrl.u32 v6, $0x10;
	v0 =	vor.u32 v0, v1;
	v1 =	vand.u32 $0x1, v54  }
0xf2: {  	[tilespmem:s0+$0x8210] =	vst v43;
	v4 =	vand.u32 $0xFFFF0000, v4;
	v9 =	vand.u32 $0x1, v56;
	v1 =	vadd.s32 v1, v11  }
0xf3: {  	[tilespmem:s0+$0x8220] =	vst v5;
	v60 =	vshrl.u32 v58, $0x10;
	v57 =	vadd.s32 v9, v49;
	v1 =	vadd.s32 $0x7FFF, v1  }
0xf4: {  	v61 =	vor.u32 v6, v4;
	[tilespmem:s1+$0x8230] =	vst v0;
	v59 =	vadd.s32 $0x7FFF, v57;
	v1 =	vand.u32 $0xFFFF0000, v1  }
0xf5: {  	s29 =	sadd.s32 $0x1, s29;
	v3 =	vshrl.u32 v3, $0x10;
	[tilespmem:s1+$0x8200] =	vst v61;
	v62 =	vand.u32 $0xFFFF0000, v59;
	v0 =	vor.u32 v60, v1  }
0xf6: {  	p0 =	sne.s32 s29, s12;
	v63 =	vor.u32 v3, v62;
	[tilespmem:s1+$0x8210] =	vst v0  }
.Ltmp4:
0xf7: {  	[tilespmem:s1+$0x8220] =	vst v63;
	(pc) =	sbr.rel @p0 .LBB2_1-.Ltmp4, $4  }
0xf8: {  	[hbm4b:s11+s2] =	stream.linear.scatter [tilespmem:s22], [sflag:$0x7], $0x2000, $0x38;
	[tilespmem:$0x10200] =	vst v63  }
0xf9: {  	_ =	swait.ge [sflag:s13], $0x2000  }
0xfa: {  	[sflag:s13] =	ssyncset.done $0x0  }
0xfb: {  	[sflag:s13] =	ssyncadd.s32 $0xFFFFE000  }
0xfc: {  	_ =	sfence.sel $0x180000  }
0xfd: {  	[bflag:$0x0] =	sbarrier.arrive $0xFFFF  }
0xfe: {  	_ =	strace $0x9000004D  }
0xff: {  	s0 =	stileid.u32;
	[bflag:$0x2] =	sbarrier.arrive $0xFFFF  }
0x100: {  	p0 =	sne.s32 s0, $0x0;
	s0 =	rddreg [dreg:$0x1]  }
0x101: {  	s0 =	sadd.s32 @!p0 $0x100000, s0  }
0x102: {  	[sflag:s0] =	ssyncadd.tile.s32 @!p0 $0x1;
	_ =	shalt  }
.Lfunc_end2:
_tile_overlayer_lowered:
.L_overlay_start_2:
0x103: {  	(tag) =	ssettag $0x2  }
0x104: {  	s0 =	rddreg [dreg:$0x0];
	s2 =	stileid.u32  }
0x105: {  	s1 =	rddreg [dreg:$0x1];
	p0 =	sne.s32 s2, $0x0  }
0x106: {  	s3 =	rddreg [dreg:$0x2];
	[bflag:$0x3] =	sbarrier.arrive $0xFFFF;
	s2 =	simm.s32 @!p0 $0x1C07  }
0x107: {  	[timem:s3], [sflag:s2] =	dma.local @!p0 [hbm:s0], s1  }
0x108: {  	s0 =	simm.s32 @!p0 $0x7  }
0x109: {  	_ =	swait.ge @!p0 [sflag:s0], s1  }
0x10a: {  	s1 =	ssub.s32 @!p0 $0x0, s1;
	[sflag:s0] =	ssyncset.done @!p0 $0x0  }
0x10b: {  	[sflag:s0] =	ssyncadd.s32 @!p0 s1  }
0x10c: {  	[bflag:$0x3] =	sbarrier.arrive $0xFFFF  }
0x10d: {  	_ =	shalt  }

// kernel: kernel.21.cloned.1.call-start
scs
__scs_entry_jumppad:
0x0: {  	(pc) =	sbr.rel $0x88, $3  }
0x1: {  	(tag) =	ssettag $0x0;
	lr =	simm.s32 $0x1  }
0x2: {  	[smem:$0x3F93] =	sst lr;
	_ =	strace $0xD0000000  }
0x3: {  	_ = 	snop  }
0x4: {  	_ = 	snop  }
0x5: {  	_ = 	snop  }
0x6: {  	_ = 	snop  }
0x7: {  	_ = 	snop  }
__scs_overlays_trampoline_lowered:
0x8: {  	[smem:$0x3FA2] =	sst s0  }
0x9: {  	[smem:$0x3FA3] =	sst s1  }
0xa: {  	[smem:$0x3FA4] =	sst s2  }
0xb: {  	[smem:$0x3FA5] =	sst s3  }
0xc: {  	[smem:$0x3FA6] =	sst s4  }
0xd: {  	[smem:$0x3FA7] =	sst s5  }
0xe: {  	[smem:$0x3FA8] =	sst s6  }
0xf: {  	[smem:$0x3FA9] =	sst s7  }
0x10: {  	[smem:$0x3FAA] =	sst s8  }
0x11: {  	[smem:$0x3FAB] =	sst s9;
	s0 =	simm.s32 @!p0 $0x0  }
0x12: {  	s1 =	sld [smem:$0x3F91];
	s0 =	simm.s32 @p0 $0x1  }
0x13: {  	[smem:$0x3FAC] =	sst s0;
	s0 =	simm.s32 @!p1 $0x0  }
0x14: {  	s2 =	sld [smem:$0x3F90];
	s0 =	simm.s32 @p1 $0x1  }
0x15: {  	[smem:$0x3FAD] =	sst s0;
	s0 =	simm.s32 @!p2 $0x0  }
0x16: {  	s3 =	sld [smem:$0x3FDB];
	s0 =	simm.s32 @p2 $0x1  }
0x17: {  	s4 =	simm.s32 $0x1BF5;
	[smem:$0x3FAF] =	sst s0  }
0x18: {  	s0 =	sld [smem:$0x3F92];
	_ =	swait.ge [sflag:s4], $0x0  }
0x19: {  	s7 =	sld [smem:$0x3F93]  }
0x1a: {  	s8 =	sadd.s32 $0xFFFFE003, lr  }
0x1b: {  	s9 =	sadd.s32 $0xFFFFFEF7, lr;
	s5 =	simm.s32 $0xFFFFFFFF;
	p2 =	slt.u32 s8, $0xFFFFF086  }
0x1c: {  	p1 =	slt.u32 s9, $0xF7A;
	s5 =	simm.s32 @!p2 $0x0  }
0x1d: {  	s5 =	simm.s32 @p1 $0x1;
	p0 =	seq.s32 s7, s2  }
0x1e: {  	s7 =	smul.u32 @!p0 $0xF7A, s2;
	p2 =	seq.s32 @!p0 s5, $0x0  }
0x1f: {  	s9 =	smul.u32 $0xF7A, s1;
	s8 =	simm.s32 @!p0 $0x1BF5;
	p2 =	por !p2, p0  }
0x20: {  	[sflag:s8] =	ssyncset.s32 @!p0 $0xFFFFF086;
	s6 =	sadd.s32 @!p0 s3, s7;
	s7 =	simm.s32 @!p0 $0x108  }
0x21: {  	s3 =	sadd.s32 s3, s9;
	s6 =	sadd.s32 @!p0 $0x88, s6;
	s7 =	simm.s32 @p2 $0x1082  }
0x22: {  	[simem:s7], [sflag:s8] =	dma.local @!p0 [hbm:s6], $0xF7A  }
0x23: {  	s9 =	sor.u32 $0xD0000000, s2;
	s6 =	simm.s32 $0x108;
	_ =	swait.ge @!p0 [sflag:s8], $0x0  }
0x24: {  	s3 =	sadd.s32 $0x88, s3;
	s6 =	simm.s32 @!p1 $0x1082;
	[sflag:s4] =	ssyncset.s32 $0xFFFFF086  }
0x25: {  	[simem:s6], [sflag:s4] =	dma.local [hbm:s3], $0xF7A  }
0x26: {  	[smem:$0x3F93] =	sst s1;
	(tag) =	ssettag s2;
	_ =	strace s9  }
0x27: {  	s1 =	sld [smem:$0x3FA3]  }
0x28: {  	s2 =	sld [smem:$0x3FA4]  }
0x29: {  	s4 =	sld [smem:$0x3FA6]  }
0x2a: {  	p0 =	seq.s32 s5, $0x0;
	s5 =	sld [smem:$0x3FA7]  }
0x2b: {  	s6 =	sld [smem:$0x3FA8]  }
0x2c: {  	s7 =	sld [smem:$0x3FA9]  }
0x2d: {  	s3 =	simm.s32 $0x108;
	s8 =	sld [smem:$0x3FAA]  }
0x2e: {  	s3 =	simm.s32 @!p0 $0x1082;
	s9 =	sld [smem:$0x3FAB]  }
0x2f: {  	lr =	sadd.s32 s0, s3;
	s0 =	sld [smem:$0x3FA2]  }
0x30: {  	s3 =	sld [smem:$0x3FA5]  }
0x31: {  	[smem:$0x3FAE] =	sst s10  }
0x32: {  	s10 =	sld [smem:$0x3FAC];
	_ =	sdelay $0x3  }
0x33: {  	p0 =	seq.s32 s10, $0x1;
	s10 =	sld [smem:$0x3FAE];
	_ =	sdelay $0x3  }
0x34: {  	[smem:$0x3FAE] =	sst s10  }
0x35: {  	s10 =	sld [smem:$0x3FAD];
	_ =	sdelay $0x3  }
0x36: {  	p1 =	seq.s32 s10, $0x1;
	s10 =	sld [smem:$0x3FAE];
	_ =	sdelay $0x3  }
0x37: {  	[smem:$0x3FAE] =	sst s10  }
0x38: {  	s10 =	sld [smem:$0x3FAF]  }
0x39: {  	_ = 	snop;
	(pc) =	sbr.ind lr, $3  }
0x3a: {  	_ = 	snop  }
0x3b: {  	_ = 	snop  }
0x3c: {  	p2 =	seq.s32 s10, $0x1;
	s10 =	sld [smem:$0x3FAE]  }
0x3d: {  	_ =	shalt  }
0x3e: {  	_ =	shalt  }
0x3f: {  	_ =	shalt  }
0x40: {  	_ =	shalt  }
0x41: {  	_ =	shalt  }
0x42: {  	_ =	shalt  }
0x43: {  	_ =	shalt  }
0x44: {  	_ =	shalt  }
0x45: {  	_ =	shalt  }
0x46: {  	_ =	shalt  }
0x47: {  	_ =	shalt  }
0x48: {  	_ =	shalt  }
0x49: {  	_ =	shalt  }
0x4a: {  	_ =	shalt  }
0x4b: {  	_ =	shalt  }
0x4c: {  	_ =	shalt  }
0x4d: {  	_ =	shalt  }
0x4e: {  	_ =	shalt  }
0x4f: {  	_ =	shalt  }
0x50: {  	_ =	shalt  }
0x51: {  	_ =	shalt  }
0x52: {  	_ =	shalt  }
0x53: {  	_ =	shalt  }
0x54: {  	_ =	shalt  }
0x55: {  	_ =	shalt  }
0x56: {  	_ =	shalt  }
0x57: {  	_ =	shalt  }
0x58: {  	_ =	shalt  }
0x59: {  	_ =	shalt  }
0x5a: {  	_ =	shalt  }
0x5b: {  	_ =	shalt  }
0x5c: {  	_ =	shalt  }
0x5d: {  	_ =	shalt  }
0x5e: {  	_ =	shalt  }
0x5f: {  	_ =	shalt  }
0x60: {  	_ =	shalt  }
0x61: {  	_ =	shalt  }
0x62: {  	_ =	shalt  }
0x63: {  	_ =	shalt  }
0x64: {  	_ =	shalt  }
0x65: {  	_ =	shalt  }
0x66: {  	_ =	shalt  }
0x67: {  	_ =	shalt  }
0x68: {  	_ =	shalt  }
0x69: {  	_ =	shalt  }
0x6a: {  	_ =	shalt  }
0x6b: {  	_ =	shalt  }
0x6c: {  	_ =	shalt  }
0x6d: {  	_ =	shalt  }
0x6e: {  	_ =	shalt  }
0x6f: {  	_ =	shalt  }
0x70: {  	_ =	shalt  }
0x71: {  	_ =	shalt  }
0x72: {  	_ =	shalt  }
0x73: {  	_ =	shalt  }
0x74: {  	_ =	shalt  }
0x75: {  	_ =	shalt  }
0x76: {  	_ =	shalt  }
0x77: {  	_ =	shalt  }
0x78: {  	_ =	shalt  }
0x79: {  	_ =	shalt  }
0x7a: {  	_ =	shalt  }
0x7b: {  	_ =	shalt  }
0x7c: {  	_ =	shalt  }
0x7d: {  	_ =	shalt  }
0x7e: {  	_ =	shalt  }
0x7f: {  	_ =	shalt  }
0x80: {  	_ =	shalt  }
0x81: {  	_ =	shalt  }
0x82: {  	_ =	shalt  }
0x83: {  	_ =	shalt  }
0x84: {  	_ =	shalt  }
0x85: {  	_ =	shalt  }
0x86: {  	_ =	shalt  }
0x87: {  	_ =	shalt  }
.Lfunc_end0:
.L_simem_size_0:
called_computation.3_lowered:
.L_overlay_start_0:
0x88: {  	s2 =	sld [smem:$0x3FD9]  }
0x89: {  	s3 =	sld [smem:$0x3FFE];
	_ =	sdelay $0x1  }
0x8a: {  	s1 =	srdreg.scid  }
0x8b: {  	s0 =	sand.u32 $0x1, s1  }
0x8c: {  	s17 =	sshll.u32 s0, $0xA;
	s2 =	sadd.s32 s3, s2  }
0x8d: {  	s2 =	sadd.s32 s2, s17  }
0x8e: {  	[smem:$0x3FBA] =	sst s2  }
0x8f: {  	_ = 	snop  }
0x90: {  	(tm) =	ssettm $0x1  }
0x91: {  	s18 =	sld [smem:$0x3FFB];
	_ =	sdelay $0x3  }
0x92: {  	_ =	strace s18  }
0x93: {  	s2 =	sld [smem:$0x3FFC];
	_ =	sdelay $0x3  }
0x94: {  	_ =	strace s2  }
0x95: {  	s2 =	sld [smem:$0x3FFD];
	_ =	sdelay $0x3  }
0x96: {  	_ =	strace s2  }
0x97: {  	_ =	strace $0x8FFFFFFF  }
0x98: {  	s19 =	sld [smem:$0x3FDB];
	_ =	sdelay $0x1  }
0x99: {  	s20 =	simm.s32 $_scs_section_size  }
0x9a: {  	s4 =	simm.s32 $_size__tile_overlayer_lowered;
	s5 =	simm.s32 $_tile_overlayer_lowered  }
0x9b: {  	s6 =	simm.s32 $0x1BFF;
	s21 =	sshll.u32 s5, $0x1;
	s3 =	sadd.s32 s20, s19  }
0x9c: {  	s22 =	simm.s32 $0x0;
	s4 =	sshll.u32 s4, $0x1;
	s5 =	sadd.s32 s21, s3  }
0x9d: {  	[timem:s22], [sflag:s6] =	dma.local [hbm:s5], s4  }
0x9e: {  	_ =	swait.ge [sflag:s6], s4  }
0x9f: {  	s4 =	ssub.s32 $0x0, s4;
	[sflag:s6] =	ssyncset.done $0x0  }
0xa0: {  	[sflag:s6] =	ssyncadd.s32 s4;
	_ =	sdelay $0x1  }
0xa1: {  	s23 =	simm.s32 $0x1B8B  }
0xa2: {  	_ =	swait.ge [sflag:s23], $0x1  }
0xa3: {  	[sflag:s23] =	ssyncset.done $0x0  }
0xa4: {  	[sflag:s23] =	ssyncadd.s32 $0xFFFFFFFF  }
0xa5: {  	s4 =	sld [smem:$0x0]  }
0xa6: {  	s5 =	sand.u32 $0xFFFFFFFE, s1  }
0xa7: {  	p0 =	sne.s32 s1, s5  }
0xa8: {  	s5 =	sshll.u32 @p0 s5, $0xE  }
0xa9: {  	s5 =	sadd.s32 @p0 $0x11B8D, s5;
	s6 =	sshll.u32 @p0 s4, $0x11  }
0xaa: {  	s5 =	sor.u32 @p0 s6, s5  }
0xab: {  	[sflag:s5] =	ssyncadd.remote.s32 @p0 $0x1;
	_ =	sdelay $0x1  }
0xac: {  	s5 =	simm.s32 @p0 $0x1B8D  }
0xad: {  	_ =	swait.eq @p0 [sflag:s5], $0x1  }
0xae: {  	[sflag:s5] =	ssyncadd.s32 @p0 $0xFFFFFFFF  }
0xaf: {  	s6 =	sshll.u32 @!p0 s1, $0xE  }
0xb0: {  	s6 =	sor.u32 @!p0 $0x4000, s6;
	s5 =	simm.s32 @!p0 $0x1B8D  }
0xb1: {  	s4 =	sshll.u32 @!p0 s4, $0x11;
	s6 =	sadd.s32 @!p0 $0x11B8D, s6;
	_ =	swait.eq @!p0 [sflag:s5], $0x1  }
0xb2: {  	s4 =	sor.u32 @!p0 s4, s6;
	[sflag:s5] =	ssyncadd.s32 @!p0 $0xFFFFFFFF  }
0xb3: {  	s25 =	simm.s32 $0x1B8E;
	s24 =	sld [smem:$0x3FFE];
	[sflag:s4] =	ssyncadd.remote.s32 @!p0 $0x1  }
0xb4: {  	s26 =	simm.s32 $execute0_lowered;
	[smem:$0x3FD2] =	sst s25  }
0xb5: {  	s5 =	sshll.u32 s26, $0x1;
	_ =	strace $0x8000004F;
	[dreg:$0x1] =	wrdreg $0xFFFFFFFF  }
0xb6: {  	s28 =	simm.s32 $_size_execute0_lowered;
	s3 =	sadd.s32 s3, s5;
	[dreg:$0x0] =	wrdreg $0x0  }
0xb7: {  	s5 =	sshll.u32 s28, $0x1;
	[dreg:$0x2] =	wrdreg s3  }
0xb8: {  	[dreg:$0x3] =	wrdreg s5  }
0xb9: {  	[dreg:$0x4] =	wrdreg $0xC0  }
0xba: {  	_ =	task [dreg:s22], $0x5FFFF  }
0xbb: {  	[dreg:$0x1] =	wrdreg $0xFFFFFFFF  }
0xbc: {  	[dreg:$0x0] =	wrdreg $0x60  }
0xbd: {  	[dreg:$0x2] =	wrdreg s24  }
0xbe: {  	[dreg:$0x3] =	wrdreg $0xC  }
0xbf: {  	_ =	task.clear_ibuf [dreg:s22], $0x4FFFF;
	_ =	strace $0x9000004F  }
0xc0: {  	s29 =	simm.s32 $0xC;
	_ =	strace $0x80000051  }
0xc1: {  	_ =	swait.ge [sflag:s29], $0x1  }
0xc2: {  	[sflag:s29] =	ssyncadd.s32 $0xFFFFFFFF  }
0xc3: {  	_ =	strace $0x90000051  }
0xc4: {  	_ =	sfence  }
0xc5: {  	s30 =	sld [smem:$0x0];
	_ =	sdelay $0x2  }
0xc6: {  	s31 =	sshll.u32 s1, $0xD;
	s1 =	sshrl.u32 s1, $0x2  }
0xc7: {  	s4 =	sand.u32 $0x4000, s31;
	s1 =	sadd.s32 s1, s30  }
0xc8: {  	s0 =	sor.u32 s4, s0;
	s1 =	sshll.u32 s1, $0x11  }
0xc9: {  	s0 =	sor.u32 s1, s0  }
0xca: {  	s0 =	sadd.s32 $0x8F2B, s0  }
0xcb: {  	[sflag:s0] =	ssyncadd.remote.s32 $0x1  }
0xcc: {  	_ =	sfence.sel $0xFFFF  }
0xcd: {  	[dreg:$0x0] =	wrdreg $0xFFFFFFFF;
	(pc) =	sbr.abs _section_cstart, $3  }
0xce: {  	[dreg:$0x1] =	wrdreg $0xFFFFFFFF  }
0xcf: {  	_ =	task.clear_ibuf [dreg:s22], $0x2FFFF;
	_ =	strace $0x9FFFFFFF  }
0xd0: {  	(tm) =	ssettm $0x7FFFFFFF  }
0xd1: {  	_ =	shalt  }
tec
execute0_lowered:
.L_overlay_start_1:
0x0: {  	(tag) =	ssettag $0x1  }
0x1: {  	s0 =	rddreg [dreg:$0x0];
	s2 =	simm.s32 $0x0;
	s1 =	srdreg.scid  }
0x2: {  	s3 =	stileid.u32;
	s13 =	simm.s32 $0x7;
	s14 =	simm.s32 $0x100  }
0x3: {  	s15 =	simm.s32 $0x80;
	s16 =	simm.s32 $0x200;
	s17 =	simm.s32 $0x180  }
0x4: {  	s18 =	simm.s32 $0x4200;
	s19 =	simm.s32 $0x1;
	s20 =	simm.s32 $0x2  }
0x5: {  	s21 =	simm.s32 $0x3;
	s22 =	simm.s32 $0x8200;
	s23 =	simm.s32 $0x4  }
0x6: {  	s24 =	simm.s32 $0xC200;
	s25 =	simm.s32 $0x5;
	s28 =	simm.s32 $0x40  }
0x7: {  	s29 =	simm.s32 $0x0;
	s1 =	sand.u32 $0x1, s1;
	s4 =	sshll.u32 s3, $0x1  }
0x8: {  	[smem:$0x7FF] =	sst s2;
	s3 =	sadd.s32 $0x10000, s0;
	s8 =	sor.u32 s1, s4  }
0x9: {  	s5 =	sadd.s32 $0x3800, s0;
	s7 =	sadd.s32 $0x9C00, s0;
	s6 =	smul.u32 $0x640, s8  }
0xa: {  	_ =	strace $0x80000050;
	s4 =	sadd.s32 $0x196A00, s0;
	s1 =	ssub.s32 $0x2, s1  }
0xb: {  	s9 =	smul.u32 $0x32000, s8;
	s26 =	sshrl.u32 s1, $0x1;
	s10 =	sshrl.u32 s6, $0x3  }
0xc: {  	s8 =	sadd.s32 $0x40DE00, s0;
	s0 =	ssub.s32 s1, s26;
	s30 =	sadd.s32 $0x4BC0, s10  }
0xd: {  	s26 =	simm.s32 $0x6;
	s9 =	sshrl.u32 s9, $0x3;
	s10 =	sadd.s32 s5, s30  }
0xe: {  	s31 =	sadd.s32 s8, s9;
	s1 =	sadd.s32 s7, s30;
	[dreg:$0x2] =	wrdreg s10  }
0xf: {  	s12 =	smax.u32 s0, $0x1;
	s11 =	sadd.s32 $0x6000, s31;
	[dreg:$0x3] =	wrdreg s1  }
.LBB2_1:
0x10: {  	s30 =	simm.s32 $0x0  }
.LBB2_2:
0x11: {  	s1 =	sshll.u32 s30, $0x8  }
0x12: {  	s0 =	sadd.s32 s6, s1  }
0x13: {  	s9 =	sshrl.u32 s0, $0x3  }
0x14: {  	s9 =	sadd.s32 $0x4B00, s9  }
0x15: {  	s10 =	sadd.s32 s5, s9  }
0x16: {  	[tilespmem:s2], [sflag:$0x7] =	stream.linear.gather [hbm4b:s10+s2], $0x80, $0x38;
	[tilespmem:$0x10200] =	vst v63  }
0x17: {  	_ =	swait.ge [sflag:s13], $0x80  }
0x18: {  	[sflag:s13] =	ssyncset.done $0x0  }
0x19: {  	s9 =	sadd.s32 s7, s9;
	[sflag:s13] =	ssyncadd.s32 $0xFFFFFF80  }
0x1a: {  	[tilespmem:s14], [sflag:$0x7] =	stream.linear.gather [hbm4b:s9+s2], $0x80, $0x38;
	[tilespmem:$0x10200] =	vst v63  }
0x1b: {  	_ =	swait.ge [sflag:s13], $0x80  }
0x1c: {  	p0 =	seq.s32 s30, $0x0;
	[sflag:s13] =	ssyncset.done $0x0  }
0x1d: {  	s1 =	sadd.s32 s1, s6;
	s9 =	simm.s32 @!p0 $0x5;
	[sflag:s13] =	ssyncadd.s32 $0xFFFFFF80  }
0x1e: {  	s31 =	sadd.s32 $0x80, s1;
	_ =	swait.ge @!p0 [sflag:s9], $0x4000  }
0x1f: {  	s1 =	sshrl.u32 s31, $0x3;
	[sflag:s9] =	ssyncset.done @!p0 $0x0  }
0x20: {  	s1 =	sadd.s32 $0x4B00, s1;
	[sflag:s9] =	ssyncadd.s32 @!p0 $0xFFFFC000  }
0x21: {  	[tilespmem:s16], [sflag:$0x1] =	stream.indirect.gather [hbm4b:s3+s15], $0x80, s2, s15, $0xb8;
	[tilespmem:$0x10200] =	vst v63  }
0x22: {  	s10 =	sadd.s32 s5, s1  }
0x23: {  	[tilespmem:s15], [sflag:$0x7] =	stream.linear.gather [hbm4b:s10+s2], $0x80, $0x38;
	[tilespmem:$0x10200] =	vst v63  }
0x24: {  	_ =	swait.ge [sflag:s13], $0x80  }
0x25: {  	[sflag:s13] =	ssyncset.done $0x0  }
0x26: {  	s1 =	sadd.s32 s7, s1;
	[sflag:s13] =	ssyncadd.s32 $0xFFFFFF80  }
0x27: {  	[tilespmem:s17], [sflag:$0x7] =	stream.linear.gather [hbm4b:s1+s2], $0x80, $0x38;
	[tilespmem:$0x10200] =	vst v63  }
0x28: {  	_ =	swait.ge [sflag:s13], $0x80  }
0x29: {  	[sflag:s13] =	ssyncset.done $0x0  }
0x2a: {  	s1 =	simm.s32 @!p0 $0x6;
	[sflag:s13] =	ssyncadd.s32 $0xFFFFFF80  }
0x2b: {  	_ =	swait.ge @!p0 [sflag:s1], $0x4000  }
0x2c: {  	[sflag:s1] =	ssyncset.done @!p0 $0x0  }
0x2d: {  	[sflag:s1] =	ssyncadd.s32 @!p0 $0xFFFFC000  }
0x2e: {  	[tilespmem:s18], [sflag:$0x2] =	stream.indirect.gather [hbm4b:s3+s15], $0x80, s15, s15, $0xb8;
	[tilespmem:$0x10200] =	vst v63  }
0x2f: {  	_ =	swait.ge [sflag:s19], $0x4000  }
0x30: {  	[sflag:s19] =	ssyncset.done $0x0  }
0x31: {  	[sflag:s19] =	ssyncadd.s32 $0xFFFFC000  }
0x32: {  	[tilespmem:s16], [sflag:$0x3] =	stream.indirect.gather.add.f32 [hbm:s4], $0x80, s14, s15, $0xb8;
	[tilespmem:$0x10200] =	vst v63  }
0x33: {  	_ =	swait.ge [sflag:s20], $0x4000  }
0x34: {  	[sflag:s20] =	ssyncset.done $0x0  }
0x35: {  	[sflag:s20] =	ssyncadd.s32 $0xFFFFC000  }
0x36: {  	[tilespmem:s18], [sflag:$0x4] =	stream.indirect.gather.add.f32 [hbm:s4], $0x80, s17, s15, $0xb8;
	[tilespmem:$0x10200] =	vst v63  }
0x37: {  	_ =	swait.ge [sflag:s21], $0x4000  }
0x38: {  	[sflag:s21] =	ssyncset.done $0x0  }
0x39: {  	s1 =	simm.s32 $0x0;
	[sflag:s21] =	ssyncadd.s32 $0xFFFFC000  }
0x3a: {  	v0 =	vld [tilespmem:s1+$0x230]  }
0x3b: {  	v1 =	vld [tilespmem:s1+$0x270]  }
0x3c: {  	v2 =	vld [tilespmem:s1+$0x200]  }
0x3d: {  	v3 =	vld [tilespmem:s1+$0x240]  }
0x3e: {  	v6 =	vld [tilespmem:s1+$0x220];
	_ =	sdelay $0x2  }
0x3f: {  	v4 =	vld [tilespmem:s1+$0x210]  }
0x40: {  	v5 =	vld [tilespmem:s1+$0x250];
	v7 =	vshrl.u32 v0, $0x10;
	v8 =	vshrl.u32 v1, $0x10  }
0x41: {  	v10 =	vld [tilespmem:s1+$0x260];
	v9 =	vshrl.u32 v2, $0x10;
	v11 =	vshrl.u32 v3, $0x10;
	v12 =	vshrl.u32 v6, $0x10  }
0x42: {  	v7 =	vand.u32 $0x1, v7;
	v8 =	vand.u32 $0x1, v8;
	v9 =	vand.u32 $0x1, v9  }
0x43: {  	v11 =	vand.u32 $0x1, v11;
	v0 =	vadd.s32 v7, v0;
	v1 =	vadd.s32 v8, v1  }
0x44: {  	v12 =	vand.u32 $0x1, v12;
	v0 =	vadd.s32 $0x7FFF, v0;
	v1 =	vadd.s32 $0x7FFF, v1  }
0x45: {  	v7 =	vshrl.u32 v4, $0x10;
	v0 =	vshrl.u32 v0, $0x10;
	v1 =	vand.u32 $0xFFFF0000, v1  }
0x46: {  	v8 =	vshrl.u32 v5, $0x10;
	v0 =	vor.u32 v0, v1;
	v1 =	vshrl.u32 v10, $0x10  }
0x47: {  	v7 =	vand.u32 $0x1, v7;
	v8 =	vand.u32 $0x1, v8;
	v13 =	vand.u32 $0x1, v1  }
0x48: {  	s9 =	simm.s32 $0x80;
	[tilespmem:s1+$0x8230] =	vst v0;
	v1 =	vadd.s32 v9, v2;
	v2 =	vadd.s32 v11, v3;
	v3 =	vadd.s32 v7, v4  }
0x49: {  	s10 =	simm.s32 $0x400;
	v4 =	vadd.s32 v8, v5;
	v5 =	vadd.s32 v12, v6;
	v0 =	vld [tilespmem:s9+$0x230];
	v6 =	vadd.s32 v13, v10  }
.LBB2_3:
0x4a: {  	p0 =	sne.s32 s10, $0xFE00;
	v7 =	vld [tilespmem:s9+$0x270];
	v1 =	vadd.s32 $0x7FFF, v1;
	v2 =	vadd.s32 $0x7FFF, v2;
	v3 =	vadd.s32 $0x7FFF, v3  }
0x4b: {  	v4 =	vadd.s32 $0x7FFF, v4;
	v5 =	vadd.s32 $0x7FFF, v5;
	v6 =	vadd.s32 $0x7FFF, v6;
	v8 =	vld [tilespmem:s9+$0x200]  }
0x4c: {  	v1 =	vshrl.u32 v1, $0x10;
	v2 =	vand.u32 $0xFFFF0000, v2;
	v3 =	vshrl.u32 v3, $0x10;
	v9 =	vld [tilespmem:s9+$0x240]  }
0x4d: {  	v4 =	vand.u32 $0xFFFF0000, v4;
	v5 =	vshrl.u32 v5, $0x10;
	v6 =	vand.u32 $0xFFFF0000, v6;
	v10 =	vld [tilespmem:s9+$0x210]  }
0x4e: {  	v1 =	vor.u32 v1, v2;
	v2 =	vor.u32 v3, v4;
	v3 =	vor.u32 v5, v6;
	v11 =	vld [tilespmem:s9+$0x250]  }
0x4f: {  	v4 =	vshrl.u32 v0, $0x10;
	v5 =	vld [tilespmem:s9+$0x220];
	v6 =	vshrl.u32 v7, $0x10;
	[tilespmem:s1+$0x8200] =	vst v1  }
0x50: {  	v4 =	vand.u32 $0x1, v4;
	v1 =	vshrl.u32 v8, $0x10;
	v12 =	vld [tilespmem:s9+$0x260];
	v6 =	vand.u32 $0x1, v6;
	[tilespmem:s1+$0x8210] =	vst v2  }
0x51: {  	v0 =	vadd.s32 v4, v0;
	v2 =	vshrl.u32 v9, $0x10;
	v4 =	vadd.s32 v6, v7;
	[tilespmem:s1+$0x8220] =	vst v3;
	s1 =	smov.u32 s9  }
0x52: {  	v0 =	vadd.s32 $0x7FFF, v0;
	v3 =	vshrl.u32 v10, $0x10;
	v4 =	vadd.s32 $0x7FFF, v4  }
0x53: {  	v0 =	vshrl.u32 v0, $0x10;
	v6 =	vshrl.u32 v11, $0x10;
	v4 =	vand.u32 $0xFFFF0000, v4  }
.Ltmp0:
0x54: {  	v1 =	vand.u32 $0x1, v1;
	v7 =	vshrl.u32 v5, $0x10;
	v0 =	vor.u32 v0, v4;
	(pc) =	sbr.rel @p0 .LBB2_3-.Ltmp0, $4  }
0x55: {  	v2 =	vand.u32 $0x1, v2;
	v3 =	vand.u32 $0x1, v3;
	v4 =	vshrl.u32 v12, $0x10;
	[tilespmem:s1+$0x8230] =	vst v0  }
0x56: {  	v6 =	vand.u32 $0x1, v6;
	v7 =	vand.u32 $0x1, v7;
	v13 =	vand.u32 $0x1, v4  }
0x57: {  	s9 =	sshra.s32 s10, $0x2;
	v1 =	vadd.s32 v1, v8;
	v2 =	vadd.s32 v2, v9;
	v3 =	vadd.s32 v3, v10  }
0x58: {  	s10 =	sadd.s32 $0x200, s10;
	v4 =	vadd.s32 v6, v11;
	v5 =	vadd.s32 v7, v5;
	v6 =	vadd.s32 v13, v12;
	v0 =	vld [tilespmem:s9+$0x230]  }
0x59: {  	v7 =	vld [tilespmem:s9+$0x270];
	v1 =	vadd.s32 $0x7FFF, v1;
	v2 =	vadd.s32 $0x7FFF, v2  }
0x5a: {  	v3 =	vadd.s32 $0x7FFF, v3;
	v8 =	vld [tilespmem:s9+$0x200];
	v4 =	vadd.s32 $0x7FFF, v4;
	v5 =	vadd.s32 $0x7FFF, v5  }
0x5b: {  	v6 =	vadd.s32 $0x7FFF, v6;
	v9 =	vld [tilespmem:s9+$0x240];
	v1 =	vshrl.u32 v1, $0x10;
	v2 =	vand.u32 $0xFFFF0000, v2  }
0x5c: {  	v10 =	vld [tilespmem:s9+$0x210];
	v3 =	vshrl.u32 v3, $0x10;
	v4 =	vand.u32 $0xFFFF0000, v4;
	v5 =	vshrl.u32 v5, $0x10  }
0x5d: {  	v6 =	vand.u32 $0xFFFF0000, v6;
	v1 =	vor.u32 v1, v2;
	v2 =	vor.u32 v3, v4;
	v3 =	vld [tilespmem:s9+$0x220]  }
0x5e: {  	v5 =	vor.u32 v5, v6;
	v4 =	vshrl.u32 v0, $0x10  }
0x5f: {  	v11 =	vld [tilespmem:s9+$0x250];
	[tilespmem:s1+$0x8200] =	vst v1;
	v12 =	vshrl.u32 v7, $0x10;
	v1 =	vand.u32 $0x1, v4;
	v6 =	vshrl.u32 v8, $0x10  }
0x60: {  	v58 =	vld [tilespmem:s9+$0x260];
	v4 =	vand.u32 $0x1, v12;
	v0 =	vadd.s32 v1, v0;
	v6 =	vand.u32 $0x1, v6  }
0x61: {  	v1 =	vadd.s32 v4, v7;
	v4 =	vshrl.u32 v9, $0x10;
	v0 =	vadd.s32 $0x7FFF, v0  }
0x62: {  	v7 =	vshrl.u32 v10, $0x10;
	v6 =	vadd.s32 v6, v8;
	v8 =	vshrl.u32 v3, $0x10  }
0x63: {  	v1 =	vadd.s32 $0x7FFF, v1;
	v0 =	vshrl.u32 v0, $0x10;
	v4 =	vand.u32 $0x1, v4  }
0x64: {  	v7 =	vand.u32 $0x1, v7;
	v8 =	vand.u32 $0x1, v8;
	v6 =	vadd.s32 $0x7FFF, v6  }
0x65: {  	v1 =	vand.u32 $0xFFFF0000, v1;
	v4 =	vadd.s32 v4, v9;
	v59 =	vshrl.u32 v58, $0x10  }
0x66: {  	v7 =	vadd.s32 v7, v10;
	v3 =	vadd.s32 v8, v3;
	v6 =	vshrl.u32 v6, $0x10  }
0x67: {  	v0 =	vor.u32 v0, v1;
	v1 =	vshrl.u32 v11, $0x10;
	v9 =	vand.u32 $0x1, v59  }
0x68: {  	[tilespmem:s1+$0x8210] =	vst v2;
	v4 =	vadd.s32 $0x7FFF, v4;
	v2 =	vadd.s32 $0x7FFF, v7;
	v1 =	vand.u32 $0x1, v1  }
0x69: {  	[tilespmem:s1+$0x8220] =	vst v5;
	v3 =	vadd.s32 $0x7FFF, v3;
	v8 =	vadd.s32 v9, v58;
	v1 =	vadd.s32 v1, v11  }
0x6a: {  	v4 =	vand.u32 $0xFFFF0000, v4;
	[tilespmem:s9+$0x8230] =	vst v0;
	v0 =	vshrl.u32 v2, $0x10;
	v1 =	vadd.s32 $0x7FFF, v1  }
0x6b: {  	v5 =	vadd.s32 $0x7FFF, v8;
	v2 =	vor.u32 v6, v4;
	v1 =	vand.u32 $0xFFFF0000, v1  }
0x6c: {  	v3 =	vshrl.u32 v3, $0x10;
	v4 =	vand.u32 $0xFFFF0000, v5;
	[tilespmem:s9+$0x8200] =	vst v2;
	v0 =	vor.u32 v0, v1  }
0x6d: {  	s0 =	sshll.u32 s0, $0x4;
	v1 =	vor.u32 v3, v4;
	[tilespmem:s9+$0x8210] =	vst v0  }
0x6e: {  	s10 =	simm.s32 $0x0;
	s0 =	sadd.s32 s8, s0;
	[tilespmem:s9+$0x8220] =	vst v1  }
0x6f: {  	[hbm4b:s0+s10] =	stream.linear.scatter [tilespmem:s22], [sflag:$0x5], $0x4000, $0x38;
	[tilespmem:$0x10200] =	vst v63  }
0x70: {  	_ =	swait.ge [sflag:s23], $0x4000  }
0x71: {  	[sflag:s23] =	ssyncset.done $0x0  }
0x72: {  	s0 =	simm.s32 $0x0;
	[sflag:s23] =	ssyncadd.s32 $0xFFFFC000  }
0x73: {  	v0 =	vld [tilespmem:s0+$0x4230]  }
0x74: {  	v1 =	vld [tilespmem:s0+$0x4270]  }
0x75: {  	v2 =	vld [tilespmem:s0+$0x4200]  }
0x76: {  	v3 =	vld [tilespmem:s0+$0x4240]  }
0x77: {  	v6 =	vld [tilespmem:s0+$0x4220];
	_ =	sdelay $0x2  }
0x78: {  	v4 =	vld [tilespmem:s0+$0x4210]  }
0x79: {  	v5 =	vld [tilespmem:s0+$0x4250];
	v7 =	vshrl.u32 v0, $0x10;
	v8 =	vshrl.u32 v1, $0x10  }
0x7a: {  	v61 =	vld [tilespmem:s0+$0x4260];
	v60 =	vshrl.u32 v2, $0x10;
	v62 =	vshrl.u32 v3, $0x10;
	v63 =	vshrl.u32 v6, $0x10  }
0x7b: {  	v7 =	vand.u32 $0x1, v7;
	v8 =	vand.u32 $0x1, v8;
	v9 =	vand.u32 $0x1, v60  }
0x7c: {  	v11 =	vand.u32 $0x1, v62;
	v0 =	vadd.s32 v7, v0;
	v1 =	vadd.s32 v8, v1  }
0x7d: {  	v12 =	vand.u32 $0x1, v63;
	v0 =	vadd.s32 $0x7FFF, v0;
	v1 =	vadd.s32 $0x7FFF, v1  }
0x7e: {  	v7 =	vshrl.u32 v4, $0x10;
	v0 =	vshrl.u32 v0, $0x10;
	v1 =	vand.u32 $0xFFFF0000, v1  }
0x7f: {  	v8 =	vshrl.u32 v5, $0x10;
	v0 =	vor.u32 v0, v1;
	v1 =	vshrl.u32 v61, $0x10  }
0x80: {  	v7 =	vand.u32 $0x1, v7;
	v8 =	vand.u32 $0x1, v8;
	v13 =	vand.u32 $0x1, v1  }
0x81: {  	s1 =	simm.s32 $0x80;
	[tilespmem:s0+$0xC230] =	vst v0;
	v1 =	vadd.s32 v9, v2;
	v2 =	vadd.s32 v11, v3;
	v3 =	vadd.s32 v7, v4  }
0x82: {  	s9 =	simm.s32 $0x400;
	v4 =	vadd.s32 v8, v5;
	v5 =	vadd.s32 v12, v6;
	v0 =	vld [tilespmem:s1+$0x4230];
	v6 =	vadd.s32 v13, v61  }
.LBB2_5:
0x83: {  	p0 =	sne.s32 s9, $0xFE00;
	v7 =	vld [tilespmem:s1+$0x4270];
	v1 =	vadd.s32 $0x7FFF, v1;
	v2 =	vadd.s32 $0x7FFF, v2;
	v3 =	vadd.s32 $0x7FFF, v3  }
0x84: {  	v4 =	vadd.s32 $0x7FFF, v4;
	v5 =	vadd.s32 $0x7FFF, v5;
	v6 =	vadd.s32 $0x7FFF, v6;
	v8 =	vld [tilespmem:s1+$0x4200]  }
0x85: {  	v1 =	vshrl.u32 v1, $0x10;
	v2 =	vand.u32 $0xFFFF0000, v2;
	v3 =	vshrl.u32 v3, $0x10;
	v9 =	vld [tilespmem:s1+$0x4240]  }
0x86: {  	v4 =	vand.u32 $0xFFFF0000, v4;
	v5 =	vshrl.u32 v5, $0x10;
	v6 =	vand.u32 $0xFFFF0000, v6;
	v10 =	vld [tilespmem:s1+$0x4210]  }
0x87: {  	v1 =	vor.u32 v1, v2;
	v2 =	vor.u32 v3, v4;
	v3 =	vor.u32 v5, v6;
	v11 =	vld [tilespmem:s1+$0x4250]  }
0x88: {  	v4 =	vshrl.u32 v0, $0x10;
	v5 =	vld [tilespmem:s1+$0x4220];
	v6 =	vshrl.u32 v7, $0x10;
	[tilespmem:s0+$0xC200] =	vst v1  }
0x89: {  	v4 =	vand.u32 $0x1, v4;
	v1 =	vshrl.u32 v8, $0x10;
	v12 =	vld [tilespmem:s1+$0x4260];
	v6 =	vand.u32 $0x1, v6;
	[tilespmem:s0+$0xC210] =	vst v2  }
0x8a: {  	v0 =	vadd.s32 v4, v0;
	v2 =	vshrl.u32 v9, $0x10;
	v4 =	vadd.s32 v6, v7;
	[tilespmem:s0+$0xC220] =	vst v3;
	s0 =	smov.u32 s1  }
0x8b: {  	v0 =	vadd.s32 $0x7FFF, v0;
	v3 =	vshrl.u32 v10, $0x10;
	v4 =	vadd.s32 $0x7FFF, v4  }
0x8c: {  	v0 =	vshrl.u32 v0, $0x10;
	v6 =	vshrl.u32 v11, $0x10;
	v4 =	vand.u32 $0xFFFF0000, v4  }
.Ltmp1:
0x8d: {  	v1 =	vand.u32 $0x1, v1;
	v7 =	vshrl.u32 v5, $0x10;
	v0 =	vor.u32 v0, v4;
	(pc) =	sbr.rel @p0 .LBB2_5-.Ltmp1, $4  }
0x8e: {  	v2 =	vand.u32 $0x1, v2;
	v3 =	vand.u32 $0x1, v3;
	v4 =	vshrl.u32 v12, $0x10;
	[tilespmem:s0+$0xC230] =	vst v0  }
0x8f: {  	v6 =	vand.u32 $0x1, v6;
	v7 =	vand.u32 $0x1, v7;
	v13 =	vand.u32 $0x1, v4  }
0x90: {  	s1 =	sshra.s32 s9, $0x2;
	v1 =	vadd.s32 v1, v8;
	v2 =	vadd.s32 v2, v9;
	v3 =	vadd.s32 v3, v10  }
0x91: {  	s9 =	sadd.s32 $0x200, s9;
	v4 =	vadd.s32 v6, v11;
	v5 =	vadd.s32 v7, v5;
	v6 =	vadd.s32 v13, v12;
	v0 =	vld [tilespmem:s1+$0x4230]  }
0x92: {  	v7 =	vld [tilespmem:s1+$0x4270]  }
0x93: {  	v8 =	vld [tilespmem:s1+$0x4200]  }
0x94: {  	v1 =	vadd.s32 $0x7FFF, v1;
	v9 =	vld [tilespmem:s1+$0x4240]  }
0x95: {  	v2 =	vadd.s32 $0x7FFF, v2;
	v3 =	vadd.s32 $0x7FFF, v3;
	v4 =	vadd.s32 $0x7FFF, v4;
	v10 =	vld [tilespmem:s1+$0x4210]  }
0x96: {  	v5 =	vadd.s32 $0x7FFF, v5;
	v6 =	vadd.s32 $0x7FFF, v6;
	v11 =	vld [tilespmem:s1+$0x4250];
	v1 =	vshrl.u32 v1, $0x10  }
0x97: {  	v44 =	vld [tilespmem:s1+$0x4220];
	v2 =	vand.u32 $0xFFFF0000, v2;
	v3 =	vshrl.u32 v3, $0x10;
	v4 =	vand.u32 $0xFFFF0000, v4  }
0x98: {  	v5 =	vshrl.u32 v5, $0x10;
	v6 =	vand.u32 $0xFFFF0000, v6;
	v1 =	vor.u32 v1, v2  }
0x99: {  	v43 =	vor.u32 v3, v4;
	v5 =	vor.u32 v5, v6;
	v45 =	vshrl.u32 v0, $0x10  }
0x9a: {  	v12 =	vshrl.u32 v7, $0x10;
	v46 =	vand.u32 $0x1, v45;
	v48 =	vshrl.u32 v8, $0x10  }
0x9b: {  	v52 =	vshrl.u32 v9, $0x10;
	v53 =	vshrl.u32 v10, $0x10;
	v54 =	vshrl.u32 v11, $0x10  }
0x9c: {  	[tilespmem:s0+$0xC200] =	vst v1;
	v55 =	vshrl.u32 v44, $0x10;
	v47 =	vand.u32 $0x1, v12;
	v50 =	vadd.s32 v46, v0  }
0x9d: {  	v49 =	vld [tilespmem:s1+$0x4260];
	v6 =	vand.u32 $0x1, v48;
	v4 =	vand.u32 $0x1, v52;
	v51 =	vadd.s32 v47, v7  }
0x9e: {  	v0 =	vadd.s32 $0x7FFF, v50;
	v6 =	vadd.s32 v6, v8;
	v7 =	vand.u32 $0x1, v53  }
0x9f: {  	v4 =	vadd.s32 v4, v9;
	v8 =	vand.u32 $0x1, v55;
	v1 =	vadd.s32 $0x7FFF, v51  }
0xa0: {  	v0 =	vshrl.u32 v0, $0x10;
	v7 =	vadd.s32 v7, v10;
	v3 =	vadd.s32 v8, v44  }
0xa1: {  	v6 =	vadd.s32 $0x7FFF, v6;
	v4 =	vadd.s32 $0x7FFF, v4;
	v1 =	vand.u32 $0xFFFF0000, v1  }
0xa2: {  	v56 =	vshrl.u32 v49, $0x10;
	v58 =	vadd.s32 $0x7FFF, v7;
	v3 =	vadd.s32 $0x7FFF, v3  }
0xa3: {  	v6 =	vshrl.u32 v6, $0x10;
	v0 =	vor.u32 v0, v1;
	v1 =	vand.u32 $0x1, v54  }
0xa4: {  	s30 =	sadd.s32 $0x1, s30;
	[tilespmem:s0+$0xC210] =	vst v43;
	v4 =	vand.u32 $0xFFFF0000, v4;
	v9 =	vand.u32 $0x1, v56;
	v1 =	vadd.s32 v1, v11  }
0xa5: {  	p0 =	sne.s32 s30, $0x6;
	[tilespmem:s0+$0xC220] =	vst v5;
	v60 =	vshrl.u32 v58, $0x10;
	v57 =	vadd.s32 v9, v49;
	v1 =	vadd.s32 $0x7FFF, v1  }
.Ltmp2:
0xa6: {  	v61 =	vor.u32 v6, v4;
	[tilespmem:s1+$0xC230] =	vst v0;
	v59 =	vadd.s32 $0x7FFF, v57;
	v1 =	vand.u32 $0xFFFF0000, v1;
	(pc) =	sbr.rel @p0 .LBB2_2-.Ltmp2, $4  }
0xa7: {  	v3 =	vshrl.u32 v3, $0x10;
	[tilespmem:s1+$0xC200] =	vst v61;
	v62 =	vand.u32 $0xFFFF0000, v59;
	v0 =	vor.u32 v60, v1  }
0xa8: {  	s31 =	sshll.u32 s31, $0x4;
	v63 =	vor.u32 v3, v62;
	[tilespmem:s1+$0xC210] =	vst v0  }
0xa9: {  	s0 =	sadd.s32 s8, s31;
	[tilespmem:s1+$0xC220] =	vst v63  }
0xaa: {  	[hbm4b:s0+s2] =	stream.linear.scatter [tilespmem:s24], [sflag:$0x6], $0x4000, $0x38;
	[tilespmem:$0x10200] =	vst v63  }
0xab: {  	_ =	swait.ge [sflag:s25], $0x4000  }
0xac: {  	[sflag:s25] =	ssyncset.done $0x0  }
0xad: {  	[sflag:s25] =	ssyncadd.s32 $0xFFFFC000  }
0xae: {  	_ =	swait.ge [sflag:s26], $0x4000  }
0xaf: {  	[sflag:s26] =	ssyncset.done $0x0  }
0xb0: {  	s0 =	simm.s32 $0x0;
	s1 =	rddreg [dreg:$0x2];
	[sflag:s26] =	ssyncadd.s32 $0xFFFFC000  }
0xb1: {  	[tilespmem:s0], [sflag:$0x7] =	stream.linear.gather [hbm4b:s1+s0], $0x40, $0x38;
	[tilespmem:$0x10200] =	vst v63  }
0xb2: {  	_ =	swait.ge [sflag:s13], $0x40  }
0xb3: {  	[sflag:s13] =	ssyncset.done $0x0  }
0xb4: {  	s31 =	rddreg [dreg:$0x3];
	[sflag:s13] =	ssyncadd.s32 $0xFFFFFFC0  }
0xb5: {  	[tilespmem:s14], [sflag:$0x7] =	stream.linear.gather [hbm4b:s31+s0], $0x40, $0x38;
	[tilespmem:$0x10200] =	vst v63  }
0xb6: {  	_ =	swait.ge [sflag:s13], $0x40  }
0xb7: {  	[sflag:s13] =	ssyncset.done $0x0  }
0xb8: {  	[sflag:s13] =	ssyncadd.s32 $0xFFFFFFC0  }
0xb9: {  	[tilespmem:s16], [sflag:$0x1] =	stream.indirect.gather [hbm4b:s3+s28], $0x80, s0, s28, $0xb8;
	[tilespmem:$0x10200] =	vst v63  }
0xba: {  	_ =	swait.ge [sflag:s19], $0x2000  }
0xbb: {  	[sflag:s19] =	ssyncset.done $0x0  }
0xbc: {  	[sflag:s19] =	ssyncadd.s32 $0xFFFFE000  }
0xbd: {  	[tilespmem:s16], [sflag:$0x3] =	stream.indirect.gather.add.f32 [hbm:s4], $0x80, s14, s28, $0xb8;
	[tilespmem:$0x10200] =	vst v63  }
0xbe: {  	_ =	swait.ge [sflag:s21], $0x2000  }
0xbf: {  	[sflag:s21] =	ssyncset.done $0x0  }
0xc0: {  	s0 =	simm.s32 $0x0;
	[sflag:s21] =	ssyncadd.s32 $0xFFFFE000  }
0xc1: {  	v0 =	vld [tilespmem:s0+$0x230]  }
0xc2: {  	v1 =	vld [tilespmem:s0+$0x270]  }
0xc3: {  	v2 =	vld [tilespmem:s0+$0x200]  }
0xc4: {  	v3 =	vld [tilespmem:s0+$0x240]  }
0xc5: {  	v6 =	vld [tilespmem:s0+$0x220];
	_ =	sdelay $0x2  }
0xc6: {  	v4 =	vld [tilespmem:s0+$0x210]  }
0xc7: {  	v5 =	vld [tilespmem:s0+$0x250];
	v7 =	vshrl.u32 v0, $0x10;
	v8 =	vshrl.u32 v1, $0x10  }
0xc8: {  	v10 =	vld [tilespmem:s0+$0x260];
	v9 =	vshrl.u32 v2, $0x10;
	v11 =	vshrl.u32 v3, $0x10;
	v12 =	vshrl.u32 v6, $0x10  }
0xc9: {  	v7 =	vand.u32 $0x1, v7;
	v8 =	vand.u32 $0x1, v8;
	v9 =	vand.u32 $0x1, v9  }
0xca: {  	v11 =	vand.u32 $0x1, v11;
	v0 =	vadd.s32 v7, v0;
	v1 =	vadd.s32 v8, v1  }
0xcb: {  	v12 =	vand.u32 $0x1, v12;
	v0 =	vadd.s32 $0x7FFF, v0;
	v1 =	vadd.s32 $0x7FFF, v1  }
0xcc: {  	v7 =	vshrl.u32 v4, $0x10;
	v0 =	vshrl.u32 v0, $0x10;
	v1 =	vand.u32 $0xFFFF0000, v1  }
0xcd: {  	v8 =	vshrl.u32 v5, $0x10;
	v0 =	vor.u32 v0, v1;
	v1 =	vshrl.u32 v10, $0x10  }
0xce: {  	v7 =	vand.u32 $0x1, v7;
	v8 =	vand.u32 $0x1, v8;
	v13 =	vand.u32 $0x1, v1  }
0xcf: {  	s1 =	simm.s32 $0x80;
	[tilespmem:s0+$0x8230] =	vst v0;
	v1 =	vadd.s32 v9, v2;
	v2 =	vadd.s32 v11, v3;
	v3 =	vadd.s32 v7, v4  }
0xd0: {  	s9 =	simm.s32 $0x400;
	v4 =	vadd.s32 v8, v5;
	v5 =	vadd.s32 v12, v6;
	v0 =	vld [tilespmem:s1+$0x230];
	v6 =	vadd.s32 v13, v10  }
.LBB2_8:
0xd1: {  	p0 =	sne.s32 s9, $0x7E00;
	v7 =	vld [tilespmem:s1+$0x270];
	v1 =	vadd.s32 $0x7FFF, v1;
	v2 =	vadd.s32 $0x7FFF, v2;
	v3 =	vadd.s32 $0x7FFF, v3  }
0xd2: {  	v4 =	vadd.s32 $0x7FFF, v4;
	v5 =	vadd.s32 $0x7FFF, v5;
	v6 =	vadd.s32 $0x7FFF, v6;
	v8 =	vld [tilespmem:s1+$0x200]  }
0xd3: {  	v1 =	vshrl.u32 v1, $0x10;
	v2 =	vand.u32 $0xFFFF0000, v2;
	v3 =	vshrl.u32 v3, $0x10;
	v9 =	vld [tilespmem:s1+$0x240]  }
0xd4: {  	v4 =	vand.u32 $0xFFFF0000, v4;
	v5 =	vshrl.u32 v5, $0x10;
	v6 =	vand.u32 $0xFFFF0000, v6;
	v10 =	vld [tilespmem:s1+$0x210]  }
0xd5: {  	v1 =	vor.u32 v1, v2;
	v2 =	vor.u32 v3, v4;
	v3 =	vor.u32 v5, v6;
	v11 =	vld [tilespmem:s1+$0x250]  }
0xd6: {  	v4 =	vshrl.u32 v0, $0x10;
	v5 =	vld [tilespmem:s1+$0x220];
	v6 =	vshrl.u32 v7, $0x10;
	[tilespmem:s0+$0x8200] =	vst v1  }
0xd7: {  	v4 =	vand.u32 $0x1, v4;
	v1 =	vshrl.u32 v8, $0x10;
	v12 =	vld [tilespmem:s1+$0x260];
	v6 =	vand.u32 $0x1, v6;
	[tilespmem:s0+$0x8210] =	vst v2  }
0xd8: {  	v0 =	vadd.s32 v4, v0;
	v2 =	vshrl.u32 v9, $0x10;
	v4 =	vadd.s32 v6, v7;
	[tilespmem:s0+$0x8220] =	vst v3;
	s0 =	smov.u32 s1  }
0xd9: {  	v0 =	vadd.s32 $0x7FFF, v0;
	v3 =	vshrl.u32 v10, $0x10;
	v4 =	vadd.s32 $0x7FFF, v4  }
0xda: {  	v0 =	vshrl.u32 v0, $0x10;
	v6 =	vshrl.u32 v11, $0x10;
	v4 =	vand.u32 $0xFFFF0000, v4  }
.Ltmp3:
0xdb: {  	v1 =	vand.u32 $0x1, v1;
	v7 =	vshrl.u32 v5, $0x10;
	v0 =	vor.u32 v0, v4;
	(pc) =	sbr.rel @p0 .LBB2_8-.Ltmp3, $4  }
0xdc: {  	v2 =	vand.u32 $0x1, v2;
	v3 =	vand.u32 $0x1, v3;
	v4 =	vshrl.u32 v12, $0x10;
	[tilespmem:s0+$0x8230] =	vst v0  }
0xdd: {  	v6 =	vand.u32 $0x1, v6;
	v7 =	vand.u32 $0x1, v7;
	v13 =	vand.u32 $0x1, v4  }
0xde: {  	s1 =	sshra.s32 s9, $0x2;
	v1 =	vadd.s32 v1, v8;
	v2 =	vadd.s32 v2, v9;
	v3 =	vadd.s32 v3, v10  }
0xdf: {  	s9 =	sadd.s32 $0x200, s9;
	v4 =	vadd.s32 v6, v11;
	v5 =	vadd.s32 v7, v5;
	v6 =	vadd.s32 v13, v12;
	v0 =	vld [tilespmem:s1+$0x230]  }
0xe0: {  	v7 =	vld [tilespmem:s1+$0x270]  }
0xe1: {  	v8 =	vld [tilespmem:s1+$0x200]  }
0xe2: {  	v1 =	vadd.s32 $0x7FFF, v1;
	v9 =	vld [tilespmem:s1+$0x240]  }
0xe3: {  	v2 =	vadd.s32 $0x7FFF, v2;
	v3 =	vadd.s32 $0x7FFF, v3;
	v4 =	vadd.s32 $0x7FFF, v4;
	v10 =	vld [tilespmem:s1+$0x210]  }
0xe4: {  	v5 =	vadd.s32 $0x7FFF, v5;
	v6 =	vadd.s32 $0x7FFF, v6;
	v11 =	vld [tilespmem:s1+$0x250];
	v1 =	vshrl.u32 v1, $0x10  }
0xe5: {  	v44 =	vld [tilespmem:s1+$0x220];
	v2 =	vand.u32 $0xFFFF0000, v2;
	v3 =	vshrl.u32 v3, $0x10;
	v4 =	vand.u32 $0xFFFF0000, v4  }
0xe6: {  	v5 =	vshrl.u32 v5, $0x10;
	v6 =	vand.u32 $0xFFFF0000, v6;
	v1 =	vor.u32 v1, v2  }
0xe7: {  	v43 =	vor.u32 v3, v4;
	v5 =	vor.u32 v5, v6;
	v45 =	vshrl.u32 v0, $0x10  }
0xe8: {  	v12 =	vshrl.u32 v7, $0x10;
	v46 =	vand.u32 $0x1, v45;
	v48 =	vshrl.u32 v8, $0x10  }
0xe9: {  	v52 =	vshrl.u32 v9, $0x10;
	v53 =	vshrl.u32 v10, $0x10;
	v54 =	vshrl.u32 v11, $0x10  }
0xea: {  	[tilespmem:s0+$0x8200] =	vst v1;
	v55 =	vshrl.u32 v44, $0x10;
	v47 =	vand.u32 $0x1, v12;
	v50 =	vadd.s32 v46, v0  }
0xeb: {  	v49 =	vld [tilespmem:s1+$0x260];
	v6 =	vand.u32 $0x1, v48;
	v4 =	vand.u32 $0x1, v52;
	v51 =	vadd.s32 v47, v7  }
0xec: {  	v0 =	vadd.s32 $0x7FFF, v50;
	v6 =	vadd.s32 v6, v8;
	v7 =	vand.u32 $0x1, v53  }
0xed: {  	v4 =	vadd.s32 v4, v9;
	v8 =	vand.u32 $0x1, v55;
	v1 =	vadd.s32 $0x7FFF, v51  }
0xee: {  	v0 =	vshrl.u32 v0, $0x10;
	v7 =	vadd.s32 v7, v10;
	v3 =	vadd.s32 v8, v44  }
0xef: {  	v6 =	vadd.s32 $0x7FFF, v6;
	v4 =	vadd.s32 $0x7FFF, v4;
	v1 =	vand.u32 $0xFFFF0000, v1  }
0xf0: {  	v56 =	vshrl.u32 v49, $0x10;
	v58 =	vadd.s32 $0x7FFF, v7;
	v3 =	vadd.s32 $0x7FFF, v3  }
0xf1: {  	v6 =	vshrl.u32 v6, $0x10;
	v0 =	vor.u32 v0, v1;
	v1 =	vand.u32 $0x1, v54  }
0xf2: {  	[tilespmem:s0+$0x8210] =	vst v43;
	v4 =	vand.u32 $0xFFFF0000, v4;
	v9 =	vand.u32 $0x1, v56;
	v1 =	vadd.s32 v1, v11  }
0xf3: {  	[tilespmem:s0+$0x8220] =	vst v5;
	v60 =	vshrl.u32 v58, $0x10;
	v57 =	vadd.s32 v9, v49;
	v1 =	vadd.s32 $0x7FFF, v1  }
0xf4: {  	v61 =	vor.u32 v6, v4;
	[tilespmem:s1+$0x8230] =	vst v0;
	v59 =	vadd.s32 $0x7FFF, v57;
	v1 =	vand.u32 $0xFFFF0000, v1  }
0xf5: {  	s29 =	sadd.s32 $0x1, s29;
	v3 =	vshrl.u32 v3, $0x10;
	[tilespmem:s1+$0x8200] =	vst v61;
	v62 =	vand.u32 $0xFFFF0000, v59;
	v0 =	vor.u32 v60, v1  }
0xf6: {  	p0 =	sne.s32 s29, s12;
	v63 =	vor.u32 v3, v62;
	[tilespmem:s1+$0x8210] =	vst v0  }
.Ltmp4:
0xf7: {  	[tilespmem:s1+$0x8220] =	vst v63;
	(pc) =	sbr.rel @p0 .LBB2_1-.Ltmp4, $4  }
0xf8: {  	[hbm4b:s11+s2] =	stream.linear.scatter [tilespmem:s22], [sflag:$0x7], $0x2000, $0x38;
	[tilespmem:$0x10200] =	vst v63  }
0xf9: {  	_ =	swait.ge [sflag:s13], $0x2000  }
0xfa: {  	[sflag:s13] =	ssyncset.done $0x0  }
0xfb: {  	[sflag:s13] =	ssyncadd.s32 $0xFFFFE000  }
0xfc: {  	_ =	sfence.sel $0x180000  }
0xfd: {  	[bflag:$0x0] =	sbarrier.arrive $0xFFFF  }
0xfe: {  	_ =	strace $0x90000050  }
0xff: {  	s0 =	stileid.u32;
	[bflag:$0x2] =	sbarrier.arrive $0xFFFF  }
0x100: {  	p0 =	sne.s32 s0, $0x0;
	s0 =	rddreg [dreg:$0x1]  }
0x101: {  	s0 =	sadd.s32 @!p0 $0x100000, s0  }
0x102: {  	[sflag:s0] =	ssyncadd.tile.s32 @!p0 $0x1;
	_ =	shalt  }
.Lfunc_end2:
_tile_overlayer_lowered:
.L_overlay_start_2:
0x103: {  	(tag) =	ssettag $0x2  }
0x104: {  	s0 =	rddreg [dreg:$0x0];
	s2 =	stileid.u32  }
0x105: {  	s1 =	rddreg [dreg:$0x1];
	p0 =	sne.s32 s2, $0x0  }
0x106: {  	s3 =	rddreg [dreg:$0x2];
	[bflag:$0x3] =	sbarrier.arrive $0xFFFF;
	s2 =	simm.s32 @!p0 $0x1C07  }
0x107: {  	[timem:s3], [sflag:s2] =	dma.local @!p0 [hbm:s0], s1  }
0x108: {  	s0 =	simm.s32 @!p0 $0x7  }
0x109: {  	_ =	swait.ge @!p0 [sflag:s0], s1  }
0x10a: {  	s1 =	ssub.s32 @!p0 $0x0, s1;
	[sflag:s0] =	ssyncset.done @!p0 $0x0  }
0x10b: {  	[sflag:s0] =	ssyncadd.s32 @!p0 s1  }
0x10c: {  	[bflag:$0x3] =	sbarrier.arrive $0xFFFF  }
0x10d: {  	_ =	shalt  }

</sc_bundles>
